<compile_context>
chip_gen: v7x
topology: tpu7x:2x2x1
jax: 0.10.2.dev20260603
libtpu: 0.0.44.dev20260713+nightly
codegen_flags: <defaults>
</compile_context>

<pallas_src>
import functools

import jax
import jax.numpy as jnp
from jax import lax
from jax.experimental import pallas as pl
from jax.experimental.pallas import tpu as pltpu
from jax.experimental.pallas import tpu_sc as plsc

_B = 131072
_K = 512
_D = 64
_COMMIT = 0.9

_BLK = 8192
_NBLK = _B // _BLK


def _argmin_body(xt_ref, cb_ref, idx_ref, loss_ref):
    i = pl.program_id(0)
    xt = xt_ref[...]
    cb = cb_ref[...]
    ones_row = jnp.ones((1, _D), jnp.float32)
    x2 = lax.dot_general(ones_row, xt * xt, (((1,), (0,)), ((), ())),
                         preferred_element_type=jnp.float32)
    e2 = lax.dot_general(cb * cb, ones_row, (((1,), (1,)), ((), ())),
                         preferred_element_type=jnp.float32)
    mm = lax.dot_general(cb, xt, (((1,), (0,)), ((), ())),
                         preferred_element_type=jnp.float32)
    dist = (x2 + e2) - 2.0 * mm
    minv = jnp.min(dist, axis=0, keepdims=True)
    ks = lax.broadcasted_iota(jnp.int32, (_K, _BLK), 0)
    idx = jnp.min(jnp.where(dist == minv, ks, _K), axis=0)
    idx_ref[...] = idx
    s = jnp.sum(minv)

    @pl.when(i == 0)
    def _():
        loss_ref[0, 0] = s

    @pl.when(i > 0)
    def _():
        loss_ref[0, 0] += s

    @pl.when(i == _NBLK - 1)
    def _():
        loss_ref[0, 0] = loss_ref[0, 0] * ((1.0 + _COMMIT) / (_B * _D))


_argmin_call = pl.pallas_call(
    _argmin_body,
    grid=(_NBLK,),
    in_specs=[
        pl.BlockSpec((_D, _BLK), lambda i: (0, i)),
        pl.BlockSpec((_K, _D), lambda i: (0, 0)),
    ],
    out_specs=[
        pl.BlockSpec((_BLK,), lambda i: (i,)),
        pl.BlockSpec(memory_space=pltpu.SMEM),
    ],
    out_shape=[
        jax.ShapeDtypeStruct((_B,), jnp.int32),
        jax.ShapeDtypeStruct((1, 1), jnp.float32),
    ],
)

_NUM_SC_CORES = 2
_NUM_SC_SUBCORES = 16
_NW = _NUM_SC_CORES * _NUM_SC_SUBCORES
_BPW = _B // _NW
_CCH = 512
_NCCH = _BPW // _CCH


_DB = 8


def _sc_gather_body(cbt_hbm, idx_hbm, qt_hbm, cbt_v, idx_v, qt0, qt1,
                    sem0, sem1):
    wid = lax.axis_index("s") * _NUM_SC_CORES + lax.axis_index("c")
    base = wid * _BPW
    pltpu.sync_copy(cbt_hbm, cbt_v)
    pltpu.sync_copy(idx_hbm.at[pl.ds(base, _BPW)], idx_v)
    dvecs = [jnp.full((16,), d, jnp.int32) for d in range(_D)]
    bufs = (qt0, qt1)
    sems = (sem0, sem1)

    for c in range(_NCCH):
        buf, sem = bufs[c % 2], sems[c % 2]
        if c >= 2:
            pltpu.make_async_copy(
                buf, qt_hbm.at[:, pl.ds(base + (c - 2) * _CCH, _CCH)],
                sem).wait()

        def gbody(g, carry, buf=buf, c=c):
            iv = idx_v[pl.ds(c * _CCH + g * 16, 16)]
            for d0 in range(0, _D, _DB):
                vals = [plsc.load_gather(cbt_v, [dvecs[d0 + u], iv])
                        for u in range(_DB)]
                for u in range(_DB):
                    buf[d0 + u, pl.ds(g * 16, 16)] = vals[u]
            return carry

        lax.fori_loop(0, _CCH // 16, gbody, 0)
        pltpu.async_copy(buf, qt_hbm.at[:, pl.ds(base + c * _CCH, _CCH)], sem)

    for c in (_NCCH - 2, _NCCH - 1):
        pltpu.make_async_copy(
            bufs[c % 2], qt_hbm.at[:, pl.ds(base + c * _CCH, _CCH)],
            sems[c % 2]).wait()


@functools.cache
def _sc_gather_call():
    return pl.kernel(
        _sc_gather_body,
        mesh=plsc.VectorSubcoreMesh(core_axis_name="c", subcore_axis_name="s"),
        out_type=jax.ShapeDtypeStruct((_D, _B), jnp.float32),
        scratch_types=[
            pltpu.VMEM((_D, _K), jnp.float32),
            pltpu.VMEM((_BPW,), jnp.int32),
            pltpu.VMEM((_D, _CCH), jnp.float32),
            pltpu.VMEM((_D, _CCH), jnp.float32),
            pltpu.SemaphoreType.DMA,
            pltpu.SemaphoreType.DMA,
        ],
        compiler_params=pltpu.CompilerParams(needs_layout_passes=False),
    )


def kernel(inputs, codebook):
    xt = inputs.T
    idx, loss = _argmin_call(xt, codebook)
    qt = _sc_gather_call()(codebook.T, idx)
    return qt.T, loss.reshape(()), idx

# --- scband reference (transcript-rebuilt; emitter-appended) ---
"""Pipeline reference for scband-gcnskeleton-tokenizer-10p-1125281431600 (READ-ONLY COPY).

The authoritative reference and input builder live on the scoring server;
editing this copy changes nothing except your own understanding.
"""

import jax, jax.numpy as jnp
import numpy as np

NUM_EMBEDDINGS = 512
EMBEDDING_DIM = 64
COMMITMENT_COST = 0.9


def setup_inputs(seed: int = 0) -> dict:
    key = jax.random.key(seed)
    k1, k2 = jax.random.split(key)
    inputs = jax.random.normal(k1, (131072, EMBEDDING_DIM), dtype=jnp.float32)
    # nn.Embedding weight initialized uniform(-0.1, 0.1) since num_embeddings >= 100
    codebook = jax.random.uniform(k2, (NUM_EMBEDDINGS, EMBEDDING_DIM), dtype=jnp.float32, minval=-0.1, maxval=0.1)
    return {"inputs": inputs, "codebook": codebook}


def reference(inputs, codebook):
    # distances: ||x||^2 + ||e||^2 - 2 x e^T  -> (B, K)
    distances = (jnp.sum(inputs ** 2, axis=1, keepdims=True)
                 + jnp.sum(codebook ** 2, axis=1)
                 - 2.0 * jnp.matmul(inputs, codebook.T))
    encoding_indices = jnp.argmin(distances, axis=1)
    # one-hot scatter then matmul, faithful to torch scatter_ + matmul
    encodings = jax.nn.one_hot(encoding_indices, codebook.shape[0], dtype=inputs.dtype)
    quantized = jnp.matmul(encodings, codebook)
    e_latent_loss = jnp.mean((jax.lax.stop_gradient(quantized) - inputs) ** 2)
    q_latent_loss = jnp.mean((quantized - jax.lax.stop_gradient(inputs)) ** 2)
    loss = q_latent_loss + COMMITMENT_COST * e_latent_loss
    # straight-through estimator
    quantized_st = inputs + jax.lax.stop_gradient(quantized - inputs)
    return (quantized_st, loss, encoding_indices)

if __name__ == "__main__":
    import jax
    _d = setup_inputs()
    print(jax.jit(kernel)(*tuple(_d.values())))

</pallas_src>

<mosaic_0001>
#map = affine_map<(d0, d1) -> (0, 0)>
#map1 = affine_map<(d0, d1) -> (0)>
module attributes {stable_mosaic.version = 14 : i64} {
  func.func @_sc_gather_body(%arg0: i32, %arg1: i32, %arg2: memref<64x512xf32, #tpu.memory_space<hbm>>, %arg3: memref<131072xi32, #tpu.memory_space<hbm>>, %arg4: memref<64x131072xf32, #tpu.memory_space<hbm>>, %arg5: memref<64x512xf32, #tpu.memory_space<vmem>>, %arg6: memref<4096xi32, #tpu.memory_space<vmem>>, %arg7: memref<64x512xf32, #tpu.memory_space<vmem>>, %arg8: memref<64x512xf32, #tpu.memory_space<vmem>>, %arg9: memref<!tpu.dma_semaphore, #tpu.memory_space<semaphore_mem>>, %arg10: memref<!tpu.dma_semaphore, #tpu.memory_space<semaphore_mem>>) attributes {dimension_semantics = [#tpu.dimension_semantics<core_parallel>, #tpu.dimension_semantics<subcore_parallel>], iteration_bounds = array<i64: 2, 16>, scalar_prefetch = 0 : i64, scratch_operands = 6 : i64, tpu.core_type = #tpu.core_type<sc_vector_subcore>, window_params = [{transform_indices = #map}, {transform_indices = #map1}, {transform_indices = #map}]} {
    %mul3A = arith.constant 2 : i32
    %mul3A_0 = arith.muli %arg1, %mul3A : i32
    %add3A = arith.addi %mul3A_0, %arg0 : i32
    %mul3A_1 = arith.constant 4096 : i32
    %mul3A_2 = arith.muli %add3A, %mul3A_1 : i32
    "tpu.region"() ({
      %run_scoped3A = tpu.sem_alloc : memref<!tpu.dma_semaphore, #tpu.memory_space<semaphore_mem>>
      tpu.enqueue_dma source(%arg2 : memref<64x512xf32, #tpu.memory_space<hbm>>) target(%arg5 : memref<64x512xf32, #tpu.memory_space<vmem>>) target_semaphore(%run_scoped3A : memref<!tpu.dma_semaphore, #tpu.memory_space<semaphore_mem>>)
      tpu.wait_dma2 semaphore(%run_scoped3A : memref<!tpu.dma_semaphore, #tpu.memory_space<semaphore_mem>>) src(%arg2 : memref<64x512xf32, #tpu.memory_space<hbm>>) dst(%arg5 : memref<64x512xf32, #tpu.memory_space<vmem>>)
      tpu.yield
    }) : () -> ()
    "tpu.region"() ({
      %run_scoped3A = tpu.sem_alloc : memref<!tpu.dma_semaphore, #tpu.memory_space<semaphore_mem>>
      %dma_start3A_271 = tpu.memref_slice %arg3[%mul3A_2] : memref<131072xi32, #tpu.memory_space<hbm>> -> memref<4096xi32, #tpu.memory_space<hbm>>
      %dma_start3A_272 = tpu.memref_slice %arg3[%mul3A_2] : memref<131072xi32, #tpu.memory_space<hbm>> -> memref<4096xi32, #tpu.memory_space<hbm>>
      tpu.enqueue_dma source(%dma_start3A_272 : memref<4096xi32, #tpu.memory_space<hbm>>) target(%arg6 : memref<4096xi32, #tpu.memory_space<vmem>>) target_semaphore(%run_scoped3A : memref<!tpu.dma_semaphore, #tpu.memory_space<semaphore_mem>>)
      %dma_wait3A_273 = tpu.memref_slice %arg3[%mul3A_2] : memref<131072xi32, #tpu.memory_space<hbm>> -> memref<4096xi32, #tpu.memory_space<hbm>>
      %dma_wait3A_274 = tpu.memref_slice %arg3[%mul3A_2] : memref<131072xi32, #tpu.memory_space<hbm>> -> memref<4096xi32, #tpu.memory_space<hbm>>
      tpu.wait_dma2 semaphore(%run_scoped3A : memref<!tpu.dma_semaphore, #tpu.memory_space<semaphore_mem>>) src(%dma_wait3A_274 : memref<4096xi32, #tpu.memory_space<hbm>>) dst(%arg6 : memref<4096xi32, #tpu.memory_space<vmem>>)
      tpu.yield
    }) : () -> ()
    %broadcast_in_dim3A = arith.constant 0 : i32
    %broadcast_in_dim3A_3 = vector.broadcast %broadcast_in_dim3A : i32 to vector<16xi32>
    %broadcast_in_dim3A_4 = arith.constant 1 : i32
    %broadcast_in_dim3A_5 = vector.broadcast %broadcast_in_dim3A_4 : i32 to vector<16xi32>
    %broadcast_in_dim3A_6 = arith.constant 2 : i32
    %broadcast_in_dim3A_7 = vector.broadcast %broadcast_in_dim3A_6 : i32 to vector<16xi32>
    %broadcast_in_dim3A_8 = arith.constant 3 : i32
    %broadcast_in_dim3A_9 = vector.broadcast %broadcast_in_dim3A_8 : i32 to vector<16xi32>
    %broadcast_in_dim3A_10 = arith.constant 4 : i32
    %broadcast_in_dim3A_11 = vector.broadcast %broadcast_in_dim3A_10 : i32 to vector<16xi32>
    %broadcast_in_dim3A_12 = arith.constant 5 : i32
    %broadcast_in_dim3A_13 = vector.broadcast %broadcast_in_dim3A_12 : i32 to vector<16xi32>
    %broadcast_in_dim3A_14 = arith.constant 6 : i32
    %broadcast_in_dim3A_15 = vector.broadcast %broadcast_in_dim3A_14 : i32 to vector<16xi32>
    %broadcast_in_dim3A_16 = arith.constant 7 : i32
    %broadcast_in_dim3A_17 = vector.broadcast %broadcast_in_dim3A_16 : i32 to vector<16xi32>
    %broadcast_in_dim3A_18 = arith.constant 8 : i32
    %broadcast_in_dim3A_19 = vector.broadcast %broadcast_in_dim3A_18 : i32 to vector<16xi32>
    %broadcast_in_dim3A_20 = arith.constant 9 : i32
    %broadcast_in_dim3A_21 = vector.broadcast %broadcast_in_dim3A_20 : i32 to vector<16xi32>
    %broadcast_in_dim3A_22 = arith.constant 10 : i32
    %broadcast_in_dim3A_23 = vector.broadcast %broadcast_in_dim3A_22 : i32 to vector<16xi32>
    %broadcast_in_dim3A_24 = arith.constant 11 : i32
    %broadcast_in_dim3A_25 = vector.broadcast %broadcast_in_dim3A_24 : i32 to vector<16xi32>
    %broadcast_in_dim3A_26 = arith.constant 12 : i32
    %broadcast_in_dim3A_27 = vector.broadcast %broadcast_in_dim3A_26 : i32 to vector<16xi32>
    %broadcast_in_dim3A_28 = arith.constant 13 : i32
    %broadcast_in_dim3A_29 = vector.broadcast %broadcast_in_dim3A_28 : i32 to vector<16xi32>
    %broadcast_in_dim3A_30 = arith.constant 14 : i32
    %broadcast_in_dim3A_31 = vector.broadcast %broadcast_in_dim3A_30 : i32 to vector<16xi32>
    %broadcast_in_dim3A_32 = arith.constant 15 : i32
    %broadcast_in_dim3A_33 = vector.broadcast %broadcast_in_dim3A_32 : i32 to vector<16xi32>
    %broadcast_in_dim3A_34 = arith.constant 16 : i32
    %broadcast_in_dim3A_35 = vector.broadcast %broadcast_in_dim3A_34 : i32 to vector<16xi32>
    %broadcast_in_dim3A_36 = arith.constant 17 : i32
    %broadcast_in_dim3A_37 = vector.broadcast %broadcast_in_dim3A_36 : i32 to vector<16xi32>
    %broadcast_in_dim3A_38 = arith.constant 18 : i32
    %broadcast_in_dim3A_39 = vector.broadcast %broadcast_in_dim3A_38 : i32 to vector<16xi32>
    %broadcast_in_dim3A_40 = arith.constant 19 : i32
    %broadcast_in_dim3A_41 = vector.broadcast %broadcast_in_dim3A_40 : i32 to vector<16xi32>
    %broadcast_in_dim3A_42 = arith.constant 20 : i32
    %broadcast_in_dim3A_43 = vector.broadcast %broadcast_in_dim3A_42 : i32 to vector<16xi32>
    %broadcast_in_dim3A_44 = arith.constant 21 : i32
    %broadcast_in_dim3A_45 = vector.broadcast %broadcast_in_dim3A_44 : i32 to vector<16xi32>
    %broadcast_in_dim3A_46 = arith.constant 22 : i32
    %broadcast_in_dim3A_47 = vector.broadcast %broadcast_in_dim3A_46 : i32 to vector<16xi32>
    %broadcast_in_dim3A_48 = arith.constant 23 : i32
    %broadcast_in_dim3A_49 = vector.broadcast %broadcast_in_dim3A_48 : i32 to vector<16xi32>
    %broadcast_in_dim3A_50 = arith.constant 24 : i32
    %broadcast_in_dim3A_51 = vector.broadcast %broadcast_in_dim3A_50 : i32 to vector<16xi32>
    %broadcast_in_dim3A_52 = arith.constant 25 : i32
    %broadcast_in_dim3A_53 = vector.broadcast %broadcast_in_dim3A_52 : i32 to vector<16xi32>
    %broadcast_in_dim3A_54 = arith.constant 26 : i32
    %broadcast_in_dim3A_55 = vector.broadcast %broadcast_in_dim3A_54 : i32 to vector<16xi32>
    %broadcast_in_dim3A_56 = arith.constant 27 : i32
    %broadcast_in_dim3A_57 = vector.broadcast %broadcast_in_dim3A_56 : i32 to vector<16xi32>
    %broadcast_in_dim3A_58 = arith.constant 28 : i32
    %broadcast_in_dim3A_59 = vector.broadcast %broadcast_in_dim3A_58 : i32 to vector<16xi32>
    %broadcast_in_dim3A_60 = arith.constant 29 : i32
    %broadcast_in_dim3A_61 = vector.broadcast %broadcast_in_dim3A_60 : i32 to vector<16xi32>
    %broadcast_in_dim3A_62 = arith.constant 30 : i32
    %broadcast_in_dim3A_63 = vector.broadcast %broadcast_in_dim3A_62 : i32 to vector<16xi32>
    %broadcast_in_dim3A_64 = arith.constant 31 : i32
    %broadcast_in_dim3A_65 = vector.broadcast %broadcast_in_dim3A_64 : i32 to vector<16xi32>
    %broadcast_in_dim3A_66 = arith.constant 32 : i32
    %broadcast_in_dim3A_67 = vector.broadcast %broadcast_in_dim3A_66 : i32 to vector<16xi32>
    %broadcast_in_dim3A_68 = arith.constant 33 : i32
    %broadcast_in_dim3A_69 = vector.broadcast %broadcast_in_dim3A_68 : i32 to vector<16xi32>
    %broadcast_in_dim3A_70 = arith.constant 34 : i32
    %broadcast_in_dim3A_71 = vector.broadcast %broadcast_in_dim3A_70 : i32 to vector<16xi32>
    %broadcast_in_dim3A_72 = arith.constant 35 : i32
    %broadcast_in_dim3A_73 = vector.broadcast %broadcast_in_dim3A_72 : i32 to vector<16xi32>
    %broadcast_in_dim3A_74 = arith.constant 36 : i32
    %broadcast_in_dim3A_75 = vector.broadcast %broadcast_in_dim3A_74 : i32 to vector<16xi32>
    %broadcast_in_dim3A_76 = arith.constant 37 : i32
    %broadcast_in_dim3A_77 = vector.broadcast %broadcast_in_dim3A_76 : i32 to vector<16xi32>
    %broadcast_in_dim3A_78 = arith.constant 38 : i32
    %broadcast_in_dim3A_79 = vector.broadcast %broadcast_in_dim3A_78 : i32 to vector<16xi32>
    %broadcast_in_dim3A_80 = arith.constant 39 : i32
    %broadcast_in_dim3A_81 = vector.broadcast %broadcast_in_dim3A_80 : i32 to vector<16xi32>
    %broadcast_in_dim3A_82 = arith.constant 40 : i32
    %broadcast_in_dim3A_83 = vector.broadcast %broadcast_in_dim3A_82 : i32 to vector<16xi32>
    %broadcast_in_dim3A_84 = arith.constant 41 : i32
    %broadcast_in_dim3A_85 = vector.broadcast %broadcast_in_dim3A_84 : i32 to vector<16xi32>
    %broadcast_in_dim3A_86 = arith.constant 42 : i32
    %broadcast_in_dim3A_87 = vector.broadcast %broadcast_in_dim3A_86 : i32 to vector<16xi32>
    %broadcast_in_dim3A_88 = arith.constant 43 : i32
    %broadcast_in_dim3A_89 = vector.broadcast %broadcast_in_dim3A_88 : i32 to vector<16xi32>
    %broadcast_in_dim3A_90 = arith.constant 44 : i32
    %broadcast_in_dim3A_91 = vector.broadcast %broadcast_in_dim3A_90 : i32 to vector<16xi32>
    %broadcast_in_dim3A_92 = arith.constant 45 : i32
    %broadcast_in_dim3A_93 = vector.broadcast %broadcast_in_dim3A_92 : i32 to vector<16xi32>
    %broadcast_in_dim3A_94 = arith.constant 46 : i32
    %broadcast_in_dim3A_95 = vector.broadcast %broadcast_in_dim3A_94 : i32 to vector<16xi32>
    %broadcast_in_dim3A_96 = arith.constant 47 : i32
    %broadcast_in_dim3A_97 = vector.broadcast %broadcast_in_dim3A_96 : i32 to vector<16xi32>
    %broadcast_in_dim3A_98 = arith.constant 48 : i32
    %broadcast_in_dim3A_99 = vector.broadcast %broadcast_in_dim3A_98 : i32 to vector<16xi32>
    %broadcast_in_dim3A_100 = arith.constant 49 : i32
    %broadcast_in_dim3A_101 = vector.broadcast %broadcast_in_dim3A_100 : i32 to vector<16xi32>
    %broadcast_in_dim3A_102 = arith.constant 50 : i32
    %broadcast_in_dim3A_103 = vector.broadcast %broadcast_in_dim3A_102 : i32 to vector<16xi32>
    %broadcast_in_dim3A_104 = arith.constant 51 : i32
    %broadcast_in_dim3A_105 = vector.broadcast %broadcast_in_dim3A_104 : i32 to vector<16xi32>
    %broadcast_in_dim3A_106 = arith.constant 52 : i32
    %broadcast_in_dim3A_107 = vector.broadcast %broadcast_in_dim3A_106 : i32 to vector<16xi32>
    %broadcast_in_dim3A_108 = arith.constant 53 : i32
    %broadcast_in_dim3A_109 = vector.broadcast %broadcast_in_dim3A_108 : i32 to vector<16xi32>
    %broadcast_in_dim3A_110 = arith.constant 54 : i32
    %broadcast_in_dim3A_111 = vector.broadcast %broadcast_in_dim3A_110 : i32 to vector<16xi32>
    %broadcast_in_dim3A_112 = arith.constant 55 : i32
    %broadcast_in_dim3A_113 = vector.broadcast %broadcast_in_dim3A_112 : i32 to vector<16xi32>
    %broadcast_in_dim3A_114 = arith.constant 56 : i32
    %broadcast_in_dim3A_115 = vector.broadcast %broadcast_in_dim3A_114 : i32 to vector<16xi32>
    %broadcast_in_dim3A_116 = arith.constant 57 : i32
    %broadcast_in_dim3A_117 = vector.broadcast %broadcast_in_dim3A_116 : i32 to vector<16xi32>
    %broadcast_in_dim3A_118 = arith.constant 58 : i32
    %broadcast_in_dim3A_119 = vector.broadcast %broadcast_in_dim3A_118 : i32 to vector<16xi32>
    %broadcast_in_dim3A_120 = arith.constant 59 : i32
    %broadcast_in_dim3A_121 = vector.broadcast %broadcast_in_dim3A_120 : i32 to vector<16xi32>
    %broadcast_in_dim3A_122 = arith.constant 60 : i32
    %broadcast_in_dim3A_123 = vector.broadcast %broadcast_in_dim3A_122 : i32 to vector<16xi32>
    %broadcast_in_dim3A_124 = arith.constant 61 : i32
    %broadcast_in_dim3A_125 = vector.broadcast %broadcast_in_dim3A_124 : i32 to vector<16xi32>
    %broadcast_in_dim3A_126 = arith.constant 62 : i32
    %broadcast_in_dim3A_127 = vector.broadcast %broadcast_in_dim3A_126 : i32 to vector<16xi32>
    %broadcast_in_dim3A_128 = arith.constant 63 : i32
    %broadcast_in_dim3A_129 = vector.broadcast %broadcast_in_dim3A_128 : i32 to vector<16xi32>
    %scan3A = arith.constant 0 : i32
    %scan3A_130 = arith.constant 0 : i32
    %scan3A_131 = arith.constant 32 : i32
    %scan3A_132 = arith.addi %scan3A_130, %scan3A_131 : i32
    %scan3A_133 = arith.constant 1 : i32
    scf.for %scan3A_271 = %scan3A_130 to %scan3A_132 step %scan3A_133  : i32 {
      %mul3A_272 = arith.constant 16 : i32
      %mul3A_273 = arith.muli %scan3A_271, %mul3A_272 : i32
      %add3A_274 = arith.constant 0 : i32
      %add3A_275 = arith.addi %add3A_274, %mul3A_273 : i32
      %get3A = arith.index_cast %add3A_275 : i32 to index
      %get3A_276 = tpu.vector_load %arg6[%get3A] {strides = array<i32>} : memref<4096xi32, #tpu.memory_space<vmem>>, vector<16xi32>,
      %gather3A = tpu.vector_load_idx %arg5[%broadcast_in_dim3A_3, %get3A_276] : memref<64x512xf32, #tpu.memory_space<vmem>>[vector<16xi32>, vector<16xi32>], vector<16xf32>,
      %gather3A_277 = tpu.vector_load_idx %arg5[%broadcast_in_dim3A_5, %get3A_276] : memref<64x512xf32, #tpu.memory_space<vmem>>[vector<16xi32>, vector<16xi32>], vector<16xf32>,
      %gather3A_278 = tpu.vector_load_idx %arg5[%broadcast_in_dim3A_7, %get3A_276] : memref<64x512xf32, #tpu.memory_space<vmem>>[vector<16xi32>, vector<16xi32>], vector<16xf32>,
      %gather3A_279 = tpu.vector_load_idx %arg5[%broadcast_in_dim3A_9, %get3A_276] : memref<64x512xf32, #tpu.memory_space<vmem>>[vector<16xi32>, vector<16xi32>], vector<16xf32>,
      %gather3A_280 = tpu.vector_load_idx %arg5[%broadcast_in_dim3A_11, %get3A_276] : memref<64x512xf32, #tpu.memory_space<vmem>>[vector<16xi32>, vector<16xi32>], vector<16xf32>,
      %gather3A_281 = tpu.vector_load_idx %arg5[%broadcast_in_dim3A_13, %get3A_276] : memref<64x512xf32, #tpu.memory_space<vmem>>[vector<16xi32>, vector<16xi32>], vector<16xf32>,
      %gather3A_282 = tpu.vector_load_idx %arg5[%broadcast_in_dim3A_15, %get3A_276] : memref<64x512xf32, #tpu.memory_space<vmem>>[vector<16xi32>, vector<16xi32>], vector<16xf32>,
      %gather3A_283 = tpu.vector_load_idx %arg5[%broadcast_in_dim3A_17, %get3A_276] : memref<64x512xf32, #tpu.memory_space<vmem>>[vector<16xi32>, vector<16xi32>], vector<16xf32>,
      %mul3A_284 = arith.constant 16 : i32
      %mul3A_285 = arith.muli %scan3A_271, %mul3A_284 : i32
      %swap3A = arith.constant 0 : i32
      %swap3A_286 = arith.index_cast %swap3A : i32 to index
      %swap3A_287 = arith.index_cast %mul3A_285 : i32 to index
      %swap3A_288 = tpu.vector_load %arg7[%swap3A_286, %swap3A_287] {strides = array<i32>} : memref<64x512xf32, #tpu.memory_space<vmem>>, vector<16xf32>,
      tpu.vector_store %arg7[%swap3A_286, %swap3A_287], %gather3A {strides = array<i32>} : memref<64x512xf32, #tpu.memory_space<vmem>>, vector<16xf32>,
      %mul3A_289 = arith.constant 16 : i32
      %mul3A_290 = arith.muli %scan3A_271, %mul3A_289 : i32
      %swap3A_291 = arith.constant 1 : i32
      %swap3A_292 = arith.index_cast %swap3A_291 : i32 to index
      %swap3A_293 = arith.index_cast %mul3A_290 : i32 to index
      %swap3A_294 = tpu.vector_load %arg7[%swap3A_292, %swap3A_293] {strides = array<i32>} : memref<64x512xf32, #tpu.memory_space<vmem>>, vector<16xf32>,
      tpu.vector_store %arg7[%swap3A_292, %swap3A_293], %gather3A_277 {strides = array<i32>} : memref<64x512xf32, #tpu.memory_space<vmem>>, vector<16xf32>,
      %mul3A_295 = arith.constant 16 : i32
      %mul3A_296 = arith.muli %scan3A_271, %mul3A_295 : i32
      %swap3A_297 = arith.constant 2 : i32
      %swap3A_298 = arith.index_cast %swap3A_297 : i32 to index
      %swap3A_299 = arith.index_cast %mul3A_296 : i32 to index
      %swap3A_300 = tpu.vector_load %arg7[%swap3A_298, %swap3A_299] {strides = array<i32>} : memref<64x512xf32, #tpu.memory_space<vmem>>, vector<16xf32>,
      tpu.vector_store %arg7[%swap3A_298, %swap3A_299], %gather3A_278 {strides = array<i32>} : memref<64x512xf32, #tpu.memory_space<vmem>>, vector<16xf32>,
      %mul3A_301 = arith.constant 16 : i32
      %mul3A_302 = arith.muli %scan3A_271, %mul3A_301 : i32
      %swap3A_303 = arith.constant 3 : i32
      %swap3A_304 = arith.index_cast %swap3A_303 : i32 to index
      %swap3A_305 = arith.index_cast %mul3A_302 : i32 to index
      %swap3A_306 = tpu.vector_load %arg7[%swap3A_304, %swap3A_305] {strides = array<i32>} : memref<64x512xf32, #tpu.memory_space<vmem>>, vector<16xf32>,
      tpu.vector_store %arg7[%swap3A_304, %swap3A_305], %gather3A_279 {strides = array<i32>} : memref<64x512xf32, #tpu.memory_space<vmem>>, vector<16xf32>,
      %mul3A_307 = arith.constant 16 : i32
      %mul3A_308 = arith.muli %scan3A_271, %mul3A_307 : i32
      %swap3A_309 = arith.constant 4 : i32
      %swap3A_310 = arith.index_cast %swap3A_309 : i32 to index
      %swap3A_311 = arith.index_cast %mul3A_308 : i32 to index
      %swap3A_312 = tpu.vector_load %arg7[%swap3A_310, %swap3A_311] {strides = array<i32>} : memref<64x512xf32, #tpu.memory_space<vmem>>, vector<16xf32>,
      tpu.vector_store %arg7[%swap3A_310, %swap3A_311], %gather3A_280 {strides = array<i32>} : memref<64x512xf32, #tpu.memory_space<vmem>>, vector<16xf32>,
      %mul3A_313 = arith.constant 16 : i32
      %mul3A_314 = arith.muli %scan3A_271, %mul3A_313 : i32
      %swap3A_315 = arith.constant 5 : i32
      %swap3A_316 = arith.index_cast %swap3A_315 : i32 to index
      %swap3A_317 = arith.index_cast %mul3A_314 : i32 to index
      %swap3A_318 = tpu.vector_load %arg7[%swap3A_316, %swap3A_317] {strides = array<i32>} : memref<64x512xf32, #tpu.memory_space<vmem>>, vector<16xf32>,
      tpu.vector_store %arg7[%swap3A_316, %swap3A_317], %gather3A_281 {strides = array<i32>} : memref<64x512xf32, #tpu.memory_space<vmem>>, vector<16xf32>,
      %mul3A_319 = arith.constant 16 : i32
      %mul3A_320 = arith.muli %scan3A_271, %mul3A_319 : i32
      %swap3A_321 = arith.constant 6 : i32
      %swap3A_322 = arith.index_cast %swap3A_321 : i32 to index
      %swap3A_323 = arith.index_cast %mul3A_320 : i32 to index
      %swap3A_324 = tpu.vector_load %arg7[%swap3A_322, %swap3A_323] {strides = array<i32>} : memref<64x512xf32, #tpu.memory_space<vmem>>, vector<16xf32>,
      tpu.vector_store %arg7[%swap3A_322, %swap3A_323], %gather3A_282 {strides = array<i32>} : memref<64x512xf32, #tpu.memory_space<vmem>>, vector<16xf32>,
      %mul3A_325 = arith.constant 16 : i32
      %mul3A_326 = arith.muli %scan3A_271, %mul3A_325 : i32
      %swap3A_327 = arith.constant 7 : i32
      %swap3A_328 = arith.index_cast %swap3A_327 : i32 to index
      %swap3A_329 = arith.index_cast %mul3A_326 : i32 to index
      %swap3A_330 = tpu.vector_load %arg7[%swap3A_328, %swap3A_329] {strides = array<i32>} : memref<64x512xf32, #tpu.memory_space<vmem>>, vector<16xf32>,
      tpu.vector_store %arg7[%swap3A_328, %swap3A_329], %gather3A_283 {strides = array<i32>} : memref<64x512xf32, #tpu.memory_space<vmem>>, vector<16xf32>,
      %gather3A_331 = tpu.vector_load_idx %arg5[%broadcast_in_dim3A_19, %get3A_276] : memref<64x512xf32, #tpu.memory_space<vmem>>[vector<16xi32>, vector<16xi32>], vector<16xf32>,
      %gather3A_332 = tpu.vector_load_idx %arg5[%broadcast_in_dim3A_21, %get3A_276] : memref<64x512xf32, #tpu.memory_space<vmem>>[vector<16xi32>, vector<16xi32>], vector<16xf32>,
      %gather3A_333 = tpu.vector_load_idx %arg5[%broadcast_in_dim3A_23, %get3A_276] : memref<64x512xf32, #tpu.memory_space<vmem>>[vector<16xi32>, vector<16xi32>], vector<16xf32>,
      %gather3A_334 = tpu.vector_load_idx %arg5[%broadcast_in_dim3A_25, %get3A_276] : memref<64x512xf32, #tpu.memory_space<vmem>>[vector<16xi32>, vector<16xi32>], vector<16xf32>,
      %gather3A_335 = tpu.vector_load_idx %arg5[%broadcast_in_dim3A_27, %get3A_276] : memref<64x512xf32, #tpu.memory_space<vmem>>[vector<16xi32>, vector<16xi32>], vector<16xf32>,
      %gather3A_336 = tpu.vector_load_idx %arg5[%broadcast_in_dim3A_29, %get3A_276] : memref<64x512xf32, #tpu.memory_space<vmem>>[vector<16xi32>, vector<16xi32>], vector<16xf32>,
      %gather3A_337 = tpu.vector_load_idx %arg5[%broadcast_in_dim3A_31, %get3A_276] : memref<64x512xf32, #tpu.memory_space<vmem>>[vector<16xi32>, vector<16xi32>], vector<16xf32>,
      %gather3A_338 = tpu.vector_load_idx %arg5[%broadcast_in_dim3A_33, %get3A_276] : memref<64x512xf32, #tpu.memory_space<vmem>>[vector<16xi32>, vector<16xi32>], vector<16xf32>,
      %mul3A_339 = arith.constant 16 : i32
      %mul3A_340 = arith.muli %scan3A_271, %mul3A_339 : i32
      %swap3A_341 = arith.constant 8 : i32
      %swap3A_342 = arith.index_cast %swap3A_341 : i32 to index
      %swap3A_343 = arith.index_cast %mul3A_340 : i32 to index
      %swap3A_344 = tpu.vector_load %arg7[%swap3A_342, %swap3A_343] {strides = array<i32>} : memref<64x512xf32, #tpu.memory_space<vmem>>, vector<16xf32>,
      tpu.vector_store %arg7[%swap3A_342, %swap3A_343], %gather3A_331 {strides = array<i32>} : memref<64x512xf32, #tpu.memory_space<vmem>>, vector<16xf32>,
      %mul3A_345 = arith.constant 16 : i32
      %mul3A_346 = arith.muli %scan3A_271, %mul3A_345 : i32
      %swap3A_347 = arith.constant 9 : i32
      %swap3A_348 = arith.index_cast %swap3A_347 : i32 to index
      %swap3A_349 = arith.index_cast %mul3A_346 : i32 to index
      %swap3A_350 = tpu.vector_load %arg7[%swap3A_348, %swap3A_349] {strides = array<i32>} : memref<64x512xf32, #tpu.memory_space<vmem>>, vector<16xf32>,
      tpu.vector_store %arg7[%swap3A_348, %swap3A_349], %gather3A_332 {strides = array<i32>} : memref<64x512xf32, #tpu.memory_space<vmem>>, vector<16xf32>,
      %mul3A_351 = arith.constant 16 : i32
      %mul3A_352 = arith.muli %scan3A_271, %mul3A_351 : i32
      %swap3A_353 = arith.constant 10 : i32
      %swap3A_354 = arith.index_cast %swap3A_353 : i32 to index
      %swap3A_355 = arith.index_cast %mul3A_352 : i32 to index
      %swap3A_356 = tpu.vector_load %arg7[%swap3A_354, %swap3A_355] {strides = array<i32>} : memref<64x512xf32, #tpu.memory_space<vmem>>, vector<16xf32>,
      tpu.vector_store %arg7[%swap3A_354, %swap3A_355], %gather3A_333 {strides = array<i32>} : memref<64x512xf32, #tpu.memory_space<vmem>>, vector<16xf32>,
      %mul3A_357 = arith.constant 16 : i32
      %mul3A_358 = arith.muli %scan3A_271, %mul3A_357 : i32
      %swap3A_359 = arith.constant 11 : i32
      %swap3A_360 = arith.index_cast %swap3A_359 : i32 to index
      %swap3A_361 = arith.index_cast %mul3A_358 : i32 to index
      %swap3A_362 = tpu.vector_load %arg7[%swap3A_360, %swap3A_361] {strides = array<i32>} : memref<64x512xf32, #tpu.memory_space<vmem>>, vector<16xf32>,
      tpu.vector_store %arg7[%swap3A_360, %swap3A_361], %gather3A_334 {strides = array<i32>} : memref<64x512xf32, #tpu.memory_space<vmem>>, vector<16xf32>,
      %mul3A_363 = arith.constant 16 : i32
      %mul3A_364 = arith.muli %scan3A_271, %mul3A_363 : i32
      %swap3A_365 = arith.constant 12 : i32
      %swap3A_366 = arith.index_cast %swap3A_365 : i32 to index
      %swap3A_367 = arith.index_cast %mul3A_364 : i32 to index
      %swap3A_368 = tpu.vector_load %arg7[%swap3A_366, %swap3A_367] {strides = array<i32>} : memref<64x512xf32, #tpu.memory_space<vmem>>, vector<16xf32>,
      tpu.vector_store %arg7[%swap3A_366, %swap3A_367], %gather3A_335 {strides = array<i32>} : memref<64x512xf32, #tpu.memory_space<vmem>>, vector<16xf32>,
      %mul3A_369 = arith.constant 16 : i32
      %mul3A_370 = arith.muli %scan3A_271, %mul3A_369 : i32
      %swap3A_371 = arith.constant 13 : i32
      %swap3A_372 = arith.index_cast %swap3A_371 : i32 to index
      %swap3A_373 = arith.index_cast %mul3A_370 : i32 to index
      %swap3A_374 = tpu.vector_load %arg7[%swap3A_372, %swap3A_373] {strides = array<i32>} : memref<64x512xf32, #tpu.memory_space<vmem>>, vector<16xf32>,
      tpu.vector_store %arg7[%swap3A_372, %swap3A_373], %gather3A_336 {strides = array<i32>} : memref<64x512xf32, #tpu.memory_space<vmem>>, vector<16xf32>,
      %mul3A_375 = arith.constant 16 : i32
      %mul3A_376 = arith.muli %scan3A_271, %mul3A_375 : i32
      %swap3A_377 = arith.constant 14 : i32
      %swap3A_378 = arith.index_cast %swap3A_377 : i32 to index
      %swap3A_379 = arith.index_cast %mul3A_376 : i32 to index
      %swap3A_380 = tpu.vector_load %arg7[%swap3A_378, %swap3A_379] {strides = array<i32>} : memref<64x512xf32, #tpu.memory_space<vmem>>, vector<16xf32>,
      tpu.vector_store %arg7[%swap3A_378, %swap3A_379], %gather3A_337 {strides = array<i32>} : memref<64x512xf32, #tpu.memory_space<vmem>>, vector<16xf32>,
      %mul3A_381 = arith.constant 16 : i32
      %mul3A_382 = arith.muli %scan3A_271, %mul3A_381 : i32
      %swap3A_383 = arith.constant 15 : i32
      %swap3A_384 = arith.index_cast %swap3A_383 : i32 to index
      %swap3A_385 = arith.index_cast %mul3A_382 : i32 to index
      %swap3A_386 = tpu.vector_load %arg7[%swap3A_384, %swap3A_385] {strides = array<i32>} : memref<64x512xf32, #tpu.memory_space<vmem>>, vector<16xf32>,
      tpu.vector_store %arg7[%swap3A_384, %swap3A_385], %gather3A_338 {strides = array<i32>} : memref<64x512xf32, #tpu.memory_space<vmem>>, vector<16xf32>,
      %gather3A_387 = tpu.vector_load_idx %arg5[%broadcast_in_dim3A_35, %get3A_276] : memref<64x512xf32, #tpu.memory_space<vmem>>[vector<16xi32>, vector<16xi32>], vector<16xf32>,
      %gather3A_388 = tpu.vector_load_idx %arg5[%broadcast_in_dim3A_37, %get3A_276] : memref<64x512xf32, #tpu.memory_space<vmem>>[vector<16xi32>, vector<16xi32>], vector<16xf32>,
      %gather3A_389 = tpu.vector_load_idx %arg5[%broadcast_in_dim3A_39, %get3A_276] : memref<64x512xf32, #tpu.memory_space<vmem>>[vector<16xi32>, vector<16xi32>], vector<16xf32>,
      %gather3A_390 = tpu.vector_load_idx %arg5[%broadcast_in_dim3A_41, %get3A_276] : memref<64x512xf32, #tpu.memory_space<vmem>>[vector<16xi32>, vector<16xi32>], vector<16xf32>,
      %gather3A_391 = tpu.vector_load_idx %arg5[%broadcast_in_dim3A_43, %get3A_276] : memref<64x512xf32, #tpu.memory_space<vmem>>[vector<16xi32>, vector<16xi32>], vector<16xf32>,
      %gather3A_392 = tpu.vector_load_idx %arg5[%broadcast_in_dim3A_45, %get3A_276] : memref<64x512xf32, #tpu.memory_space<vmem>>[vector<16xi32>, vector<16xi32>], vector<16xf32>,
      %gather3A_393 = tpu.vector_load_idx %arg5[%broadcast_in_dim3A_47, %get3A_276] : memref<64x512xf32, #tpu.memory_space<vmem>>[vector<16xi32>, vector<16xi32>], vector<16xf32>,
      %gather3A_394 = tpu.vector_load_idx %arg5[%broadcast_in_dim3A_49, %get3A_276] : memref<64x512xf32, #tpu.memory_space<vmem>>[vector<16xi32>, vector<16xi32>], vector<16xf32>,
      %mul3A_395 = arith.constant 16 : i32
      %mul3A_396 = arith.muli %scan3A_271, %mul3A_395 : i32
      %swap3A_397 = arith.constant 16 : i32
      %swap3A_398 = arith.index_cast %swap3A_397 : i32 to index
      %swap3A_399 = arith.index_cast %mul3A_396 : i32 to index
      %swap3A_400 = tpu.vector_load %arg7[%swap3A_398, %swap3A_399] {strides = array<i32>} : memref<64x512xf32, #tpu.memory_space<vmem>>, vector<16xf32>,
      tpu.vector_store %arg7[%swap3A_398, %swap3A_399], %gather3A_387 {strides = array<i32>} : memref<64x512xf32, #tpu.memory_space<vmem>>, vector<16xf32>,
      %mul3A_401 = arith.constant 16 : i32
      %mul3A_402 = arith.muli %scan3A_271, %mul3A_401 : i32
      %swap3A_403 = arith.constant 17 : i32
      %swap3A_404 = arith.index_cast %swap3A_403 : i32 to index
      %swap3A_405 = arith.index_cast %mul3A_402 : i32 to index
      %swap3A_406 = tpu.vector_load %arg7[%swap3A_404, %swap3A_405] {strides = array<i32>} : memref<64x512xf32, #tpu.memory_space<vmem>>, vector<16xf32>,
      tpu.vector_store %arg7[%swap3A_404, %swap3A_405], %gather3A_388 {strides = array<i32>} : memref<64x512xf32, #tpu.memory_space<vmem>>, vector<16xf32>,
      %mul3A_407 = arith.constant 16 : i32
      %mul3A_408 = arith.muli %scan3A_271, %mul3A_407 : i32
      %swap3A_409 = arith.constant 18 : i32
      %swap3A_410 = arith.index_cast %swap3A_409 : i32 to index
      %swap3A_411 = arith.index_cast %mul3A_408 : i32 to index
      %swap3A_412 = tpu.vector_load %arg7[%swap3A_410, %swap3A_411] {strides = array<i32>} : memref<64x512xf32, #tpu.memory_space<vmem>>, vector<16xf32>,
      tpu.vector_store %arg7[%swap3A_410, %swap3A_411], %gather3A_389 {strides = array<i32>} : memref<64x512xf32, #tpu.memory_space<vmem>>, vector<16xf32>,
      %mul3A_413 = arith.constant 16 : i32
      %mul3A_414 = arith.muli %scan3A_271, %mul3A_413 : i32
      %swap3A_415 = arith.constant 19 : i32
      %swap3A_416 = arith.index_cast %swap3A_415 : i32 to index
      %swap3A_417 = arith.index_cast %mul3A_414 : i32 to index
      %swap3A_418 = tpu.vector_load %arg7[%swap3A_416, %swap3A_417] {strides = array<i32>} : memref<64x512xf32, #tpu.memory_space<vmem>>, vector<16xf32>,
      tpu.vector_store %arg7[%swap3A_416, %swap3A_417], %gather3A_390 {strides = array<i32>} : memref<64x512xf32, #tpu.memory_space<vmem>>, vector<16xf32>,
      %mul3A_419 = arith.constant 16 : i32
      %mul3A_420 = arith.muli %scan3A_271, %mul3A_419 : i32
      %swap3A_421 = arith.constant 20 : i32
      %swap3A_422 = arith.index_cast %swap3A_421 : i32 to index
      %swap3A_423 = arith.index_cast %mul3A_420 : i32 to index
      %swap3A_424 = tpu.vector_load %arg7[%swap3A_422, %swap3A_423] {strides = array<i32>} : memref<64x512xf32, #tpu.memory_space<vmem>>, vector<16xf32>,
      tpu.vector_store %arg7[%swap3A_422, %swap3A_423], %gather3A_391 {strides = array<i32>} : memref<64x512xf32, #tpu.memory_space<vmem>>, vector<16xf32>,
      %mul3A_425 = arith.constant 16 : i32
      %mul3A_426 = arith.muli %scan3A_271, %mul3A_425 : i32
      %swap3A_427 = arith.constant 21 : i32
      %swap3A_428 = arith.index_cast %swap3A_427 : i32 to index
      %swap3A_429 = arith.index_cast %mul3A_426 : i32 to index
      %swap3A_430 = tpu.vector_load %arg7[%swap3A_428, %swap3A_429] {strides = array<i32>} : memref<64x512xf32, #tpu.memory_space<vmem>>, vector<16xf32>,
      tpu.vector_store %arg7[%swap3A_428, %swap3A_429], %gather3A_392 {strides = array<i32>} : memref<64x512xf32, #tpu.memory_space<vmem>>, vector<16xf32>,
      %mul3A_431 = arith.constant 16 : i32
      %mul3A_432 = arith.muli %scan3A_271, %mul3A_431 : i32
      %swap3A_433 = arith.constant 22 : i32
      %swap3A_434 = arith.index_cast %swap3A_433 : i32 to index
      %swap3A_435 = arith.index_cast %mul3A_432 : i32 to index
      %swap3A_436 = tpu.vector_load %arg7[%swap3A_434, %swap3A_435] {strides = array<i32>} : memref<64x512xf32, #tpu.memory_space<vmem>>, vector<16xf32>,
      tpu.vector_store %arg7[%swap3A_434, %swap3A_435], %gather3A_393 {strides = array<i32>} : memref<64x512xf32, #tpu.memory_space<vmem>>, vector<16xf32>,
      %mul3A_437 = arith.constant 16 : i32
      %mul3A_438 = arith.muli %scan3A_271, %mul3A_437 : i32
      %swap3A_439 = arith.constant 23 : i32
      %swap3A_440 = arith.index_cast %swap3A_439 : i32 to index
      %swap3A_441 = arith.index_cast %mul3A_438 : i32 to index
      %swap3A_442 = tpu.vector_load %arg7[%swap3A_440, %swap3A_441] {strides = array<i32>} : memref<64x512xf32, #tpu.memory_space<vmem>>, vector<16xf32>,
      tpu.vector_store %arg7[%swap3A_440, %swap3A_441], %gather3A_394 {strides = array<i32>} : memref<64x512xf32, #tpu.memory_space<vmem>>, vector<16xf32>,
      %gather3A_443 = tpu.vector_load_idx %arg5[%broadcast_in_dim3A_51, %get3A_276] : memref<64x512xf32, #tpu.memory_space<vmem>>[vector<16xi32>, vector<16xi32>], vector<16xf32>,
      %gather3A_444 = tpu.vector_load_idx %arg5[%broadcast_in_dim3A_53, %get3A_276] : memref<64x512xf32, #tpu.memory_space<vmem>>[vector<16xi32>, vector<16xi32>], vector<16xf32>,
      %gather3A_445 = tpu.vector_load_idx %arg5[%broadcast_in_dim3A_55, %get3A_276] : memref<64x512xf32, #tpu.memory_space<vmem>>[vector<16xi32>, vector<16xi32>], vector<16xf32>,
      %gather3A_446 = tpu.vector_load_idx %arg5[%broadcast_in_dim3A_57, %get3A_276] : memref<64x512xf32, #tpu.memory_space<vmem>>[vector<16xi32>, vector<16xi32>], vector<16xf32>,
      %gather3A_447 = tpu.vector_load_idx %arg5[%broadcast_in_dim3A_59, %get3A_276] : memref<64x512xf32, #tpu.memory_space<vmem>>[vector<16xi32>, vector<16xi32>], vector<16xf32>,
      %gather3A_448 = tpu.vector_load_idx %arg5[%broadcast_in_dim3A_61, %get3A_276] : memref<64x512xf32, #tpu.memory_space<vmem>>[vector<16xi32>, vector<16xi32>], vector<16xf32>,
      %gather3A_449 = tpu.vector_load_idx %arg5[%broadcast_in_dim3A_63, %get3A_276] : memref<64x512xf32, #tpu.memory_space<vmem>>[vector<16xi32>, vector<16xi32>], vector<16xf32>,
      %gather3A_450 = tpu.vector_load_idx %arg5[%broadcast_in_dim3A_65, %get3A_276] : memref<64x512xf32, #tpu.memory_space<vmem>>[vector<16xi32>, vector<16xi32>], vector<16xf32>,
      %mul3A_451 = arith.constant 16 : i32
      %mul3A_452 = arith.muli %scan3A_271, %mul3A_451 : i32
      %swap3A_453 = arith.constant 24 : i32
      %swap3A_454 = arith.index_cast %swap3A_453 : i32 to index
      %swap3A_455 = arith.index_cast %mul3A_452 : i32 to index
      %swap3A_456 = tpu.vector_load %arg7[%swap3A_454, %swap3A_455] {strides = array<i32>} : memref<64x512xf32, #tpu.memory_space<vmem>>, vector<16xf32>,
      tpu.vector_store %arg7[%swap3A_454, %swap3A_455], %gather3A_443 {strides = array<i32>} : memref<64x512xf32, #tpu.memory_space<vmem>>, vector<16xf32>,
      %mul3A_457 = arith.constant 16 : i32
      %mul3A_458 = arith.muli %scan3A_271, %mul3A_457 : i32
      %swap3A_459 = arith.constant 25 : i32
      %swap3A_460 = arith.index_cast %swap3A_459 : i32 to index
      %swap3A_461 = arith.index_cast %mul3A_458 : i32 to index
      %swap3A_462 = tpu.vector_load %arg7[%swap3A_460, %swap3A_461] {strides = array<i32>} : memref<64x512xf32, #tpu.memory_space<vmem>>, vector<16xf32>,
      tpu.vector_store %arg7[%swap3A_460, %swap3A_461], %gather3A_444 {strides = array<i32>} : memref<64x512xf32, #tpu.memory_space<vmem>>, vector<16xf32>,
      %mul3A_463 = arith.constant 16 : i32
      %mul3A_464 = arith.muli %scan3A_271, %mul3A_463 : i32
      %swap3A_465 = arith.constant 26 : i32
      %swap3A_466 = arith.index_cast %swap3A_465 : i32 to index
      %swap3A_467 = arith.index_cast %mul3A_464 : i32 to index
      %swap3A_468 = tpu.vector_load %arg7[%swap3A_466, %swap3A_467] {strides = array<i32>} : memref<64x512xf32, #tpu.memory_space<vmem>>, vector<16xf32>,
      tpu.vector_store %arg7[%swap3A_466, %swap3A_467], %gather3A_445 {strides = array<i32>} : memref<64x512xf32, #tpu.memory_space<vmem>>, vector<16xf32>,
      %mul3A_469 = arith.constant 16 : i32
      %mul3A_470 = arith.muli %scan3A_271, %mul3A_469 : i32
      %swap3A_471 = arith.constant 27 : i32
      %swap3A_472 = arith.index_cast %swap3A_471 : i32 to index
      %swap3A_473 = arith.index_cast %mul3A_470 : i32 to index
      %swap3A_474 = tpu.vector_load %arg7[%swap3A_472, %swap3A_473] {strides = array<i32>} : memref<64x512xf32, #tpu.memory_space<vmem>>, vector<16xf32>,
      tpu.vector_store %arg7[%swap3A_472, %swap3A_473], %gather3A_446 {strides = array<i32>} : memref<64x512xf32, #tpu.memory_space<vmem>>, vector<16xf32>,
      %mul3A_475 = arith.constant 16 : i32
      %mul3A_476 = arith.muli %scan3A_271, %mul3A_475 : i32
      %swap3A_477 = arith.constant 28 : i32
      %swap3A_478 = arith.index_cast %swap3A_477 : i32 to index
      %swap3A_479 = arith.index_cast %mul3A_476 : i32 to index
      %swap3A_480 = tpu.vector_load %arg7[%swap3A_478, %swap3A_479] {strides = array<i32>} : memref<64x512xf32, #tpu.memory_space<vmem>>, vector<16xf32>,
      tpu.vector_store %arg7[%swap3A_478, %swap3A_479], %gather3A_447 {strides = array<i32>} : memref<64x512xf32, #tpu.memory_space<vmem>>, vector<16xf32>,
      %mul3A_481 = arith.constant 16 : i32
      %mul3A_482 = arith.muli %scan3A_271, %mul3A_481 : i32
      %swap3A_483 = arith.constant 29 : i32
      %swap3A_484 = arith.index_cast %swap3A_483 : i32 to index
      %swap3A_485 = arith.index_cast %mul3A_482 : i32 to index
      %swap3A_486 = tpu.vector_load %arg7[%swap3A_484, %swap3A_485] {strides = array<i32>} : memref<64x512xf32, #tpu.memory_space<vmem>>, vector<16xf32>,
      tpu.vector_store %arg7[%swap3A_484, %swap3A_485], %gather3A_448 {strides = array<i32>} : memref<64x512xf32, #tpu.memory_space<vmem>>, vector<16xf32>,
      %mul3A_487 = arith.constant 16 : i32
      %mul3A_488 = arith.muli %scan3A_271, %mul3A_487 : i32
      %swap3A_489 = arith.constant 30 : i32
      %swap3A_490 = arith.index_cast %swap3A_489 : i32 to index
      %swap3A_491 = arith.index_cast %mul3A_488 : i32 to index
      %swap3A_492 = tpu.vector_load %arg7[%swap3A_490, %swap3A_491] {strides = array<i32>} : memref<64x512xf32, #tpu.memory_space<vmem>>, vector<16xf32>,
      tpu.vector_store %arg7[%swap3A_490, %swap3A_491], %gather3A_449 {strides = array<i32>} : memref<64x512xf32, #tpu.memory_space<vmem>>, vector<16xf32>,
      %mul3A_493 = arith.constant 16 : i32
      %mul3A_494 = arith.muli %scan3A_271, %mul3A_493 : i32
      %swap3A_495 = arith.constant 31 : i32
      %swap3A_496 = arith.index_cast %swap3A_495 : i32 to index
      %swap3A_497 = arith.index_cast %mul3A_494 : i32 to index
      %swap3A_498 = tpu.vector_load %arg7[%swap3A_496, %swap3A_497] {strides = array<i32>} : memref<64x512xf32, #tpu.memory_space<vmem>>, vector<16xf32>,
      tpu.vector_store %arg7[%swap3A_496, %swap3A_497], %gather3A_450 {strides = array<i32>} : memref<64x512xf32, #tpu.memory_space<vmem>>, vector<16xf32>,
      %gather3A_499 = tpu.vector_load_idx %arg5[%broadcast_in_dim3A_67, %get3A_276] : memref<64x512xf32, #tpu.memory_space<vmem>>[vector<16xi32>, vector<16xi32>], vector<16xf32>,
      %gather3A_500 = tpu.vector_load_idx %arg5[%broadcast_in_dim3A_69, %get3A_276] : memref<64x512xf32, #tpu.memory_space<vmem>>[vector<16xi32>, vector<16xi32>], vector<16xf32>,
      %gather3A_501 = tpu.vector_load_idx %arg5[%broadcast_in_dim3A_71, %get3A_276] : memref<64x512xf32, #tpu.memory_space<vmem>>[vector<16xi32>, vector<16xi32>], vector<16xf32>,
      %gather3A_502 = tpu.vector_load_idx %arg5[%broadcast_in_dim3A_73, %get3A_276] : memref<64x512xf32, #tpu.memory_space<vmem>>[vector<16xi32>, vector<16xi32>], vector<16xf32>,
      %gather3A_503 = tpu.vector_load_idx %arg5[%broadcast_in_dim3A_75, %get3A_276] : memref<64x512xf32, #tpu.memory_space<vmem>>[vector<16xi32>, vector<16xi32>], vector<16xf32>,
      %gather3A_504 = tpu.vector_load_idx %arg5[%broadcast_in_dim3A_77, %get3A_276] : memref<64x512xf32, #tpu.memory_space<vmem>>[vector<16xi32>, vector<16xi32>], vector<16xf32>,
      %gather3A_505 = tpu.vector_load_idx %arg5[%broadcast_in_dim3A_79, %get3A_276] : memref<64x512xf32, #tpu.memory_space<vmem>>[vector<16xi32>, vector<16xi32>], vector<16xf32>,
      %gather3A_506 = tpu.vector_load_idx %arg5[%broadcast_in_dim3A_81, %get3A_276] : memref<64x512xf32, #tpu.memory_space<vmem>>[vector<16xi32>, vector<16xi32>], vector<16xf32>,
      %mul3A_507 = arith.constant 16 : i32
      %mul3A_508 = arith.muli %scan3A_271, %mul3A_507 : i32
      %swap3A_509 = arith.constant 32 : i32
      %swap3A_510 = arith.index_cast %swap3A_509 : i32 to index
      %swap3A_511 = arith.index_cast %mul3A_508 : i32 to index
      %swap3A_512 = tpu.vector_load %arg7[%swap3A_510, %swap3A_511] {strides = array<i32>} : memref<64x512xf32, #tpu.memory_space<vmem>>, vector<16xf32>,
      tpu.vector_store %arg7[%swap3A_510, %swap3A_511], %gather3A_499 {strides = array<i32>} : memref<64x512xf32, #tpu.memory_space<vmem>>, vector<16xf32>,
      %mul3A_513 = arith.constant 16 : i32
      %mul3A_514 = arith.muli %scan3A_271, %mul3A_513 : i32
      %swap3A_515 = arith.constant 33 : i32
      %swap3A_516 = arith.index_cast %swap3A_515 : i32 to index
      %swap3A_517 = arith.index_cast %mul3A_514 : i32 to index
      %swap3A_518 = tpu.vector_load %arg7[%swap3A_516, %swap3A_517] {strides = array<i32>} : memref<64x512xf32, #tpu.memory_space<vmem>>, vector<16xf32>,
      tpu.vector_store %arg7[%swap3A_516, %swap3A_517], %gather3A_500 {strides = array<i32>} : memref<64x512xf32, #tpu.memory_space<vmem>>, vector<16xf32>,
      %mul3A_519 = arith.constant 16 : i32
      %mul3A_520 = arith.muli %scan3A_271, %mul3A_519 : i32
      %swap3A_521 = arith.constant 34 : i32
      %swap3A_522 = arith.index_cast %swap3A_521 : i32 to index
      %swap3A_523 = arith.index_cast %mul3A_520 : i32 to index
      %swap3A_524 = tpu.vector_load %arg7[%swap3A_522, %swap3A_523] {strides = array<i32>} : memref<64x512xf32, #tpu.memory_space<vmem>>, vector<16xf32>,
      tpu.vector_store %arg7[%swap3A_522, %swap3A_523], %gather3A_501 {strides = array<i32>} : memref<64x512xf32, #tpu.memory_space<vmem>>, vector<16xf32>,
      %mul3A_525 = arith.constant 16 : i32
      %mul3A_526 = arith.muli %scan3A_271, %mul3A_525 : i32
      %swap3A_527 = arith.constant 35 : i32
      %swap3A_528 = arith.index_cast %swap3A_527 : i32 to index
      %swap3A_529 = arith.index_cast %mul3A_526 : i32 to index
      %swap3A_530 = tpu.vector_load %arg7[%swap3A_528, %swap3A_529] {strides = array<i32>} : memref<64x512xf32, #tpu.memory_space<vmem>>, vector<16xf32>,
      tpu.vector_store %arg7[%swap3A_528, %swap3A_529], %gather3A_502 {strides = array<i32>} : memref<64x512xf32, #tpu.memory_space<vmem>>, vector<16xf32>,
      %mul3A_531 = arith.constant 16 : i32
      %mul3A_532 = arith.muli %scan3A_271, %mul3A_531 : i32
      %swap3A_533 = arith.constant 36 : i32
      %swap3A_534 = arith.index_cast %swap3A_533 : i32 to index
      %swap3A_535 = arith.index_cast %mul3A_532 : i32 to index
      %swap3A_536 = tpu.vector_load %arg7[%swap3A_534, %swap3A_535] {strides = array<i32>} : memref<64x512xf32, #tpu.memory_space<vmem>>, vector<16xf32>,
      tpu.vector_store %arg7[%swap3A_534, %swap3A_535], %gather3A_503 {strides = array<i32>} : memref<64x512xf32, #tpu.memory_space<vmem>>, vector<16xf32>,
      %mul3A_537 = arith.constant 16 : i32
      %mul3A_538 = arith.muli %scan3A_271, %mul3A_537 : i32
      %swap3A_539 = arith.constant 37 : i32
      %swap3A_540 = arith.index_cast %swap3A_539 : i32 to index
      %swap3A_541 = arith.index_cast %mul3A_538 : i32 to index
      %swap3A_542 = tpu.vector_load %arg7[%swap3A_540, %swap3A_541] {strides = array<i32>} : memref<64x512xf32, #tpu.memory_space<vmem>>, vector<16xf32>,
      tpu.vector_store %arg7[%swap3A_540, %swap3A_541], %gather3A_504 {strides = array<i32>} : memref<64x512xf32, #tpu.memory_space<vmem>>, vector<16xf32>,
      %mul3A_543 = arith.constant 16 : i32
      %mul3A_544 = arith.muli %scan3A_271, %mul3A_543 : i32
      %swap3A_545 = arith.constant 38 : i32
      %swap3A_546 = arith.index_cast %swap3A_545 : i32 to index
      %swap3A_547 = arith.index_cast %mul3A_544 : i32 to index
      %swap3A_548 = tpu.vector_load %arg7[%swap3A_546, %swap3A_547] {strides = array<i32>} : memref<64x512xf32, #tpu.memory_space<vmem>>, vector<16xf32>,
      tpu.vector_store %arg7[%swap3A_546, %swap3A_547], %gather3A_505 {strides = array<i32>} : memref<64x512xf32, #tpu.memory_space<vmem>>, vector<16xf32>,
      %mul3A_549 = arith.constant 16 : i32
      %mul3A_550 = arith.muli %scan3A_271, %mul3A_549 : i32
      %swap3A_551 = arith.constant 39 : i32
      %swap3A_552 = arith.index_cast %swap3A_551 : i32 to index
      %swap3A_553 = arith.index_cast %mul3A_550 : i32 to index
      %swap3A_554 = tpu.vector_load %arg7[%swap3A_552, %swap3A_553] {strides = array<i32>} : memref<64x512xf32, #tpu.memory_space<vmem>>, vector<16xf32>,
      tpu.vector_store %arg7[%swap3A_552, %swap3A_553], %gather3A_506 {strides = array<i32>} : memref<64x512xf32, #tpu.memory_space<vmem>>, vector<16xf32>,
      %gather3A_555 = tpu.vector_load_idx %arg5[%broadcast_in_dim3A_83, %get3A_276] : memref<64x512xf32, #tpu.memory_space<vmem>>[vector<16xi32>, vector<16xi32>], vector<16xf32>,
      %gather3A_556 = tpu.vector_load_idx %arg5[%broadcast_in_dim3A_85, %get3A_276] : memref<64x512xf32, #tpu.memory_space<vmem>>[vector<16xi32>, vector<16xi32>], vector<16xf32>,
      %gather3A_557 = tpu.vector_load_idx %arg5[%broadcast_in_dim3A_87, %get3A_276] : memref<64x512xf32, #tpu.memory_space<vmem>>[vector<16xi32>, vector<16xi32>], vector<16xf32>,
      %gather3A_558 = tpu.vector_load_idx %arg5[%broadcast_in_dim3A_89, %get3A_276] : memref<64x512xf32, #tpu.memory_space<vmem>>[vector<16xi32>, vector<16xi32>], vector<16xf32>,
      %gather3A_559 = tpu.vector_load_idx %arg5[%broadcast_in_dim3A_91, %get3A_276] : memref<64x512xf32, #tpu.memory_space<vmem>>[vector<16xi32>, vector<16xi32>], vector<16xf32>,
      %gather3A_560 = tpu.vector_load_idx %arg5[%broadcast_in_dim3A_93, %get3A_276] : memref<64x512xf32, #tpu.memory_space<vmem>>[vector<16xi32>, vector<16xi32>], vector<16xf32>,
      %gather3A_561 = tpu.vector_load_idx %arg5[%broadcast_in_dim3A_95, %get3A_276] : memref<64x512xf32, #tpu.memory_space<vmem>>[vector<16xi32>, vector<16xi32>], vector<16xf32>,
      %gather3A_562 = tpu.vector_load_idx %arg5[%broadcast_in_dim3A_97, %get3A_276] : memref<64x512xf32, #tpu.memory_space<vmem>>[vector<16xi32>, vector<16xi32>], vector<16xf32>,
      %mul3A_563 = arith.constant 16 : i32
      %mul3A_564 = arith.muli %scan3A_271, %mul3A_563 : i32
      %swap3A_565 = arith.constant 40 : i32
      %swap3A_566 = arith.index_cast %swap3A_565 : i32 to index
      %swap3A_567 = arith.index_cast %mul3A_564 : i32 to index
      %swap3A_568 = tpu.vector_load %arg7[%swap3A_566, %swap3A_567] {strides = array<i32>} : memref<64x512xf32, #tpu.memory_space<vmem>>, vector<16xf32>,
      tpu.vector_store %arg7[%swap3A_566, %swap3A_567], %gather3A_555 {strides = array<i32>} : memref<64x512xf32, #tpu.memory_space<vmem>>, vector<16xf32>,
      %mul3A_569 = arith.constant 16 : i32
      %mul3A_570 = arith.muli %scan3A_271, %mul3A_569 : i32
      %swap3A_571 = arith.constant 41 : i32
      %swap3A_572 = arith.index_cast %swap3A_571 : i32 to index
      %swap3A_573 = arith.index_cast %mul3A_570 : i32 to index
      %swap3A_574 = tpu.vector_load %arg7[%swap3A_572, %swap3A_573] {strides = array<i32>} : memref<64x512xf32, #tpu.memory_space<vmem>>, vector<16xf32>,
      tpu.vector_store %arg7[%swap3A_572, %swap3A_573], %gather3A_556 {strides = array<i32>} : memref<64x512xf32, #tpu.memory_space<vmem>>, vector<16xf32>,
      %mul3A_575 = arith.constant 16 : i32
      %mul3A_576 = arith.muli %scan3A_271, %mul3A_575 : i32
      %swap3A_577 = arith.constant 42 : i32
      %swap3A_578 = arith.index_cast %swap3A_577 : i32 to index
      %swap3A_579 = arith.index_cast %mul3A_576 : i32 to index
      %swap3A_580 = tpu.vector_load %arg7[%swap3A_578, %swap3A_579] {strides = array<i32>} : memref<64x512xf32, #tpu.memory_space<vmem>>, vector<16xf32>,
      tpu.vector_store %arg7[%swap3A_578, %swap3A_579], %gather3A_557 {strides = array<i32>} : memref<64x512xf32, #tpu.memory_space<vmem>>, vector<16xf32>,
      %mul3A_581 = arith.constant 16 : i32
      %mul3A_582 = arith.muli %scan3A_271, %mul3A_581 : i32
      %swap3A_583 = arith.constant 43 : i32
      %swap3A_584 = arith.index_cast %swap3A_583 : i32 to index
      %swap3A_585 = arith.index_cast %mul3A_582 : i32 to index
      %swap3A_586 = tpu.vector_load %arg7[%swap3A_584, %swap3A_585] {strides = array<i32>} : memref<64x512xf32, #tpu.memory_space<vmem>>, vector<16xf32>,
      tpu.vector_store %arg7[%swap3A_584, %swap3A_585], %gather3A_558 {strides = array<i32>} : memref<64x512xf32, #tpu.memory_space<vmem>>, vector<16xf32>,
      %mul3A_587 = arith.constant 16 : i32
      %mul3A_588 = arith.muli %scan3A_271, %mul3A_587 : i32
      %swap3A_589 = arith.constant 44 : i32
      %swap3A_590 = arith.index_cast %swap3A_589 : i32 to index
      %swap3A_591 = arith.index_cast %mul3A_588 : i32 to index
      %swap3A_592 = tpu.vector_load %arg7[%swap3A_590, %swap3A_591] {strides = array<i32>} : memref<64x512xf32, #tpu.memory_space<vmem>>, vector<16xf32>,
      tpu.vector_store %arg7[%swap3A_590, %swap3A_591], %gather3A_559 {strides = array<i32>} : memref<64x512xf32, #tpu.memory_space<vmem>>, vector<16xf32>,
      %mul3A_593 = arith.constant 16 : i32
      %mul3A_594 = arith.muli %scan3A_271, %mul3A_593 : i32
      %swap3A_595 = arith.constant 45 : i32
      %swap3A_596 = arith.index_cast %swap3A_595 : i32 to index
      %swap3A_597 = arith.index_cast %mul3A_594 : i32 to index
      %swap3A_598 = tpu.vector_load %arg7[%swap3A_596, %swap3A_597] {strides = array<i32>} : memref<64x512xf32, #tpu.memory_space<vmem>>, vector<16xf32>,
      tpu.vector_store %arg7[%swap3A_596, %swap3A_597], %gather3A_560 {strides = array<i32>} : memref<64x512xf32, #tpu.memory_space<vmem>>, vector<16xf32>,
      %mul3A_599 = arith.constant 16 : i32
      %mul3A_600 = arith.muli %scan3A_271, %mul3A_599 : i32
      %swap3A_601 = arith.constant 46 : i32
      %swap3A_602 = arith.index_cast %swap3A_601 : i32 to index
      %swap3A_603 = arith.index_cast %mul3A_600 : i32 to index
      %swap3A_604 = tpu.vector_load %arg7[%swap3A_602, %swap3A_603] {strides = array<i32>} : memref<64x512xf32, #tpu.memory_space<vmem>>, vector<16xf32>,
      tpu.vector_store %arg7[%swap3A_602, %swap3A_603], %gather3A_561 {strides = array<i32>} : memref<64x512xf32, #tpu.memory_space<vmem>>, vector<16xf32>,
      %mul3A_605 = arith.constant 16 : i32
      %mul3A_606 = arith.muli %scan3A_271, %mul3A_605 : i32
      %swap3A_607 = arith.constant 47 : i32
      %swap3A_608 = arith.index_cast %swap3A_607 : i32 to index
      %swap3A_609 = arith.index_cast %mul3A_606 : i32 to index
      %swap3A_610 = tpu.vector_load %arg7[%swap3A_608, %swap3A_609] {strides = array<i32>} : memref<64x512xf32, #tpu.memory_space<vmem>>, vector<16xf32>,
      tpu.vector_store %arg7[%swap3A_608, %swap3A_609], %gather3A_562 {strides = array<i32>} : memref<64x512xf32, #tpu.memory_space<vmem>>, vector<16xf32>,
      %gather3A_611 = tpu.vector_load_idx %arg5[%broadcast_in_dim3A_99, %get3A_276] : memref<64x512xf32, #tpu.memory_space<vmem>>[vector<16xi32>, vector<16xi32>], vector<16xf32>,
      %gather3A_612 = tpu.vector_load_idx %arg5[%broadcast_in_dim3A_101, %get3A_276] : memref<64x512xf32, #tpu.memory_space<vmem>>[vector<16xi32>, vector<16xi32>], vector<16xf32>,
      %gather3A_613 = tpu.vector_load_idx %arg5[%broadcast_in_dim3A_103, %get3A_276] : memref<64x512xf32, #tpu.memory_space<vmem>>[vector<16xi32>, vector<16xi32>], vector<16xf32>,
      %gather3A_614 = tpu.vector_load_idx %arg5[%broadcast_in_dim3A_105, %get3A_276] : memref<64x512xf32, #tpu.memory_space<vmem>>[vector<16xi32>, vector<16xi32>], vector<16xf32>,
      %gather3A_615 = tpu.vector_load_idx %arg5[%broadcast_in_dim3A_107, %get3A_276] : memref<64x512xf32, #tpu.memory_space<vmem>>[vector<16xi32>, vector<16xi32>], vector<16xf32>,
      %gather3A_616 = tpu.vector_load_idx %arg5[%broadcast_in_dim3A_109, %get3A_276] : memref<64x512xf32, #tpu.memory_space<vmem>>[vector<16xi32>, vector<16xi32>], vector<16xf32>,
      %gather3A_617 = tpu.vector_load_idx %arg5[%broadcast_in_dim3A_111, %get3A_276] : memref<64x512xf32, #tpu.memory_space<vmem>>[vector<16xi32>, vector<16xi32>], vector<16xf32>,
      %gather3A_618 = tpu.vector_load_idx %arg5[%broadcast_in_dim3A_113, %get3A_276] : memref<64x512xf32, #tpu.memory_space<vmem>>[vector<16xi32>, vector<16xi32>], vector<16xf32>,
      %mul3A_619 = arith.constant 16 : i32
      %mul3A_620 = arith.muli %scan3A_271, %mul3A_619 : i32
      %swap3A_621 = arith.constant 48 : i32
      %swap3A_622 = arith.index_cast %swap3A_621 : i32 to index
      %swap3A_623 = arith.index_cast %mul3A_620 : i32 to index
      %swap3A_624 = tpu.vector_load %arg7[%swap3A_622, %swap3A_623] {strides = array<i32>} : memref<64x512xf32, #tpu.memory_space<vmem>>, vector<16xf32>,
      tpu.vector_store %arg7[%swap3A_622, %swap3A_623], %gather3A_611 {strides = array<i32>} : memref<64x512xf32, #tpu.memory_space<vmem>>, vector<16xf32>,
      %mul3A_625 = arith.constant 16 : i32
      %mul3A_626 = arith.muli %scan3A_271, %mul3A_625 : i32
      %swap3A_627 = arith.constant 49 : i32
      %swap3A_628 = arith.index_cast %swap3A_627 : i32 to index
      %swap3A_629 = arith.index_cast %mul3A_626 : i32 to index
      %swap3A_630 = tpu.vector_load %arg7[%swap3A_628, %swap3A_629] {strides = array<i32>} : memref<64x512xf32, #tpu.memory_space<vmem>>, vector<16xf32>,
      tpu.vector_store %arg7[%swap3A_628, %swap3A_629], %gather3A_612 {strides = array<i32>} : memref<64x512xf32, #tpu.memory_space<vmem>>, vector<16xf32>,
      %mul3A_631 = arith.constant 16 : i32
      %mul3A_632 = arith.muli %scan3A_271, %mul3A_631 : i32
      %swap3A_633 = arith.constant 50 : i32
      %swap3A_634 = arith.index_cast %swap3A_633 : i32 to index
      %swap3A_635 = arith.index_cast %mul3A_632 : i32 to index
      %swap3A_636 = tpu.vector_load %arg7[%swap3A_634, %swap3A_635] {strides = array<i32>} : memref<64x512xf32, #tpu.memory_space<vmem>>, vector<16xf32>,
      tpu.vector_store %arg7[%swap3A_634, %swap3A_635], %gather3A_613 {strides = array<i32>} : memref<64x512xf32, #tpu.memory_space<vmem>>, vector<16xf32>,
      %mul3A_637 = arith.constant 16 : i32
      %mul3A_638 = arith.muli %scan3A_271, %mul3A_637 : i32
      %swap3A_639 = arith.constant 51 : i32
      %swap3A_640 = arith.index_cast %swap3A_639 : i32 to index
      %swap3A_641 = arith.index_cast %mul3A_638 : i32 to index
      %swap3A_642 = tpu.vector_load %arg7[%swap3A_640, %swap3A_641] {strides = array<i32>} : memref<64x512xf32, #tpu.memory_space<vmem>>, vector<16xf32>,
      tpu.vector_store %arg7[%swap3A_640, %swap3A_641], %gather3A_614 {strides = array<i32>} : memref<64x512xf32, #tpu.memory_space<vmem>>, vector<16xf32>,
      %mul3A_643 = arith.constant 16 : i32
      %mul3A_644 = arith.muli %scan3A_271, %mul3A_643 : i32
      %swap3A_645 = arith.constant 52 : i32
      %swap3A_646 = arith.index_cast %swap3A_645 : i32 to index
      %swap3A_647 = arith.index_cast %mul3A_644 : i32 to index
      %swap3A_648 = tpu.vector_load %arg7[%swap3A_646, %swap3A_647] {strides = array<i32>} : memref<64x512xf32, #tpu.memory_space<vmem>>, vector<16xf32>,
      tpu.vector_store %arg7[%swap3A_646, %swap3A_647], %gather3A_615 {strides = array<i32>} : memref<64x512xf32, #tpu.memory_space<vmem>>, vector<16xf32>,
      %mul3A_649 = arith.constant 16 : i32
      %mul3A_650 = arith.muli %scan3A_271, %mul3A_649 : i32
      %swap3A_651 = arith.constant 53 : i32
      %swap3A_652 = arith.index_cast %swap3A_651 : i32 to index
      %swap3A_653 = arith.index_cast %mul3A_650 : i32 to index
      %swap3A_654 = tpu.vector_load %arg7[%swap3A_652, %swap3A_653] {strides = array<i32>} : memref<64x512xf32, #tpu.memory_space<vmem>>, vector<16xf32>,
      tpu.vector_store %arg7[%swap3A_652, %swap3A_653], %gather3A_616 {strides = array<i32>} : memref<64x512xf32, #tpu.memory_space<vmem>>, vector<16xf32>,
      %mul3A_655 = arith.constant 16 : i32
      %mul3A_656 = arith.muli %scan3A_271, %mul3A_655 : i32
      %swap3A_657 = arith.constant 54 : i32
      %swap3A_658 = arith.index_cast %swap3A_657 : i32 to index
      %swap3A_659 = arith.index_cast %mul3A_656 : i32 to index
      %swap3A_660 = tpu.vector_load %arg7[%swap3A_658, %swap3A_659] {strides = array<i32>} : memref<64x512xf32, #tpu.memory_space<vmem>>, vector<16xf32>,
      tpu.vector_store %arg7[%swap3A_658, %swap3A_659], %gather3A_617 {strides = array<i32>} : memref<64x512xf32, #tpu.memory_space<vmem>>, vector<16xf32>,
      %mul3A_661 = arith.constant 16 : i32
      %mul3A_662 = arith.muli %scan3A_271, %mul3A_661 : i32
      %swap3A_663 = arith.constant 55 : i32
      %swap3A_664 = arith.index_cast %swap3A_663 : i32 to index
      %swap3A_665 = arith.index_cast %mul3A_662 : i32 to index
      %swap3A_666 = tpu.vector_load %arg7[%swap3A_664, %swap3A_665] {strides = array<i32>} : memref<64x512xf32, #tpu.memory_space<vmem>>, vector<16xf32>,
      tpu.vector_store %arg7[%swap3A_664, %swap3A_665], %gather3A_618 {strides = array<i32>} : memref<64x512xf32, #tpu.memory_space<vmem>>, vector<16xf32>,
      %gather3A_667 = tpu.vector_load_idx %arg5[%broadcast_in_dim3A_115, %get3A_276] : memref<64x512xf32, #tpu.memory_space<vmem>>[vector<16xi32>, vector<16xi32>], vector<16xf32>,
      %gather3A_668 = tpu.vector_load_idx %arg5[%broadcast_in_dim3A_117, %get3A_276] : memref<64x512xf32, #tpu.memory_space<vmem>>[vector<16xi32>, vector<16xi32>], vector<16xf32>,
      %gather3A_669 = tpu.vector_load_idx %arg5[%broadcast_in_dim3A_119, %get3A_276] : memref<64x512xf32, #tpu.memory_space<vmem>>[vector<16xi32>, vector<16xi32>], vector<16xf32>,
      %gather3A_670 = tpu.vector_load_idx %arg5[%broadcast_in_dim3A_121, %get3A_276] : memref<64x512xf32, #tpu.memory_space<vmem>>[vector<16xi32>, vector<16xi32>], vector<16xf32>,
      %gather3A_671 = tpu.vector_load_idx %arg5[%broadcast_in_dim3A_123, %get3A_276] : memref<64x512xf32, #tpu.memory_space<vmem>>[vector<16xi32>, vector<16xi32>], vector<16xf32>,
      %gather3A_672 = tpu.vector_load_idx %arg5[%broadcast_in_dim3A_125, %get3A_276] : memref<64x512xf32, #tpu.memory_space<vmem>>[vector<16xi32>, vector<16xi32>], vector<16xf32>,
      %gather3A_673 = tpu.vector_load_idx %arg5[%broadcast_in_dim3A_127, %get3A_276] : memref<64x512xf32, #tpu.memory_space<vmem>>[vector<16xi32>, vector<16xi32>], vector<16xf32>,
      %gather3A_674 = tpu.vector_load_idx %arg5[%broadcast_in_dim3A_129, %get3A_276] : memref<64x512xf32, #tpu.memory_space<vmem>>[vector<16xi32>, vector<16xi32>], vector<16xf32>,
      %mul3A_675 = arith.constant 16 : i32
      %mul3A_676 = arith.muli %scan3A_271, %mul3A_675 : i32
      %swap3A_677 = arith.constant 56 : i32
      %swap3A_678 = arith.index_cast %swap3A_677 : i32 to index
      %swap3A_679 = arith.index_cast %mul3A_676 : i32 to index
      %swap3A_680 = tpu.vector_load %arg7[%swap3A_678, %swap3A_679] {strides = array<i32>} : memref<64x512xf32, #tpu.memory_space<vmem>>, vector<16xf32>,
      tpu.vector_store %arg7[%swap3A_678, %swap3A_679], %gather3A_667 {strides = array<i32>} : memref<64x512xf32, #tpu.memory_space<vmem>>, vector<16xf32>,
      %mul3A_681 = arith.constant 16 : i32
      %mul3A_682 = arith.muli %scan3A_271, %mul3A_681 : i32
      %swap3A_683 = arith.constant 57 : i32
      %swap3A_684 = arith.index_cast %swap3A_683 : i32 to index
      %swap3A_685 = arith.index_cast %mul3A_682 : i32 to index
      %swap3A_686 = tpu.vector_load %arg7[%swap3A_684, %swap3A_685] {strides = array<i32>} : memref<64x512xf32, #tpu.memory_space<vmem>>, vector<16xf32>,
      tpu.vector_store %arg7[%swap3A_684, %swap3A_685], %gather3A_668 {strides = array<i32>} : memref<64x512xf32, #tpu.memory_space<vmem>>, vector<16xf32>,
      %mul3A_687 = arith.constant 16 : i32
      %mul3A_688 = arith.muli %scan3A_271, %mul3A_687 : i32
      %swap3A_689 = arith.constant 58 : i32
      %swap3A_690 = arith.index_cast %swap3A_689 : i32 to index
      %swap3A_691 = arith.index_cast %mul3A_688 : i32 to index
      %swap3A_692 = tpu.vector_load %arg7[%swap3A_690, %swap3A_691] {strides = array<i32>} : memref<64x512xf32, #tpu.memory_space<vmem>>, vector<16xf32>,
      tpu.vector_store %arg7[%swap3A_690, %swap3A_691], %gather3A_669 {strides = array<i32>} : memref<64x512xf32, #tpu.memory_space<vmem>>, vector<16xf32>,
      %mul3A_693 = arith.constant 16 : i32
      %mul3A_694 = arith.muli %scan3A_271, %mul3A_693 : i32
      %swap3A_695 = arith.constant 59 : i32
      %swap3A_696 = arith.index_cast %swap3A_695 : i32 to index
      %swap3A_697 = arith.index_cast %mul3A_694 : i32 to index
      %swap3A_698 = tpu.vector_load %arg7[%swap3A_696, %swap3A_697] {strides = array<i32>} : memref<64x512xf32, #tpu.memory_space<vmem>>, vector<16xf32>,
      tpu.vector_store %arg7[%swap3A_696, %swap3A_697], %gather3A_670 {strides = array<i32>} : memref<64x512xf32, #tpu.memory_space<vmem>>, vector<16xf32>,
      %mul3A_699 = arith.constant 16 : i32
      %mul3A_700 = arith.muli %scan3A_271, %mul3A_699 : i32
      %swap3A_701 = arith.constant 60 : i32
      %swap3A_702 = arith.index_cast %swap3A_701 : i32 to index
      %swap3A_703 = arith.index_cast %mul3A_700 : i32 to index
      %swap3A_704 = tpu.vector_load %arg7[%swap3A_702, %swap3A_703] {strides = array<i32>} : memref<64x512xf32, #tpu.memory_space<vmem>>, vector<16xf32>,
      tpu.vector_store %arg7[%swap3A_702, %swap3A_703], %gather3A_671 {strides = array<i32>} : memref<64x512xf32, #tpu.memory_space<vmem>>, vector<16xf32>,
      %mul3A_705 = arith.constant 16 : i32
      %mul3A_706 = arith.muli %scan3A_271, %mul3A_705 : i32
      %swap3A_707 = arith.constant 61 : i32
      %swap3A_708 = arith.index_cast %swap3A_707 : i32 to index
      %swap3A_709 = arith.index_cast %mul3A_706 : i32 to index
      %swap3A_710 = tpu.vector_load %arg7[%swap3A_708, %swap3A_709] {strides = array<i32>} : memref<64x512xf32, #tpu.memory_space<vmem>>, vector<16xf32>,
      tpu.vector_store %arg7[%swap3A_708, %swap3A_709], %gather3A_672 {strides = array<i32>} : memref<64x512xf32, #tpu.memory_space<vmem>>, vector<16xf32>,
      %mul3A_711 = arith.constant 16 : i32
      %mul3A_712 = arith.muli %scan3A_271, %mul3A_711 : i32
      %swap3A_713 = arith.constant 62 : i32
      %swap3A_714 = arith.index_cast %swap3A_713 : i32 to index
      %swap3A_715 = arith.index_cast %mul3A_712 : i32 to index
      %swap3A_716 = tpu.vector_load %arg7[%swap3A_714, %swap3A_715] {strides = array<i32>} : memref<64x512xf32, #tpu.memory_space<vmem>>, vector<16xf32>,
      tpu.vector_store %arg7[%swap3A_714, %swap3A_715], %gather3A_673 {strides = array<i32>} : memref<64x512xf32, #tpu.memory_space<vmem>>, vector<16xf32>,
      %mul3A_717 = arith.constant 16 : i32
      %mul3A_718 = arith.muli %scan3A_271, %mul3A_717 : i32
      %swap3A_719 = arith.constant 63 : i32
      %swap3A_720 = arith.index_cast %swap3A_719 : i32 to index
      %swap3A_721 = arith.index_cast %mul3A_718 : i32 to index
      %swap3A_722 = tpu.vector_load %arg7[%swap3A_720, %swap3A_721] {strides = array<i32>} : memref<64x512xf32, #tpu.memory_space<vmem>>, vector<16xf32>,
      tpu.vector_store %arg7[%swap3A_720, %swap3A_721], %gather3A_674 {strides = array<i32>} : memref<64x512xf32, #tpu.memory_space<vmem>>, vector<16xf32>,
    }
    %scan3A_134 = arith.constant 32 : i32
    %add3A_135 = arith.constant 0 : i32
    %add3A_136 = arith.addi %mul3A_2, %add3A_135 : i32
    %dma_start3A = arith.constant 0 : i32
    %dma_start3A_137 = tpu.memref_slice %arg4[%dma_start3A, %add3A_136] : memref<64x131072xf32, #tpu.memory_space<hbm>> -> memref<64x512xf32, #tpu.memory_space<hbm>>
    %dma_start3A_138 = arith.constant 0 : i32
    %dma_start3A_139 = tpu.memref_slice %arg4[%dma_start3A_138, %add3A_136] : memref<64x131072xf32, #tpu.memory_space<hbm>> -> memref<64x512xf32, #tpu.memory_space<hbm>>
    tpu.enqueue_dma source(%arg7 : memref<64x512xf32, #tpu.memory_space<vmem>>) target(%dma_start3A_139 : memref<64x512xf32, #tpu.memory_space<hbm>>) target_semaphore(%arg9 : memref<!tpu.dma_semaphore, #tpu.memory_space<semaphore_mem>>)
    %scan3A_140 = arith.constant 0 : i32
    %scan3A_141 = arith.constant 0 : i32
    %scan3A_142 = arith.constant 32 : i32
    %scan3A_143 = arith.addi %scan3A_141, %scan3A_142 : i32
    %scan3A_144 = arith.constant 1 : i32
    scf.for %scan3A_271 = %scan3A_141 to %scan3A_143 step %scan3A_144  : i32 {
      %mul3A_272 = arith.constant 16 : i32
      %mul3A_273 = arith.muli %scan3A_271, %mul3A_272 : i32
      %add3A_274 = arith.constant 512 : i32
      %add3A_275 = arith.addi %add3A_274, %mul3A_273 : i32
      %get3A = arith.index_cast %add3A_275 : i32 to index
      %get3A_276 = tpu.vector_load %arg6[%get3A] {strides = array<i32>} : memref<4096xi32, #tpu.memory_space<vmem>>, vector<16xi32>,
      %gather3A = tpu.vector_load_idx %arg5[%broadcast_in_dim3A_3, %get3A_276] : memref<64x512xf32, #tpu.memory_space<vmem>>[vector<16xi32>, vector<16xi32>], vector<16xf32>,
      %gather3A_277 = tpu.vector_load_idx %arg5[%broadcast_in_dim3A_5, %get3A_276] : memref<64x512xf32, #tpu.memory_space<vmem>>[vector<16xi32>, vector<16xi32>], vector<16xf32>,
      %gather3A_278 = tpu.vector_load_idx %arg5[%broadcast_in_dim3A_7, %get3A_276] : memref<64x512xf32, #tpu.memory_space<vmem>>[vector<16xi32>, vector<16xi32>], vector<16xf32>,
      %gather3A_279 = tpu.vector_load_idx %arg5[%broadcast_in_dim3A_9, %get3A_276] : memref<64x512xf32, #tpu.memory_space<vmem>>[vector<16xi32>, vector<16xi32>], vector<16xf32>,
      %gather3A_280 = tpu.vector_load_idx %arg5[%broadcast_in_dim3A_11, %get3A_276] : memref<64x512xf32, #tpu.memory_space<vmem>>[vector<16xi32>, vector<16xi32>], vector<16xf32>,
      %gather3A_281 = tpu.vector_load_idx %arg5[%broadcast_in_dim3A_13, %get3A_276] : memref<64x512xf32, #tpu.memory_space<vmem>>[vector<16xi32>, vector<16xi32>], vector<16xf32>,
      %gather3A_282 = tpu.vector_load_idx %arg5[%broadcast_in_dim3A_15, %get3A_276] : memref<64x512xf32, #tpu.memory_space<vmem>>[vector<16xi32>, vector<16xi32>], vector<16xf32>,
      %gather3A_283 = tpu.vector_load_idx %arg5[%broadcast_in_dim3A_17, %get3A_276] : memref<64x512xf32, #tpu.memory_space<vmem>>[vector<16xi32>, vector<16xi32>], vector<16xf32>,
      %mul3A_284 = arith.constant 16 : i32
      %mul3A_285 = arith.muli %scan3A_271, %mul3A_284 : i32
      %swap3A = arith.constant 0 : i32
      %swap3A_286 = arith.index_cast %swap3A : i32 to index
      %swap3A_287 = arith.index_cast %mul3A_285 : i32 to index
      %swap3A_288 = tpu.vector_load %arg8[%swap3A_286, %swap3A_287] {strides = array<i32>} : memref<64x512xf32, #tpu.memory_space<vmem>>, vector<16xf32>,
      tpu.vector_store %arg8[%swap3A_286, %swap3A_287], %gather3A {strides = array<i32>} : memref<64x512xf32, #tpu.memory_space<vmem>>, vector<16xf32>,
      %mul3A_289 = arith.constant 16 : i32
      %mul3A_290 = arith.muli %scan3A_271, %mul3A_289 : i32
      %swap3A_291 = arith.constant 1 : i32
      %swap3A_292 = arith.index_cast %swap3A_291 : i32 to index
      %swap3A_293 = arith.index_cast %mul3A_290 : i32 to index
      %swap3A_294 = tpu.vector_load %arg8[%swap3A_292, %swap3A_293] {strides = array<i32>} : memref<64x512xf32, #tpu.memory_space<vmem>>, vector<16xf32>,
      tpu.vector_store %arg8[%swap3A_292, %swap3A_293], %gather3A_277 {strides = array<i32>} : memref<64x512xf32, #tpu.memory_space<vmem>>, vector<16xf32>,
      %mul3A_295 = arith.constant 16 : i32
      %mul3A_296 = arith.muli %scan3A_271, %mul3A_295 : i32
      %swap3A_297 = arith.constant 2 : i32
      %swap3A_298 = arith.index_cast %swap3A_297 : i32 to index
      %swap3A_299 = arith.index_cast %mul3A_296 : i32 to index
      %swap3A_300 = tpu.vector_load %arg8[%swap3A_298, %swap3A_299] {strides = array<i32>} : memref<64x512xf32, #tpu.memory_space<vmem>>, vector<16xf32>,
      tpu.vector_store %arg8[%swap3A_298, %swap3A_299], %gather3A_278 {strides = array<i32>} : memref<64x512xf32, #tpu.memory_space<vmem>>, vector<16xf32>,
      %mul3A_301 = arith.constant 16 : i32
      %mul3A_302 = arith.muli %scan3A_271, %mul3A_301 : i32
      %swap3A_303 = arith.constant 3 : i32
      %swap3A_304 = arith.index_cast %swap3A_303 : i32 to index
      %swap3A_305 = arith.index_cast %mul3A_302 : i32 to index
      %swap3A_306 = tpu.vector_load %arg8[%swap3A_304, %swap3A_305] {strides = array<i32>} : memref<64x512xf32, #tpu.memory_space<vmem>>, vector<16xf32>,
      tpu.vector_store %arg8[%swap3A_304, %swap3A_305], %gather3A_279 {strides = array<i32>} : memref<64x512xf32, #tpu.memory_space<vmem>>, vector<16xf32>,
      %mul3A_307 = arith.constant 16 : i32
      %mul3A_308 = arith.muli %scan3A_271, %mul3A_307 : i32
      %swap3A_309 = arith.constant 4 : i32
      %swap3A_310 = arith.index_cast %swap3A_309 : i32 to index
      %swap3A_311 = arith.index_cast %mul3A_308 : i32 to index
      %swap3A_312 = tpu.vector_load %arg8[%swap3A_310, %swap3A_311] {strides = array<i32>} : memref<64x512xf32, #tpu.memory_space<vmem>>, vector<16xf32>,
      tpu.vector_store %arg8[%swap3A_310, %swap3A_311], %gather3A_280 {strides = array<i32>} : memref<64x512xf32, #tpu.memory_space<vmem>>, vector<16xf32>,
      %mul3A_313 = arith.constant 16 : i32
      %mul3A_314 = arith.muli %scan3A_271, %mul3A_313 : i32
      %swap3A_315 = arith.constant 5 : i32
      %swap3A_316 = arith.index_cast %swap3A_315 : i32 to index
      %swap3A_317 = arith.index_cast %mul3A_314 : i32 to index
      %swap3A_318 = tpu.vector_load %arg8[%swap3A_316, %swap3A_317] {strides = array<i32>} : memref<64x512xf32, #tpu.memory_space<vmem>>, vector<16xf32>,
      tpu.vector_store %arg8[%swap3A_316, %swap3A_317], %gather3A_281 {strides = array<i32>} : memref<64x512xf32, #tpu.memory_space<vmem>>, vector<16xf32>,
      %mul3A_319 = arith.constant 16 : i32
      %mul3A_320 = arith.muli %scan3A_271, %mul3A_319 : i32
      %swap3A_321 = arith.constant 6 : i32
      %swap3A_322 = arith.index_cast %swap3A_321 : i32 to index
      %swap3A_323 = arith.index_cast %mul3A_320 : i32 to index
      %swap3A_324 = tpu.vector_load %arg8[%swap3A_322, %swap3A_323] {strides = array<i32>} : memref<64x512xf32, #tpu.memory_space<vmem>>, vector<16xf32>,
      tpu.vector_store %arg8[%swap3A_322, %swap3A_323], %gather3A_282 {strides = array<i32>} : memref<64x512xf32, #tpu.memory_space<vmem>>, vector<16xf32>,
      %mul3A_325 = arith.constant 16 : i32
      %mul3A_326 = arith.muli %scan3A_271, %mul3A_325 : i32
      %swap3A_327 = arith.constant 7 : i32
      %swap3A_328 = arith.index_cast %swap3A_327 : i32 to index
      %swap3A_329 = arith.index_cast %mul3A_326 : i32 to index
      %swap3A_330 = tpu.vector_load %arg8[%swap3A_328, %swap3A_329] {strides = array<i32>} : memref<64x512xf32, #tpu.memory_space<vmem>>, vector<16xf32>,
      tpu.vector_store %arg8[%swap3A_328, %swap3A_329], %gather3A_283 {strides = array<i32>} : memref<64x512xf32, #tpu.memory_space<vmem>>, vector<16xf32>,
      %gather3A_331 = tpu.vector_load_idx %arg5[%broadcast_in_dim3A_19, %get3A_276] : memref<64x512xf32, #tpu.memory_space<vmem>>[vector<16xi32>, vector<16xi32>], vector<16xf32>,
      %gather3A_332 = tpu.vector_load_idx %arg5[%broadcast_in_dim3A_21, %get3A_276] : memref<64x512xf32, #tpu.memory_space<vmem>>[vector<16xi32>, vector<16xi32>], vector<16xf32>,
      %gather3A_333 = tpu.vector_load_idx %arg5[%broadcast_in_dim3A_23, %get3A_276] : memref<64x512xf32, #tpu.memory_space<vmem>>[vector<16xi32>, vector<16xi32>], vector<16xf32>,
      %gather3A_334 = tpu.vector_load_idx %arg5[%broadcast_in_dim3A_25, %get3A_276] : memref<64x512xf32, #tpu.memory_space<vmem>>[vector<16xi32>, vector<16xi32>], vector<16xf32>,
      %gather3A_335 = tpu.vector_load_idx %arg5[%broadcast_in_dim3A_27, %get3A_276] : memref<64x512xf32, #tpu.memory_space<vmem>>[vector<16xi32>, vector<16xi32>], vector<16xf32>,
      %gather3A_336 = tpu.vector_load_idx %arg5[%broadcast_in_dim3A_29, %get3A_276] : memref<64x512xf32, #tpu.memory_space<vmem>>[vector<16xi32>, vector<16xi32>], vector<16xf32>,
      %gather3A_337 = tpu.vector_load_idx %arg5[%broadcast_in_dim3A_31, %get3A_276] : memref<64x512xf32, #tpu.memory_space<vmem>>[vector<16xi32>, vector<16xi32>], vector<16xf32>,
      %gather3A_338 = tpu.vector_load_idx %arg5[%broadcast_in_dim3A_33, %get3A_276] : memref<64x512xf32, #tpu.memory_space<vmem>>[vector<16xi32>, vector<16xi32>], vector<16xf32>,
      %mul3A_339 = arith.constant 16 : i32
      %mul3A_340 = arith.muli %scan3A_271, %mul3A_339 : i32
      %swap3A_341 = arith.constant 8 : i32
      %swap3A_342 = arith.index_cast %swap3A_341 : i32 to index
      %swap3A_343 = arith.index_cast %mul3A_340 : i32 to index
      %swap3A_344 = tpu.vector_load %arg8[%swap3A_342, %swap3A_343] {strides = array<i32>} : memref<64x512xf32, #tpu.memory_space<vmem>>, vector<16xf32>,
      tpu.vector_store %arg8[%swap3A_342, %swap3A_343], %gather3A_331 {strides = array<i32>} : memref<64x512xf32, #tpu.memory_space<vmem>>, vector<16xf32>,
      %mul3A_345 = arith.constant 16 : i32
      %mul3A_346 = arith.muli %scan3A_271, %mul3A_345 : i32
      %swap3A_347 = arith.constant 9 : i32
      %swap3A_348 = arith.index_cast %swap3A_347 : i32 to index
      %swap3A_349 = arith.index_cast %mul3A_346 : i32 to index
      %swap3A_350 = tpu.vector_load %arg8[%swap3A_348, %swap3A_349] {strides = array<i32>} : memref<64x512xf32, #tpu.memory_space<vmem>>, vector<16xf32>,
      tpu.vector_store %arg8[%swap3A_348, %swap3A_349], %gather3A_332 {strides = array<i32>} : memref<64x512xf32, #tpu.memory_space<vmem>>, vector<16xf32>,
      %mul3A_351 = arith.constant 16 : i32
      %mul3A_352 = arith.muli %scan3A_271, %mul3A_351 : i32
      %swap3A_353 = arith.constant 10 : i32
      %swap3A_354 = arith.index_cast %swap3A_353 : i32 to index
      %swap3A_355 = arith.index_cast %mul3A_352 : i32 to index
      %swap3A_356 = tpu.vector_load %arg8[%swap3A_354, %swap3A_355] {strides = array<i32>} : memref<64x512xf32, #tpu.memory_space<vmem>>, vector<16xf32>,
      tpu.vector_store %arg8[%swap3A_354, %swap3A_355], %gather3A_333 {strides = array<i32>} : memref<64x512xf32, #tpu.memory_space<vmem>>, vector<16xf32>,
      %mul3A_357 = arith.constant 16 : i32
      %mul3A_358 = arith.muli %scan3A_271, %mul3A_357 : i32
      %swap3A_359 = arith.constant 11 : i32
      %swap3A_360 = arith.index_cast %swap3A_359 : i32 to index
      %swap3A_361 = arith.index_cast %mul3A_358 : i32 to index
      %swap3A_362 = tpu.vector_load %arg8[%swap3A_360, %swap3A_361] {strides = array<i32>} : memref<64x512xf32, #tpu.memory_space<vmem>>, vector<16xf32>,
      tpu.vector_store %arg8[%swap3A_360, %swap3A_361], %gather3A_334 {strides = array<i32>} : memref<64x512xf32, #tpu.memory_space<vmem>>, vector<16xf32>,
      %mul3A_363 = arith.constant 16 : i32
      %mul3A_364 = arith.muli %scan3A_271, %mul3A_363 : i32
      %swap3A_365 = arith.constant 12 : i32
      %swap3A_366 = arith.index_cast %swap3A_365 : i32 to index
      %swap3A_367 = arith.index_cast %mul3A_364 : i32 to index
      %swap3A_368 = tpu.vector_load %arg8[%swap3A_366, %swap3A_367] {strides = array<i32>} : memref<64x512xf32, #tpu.memory_space<vmem>>, vector<16xf32>,
      tpu.vector_store %arg8[%swap3A_366, %swap3A_367], %gather3A_335 {strides = array<i32>} : memref<64x512xf32, #tpu.memory_space<vmem>>, vector<16xf32>,
      %mul3A_369 = arith.constant 16 : i32
      %mul3A_370 = arith.muli %scan3A_271, %mul3A_369 : i32
      %swap3A_371 = arith.constant 13 : i32
      %swap3A_372 = arith.index_cast %swap3A_371 : i32 to index
      %swap3A_373 = arith.index_cast %mul3A_370 : i32 to index
      %swap3A_374 = tpu.vector_load %arg8[%swap3A_372, %swap3A_373] {strides = array<i32>} : memref<64x512xf32, #tpu.memory_space<vmem>>, vector<16xf32>,
      tpu.vector_store %arg8[%swap3A_372, %swap3A_373], %gather3A_336 {strides = array<i32>} : memref<64x512xf32, #tpu.memory_space<vmem>>, vector<16xf32>,
      %mul3A_375 = arith.constant 16 : i32
      %mul3A_376 = arith.muli %scan3A_271, %mul3A_375 : i32
      %swap3A_377 = arith.constant 14 : i32
      %swap3A_378 = arith.index_cast %swap3A_377 : i32 to index
      %swap3A_379 = arith.index_cast %mul3A_376 : i32 to index
      %swap3A_380 = tpu.vector_load %arg8[%swap3A_378, %swap3A_379] {strides = array<i32>} : memref<64x512xf32, #tpu.memory_space<vmem>>, vector<16xf32>,
      tpu.vector_store %arg8[%swap3A_378, %swap3A_379], %gather3A_337 {strides = array<i32>} : memref<64x512xf32, #tpu.memory_space<vmem>>, vector<16xf32>,
      %mul3A_381 = arith.constant 16 : i32
      %mul3A_382 = arith.muli %scan3A_271, %mul3A_381 : i32
      %swap3A_383 = arith.constant 15 : i32
      %swap3A_384 = arith.index_cast %swap3A_383 : i32 to index
      %swap3A_385 = arith.index_cast %mul3A_382 : i32 to index
      %swap3A_386 = tpu.vector_load %arg8[%swap3A_384, %swap3A_385] {strides = array<i32>} : memref<64x512xf32, #tpu.memory_space<vmem>>, vector<16xf32>,
      tpu.vector_store %arg8[%swap3A_384, %swap3A_385], %gather3A_338 {strides = array<i32>} : memref<64x512xf32, #tpu.memory_space<vmem>>, vector<16xf32>,
      %gather3A_387 = tpu.vector_load_idx %arg5[%broadcast_in_dim3A_35, %get3A_276] : memref<64x512xf32, #tpu.memory_space<vmem>>[vector<16xi32>, vector<16xi32>], vector<16xf32>,
      %gather3A_388 = tpu.vector_load_idx %arg5[%broadcast_in_dim3A_37, %get3A_276] : memref<64x512xf32, #tpu.memory_space<vmem>>[vector<16xi32>, vector<16xi32>], vector<16xf32>,
      %gather3A_389 = tpu.vector_load_idx %arg5[%broadcast_in_dim3A_39, %get3A_276] : memref<64x512xf32, #tpu.memory_space<vmem>>[vector<16xi32>, vector<16xi32>], vector<16xf32>,
      %gather3A_390 = tpu.vector_load_idx %arg5[%broadcast_in_dim3A_41, %get3A_276] : memref<64x512xf32, #tpu.memory_space<vmem>>[vector<16xi32>, vector<16xi32>], vector<16xf32>,
      %gather3A_391 = tpu.vector_load_idx %arg5[%broadcast_in_dim3A_43, %get3A_276] : memref<64x512xf32, #tpu.memory_space<vmem>>[vector<16xi32>, vector<16xi32>], vector<16xf32>,
      %gather3A_392 = tpu.vector_load_idx %arg5[%broadcast_in_dim3A_45, %get3A_276] : memref<64x512xf32, #tpu.memory_space<vmem>>[vector<16xi32>, vector<16xi32>], vector<16xf32>,
      %gather3A_393 = tpu.vector_load_idx %arg5[%broadcast_in_dim3A_47, %get3A_276] : memref<64x512xf32, #tpu.memory_space<vmem>>[vector<16xi32>, vector<16xi32>], vector<16xf32>,
      %gather3A_394 = tpu.vector_load_idx %arg5[%broadcast_in_dim3A_49, %get3A_276] : memref<64x512xf32, #tpu.memory_space<vmem>>[vector<16xi32>, vector<16xi32>], vector<16xf32>,
      %mul3A_395 = arith.constant 16 : i32
      %mul3A_396 = arith.muli %scan3A_271, %mul3A_395 : i32
      %swap3A_397 = arith.constant 16 : i32
      %swap3A_398 = arith.index_cast %swap3A_397 : i32 to index
      %swap3A_399 = arith.index_cast %mul3A_396 : i32 to index
      %swap3A_400 = tpu.vector_load %arg8[%swap3A_398, %swap3A_399] {strides = array<i32>} : memref<64x512xf32, #tpu.memory_space<vmem>>, vector<16xf32>,
      tpu.vector_store %arg8[%swap3A_398, %swap3A_399], %gather3A_387 {strides = array<i32>} : memref<64x512xf32, #tpu.memory_space<vmem>>, vector<16xf32>,
      %mul3A_401 = arith.constant 16 : i32
      %mul3A_402 = arith.muli %scan3A_271, %mul3A_401 : i32
      %swap3A_403 = arith.constant 17 : i32
      %swap3A_404 = arith.index_cast %swap3A_403 : i32 to index
      %swap3A_405 = arith.index_cast %mul3A_402 : i32 to index
      %swap3A_406 = tpu.vector_load %arg8[%swap3A_404, %swap3A_405] {strides = array<i32>} : memref<64x512xf32, #tpu.memory_space<vmem>>, vector<16xf32>,
      tpu.vector_store %arg8[%swap3A_404, %swap3A_405], %gather3A_388 {strides = array<i32>} : memref<64x512xf32, #tpu.memory_space<vmem>>, vector<16xf32>,
      %mul3A_407 = arith.constant 16 : i32
      %mul3A_408 = arith.muli %scan3A_271, %mul3A_407 : i32
      %swap3A_409 = arith.constant 18 : i32
      %swap3A_410 = arith.index_cast %swap3A_409 : i32 to index
      %swap3A_411 = arith.index_cast %mul3A_408 : i32 to index
      %swap3A_412 = tpu.vector_load %arg8[%swap3A_410, %swap3A_411] {strides = array<i32>} : memref<64x512xf32, #tpu.memory_space<vmem>>, vector<16xf32>,
      tpu.vector_store %arg8[%swap3A_410, %swap3A_411], %gather3A_389 {strides = array<i32>} : memref<64x512xf32, #tpu.memory_space<vmem>>, vector<16xf32>,
      %mul3A_413 = arith.constant 16 : i32
      %mul3A_414 = arith.muli %scan3A_271, %mul3A_413 : i32
      %swap3A_415 = arith.constant 19 : i32
      %swap3A_416 = arith.index_cast %swap3A_415 : i32 to index
      %swap3A_417 = arith.index_cast %mul3A_414 : i32 to index
      %swap3A_418 = tpu.vector_load %arg8[%swap3A_416, %swap3A_417] {strides = array<i32>} : memref<64x512xf32, #tpu.memory_space<vmem>>, vector<16xf32>,
      tpu.vector_store %arg8[%swap3A_416, %swap3A_417], %gather3A_390 {strides = array<i32>} : memref<64x512xf32, #tpu.memory_space<vmem>>, vector<16xf32>,
      %mul3A_419 = arith.constant 16 : i32
      %mul3A_420 = arith.muli %scan3A_271, %mul3A_419 : i32
      %swap3A_421 = arith.constant 20 : i32
      %swap3A_422 = arith.index_cast %swap3A_421 : i32 to index
      %swap3A_423 = arith.index_cast %mul3A_420 : i32 to index
      %swap3A_424 = tpu.vector_load %arg8[%swap3A_422, %swap3A_423] {strides = array<i32>} : memref<64x512xf32, #tpu.memory_space<vmem>>, vector<16xf32>,
      tpu.vector_store %arg8[%swap3A_422, %swap3A_423], %gather3A_391 {strides = array<i32>} : memref<64x512xf32, #tpu.memory_space<vmem>>, vector<16xf32>,
      %mul3A_425 = arith.constant 16 : i32
      %mul3A_426 = arith.muli %scan3A_271, %mul3A_425 : i32
      %swap3A_427 = arith.constant 21 : i32
      %swap3A_428 = arith.index_cast %swap3A_427 : i32 to index
      %swap3A_429 = arith.index_cast %mul3A_426 : i32 to index
      %swap3A_430 = tpu.vector_load %arg8[%swap3A_428, %swap3A_429] {strides = array<i32>} : memref<64x512xf32, #tpu.memory_space<vmem>>, vector<16xf32>,
      tpu.vector_store %arg8[%swap3A_428, %swap3A_429], %gather3A_392 {strides = array<i32>} : memref<64x512xf32, #tpu.memory_space<vmem>>, vector<16xf32>,
      %mul3A_431 = arith.constant 16 : i32
      %mul3A_432 = arith.muli %scan3A_271, %mul3A_431 : i32
      %swap3A_433 = arith.constant 22 : i32
      %swap3A_434 = arith.index_cast %swap3A_433 : i32 to index
      %swap3A_435 = arith.index_cast %mul3A_432 : i32 to index
      %swap3A_436 = tpu.vector_load %arg8[%swap3A_434, %swap3A_435] {strides = array<i32>} : memref<64x512xf32, #tpu.memory_space<vmem>>, vector<16xf32>,
      tpu.vector_store %arg8[%swap3A_434, %swap3A_435], %gather3A_393 {strides = array<i32>} : memref<64x512xf32, #tpu.memory_space<vmem>>, vector<16xf32>,
      %mul3A_437 = arith.constant 16 : i32
      %mul3A_438 = arith.muli %scan3A_271, %mul3A_437 : i32
      %swap3A_439 = arith.constant 23 : i32
      %swap3A_440 = arith.index_cast %swap3A_439 : i32 to index
      %swap3A_441 = arith.index_cast %mul3A_438 : i32 to index
      %swap3A_442 = tpu.vector_load %arg8[%swap3A_440, %swap3A_441] {strides = array<i32>} : memref<64x512xf32, #tpu.memory_space<vmem>>, vector<16xf32>,
      tpu.vector_store %arg8[%swap3A_440, %swap3A_441], %gather3A_394 {strides = array<i32>} : memref<64x512xf32, #tpu.memory_space<vmem>>, vector<16xf32>,
      %gather3A_443 = tpu.vector_load_idx %arg5[%broadcast_in_dim3A_51, %get3A_276] : memref<64x512xf32, #tpu.memory_space<vmem>>[vector<16xi32>, vector<16xi32>], vector<16xf32>,
      %gather3A_444 = tpu.vector_load_idx %arg5[%broadcast_in_dim3A_53, %get3A_276] : memref<64x512xf32, #tpu.memory_space<vmem>>[vector<16xi32>, vector<16xi32>], vector<16xf32>,
      %gather3A_445 = tpu.vector_load_idx %arg5[%broadcast_in_dim3A_55, %get3A_276] : memref<64x512xf32, #tpu.memory_space<vmem>>[vector<16xi32>, vector<16xi32>], vector<16xf32>,
      %gather3A_446 = tpu.vector_load_idx %arg5[%broadcast_in_dim3A_57, %get3A_276] : memref<64x512xf32, #tpu.memory_space<vmem>>[vector<16xi32>, vector<16xi32>], vector<16xf32>,
      %gather3A_447 = tpu.vector_load_idx %arg5[%broadcast_in_dim3A_59, %get3A_276] : memref<64x512xf32, #tpu.memory_space<vmem>>[vector<16xi32>, vector<16xi32>], vector<16xf32>,
      %gather3A_448 = tpu.vector_load_idx %arg5[%broadcast_in_dim3A_61, %get3A_276] : memref<64x512xf32, #tpu.memory_space<vmem>>[vector<16xi32>, vector<16xi32>], vector<16xf32>,
      %gather3A_449 = tpu.vector_load_idx %arg5[%broadcast_in_dim3A_63, %get3A_276] : memref<64x512xf32, #tpu.memory_space<vmem>>[vector<16xi32>, vector<16xi32>], vector<16xf32>,
      %gather3A_450 = tpu.vector_load_idx %arg5[%broadcast_in_dim3A_65, %get3A_276] : memref<64x512xf32, #tpu.memory_space<vmem>>[vector<16xi32>, vector<16xi32>], vector<16xf32>,
      %mul3A_451 = arith.constant 16 : i32
      %mul3A_452 = arith.muli %scan3A_271, %mul3A_451 : i32
      %swap3A_453 = arith.constant 24 : i32
      %swap3A_454 = arith.index_cast %swap3A_453 : i32 to index
      %swap3A_455 = arith.index_cast %mul3A_452 : i32 to index
      %swap3A_456 = tpu.vector_load %arg8[%swap3A_454, %swap3A_455] {strides = array<i32>} : memref<64x512xf32, #tpu.memory_space<vmem>>, vector<16xf32>,
      tpu.vector_store %arg8[%swap3A_454, %swap3A_455], %gather3A_443 {strides = array<i32>} : memref<64x512xf32, #tpu.memory_space<vmem>>, vector<16xf32>,
      %mul3A_457 = arith.constant 16 : i32
      %mul3A_458 = arith.muli %scan3A_271, %mul3A_457 : i32
      %swap3A_459 = arith.constant 25 : i32
      %swap3A_460 = arith.index_cast %swap3A_459 : i32 to index
      %swap3A_461 = arith.index_cast %mul3A_458 : i32 to index
      %swap3A_462 = tpu.vector_load %arg8[%swap3A_460, %swap3A_461] {strides = array<i32>} : memref<64x512xf32, #tpu.memory_space<vmem>>, vector<16xf32>,
      tpu.vector_store %arg8[%swap3A_460, %swap3A_461], %gather3A_444 {strides = array<i32>} : memref<64x512xf32, #tpu.memory_space<vmem>>, vector<16xf32>,
      %mul3A_463 = arith.constant 16 : i32
      %mul3A_464 = arith.muli %scan3A_271, %mul3A_463 : i32
      %swap3A_465 = arith.constant 26 : i32
      %swap3A_466 = arith.index_cast %swap3A_465 : i32 to index
      %swap3A_467 = arith.index_cast %mul3A_464 : i32 to index
      %swap3A_468 = tpu.vector_load %arg8[%swap3A_466, %swap3A_467] {strides = array<i32>} : memref<64x512xf32, #tpu.memory_space<vmem>>, vector<16xf32>,
      tpu.vector_store %arg8[%swap3A_466, %swap3A_467], %gather3A_445 {strides = array<i32>} : memref<64x512xf32, #tpu.memory_space<vmem>>, vector<16xf32>,
      %mul3A_469 = arith.constant 16 : i32
      %mul3A_470 = arith.muli %scan3A_271, %mul3A_469 : i32
      %swap3A_471 = arith.constant 27 : i32
      %swap3A_472 = arith.index_cast %swap3A_471 : i32 to index
      %swap3A_473 = arith.index_cast %mul3A_470 : i32 to index
      %swap3A_474 = tpu.vector_load %arg8[%swap3A_472, %swap3A_473] {strides = array<i32>} : memref<64x512xf32, #tpu.memory_space<vmem>>, vector<16xf32>,
      tpu.vector_store %arg8[%swap3A_472, %swap3A_473], %gather3A_446 {strides = array<i32>} : memref<64x512xf32, #tpu.memory_space<vmem>>, vector<16xf32>,
      %mul3A_475 = arith.constant 16 : i32
      %mul3A_476 = arith.muli %scan3A_271, %mul3A_475 : i32
      %swap3A_477 = arith.constant 28 : i32
      %swap3A_478 = arith.index_cast %swap3A_477 : i32 to index
      %swap3A_479 = arith.index_cast %mul3A_476 : i32 to index
      %swap3A_480 = tpu.vector_load %arg8[%swap3A_478, %swap3A_479] {strides = array<i32>} : memref<64x512xf32, #tpu.memory_space<vmem>>, vector<16xf32>,
      tpu.vector_store %arg8[%swap3A_478, %swap3A_479], %gather3A_447 {strides = array<i32>} : memref<64x512xf32, #tpu.memory_space<vmem>>, vector<16xf32>,
      %mul3A_481 = arith.constant 16 : i32
      %mul3A_482 = arith.muli %scan3A_271, %mul3A_481 : i32
      %swap3A_483 = arith.constant 29 : i32
      %swap3A_484 = arith.index_cast %swap3A_483 : i32 to index
      %swap3A_485 = arith.index_cast %mul3A_482 : i32 to index
      %swap3A_486 = tpu.vector_load %arg8[%swap3A_484, %swap3A_485] {strides = array<i32>} : memref<64x512xf32, #tpu.memory_space<vmem>>, vector<16xf32>,
      tpu.vector_store %arg8[%swap3A_484, %swap3A_485], %gather3A_448 {strides = array<i32>} : memref<64x512xf32, #tpu.memory_space<vmem>>, vector<16xf32>,
      %mul3A_487 = arith.constant 16 : i32
      %mul3A_488 = arith.muli %scan3A_271, %mul3A_487 : i32
      %swap3A_489 = arith.constant 30 : i32
      %swap3A_490 = arith.index_cast %swap3A_489 : i32 to index
      %swap3A_491 = arith.index_cast %mul3A_488 : i32 to index
      %swap3A_492 = tpu.vector_load %arg8[%swap3A_490, %swap3A_491] {strides = array<i32>} : memref<64x512xf32, #tpu.memory_space<vmem>>, vector<16xf32>,
      tpu.vector_store %arg8[%swap3A_490, %swap3A_491], %gather3A_449 {strides = array<i32>} : memref<64x512xf32, #tpu.memory_space<vmem>>, vector<16xf32>,
      %mul3A_493 = arith.constant 16 : i32
      %mul3A_494 = arith.muli %scan3A_271, %mul3A_493 : i32
      %swap3A_495 = arith.constant 31 : i32
      %swap3A_496 = arith.index_cast %swap3A_495 : i32 to index
      %swap3A_497 = arith.index_cast %mul3A_494 : i32 to index
      %swap3A_498 = tpu.vector_load %arg8[%swap3A_496, %swap3A_497] {strides = array<i32>} : memref<64x512xf32, #tpu.memory_space<vmem>>, vector<16xf32>,
      tpu.vector_store %arg8[%swap3A_496, %swap3A_497], %gather3A_450 {strides = array<i32>} : memref<64x512xf32, #tpu.memory_space<vmem>>, vector<16xf32>,
      %gather3A_499 = tpu.vector_load_idx %arg5[%broadcast_in_dim3A_67, %get3A_276] : memref<64x512xf32, #tpu.memory_space<vmem>>[vector<16xi32>, vector<16xi32>], vector<16xf32>,
      %gather3A_500 = tpu.vector_load_idx %arg5[%broadcast_in_dim3A_69, %get3A_276] : memref<64x512xf32, #tpu.memory_space<vmem>>[vector<16xi32>, vector<16xi32>], vector<16xf32>,
      %gather3A_501 = tpu.vector_load_idx %arg5[%broadcast_in_dim3A_71, %get3A_276] : memref<64x512xf32, #tpu.memory_space<vmem>>[vector<16xi32>, vector<16xi32>], vector<16xf32>,
      %gather3A_502 = tpu.vector_load_idx %arg5[%broadcast_in_dim3A_73, %get3A_276] : memref<64x512xf32, #tpu.memory_space<vmem>>[vector<16xi32>, vector<16xi32>], vector<16xf32>,
      %gather3A_503 = tpu.vector_load_idx %arg5[%broadcast_in_dim3A_75, %get3A_276] : memref<64x512xf32, #tpu.memory_space<vmem>>[vector<16xi32>, vector<16xi32>], vector<16xf32>,
      %gather3A_504 = tpu.vector_load_idx %arg5[%broadcast_in_dim3A_77, %get3A_276] : memref<64x512xf32, #tpu.memory_space<vmem>>[vector<16xi32>, vector<16xi32>], vector<16xf32>,
      %gather3A_505 = tpu.vector_load_idx %arg5[%broadcast_in_dim3A_79, %get3A_276] : memref<64x512xf32, #tpu.memory_space<vmem>>[vector<16xi32>, vector<16xi32>], vector<16xf32>,
      %gather3A_506 = tpu.vector_load_idx %arg5[%broadcast_in_dim3A_81, %get3A_276] : memref<64x512xf32, #tpu.memory_space<vmem>>[vector<16xi32>, vector<16xi32>], vector<16xf32>,
      %mul3A_507 = arith.constant 16 : i32
      %mul3A_508 = arith.muli %scan3A_271, %mul3A_507 : i32
      %swap3A_509 = arith.constant 32 : i32
      %swap3A_510 = arith.index_cast %swap3A_509 : i32 to index
      %swap3A_511 = arith.index_cast %mul3A_508 : i32 to index
      %swap3A_512 = tpu.vector_load %arg8[%swap3A_510, %swap3A_511] {strides = array<i32>} : memref<64x512xf32, #tpu.memory_space<vmem>>, vector<16xf32>,
      tpu.vector_store %arg8[%swap3A_510, %swap3A_511], %gather3A_499 {strides = array<i32>} : memref<64x512xf32, #tpu.memory_space<vmem>>, vector<16xf32>,
      %mul3A_513 = arith.constant 16 : i32
      %mul3A_514 = arith.muli %scan3A_271, %mul3A_513 : i32
      %swap3A_515 = arith.constant 33 : i32
      %swap3A_516 = arith.index_cast %swap3A_515 : i32 to index
      %swap3A_517 = arith.index_cast %mul3A_514 : i32 to index
      %swap3A_518 = tpu.vector_load %arg8[%swap3A_516, %swap3A_517] {strides = array<i32>} : memref<64x512xf32, #tpu.memory_space<vmem>>, vector<16xf32>,
      tpu.vector_store %arg8[%swap3A_516, %swap3A_517], %gather3A_500 {strides = array<i32>} : memref<64x512xf32, #tpu.memory_space<vmem>>, vector<16xf32>,
      %mul3A_519 = arith.constant 16 : i32
      %mul3A_520 = arith.muli %scan3A_271, %mul3A_519 : i32
      %swap3A_521 = arith.constant 34 : i32
      %swap3A_522 = arith.index_cast %swap3A_521 : i32 to index
      %swap3A_523 = arith.index_cast %mul3A_520 : i32 to index
      %swap3A_524 = tpu.vector_load %arg8[%swap3A_522, %swap3A_523] {strides = array<i32>} : memref<64x512xf32, #tpu.memory_space<vmem>>, vector<16xf32>,
      tpu.vector_store %arg8[%swap3A_522, %swap3A_523], %gather3A_501 {strides = array<i32>} : memref<64x512xf32, #tpu.memory_space<vmem>>, vector<16xf32>,
      %mul3A_525 = arith.constant 16 : i32
      %mul3A_526 = arith.muli %scan3A_271, %mul3A_525 : i32
      %swap3A_527 = arith.constant 35 : i32
      %swap3A_528 = arith.index_cast %swap3A_527 : i32 to index
      %swap3A_529 = arith.index_cast %mul3A_526 : i32 to index
      %swap3A_530 = tpu.vector_load %arg8[%swap3A_528, %swap3A_529] {strides = array<i32>} : memref<64x512xf32, #tpu.memory_space<vmem>>, vector<16xf32>,
      tpu.vector_store %arg8[%swap3A_528, %swap3A_529], %gather3A_502 {strides = array<i32>} : memref<64x512xf32, #tpu.memory_space<vmem>>, vector<16xf32>,
      %mul3A_531 = arith.constant 16 : i32
      %mul3A_532 = arith.muli %scan3A_271, %mul3A_531 : i32
      %swap3A_533 = arith.constant 36 : i32
      %swap3A_534 = arith.index_cast %swap3A_533 : i32 to index
      %swap3A_535 = arith.index_cast %mul3A_532 : i32 to index
      %swap3A_536 = tpu.vector_load %arg8[%swap3A_534, %swap3A_535] {strides = array<i32>} : memref<64x512xf32, #tpu.memory_space<vmem>>, vector<16xf32>,
      tpu.vector_store %arg8[%swap3A_534, %swap3A_535], %gather3A_503 {strides = array<i32>} : memref<64x512xf32, #tpu.memory_space<vmem>>, vector<16xf32>,
      %mul3A_537 = arith.constant 16 : i32
      %mul3A_538 = arith.muli %scan3A_271, %mul3A_537 : i32
      %swap3A_539 = arith.constant 37 : i32
      %swap3A_540 = arith.index_cast %swap3A_539 : i32 to index
      %swap3A_541 = arith.index_cast %mul3A_538 : i32 to index
      %swap3A_542 = tpu.vector_load %arg8[%swap3A_540, %swap3A_541] {strides = array<i32>} : memref<64x512xf32, #tpu.memory_space<vmem>>, vector<16xf32>,
      tpu.vector_store %arg8[%swap3A_540, %swap3A_541], %gather3A_504 {strides = array<i32>} : memref<64x512xf32, #tpu.memory_space<vmem>>, vector<16xf32>,
      %mul3A_543 = arith.constant 16 : i32
      %mul3A_544 = arith.muli %scan3A_271, %mul3A_543 : i32
      %swap3A_545 = arith.constant 38 : i32
      %swap3A_546 = arith.index_cast %swap3A_545 : i32 to index
      %swap3A_547 = arith.index_cast %mul3A_544 : i32 to index
      %swap3A_548 = tpu.vector_load %arg8[%swap3A_546, %swap3A_547] {strides = array<i32>} : memref<64x512xf32, #tpu.memory_space<vmem>>, vector<16xf32>,
      tpu.vector_store %arg8[%swap3A_546, %swap3A_547], %gather3A_505 {strides = array<i32>} : memref<64x512xf32, #tpu.memory_space<vmem>>, vector<16xf32>,
      %mul3A_549 = arith.constant 16 : i32
      %mul3A_550 = arith.muli %scan3A_271, %mul3A_549 : i32
      %swap3A_551 = arith.constant 39 : i32
      %swap3A_552 = arith.index_cast %swap3A_551 : i32 to index
      %swap3A_553 = arith.index_cast %mul3A_550 : i32 to index
      %swap3A_554 = tpu.vector_load %arg8[%swap3A_552, %swap3A_553] {strides = array<i32>} : memref<64x512xf32, #tpu.memory_space<vmem>>, vector<16xf32>,
      tpu.vector_store %arg8[%swap3A_552, %swap3A_553], %gather3A_506 {strides = array<i32>} : memref<64x512xf32, #tpu.memory_space<vmem>>, vector<16xf32>,
      %gather3A_555 = tpu.vector_load_idx %arg5[%broadcast_in_dim3A_83, %get3A_276] : memref<64x512xf32, #tpu.memory_space<vmem>>[vector<16xi32>, vector<16xi32>], vector<16xf32>,
      %gather3A_556 = tpu.vector_load_idx %arg5[%broadcast_in_dim3A_85, %get3A_276] : memref<64x512xf32, #tpu.memory_space<vmem>>[vector<16xi32>, vector<16xi32>], vector<16xf32>,
      %gather3A_557 = tpu.vector_load_idx %arg5[%broadcast_in_dim3A_87, %get3A_276] : memref<64x512xf32, #tpu.memory_space<vmem>>[vector<16xi32>, vector<16xi32>], vector<16xf32>,
      %gather3A_558 = tpu.vector_load_idx %arg5[%broadcast_in_dim3A_89, %get3A_276] : memref<64x512xf32, #tpu.memory_space<vmem>>[vector<16xi32>, vector<16xi32>], vector<16xf32>,
      %gather3A_559 = tpu.vector_load_idx %arg5[%broadcast_in_dim3A_91, %get3A_276] : memref<64x512xf32, #tpu.memory_space<vmem>>[vector<16xi32>, vector<16xi32>], vector<16xf32>,
      %gather3A_560 = tpu.vector_load_idx %arg5[%broadcast_in_dim3A_93, %get3A_276] : memref<64x512xf32, #tpu.memory_space<vmem>>[vector<16xi32>, vector<16xi32>], vector<16xf32>,
      %gather3A_561 = tpu.vector_load_idx %arg5[%broadcast_in_dim3A_95, %get3A_276] : memref<64x512xf32, #tpu.memory_space<vmem>>[vector<16xi32>, vector<16xi32>], vector<16xf32>,
      %gather3A_562 = tpu.vector_load_idx %arg5[%broadcast_in_dim3A_97, %get3A_276] : memref<64x512xf32, #tpu.memory_space<vmem>>[vector<16xi32>, vector<16xi32>], vector<16xf32>,
      %mul3A_563 = arith.constant 16 : i32
      %mul3A_564 = arith.muli %scan3A_271, %mul3A_563 : i32
      %swap3A_565 = arith.constant 40 : i32
      %swap3A_566 = arith.index_cast %swap3A_565 : i32 to index
      %swap3A_567 = arith.index_cast %mul3A_564 : i32 to index
      %swap3A_568 = tpu.vector_load %arg8[%swap3A_566, %swap3A_567] {strides = array<i32>} : memref<64x512xf32, #tpu.memory_space<vmem>>, vector<16xf32>,
      tpu.vector_store %arg8[%swap3A_566, %swap3A_567], %gather3A_555 {strides = array<i32>} : memref<64x512xf32, #tpu.memory_space<vmem>>, vector<16xf32>,
      %mul3A_569 = arith.constant 16 : i32
      %mul3A_570 = arith.muli %scan3A_271, %mul3A_569 : i32
      %swap3A_571 = arith.constant 41 : i32
      %swap3A_572 = arith.index_cast %swap3A_571 : i32 to index
      %swap3A_573 = arith.index_cast %mul3A_570 : i32 to index
      %swap3A_574 = tpu.vector_load %arg8[%swap3A_572, %swap3A_573] {strides = array<i32>} : memref<64x512xf32, #tpu.memory_space<vmem>>, vector<16xf32>,
      tpu.vector_store %arg8[%swap3A_572, %swap3A_573], %gather3A_556 {strides = array<i32>} : memref<64x512xf32, #tpu.memory_space<vmem>>, vector<16xf32>,
      %mul3A_575 = arith.constant 16 : i32
      %mul3A_576 = arith.muli %scan3A_271, %mul3A_575 : i32
      %swap3A_577 = arith.constant 42 : i32
      %swap3A_578 = arith.index_cast %swap3A_577 : i32 to index
      %swap3A_579 = arith.index_cast %mul3A_576 : i32 to index
      %swap3A_580 = tpu.vector_load %arg8[%swap3A_578, %swap3A_579] {strides = array<i32>} : memref<64x512xf32, #tpu.memory_space<vmem>>, vector<16xf32>,
      tpu.vector_store %arg8[%swap3A_578, %swap3A_579], %gather3A_557 {strides = array<i32>} : memref<64x512xf32, #tpu.memory_space<vmem>>, vector<16xf32>,
      %mul3A_581 = arith.constant 16 : i32
      %mul3A_582 = arith.muli %scan3A_271, %mul3A_581 : i32
      %swap3A_583 = arith.constant 43 : i32
      %swap3A_584 = arith.index_cast %swap3A_583 : i32 to index
      %swap3A_585 = arith.index_cast %mul3A_582 : i32 to index
      %swap3A_586 = tpu.vector_load %arg8[%swap3A_584, %swap3A_585] {strides = array<i32>} : memref<64x512xf32, #tpu.memory_space<vmem>>, vector<16xf32>,
      tpu.vector_store %arg8[%swap3A_584, %swap3A_585], %gather3A_558 {strides = array<i32>} : memref<64x512xf32, #tpu.memory_space<vmem>>, vector<16xf32>,
      %mul3A_587 = arith.constant 16 : i32
      %mul3A_588 = arith.muli %scan3A_271, %mul3A_587 : i32
      %swap3A_589 = arith.constant 44 : i32
      %swap3A_590 = arith.index_cast %swap3A_589 : i32 to index
      %swap3A_591 = arith.index_cast %mul3A_588 : i32 to index
      %swap3A_592 = tpu.vector_load %arg8[%swap3A_590, %swap3A_591] {strides = array<i32>} : memref<64x512xf32, #tpu.memory_space<vmem>>, vector<16xf32>,
      tpu.vector_store %arg8[%swap3A_590, %swap3A_591], %gather3A_559 {strides = array<i32>} : memref<64x512xf32, #tpu.memory_space<vmem>>, vector<16xf32>,
      %mul3A_593 = arith.constant 16 : i32
      %mul3A_594 = arith.muli %scan3A_271, %mul3A_593 : i32
      %swap3A_595 = arith.constant 45 : i32
      %swap3A_596 = arith.index_cast %swap3A_595 : i32 to index
      %swap3A_597 = arith.index_cast %mul3A_594 : i32 to index
      %swap3A_598 = tpu.vector_load %arg8[%swap3A_596, %swap3A_597] {strides = array<i32>} : memref<64x512xf32, #tpu.memory_space<vmem>>, vector<16xf32>,
      tpu.vector_store %arg8[%swap3A_596, %swap3A_597], %gather3A_560 {strides = array<i32>} : memref<64x512xf32, #tpu.memory_space<vmem>>, vector<16xf32>,
      %mul3A_599 = arith.constant 16 : i32
      %mul3A_600 = arith.muli %scan3A_271, %mul3A_599 : i32
      %swap3A_601 = arith.constant 46 : i32
      %swap3A_602 = arith.index_cast %swap3A_601 : i32 to index
      %swap3A_603 = arith.index_cast %mul3A_600 : i32 to index
      %swap3A_604 = tpu.vector_load %arg8[%swap3A_602, %swap3A_603] {strides = array<i32>} : memref<64x512xf32, #tpu.memory_space<vmem>>, vector<16xf32>,
      tpu.vector_store %arg8[%swap3A_602, %swap3A_603], %gather3A_561 {strides = array<i32>} : memref<64x512xf32, #tpu.memory_space<vmem>>, vector<16xf32>,
      %mul3A_605 = arith.constant 16 : i32
      %mul3A_606 = arith.muli %scan3A_271, %mul3A_605 : i32
      %swap3A_607 = arith.constant 47 : i32
      %swap3A_608 = arith.index_cast %swap3A_607 : i32 to index
      %swap3A_609 = arith.index_cast %mul3A_606 : i32 to index
      %swap3A_610 = tpu.vector_load %arg8[%swap3A_608, %swap3A_609] {strides = array<i32>} : memref<64x512xf32, #tpu.memory_space<vmem>>, vector<16xf32>,
      tpu.vector_store %arg8[%swap3A_608, %swap3A_609], %gather3A_562 {strides = array<i32>} : memref<64x512xf32, #tpu.memory_space<vmem>>, vector<16xf32>,
      %gather3A_611 = tpu.vector_load_idx %arg5[%broadcast_in_dim3A_99, %get3A_276] : memref<64x512xf32, #tpu.memory_space<vmem>>[vector<16xi32>, vector<16xi32>], vector<16xf32>,
      %gather3A_612 = tpu.vector_load_idx %arg5[%broadcast_in_dim3A_101, %get3A_276] : memref<64x512xf32, #tpu.memory_space<vmem>>[vector<16xi32>, vector<16xi32>], vector<16xf32>,
      %gather3A_613 = tpu.vector_load_idx %arg5[%broadcast_in_dim3A_103, %get3A_276] : memref<64x512xf32, #tpu.memory_space<vmem>>[vector<16xi32>, vector<16xi32>], vector<16xf32>,
      %gather3A_614 = tpu.vector_load_idx %arg5[%broadcast_in_dim3A_105, %get3A_276] : memref<64x512xf32, #tpu.memory_space<vmem>>[vector<16xi32>, vector<16xi32>], vector<16xf32>,
      %gather3A_615 = tpu.vector_load_idx %arg5[%broadcast_in_dim3A_107, %get3A_276] : memref<64x512xf32, #tpu.memory_space<vmem>>[vector<16xi32>, vector<16xi32>], vector<16xf32>,
      %gather3A_616 = tpu.vector_load_idx %arg5[%broadcast_in_dim3A_109, %get3A_276] : memref<64x512xf32, #tpu.memory_space<vmem>>[vector<16xi32>, vector<16xi32>], vector<16xf32>,
      %gather3A_617 = tpu.vector_load_idx %arg5[%broadcast_in_dim3A_111, %get3A_276] : memref<64x512xf32, #tpu.memory_space<vmem>>[vector<16xi32>, vector<16xi32>], vector<16xf32>,
      %gather3A_618 = tpu.vector_load_idx %arg5[%broadcast_in_dim3A_113, %get3A_276] : memref<64x512xf32, #tpu.memory_space<vmem>>[vector<16xi32>, vector<16xi32>], vector<16xf32>,
      %mul3A_619 = arith.constant 16 : i32
      %mul3A_620 = arith.muli %scan3A_271, %mul3A_619 : i32
      %swap3A_621 = arith.constant 48 : i32
      %swap3A_622 = arith.index_cast %swap3A_621 : i32 to index
      %swap3A_623 = arith.index_cast %mul3A_620 : i32 to index
      %swap3A_624 = tpu.vector_load %arg8[%swap3A_622, %swap3A_623] {strides = array<i32>} : memref<64x512xf32, #tpu.memory_space<vmem>>, vector<16xf32>,
      tpu.vector_store %arg8[%swap3A_622, %swap3A_623], %gather3A_611 {strides = array<i32>} : memref<64x512xf32, #tpu.memory_space<vmem>>, vector<16xf32>,
      %mul3A_625 = arith.constant 16 : i32
      %mul3A_626 = arith.muli %scan3A_271, %mul3A_625 : i32
      %swap3A_627 = arith.constant 49 : i32
      %swap3A_628 = arith.index_cast %swap3A_627 : i32 to index
      %swap3A_629 = arith.index_cast %mul3A_626 : i32 to index
      %swap3A_630 = tpu.vector_load %arg8[%swap3A_628, %swap3A_629] {strides = array<i32>} : memref<64x512xf32, #tpu.memory_space<vmem>>, vector<16xf32>,
      tpu.vector_store %arg8[%swap3A_628, %swap3A_629], %gather3A_612 {strides = array<i32>} : memref<64x512xf32, #tpu.memory_space<vmem>>, vector<16xf32>,
      %mul3A_631 = arith.constant 16 : i32
      %mul3A_632 = arith.muli %scan3A_271, %mul3A_631 : i32
      %swap3A_633 = arith.constant 50 : i32
      %swap3A_634 = arith.index_cast %swap3A_633 : i32 to index
      %swap3A_635 = arith.index_cast %mul3A_632 : i32 to index
      %swap3A_636 = tpu.vector_load %arg8[%swap3A_634, %swap3A_635] {strides = array<i32>} : memref<64x512xf32, #tpu.memory_space<vmem>>, vector<16xf32>,
      tpu.vector_store %arg8[%swap3A_634, %swap3A_635], %gather3A_613 {strides = array<i32>} : memref<64x512xf32, #tpu.memory_space<vmem>>, vector<16xf32>,
      %mul3A_637 = arith.constant 16 : i32
      %mul3A_638 = arith.muli %scan3A_271, %mul3A_637 : i32
      %swap3A_639 = arith.constant 51 : i32
      %swap3A_640 = arith.index_cast %swap3A_639 : i32 to index
      %swap3A_641 = arith.index_cast %mul3A_638 : i32 to index
      %swap3A_642 = tpu.vector_load %arg8[%swap3A_640, %swap3A_641] {strides = array<i32>} : memref<64x512xf32, #tpu.memory_space<vmem>>, vector<16xf32>,
      tpu.vector_store %arg8[%swap3A_640, %swap3A_641], %gather3A_614 {strides = array<i32>} : memref<64x512xf32, #tpu.memory_space<vmem>>, vector<16xf32>,
      %mul3A_643 = arith.constant 16 : i32
      %mul3A_644 = arith.muli %scan3A_271, %mul3A_643 : i32
      %swap3A_645 = arith.constant 52 : i32
      %swap3A_646 = arith.index_cast %swap3A_645 : i32 to index
      %swap3A_647 = arith.index_cast %mul3A_644 : i32 to index
      %swap3A_648 = tpu.vector_load %arg8[%swap3A_646, %swap3A_647] {strides = array<i32>} : memref<64x512xf32, #tpu.memory_space<vmem>>, vector<16xf32>,
      tpu.vector_store %arg8[%swap3A_646, %swap3A_647], %gather3A_615 {strides = array<i32>} : memref<64x512xf32, #tpu.memory_space<vmem>>, vector<16xf32>,
      %mul3A_649 = arith.constant 16 : i32
      %mul3A_650 = arith.muli %scan3A_271, %mul3A_649 : i32
      %swap3A_651 = arith.constant 53 : i32
      %swap3A_652 = arith.index_cast %swap3A_651 : i32 to index
      %swap3A_653 = arith.index_cast %mul3A_650 : i32 to index
      %swap3A_654 = tpu.vector_load %arg8[%swap3A_652, %swap3A_653] {strides = array<i32>} : memref<64x512xf32, #tpu.memory_space<vmem>>, vector<16xf32>,
      tpu.vector_store %arg8[%swap3A_652, %swap3A_653], %gather3A_616 {strides = array<i32>} : memref<64x512xf32, #tpu.memory_space<vmem>>, vector<16xf32>,
      %mul3A_655 = arith.constant 16 : i32
      %mul3A_656 = arith.muli %scan3A_271, %mul3A_655 : i32
      %swap3A_657 = arith.constant 54 : i32
      %swap3A_658 = arith.index_cast %swap3A_657 : i32 to index
      %swap3A_659 = arith.index_cast %mul3A_656 : i32 to index
      %swap3A_660 = tpu.vector_load %arg8[%swap3A_658, %swap3A_659] {strides = array<i32>} : memref<64x512xf32, #tpu.memory_space<vmem>>, vector<16xf32>,
      tpu.vector_store %arg8[%swap3A_658, %swap3A_659], %gather3A_617 {strides = array<i32>} : memref<64x512xf32, #tpu.memory_space<vmem>>, vector<16xf32>,
      %mul3A_661 = arith.constant 16 : i32
      %mul3A_662 = arith.muli %scan3A_271, %mul3A_661 : i32
      %swap3A_663 = arith.constant 55 : i32
      %swap3A_664 = arith.index_cast %swap3A_663 : i32 to index
      %swap3A_665 = arith.index_cast %mul3A_662 : i32 to index
      %swap3A_666 = tpu.vector_load %arg8[%swap3A_664, %swap3A_665] {strides = array<i32>} : memref<64x512xf32, #tpu.memory_space<vmem>>, vector<16xf32>,
      tpu.vector_store %arg8[%swap3A_664, %swap3A_665], %gather3A_618 {strides = array<i32>} : memref<64x512xf32, #tpu.memory_space<vmem>>, vector<16xf32>,
      %gather3A_667 = tpu.vector_load_idx %arg5[%broadcast_in_dim3A_115, %get3A_276] : memref<64x512xf32, #tpu.memory_space<vmem>>[vector<16xi32>, vector<16xi32>], vector<16xf32>,
      %gather3A_668 = tpu.vector_load_idx %arg5[%broadcast_in_dim3A_117, %get3A_276] : memref<64x512xf32, #tpu.memory_space<vmem>>[vector<16xi32>, vector<16xi32>], vector<16xf32>,
      %gather3A_669 = tpu.vector_load_idx %arg5[%broadcast_in_dim3A_119, %get3A_276] : memref<64x512xf32, #tpu.memory_space<vmem>>[vector<16xi32>, vector<16xi32>], vector<16xf32>,
      %gather3A_670 = tpu.vector_load_idx %arg5[%broadcast_in_dim3A_121, %get3A_276] : memref<64x512xf32, #tpu.memory_space<vmem>>[vector<16xi32>, vector<16xi32>], vector<16xf32>,
      %gather3A_671 = tpu.vector_load_idx %arg5[%broadcast_in_dim3A_123, %get3A_276] : memref<64x512xf32, #tpu.memory_space<vmem>>[vector<16xi32>, vector<16xi32>], vector<16xf32>,
      %gather3A_672 = tpu.vector_load_idx %arg5[%broadcast_in_dim3A_125, %get3A_276] : memref<64x512xf32, #tpu.memory_space<vmem>>[vector<16xi32>, vector<16xi32>], vector<16xf32>,
      %gather3A_673 = tpu.vector_load_idx %arg5[%broadcast_in_dim3A_127, %get3A_276] : memref<64x512xf32, #tpu.memory_space<vmem>>[vector<16xi32>, vector<16xi32>], vector<16xf32>,
      %gather3A_674 = tpu.vector_load_idx %arg5[%broadcast_in_dim3A_129, %get3A_276] : memref<64x512xf32, #tpu.memory_space<vmem>>[vector<16xi32>, vector<16xi32>], vector<16xf32>,
      %mul3A_675 = arith.constant 16 : i32
      %mul3A_676 = arith.muli %scan3A_271, %mul3A_675 : i32
      %swap3A_677 = arith.constant 56 : i32
      %swap3A_678 = arith.index_cast %swap3A_677 : i32 to index
      %swap3A_679 = arith.index_cast %mul3A_676 : i32 to index
      %swap3A_680 = tpu.vector_load %arg8[%swap3A_678, %swap3A_679] {strides = array<i32>} : memref<64x512xf32, #tpu.memory_space<vmem>>, vector<16xf32>,
      tpu.vector_store %arg8[%swap3A_678, %swap3A_679], %gather3A_667 {strides = array<i32>} : memref<64x512xf32, #tpu.memory_space<vmem>>, vector<16xf32>,
      %mul3A_681 = arith.constant 16 : i32
      %mul3A_682 = arith.muli %scan3A_271, %mul3A_681 : i32
      %swap3A_683 = arith.constant 57 : i32
      %swap3A_684 = arith.index_cast %swap3A_683 : i32 to index
      %swap3A_685 = arith.index_cast %mul3A_682 : i32 to index
      %swap3A_686 = tpu.vector_load %arg8[%swap3A_684, %swap3A_685] {strides = array<i32>} : memref<64x512xf32, #tpu.memory_space<vmem>>, vector<16xf32>,
      tpu.vector_store %arg8[%swap3A_684, %swap3A_685], %gather3A_668 {strides = array<i32>} : memref<64x512xf32, #tpu.memory_space<vmem>>, vector<16xf32>,
      %mul3A_687 = arith.constant 16 : i32
      %mul3A_688 = arith.muli %scan3A_271, %mul3A_687 : i32
      %swap3A_689 = arith.constant 58 : i32
      %swap3A_690 = arith.index_cast %swap3A_689 : i32 to index
      %swap3A_691 = arith.index_cast %mul3A_688 : i32 to index
      %swap3A_692 = tpu.vector_load %arg8[%swap3A_690, %swap3A_691] {strides = array<i32>} : memref<64x512xf32, #tpu.memory_space<vmem>>, vector<16xf32>,
      tpu.vector_store %arg8[%swap3A_690, %swap3A_691], %gather3A_669 {strides = array<i32>} : memref<64x512xf32, #tpu.memory_space<vmem>>, vector<16xf32>,
      %mul3A_693 = arith.constant 16 : i32
      %mul3A_694 = arith.muli %scan3A_271, %mul3A_693 : i32
      %swap3A_695 = arith.constant 59 : i32
      %swap3A_696 = arith.index_cast %swap3A_695 : i32 to index
      %swap3A_697 = arith.index_cast %mul3A_694 : i32 to index
      %swap3A_698 = tpu.vector_load %arg8[%swap3A_696, %swap3A_697] {strides = array<i32>} : memref<64x512xf32, #tpu.memory_space<vmem>>, vector<16xf32>,
      tpu.vector_store %arg8[%swap3A_696, %swap3A_697], %gather3A_670 {strides = array<i32>} : memref<64x512xf32, #tpu.memory_space<vmem>>, vector<16xf32>,
      %mul3A_699 = arith.constant 16 : i32
      %mul3A_700 = arith.muli %scan3A_271, %mul3A_699 : i32
      %swap3A_701 = arith.constant 60 : i32
      %swap3A_702 = arith.index_cast %swap3A_701 : i32 to index
      %swap3A_703 = arith.index_cast %mul3A_700 : i32 to index
      %swap3A_704 = tpu.vector_load %arg8[%swap3A_702, %swap3A_703] {strides = array<i32>} : memref<64x512xf32, #tpu.memory_space<vmem>>, vector<16xf32>,
      tpu.vector_store %arg8[%swap3A_702, %swap3A_703], %gather3A_671 {strides = array<i32>} : memref<64x512xf32, #tpu.memory_space<vmem>>, vector<16xf32>,
      %mul3A_705 = arith.constant 16 : i32
      %mul3A_706 = arith.muli %scan3A_271, %mul3A_705 : i32
      %swap3A_707 = arith.constant 61 : i32
      %swap3A_708 = arith.index_cast %swap3A_707 : i32 to index
      %swap3A_709 = arith.index_cast %mul3A_706 : i32 to index
      %swap3A_710 = tpu.vector_load %arg8[%swap3A_708, %swap3A_709] {strides = array<i32>} : memref<64x512xf32, #tpu.memory_space<vmem>>, vector<16xf32>,
      tpu.vector_store %arg8[%swap3A_708, %swap3A_709], %gather3A_672 {strides = array<i32>} : memref<64x512xf32, #tpu.memory_space<vmem>>, vector<16xf32>,
      %mul3A_711 = arith.constant 16 : i32
      %mul3A_712 = arith.muli %scan3A_271, %mul3A_711 : i32
      %swap3A_713 = arith.constant 62 : i32
      %swap3A_714 = arith.index_cast %swap3A_713 : i32 to index
      %swap3A_715 = arith.index_cast %mul3A_712 : i32 to index
      %swap3A_716 = tpu.vector_load %arg8[%swap3A_714, %swap3A_715] {strides = array<i32>} : memref<64x512xf32, #tpu.memory_space<vmem>>, vector<16xf32>,
      tpu.vector_store %arg8[%swap3A_714, %swap3A_715], %gather3A_673 {strides = array<i32>} : memref<64x512xf32, #tpu.memory_space<vmem>>, vector<16xf32>,
      %mul3A_717 = arith.constant 16 : i32
      %mul3A_718 = arith.muli %scan3A_271, %mul3A_717 : i32
      %swap3A_719 = arith.constant 63 : i32
      %swap3A_720 = arith.index_cast %swap3A_719 : i32 to index
      %swap3A_721 = arith.index_cast %mul3A_718 : i32 to index
      %swap3A_722 = tpu.vector_load %arg8[%swap3A_720, %swap3A_721] {strides = array<i32>} : memref<64x512xf32, #tpu.memory_space<vmem>>, vector<16xf32>,
      tpu.vector_store %arg8[%swap3A_720, %swap3A_721], %gather3A_674 {strides = array<i32>} : memref<64x512xf32, #tpu.memory_space<vmem>>, vector<16xf32>,
    }
    %scan3A_145 = arith.constant 32 : i32
    %add3A_146 = arith.constant 512 : i32
    %add3A_147 = arith.addi %mul3A_2, %add3A_146 : i32
    %dma_start3A_148 = arith.constant 0 : i32
    %dma_start3A_149 = tpu.memref_slice %arg4[%dma_start3A_148, %add3A_147] : memref<64x131072xf32, #tpu.memory_space<hbm>> -> memref<64x512xf32, #tpu.memory_space<hbm>>
    %dma_start3A_150 = arith.constant 0 : i32
    %dma_start3A_151 = tpu.memref_slice %arg4[%dma_start3A_150, %add3A_147] : memref<64x131072xf32, #tpu.memory_space<hbm>> -> memref<64x512xf32, #tpu.memory_space<hbm>>
    tpu.enqueue_dma source(%arg8 : memref<64x512xf32, #tpu.memory_space<vmem>>) target(%dma_start3A_151 : memref<64x512xf32, #tpu.memory_space<hbm>>) target_semaphore(%arg10 : memref<!tpu.dma_semaphore, #tpu.memory_space<semaphore_mem>>)
    %add3A_152 = arith.constant 0 : i32
    %add3A_153 = arith.addi %mul3A_2, %add3A_152 : i32
    %dma_wait3A = arith.constant 0 : i32
    %dma_wait3A_154 = tpu.memref_slice %arg4[%dma_wait3A, %add3A_153] : memref<64x131072xf32, #tpu.memory_space<hbm>> -> memref<64x512xf32, #tpu.memory_space<hbm>>
    %dma_wait3A_155 = arith.constant 0 : i32
    %dma_wait3A_156 = tpu.memref_slice %arg4[%dma_wait3A_155, %add3A_153] : memref<64x131072xf32, #tpu.memory_space<hbm>> -> memref<64x512xf32, #tpu.memory_space<hbm>>
    tpu.wait_dma2 semaphore(%arg9 : memref<!tpu.dma_semaphore, #tpu.memory_space<semaphore_mem>>) src(%arg7 : memref<64x512xf32, #tpu.memory_space<vmem>>) dst(%dma_wait3A_156 : memref<64x512xf32, #tpu.memory_space<hbm>>)
    %scan3A_157 = arith.constant 0 : i32
    %scan3A_158 = arith.constant 0 : i32
    %scan3A_159 = arith.constant 32 : i32
    %scan3A_160 = arith.addi %scan3A_158, %scan3A_159 : i32
    %scan3A_161 = arith.constant 1 : i32
    scf.for %scan3A_271 = %scan3A_158 to %scan3A_160 step %scan3A_161  : i32 {
      %mul3A_272 = arith.constant 16 : i32
      %mul3A_273 = arith.muli %scan3A_271, %mul3A_272 : i32
      %add3A_274 = arith.constant 1024 : i32
      %add3A_275 = arith.addi %add3A_274, %mul3A_273 : i32
      %get3A = arith.index_cast %add3A_275 : i32 to index
      %get3A_276 = tpu.vector_load %arg6[%get3A] {strides = array<i32>} : memref<4096xi32, #tpu.memory_space<vmem>>, vector<16xi32>,
      %gather3A = tpu.vector_load_idx %arg5[%broadcast_in_dim3A_3, %get3A_276] : memref<64x512xf32, #tpu.memory_space<vmem>>[vector<16xi32>, vector<16xi32>], vector<16xf32>,
      %gather3A_277 = tpu.vector_load_idx %arg5[%broadcast_in_dim3A_5, %get3A_276] : memref<64x512xf32, #tpu.memory_space<vmem>>[vector<16xi32>, vector<16xi32>], vector<16xf32>,
      %gather3A_278 = tpu.vector_load_idx %arg5[%broadcast_in_dim3A_7, %get3A_276] : memref<64x512xf32, #tpu.memory_space<vmem>>[vector<16xi32>, vector<16xi32>], vector<16xf32>,
      %gather3A_279 = tpu.vector_load_idx %arg5[%broadcast_in_dim3A_9, %get3A_276] : memref<64x512xf32, #tpu.memory_space<vmem>>[vector<16xi32>, vector<16xi32>], vector<16xf32>,
      %gather3A_280 = tpu.vector_load_idx %arg5[%broadcast_in_dim3A_11, %get3A_276] : memref<64x512xf32, #tpu.memory_space<vmem>>[vector<16xi32>, vector<16xi32>], vector<16xf32>,
      %gather3A_281 = tpu.vector_load_idx %arg5[%broadcast_in_dim3A_13, %get3A_276] : memref<64x512xf32, #tpu.memory_space<vmem>>[vector<16xi32>, vector<16xi32>], vector<16xf32>,
      %gather3A_282 = tpu.vector_load_idx %arg5[%broadcast_in_dim3A_15, %get3A_276] : memref<64x512xf32, #tpu.memory_space<vmem>>[vector<16xi32>, vector<16xi32>], vector<16xf32>,
      %gather3A_283 = tpu.vector_load_idx %arg5[%broadcast_in_dim3A_17, %get3A_276] : memref<64x512xf32, #tpu.memory_space<vmem>>[vector<16xi32>, vector<16xi32>], vector<16xf32>,
      %mul3A_284 = arith.constant 16 : i32
      %mul3A_285 = arith.muli %scan3A_271, %mul3A_284 : i32
      %swap3A = arith.constant 0 : i32
      %swap3A_286 = arith.index_cast %swap3A : i32 to index
      %swap3A_287 = arith.index_cast %mul3A_285 : i32 to index
      %swap3A_288 = tpu.vector_load %arg7[%swap3A_286, %swap3A_287] {strides = array<i32>} : memref<64x512xf32, #tpu.memory_space<vmem>>, vector<16xf32>,
      tpu.vector_store %arg7[%swap3A_286, %swap3A_287], %gather3A {strides = array<i32>} : memref<64x512xf32, #tpu.memory_space<vmem>>, vector<16xf32>,
      %mul3A_289 = arith.constant 16 : i32
      %mul3A_290 = arith.muli %scan3A_271, %mul3A_289 : i32
      %swap3A_291 = arith.constant 1 : i32
      %swap3A_292 = arith.index_cast %swap3A_291 : i32 to index
      %swap3A_293 = arith.index_cast %mul3A_290 : i32 to index
      %swap3A_294 = tpu.vector_load %arg7[%swap3A_292, %swap3A_293] {strides = array<i32>} : memref<64x512xf32, #tpu.memory_space<vmem>>, vector<16xf32>,
      tpu.vector_store %arg7[%swap3A_292, %swap3A_293], %gather3A_277 {strides = array<i32>} : memref<64x512xf32, #tpu.memory_space<vmem>>, vector<16xf32>,
      %mul3A_295 = arith.constant 16 : i32
      %mul3A_296 = arith.muli %scan3A_271, %mul3A_295 : i32
      %swap3A_297 = arith.constant 2 : i32
      %swap3A_298 = arith.index_cast %swap3A_297 : i32 to index
      %swap3A_299 = arith.index_cast %mul3A_296 : i32 to index
      %swap3A_300 = tpu.vector_load %arg7[%swap3A_298, %swap3A_299] {strides = array<i32>} : memref<64x512xf32, #tpu.memory_space<vmem>>, vector<16xf32>,
      tpu.vector_store %arg7[%swap3A_298, %swap3A_299], %gather3A_278 {strides = array<i32>} : memref<64x512xf32, #tpu.memory_space<vmem>>, vector<16xf32>,
      %mul3A_301 = arith.constant 16 : i32
      %mul3A_302 = arith.muli %scan3A_271, %mul3A_301 : i32
      %swap3A_303 = arith.constant 3 : i32
      %swap3A_304 = arith.index_cast %swap3A_303 : i32 to index
      %swap3A_305 = arith.index_cast %mul3A_302 : i32 to index
      %swap3A_306 = tpu.vector_load %arg7[%swap3A_304, %swap3A_305] {strides = array<i32>} : memref<64x512xf32, #tpu.memory_space<vmem>>, vector<16xf32>,
      tpu.vector_store %arg7[%swap3A_304, %swap3A_305], %gather3A_279 {strides = array<i32>} : memref<64x512xf32, #tpu.memory_space<vmem>>, vector<16xf32>,
      %mul3A_307 = arith.constant 16 : i32
      %mul3A_308 = arith.muli %scan3A_271, %mul3A_307 : i32
      %swap3A_309 = arith.constant 4 : i32
      %swap3A_310 = arith.index_cast %swap3A_309 : i32 to index
      %swap3A_311 = arith.index_cast %mul3A_308 : i32 to index
      %swap3A_312 = tpu.vector_load %arg7[%swap3A_310, %swap3A_311] {strides = array<i32>} : memref<64x512xf32, #tpu.memory_space<vmem>>, vector<16xf32>,
      tpu.vector_store %arg7[%swap3A_310, %swap3A_311], %gather3A_280 {strides = array<i32>} : memref<64x512xf32, #tpu.memory_space<vmem>>, vector<16xf32>,
      %mul3A_313 = arith.constant 16 : i32
      %mul3A_314 = arith.muli %scan3A_271, %mul3A_313 : i32
      %swap3A_315 = arith.constant 5 : i32
      %swap3A_316 = arith.index_cast %swap3A_315 : i32 to index
      %swap3A_317 = arith.index_cast %mul3A_314 : i32 to index
      %swap3A_318 = tpu.vector_load %arg7[%swap3A_316, %swap3A_317] {strides = array<i32>} : memref<64x512xf32, #tpu.memory_space<vmem>>, vector<16xf32>,
      tpu.vector_store %arg7[%swap3A_316, %swap3A_317], %gather3A_281 {strides = array<i32>} : memref<64x512xf32, #tpu.memory_space<vmem>>, vector<16xf32>,
      %mul3A_319 = arith.constant 16 : i32
      %mul3A_320 = arith.muli %scan3A_271, %mul3A_319 : i32
      %swap3A_321 = arith.constant 6 : i32
      %swap3A_322 = arith.index_cast %swap3A_321 : i32 to index
      %swap3A_323 = arith.index_cast %mul3A_320 : i32 to index
      %swap3A_324 = tpu.vector_load %arg7[%swap3A_322, %swap3A_323] {strides = array<i32>} : memref<64x512xf32, #tpu.memory_space<vmem>>, vector<16xf32>,
      tpu.vector_store %arg7[%swap3A_322, %swap3A_323], %gather3A_282 {strides = array<i32>} : memref<64x512xf32, #tpu.memory_space<vmem>>, vector<16xf32>,
      %mul3A_325 = arith.constant 16 : i32
      %mul3A_326 = arith.muli %scan3A_271, %mul3A_325 : i32
      %swap3A_327 = arith.constant 7 : i32
      %swap3A_328 = arith.index_cast %swap3A_327 : i32 to index
      %swap3A_329 = arith.index_cast %mul3A_326 : i32 to index
      %swap3A_330 = tpu.vector_load %arg7[%swap3A_328, %swap3A_329] {strides = array<i32>} : memref<64x512xf32, #tpu.memory_space<vmem>>, vector<16xf32>,
      tpu.vector_store %arg7[%swap3A_328, %swap3A_329], %gather3A_283 {strides = array<i32>} : memref<64x512xf32, #tpu.memory_space<vmem>>, vector<16xf32>,
      %gather3A_331 = tpu.vector_load_idx %arg5[%broadcast_in_dim3A_19, %get3A_276] : memref<64x512xf32, #tpu.memory_space<vmem>>[vector<16xi32>, vector<16xi32>], vector<16xf32>,
      %gather3A_332 = tpu.vector_load_idx %arg5[%broadcast_in_dim3A_21, %get3A_276] : memref<64x512xf32, #tpu.memory_space<vmem>>[vector<16xi32>, vector<16xi32>], vector<16xf32>,
      %gather3A_333 = tpu.vector_load_idx %arg5[%broadcast_in_dim3A_23, %get3A_276] : memref<64x512xf32, #tpu.memory_space<vmem>>[vector<16xi32>, vector<16xi32>], vector<16xf32>,
      %gather3A_334 = tpu.vector_load_idx %arg5[%broadcast_in_dim3A_25, %get3A_276] : memref<64x512xf32, #tpu.memory_space<vmem>>[vector<16xi32>, vector<16xi32>], vector<16xf32>,
      %gather3A_335 = tpu.vector_load_idx %arg5[%broadcast_in_dim3A_27, %get3A_276] : memref<64x512xf32, #tpu.memory_space<vmem>>[vector<16xi32>, vector<16xi32>], vector<16xf32>,
      %gather3A_336 = tpu.vector_load_idx %arg5[%broadcast_in_dim3A_29, %get3A_276] : memref<64x512xf32, #tpu.memory_space<vmem>>[vector<16xi32>, vector<16xi32>], vector<16xf32>,
      %gather3A_337 = tpu.vector_load_idx %arg5[%broadcast_in_dim3A_31, %get3A_276] : memref<64x512xf32, #tpu.memory_space<vmem>>[vector<16xi32>, vector<16xi32>], vector<16xf32>,
      %gather3A_338 = tpu.vector_load_idx %arg5[%broadcast_in_dim3A_33, %get3A_276] : memref<64x512xf32, #tpu.memory_space<vmem>>[vector<16xi32>, vector<16xi32>], vector<16xf32>,
      %mul3A_339 = arith.constant 16 : i32
      %mul3A_340 = arith.muli %scan3A_271, %mul3A_339 : i32
      %swap3A_341 = arith.constant 8 : i32
      %swap3A_342 = arith.index_cast %swap3A_341 : i32 to index
      %swap3A_343 = arith.index_cast %mul3A_340 : i32 to index
      %swap3A_344 = tpu.vector_load %arg7[%swap3A_342, %swap3A_343] {strides = array<i32>} : memref<64x512xf32, #tpu.memory_space<vmem>>, vector<16xf32>,
      tpu.vector_store %arg7[%swap3A_342, %swap3A_343], %gather3A_331 {strides = array<i32>} : memref<64x512xf32, #tpu.memory_space<vmem>>, vector<16xf32>,
      %mul3A_345 = arith.constant 16 : i32
      %mul3A_346 = arith.muli %scan3A_271, %mul3A_345 : i32
      %swap3A_347 = arith.constant 9 : i32
      %swap3A_348 = arith.index_cast %swap3A_347 : i32 to index
      %swap3A_349 = arith.index_cast %mul3A_346 : i32 to index
      %swap3A_350 = tpu.vector_load %arg7[%swap3A_348, %swap3A_349] {strides = array<i32>} : memref<64x512xf32, #tpu.memory_space<vmem>>, vector<16xf32>,
      tpu.vector_store %arg7[%swap3A_348, %swap3A_349], %gather3A_332 {strides = array<i32>} : memref<64x512xf32, #tpu.memory_space<vmem>>, vector<16xf32>,
      %mul3A_351 = arith.constant 16 : i32
      %mul3A_352 = arith.muli %scan3A_271, %mul3A_351 : i32
      %swap3A_353 = arith.constant 10 : i32
      %swap3A_354 = arith.index_cast %swap3A_353 : i32 to index
      %swap3A_355 = arith.index_cast %mul3A_352 : i32 to index
      %swap3A_356 = tpu.vector_load %arg7[%swap3A_354, %swap3A_355] {strides = array<i32>} : memref<64x512xf32, #tpu.memory_space<vmem>>, vector<16xf32>,
      tpu.vector_store %arg7[%swap3A_354, %swap3A_355], %gather3A_333 {strides = array<i32>} : memref<64x512xf32, #tpu.memory_space<vmem>>, vector<16xf32>,
      %mul3A_357 = arith.constant 16 : i32
      %mul3A_358 = arith.muli %scan3A_271, %mul3A_357 : i32
      %swap3A_359 = arith.constant 11 : i32
      %swap3A_360 = arith.index_cast %swap3A_359 : i32 to index
      %swap3A_361 = arith.index_cast %mul3A_358 : i32 to index
      %swap3A_362 = tpu.vector_load %arg7[%swap3A_360, %swap3A_361] {strides = array<i32>} : memref<64x512xf32, #tpu.memory_space<vmem>>, vector<16xf32>,
      tpu.vector_store %arg7[%swap3A_360, %swap3A_361], %gather3A_334 {strides = array<i32>} : memref<64x512xf32, #tpu.memory_space<vmem>>, vector<16xf32>,
      %mul3A_363 = arith.constant 16 : i32
      %mul3A_364 = arith.muli %scan3A_271, %mul3A_363 : i32
      %swap3A_365 = arith.constant 12 : i32
      %swap3A_366 = arith.index_cast %swap3A_365 : i32 to index
      %swap3A_367 = arith.index_cast %mul3A_364 : i32 to index
      %swap3A_368 = tpu.vector_load %arg7[%swap3A_366, %swap3A_367] {strides = array<i32>} : memref<64x512xf32, #tpu.memory_space<vmem>>, vector<16xf32>,
      tpu.vector_store %arg7[%swap3A_366, %swap3A_367], %gather3A_335 {strides = array<i32>} : memref<64x512xf32, #tpu.memory_space<vmem>>, vector<16xf32>,
      %mul3A_369 = arith.constant 16 : i32
      %mul3A_370 = arith.muli %scan3A_271, %mul3A_369 : i32
      %swap3A_371 = arith.constant 13 : i32
      %swap3A_372 = arith.index_cast %swap3A_371 : i32 to index
      %swap3A_373 = arith.index_cast %mul3A_370 : i32 to index
      %swap3A_374 = tpu.vector_load %arg7[%swap3A_372, %swap3A_373] {strides = array<i32>} : memref<64x512xf32, #tpu.memory_space<vmem>>, vector<16xf32>,
      tpu.vector_store %arg7[%swap3A_372, %swap3A_373], %gather3A_336 {strides = array<i32>} : memref<64x512xf32, #tpu.memory_space<vmem>>, vector<16xf32>,
      %mul3A_375 = arith.constant 16 : i32
      %mul3A_376 = arith.muli %scan3A_271, %mul3A_375 : i32
      %swap3A_377 = arith.constant 14 : i32
      %swap3A_378 = arith.index_cast %swap3A_377 : i32 to index
      %swap3A_379 = arith.index_cast %mul3A_376 : i32 to index
      %swap3A_380 = tpu.vector_load %arg7[%swap3A_378, %swap3A_379] {strides = array<i32>} : memref<64x512xf32, #tpu.memory_space<vmem>>, vector<16xf32>,
      tpu.vector_store %arg7[%swap3A_378, %swap3A_379], %gather3A_337 {strides = array<i32>} : memref<64x512xf32, #tpu.memory_space<vmem>>, vector<16xf32>,
      %mul3A_381 = arith.constant 16 : i32
      %mul3A_382 = arith.muli %scan3A_271, %mul3A_381 : i32
      %swap3A_383 = arith.constant 15 : i32
      %swap3A_384 = arith.index_cast %swap3A_383 : i32 to index
      %swap3A_385 = arith.index_cast %mul3A_382 : i32 to index
      %swap3A_386 = tpu.vector_load %arg7[%swap3A_384, %swap3A_385] {strides = array<i32>} : memref<64x512xf32, #tpu.memory_space<vmem>>, vector<16xf32>,
      tpu.vector_store %arg7[%swap3A_384, %swap3A_385], %gather3A_338 {strides = array<i32>} : memref<64x512xf32, #tpu.memory_space<vmem>>, vector<16xf32>,
      %gather3A_387 = tpu.vector_load_idx %arg5[%broadcast_in_dim3A_35, %get3A_276] : memref<64x512xf32, #tpu.memory_space<vmem>>[vector<16xi32>, vector<16xi32>], vector<16xf32>,
      %gather3A_388 = tpu.vector_load_idx %arg5[%broadcast_in_dim3A_37, %get3A_276] : memref<64x512xf32, #tpu.memory_space<vmem>>[vector<16xi32>, vector<16xi32>], vector<16xf32>,
      %gather3A_389 = tpu.vector_load_idx %arg5[%broadcast_in_dim3A_39, %get3A_276] : memref<64x512xf32, #tpu.memory_space<vmem>>[vector<16xi32>, vector<16xi32>], vector<16xf32>,
      %gather3A_390 = tpu.vector_load_idx %arg5[%broadcast_in_dim3A_41, %get3A_276] : memref<64x512xf32, #tpu.memory_space<vmem>>[vector<16xi32>, vector<16xi32>], vector<16xf32>,
      %gather3A_391 = tpu.vector_load_idx %arg5[%broadcast_in_dim3A_43, %get3A_276] : memref<64x512xf32, #tpu.memory_space<vmem>>[vector<16xi32>, vector<16xi32>], vector<16xf32>,
      %gather3A_392 = tpu.vector_load_idx %arg5[%broadcast_in_dim3A_45, %get3A_276] : memref<64x512xf32, #tpu.memory_space<vmem>>[vector<16xi32>, vector<16xi32>], vector<16xf32>,
      %gather3A_393 = tpu.vector_load_idx %arg5[%broadcast_in_dim3A_47, %get3A_276] : memref<64x512xf32, #tpu.memory_space<vmem>>[vector<16xi32>, vector<16xi32>], vector<16xf32>,
      %gather3A_394 = tpu.vector_load_idx %arg5[%broadcast_in_dim3A_49, %get3A_276] : memref<64x512xf32, #tpu.memory_space<vmem>>[vector<16xi32>, vector<16xi32>], vector<16xf32>,
      %mul3A_395 = arith.constant 16 : i32
      %mul3A_396 = arith.muli %scan3A_271, %mul3A_395 : i32
      %swap3A_397 = arith.constant 16 : i32
      %swap3A_398 = arith.index_cast %swap3A_397 : i32 to index
      %swap3A_399 = arith.index_cast %mul3A_396 : i32 to index
      %swap3A_400 = tpu.vector_load %arg7[%swap3A_398, %swap3A_399] {strides = array<i32>} : memref<64x512xf32, #tpu.memory_space<vmem>>, vector<16xf32>,
      tpu.vector_store %arg7[%swap3A_398, %swap3A_399], %gather3A_387 {strides = array<i32>} : memref<64x512xf32, #tpu.memory_space<vmem>>, vector<16xf32>,
      %mul3A_401 = arith.constant 16 : i32
      %mul3A_402 = arith.muli %scan3A_271, %mul3A_401 : i32
      %swap3A_403 = arith.constant 17 : i32
      %swap3A_404 = arith.index_cast %swap3A_403 : i32 to index
      %swap3A_405 = arith.index_cast %mul3A_402 : i32 to index
      %swap3A_406 = tpu.vector_load %arg7[%swap3A_404, %swap3A_405] {strides = array<i32>} : memref<64x512xf32, #tpu.memory_space<vmem>>, vector<16xf32>,
      tpu.vector_store %arg7[%swap3A_404, %swap3A_405], %gather3A_388 {strides = array<i32>} : memref<64x512xf32, #tpu.memory_space<vmem>>, vector<16xf32>,
      %mul3A_407 = arith.constant 16 : i32
      %mul3A_408 = arith.muli %scan3A_271, %mul3A_407 : i32
      %swap3A_409 = arith.constant 18 : i32
      %swap3A_410 = arith.index_cast %swap3A_409 : i32 to index
      %swap3A_411 = arith.index_cast %mul3A_408 : i32 to index
      %swap3A_412 = tpu.vector_load %arg7[%swap3A_410, %swap3A_411] {strides = array<i32>} : memref<64x512xf32, #tpu.memory_space<vmem>>, vector<16xf32>,
      tpu.vector_store %arg7[%swap3A_410, %swap3A_411], %gather3A_389 {strides = array<i32>} : memref<64x512xf32, #tpu.memory_space<vmem>>, vector<16xf32>,
      %mul3A_413 = arith.constant 16 : i32
      %mul3A_414 = arith.muli %scan3A_271, %mul3A_413 : i32
      %swap3A_415 = arith.constant 19 : i32
      %swap3A_416 = arith.index_cast %swap3A_415 : i32 to index
      %swap3A_417 = arith.index_cast %mul3A_414 : i32 to index
      %swap3A_418 = tpu.vector_load %arg7[%swap3A_416, %swap3A_417] {strides = array<i32>} : memref<64x512xf32, #tpu.memory_space<vmem>>, vector<16xf32>,
      tpu.vector_store %arg7[%swap3A_416, %swap3A_417], %gather3A_390 {strides = array<i32>} : memref<64x512xf32, #tpu.memory_space<vmem>>, vector<16xf32>,
      %mul3A_419 = arith.constant 16 : i32
      %mul3A_420 = arith.muli %scan3A_271, %mul3A_419 : i32
      %swap3A_421 = arith.constant 20 : i32
      %swap3A_422 = arith.index_cast %swap3A_421 : i32 to index
      %swap3A_423 = arith.index_cast %mul3A_420 : i32 to index
      %swap3A_424 = tpu.vector_load %arg7[%swap3A_422, %swap3A_423] {strides = array<i32>} : memref<64x512xf32, #tpu.memory_space<vmem>>, vector<16xf32>,
      tpu.vector_store %arg7[%swap3A_422, %swap3A_423], %gather3A_391 {strides = array<i32>} : memref<64x512xf32, #tpu.memory_space<vmem>>, vector<16xf32>,
      %mul3A_425 = arith.constant 16 : i32
      %mul3A_426 = arith.muli %scan3A_271, %mul3A_425 : i32
      %swap3A_427 = arith.constant 21 : i32
      %swap3A_428 = arith.index_cast %swap3A_427 : i32 to index
      %swap3A_429 = arith.index_cast %mul3A_426 : i32 to index
      %swap3A_430 = tpu.vector_load %arg7[%swap3A_428, %swap3A_429] {strides = array<i32>} : memref<64x512xf32, #tpu.memory_space<vmem>>, vector<16xf32>,
      tpu.vector_store %arg7[%swap3A_428, %swap3A_429], %gather3A_392 {strides = array<i32>} : memref<64x512xf32, #tpu.memory_space<vmem>>, vector<16xf32>,
      %mul3A_431 = arith.constant 16 : i32
      %mul3A_432 = arith.muli %scan3A_271, %mul3A_431 : i32
      %swap3A_433 = arith.constant 22 : i32
      %swap3A_434 = arith.index_cast %swap3A_433 : i32 to index
      %swap3A_435 = arith.index_cast %mul3A_432 : i32 to index
      %swap3A_436 = tpu.vector_load %arg7[%swap3A_434, %swap3A_435] {strides = array<i32>} : memref<64x512xf32, #tpu.memory_space<vmem>>, vector<16xf32>,
      tpu.vector_store %arg7[%swap3A_434, %swap3A_435], %gather3A_393 {strides = array<i32>} : memref<64x512xf32, #tpu.memory_space<vmem>>, vector<16xf32>,
      %mul3A_437 = arith.constant 16 : i32
      %mul3A_438 = arith.muli %scan3A_271, %mul3A_437 : i32
      %swap3A_439 = arith.constant 23 : i32
      %swap3A_440 = arith.index_cast %swap3A_439 : i32 to index
      %swap3A_441 = arith.index_cast %mul3A_438 : i32 to index
      %swap3A_442 = tpu.vector_load %arg7[%swap3A_440, %swap3A_441] {strides = array<i32>} : memref<64x512xf32, #tpu.memory_space<vmem>>, vector<16xf32>,
      tpu.vector_store %arg7[%swap3A_440, %swap3A_441], %gather3A_394 {strides = array<i32>} : memref<64x512xf32, #tpu.memory_space<vmem>>, vector<16xf32>,
      %gather3A_443 = tpu.vector_load_idx %arg5[%broadcast_in_dim3A_51, %get3A_276] : memref<64x512xf32, #tpu.memory_space<vmem>>[vector<16xi32>, vector<16xi32>], vector<16xf32>,
      %gather3A_444 = tpu.vector_load_idx %arg5[%broadcast_in_dim3A_53, %get3A_276] : memref<64x512xf32, #tpu.memory_space<vmem>>[vector<16xi32>, vector<16xi32>], vector<16xf32>,
      %gather3A_445 = tpu.vector_load_idx %arg5[%broadcast_in_dim3A_55, %get3A_276] : memref<64x512xf32, #tpu.memory_space<vmem>>[vector<16xi32>, vector<16xi32>], vector<16xf32>,
      %gather3A_446 = tpu.vector_load_idx %arg5[%broadcast_in_dim3A_57, %get3A_276] : memref<64x512xf32, #tpu.memory_space<vmem>>[vector<16xi32>, vector<16xi32>], vector<16xf32>,
      %gather3A_447 = tpu.vector_load_idx %arg5[%broadcast_in_dim3A_59, %get3A_276] : memref<64x512xf32, #tpu.memory_space<vmem>>[vector<16xi32>, vector<16xi32>], vector<16xf32>,
      %gather3A_448 = tpu.vector_load_idx %arg5[%broadcast_in_dim3A_61, %get3A_276] : memref<64x512xf32, #tpu.memory_space<vmem>>[vector<16xi32>, vector<16xi32>], vector<16xf32>,
      %gather3A_449 = tpu.vector_load_idx %arg5[%broadcast_in_dim3A_63, %get3A_276] : memref<64x512xf32, #tpu.memory_space<vmem>>[vector<16xi32>, vector<16xi32>], vector<16xf32>,
      %gather3A_450 = tpu.vector_load_idx %arg5[%broadcast_in_dim3A_65, %get3A_276] : memref<64x512xf32, #tpu.memory_space<vmem>>[vector<16xi32>, vector<16xi32>], vector<16xf32>,
      %mul3A_451 = arith.constant 16 : i32
      %mul3A_452 = arith.muli %scan3A_271, %mul3A_451 : i32
      %swap3A_453 = arith.constant 24 : i32
      %swap3A_454 = arith.index_cast %swap3A_453 : i32 to index
      %swap3A_455 = arith.index_cast %mul3A_452 : i32 to index
      %swap3A_456 = tpu.vector_load %arg7[%swap3A_454, %swap3A_455] {strides = array<i32>} : memref<64x512xf32, #tpu.memory_space<vmem>>, vector<16xf32>,
      tpu.vector_store %arg7[%swap3A_454, %swap3A_455], %gather3A_443 {strides = array<i32>} : memref<64x512xf32, #tpu.memory_space<vmem>>, vector<16xf32>,
      %mul3A_457 = arith.constant 16 : i32
      %mul3A_458 = arith.muli %scan3A_271, %mul3A_457 : i32
      %swap3A_459 = arith.constant 25 : i32
      %swap3A_460 = arith.index_cast %swap3A_459 : i32 to index
      %swap3A_461 = arith.index_cast %mul3A_458 : i32 to index
      %swap3A_462 = tpu.vector_load %arg7[%swap3A_460, %swap3A_461] {strides = array<i32>} : memref<64x512xf32, #tpu.memory_space<vmem>>, vector<16xf32>,
      tpu.vector_store %arg7[%swap3A_460, %swap3A_461], %gather3A_444 {strides = array<i32>} : memref<64x512xf32, #tpu.memory_space<vmem>>, vector<16xf32>,
      %mul3A_463 = arith.constant 16 : i32
      %mul3A_464 = arith.muli %scan3A_271, %mul3A_463 : i32
      %swap3A_465 = arith.constant 26 : i32
      %swap3A_466 = arith.index_cast %swap3A_465 : i32 to index
      %swap3A_467 = arith.index_cast %mul3A_464 : i32 to index
      %swap3A_468 = tpu.vector_load %arg7[%swap3A_466, %swap3A_467] {strides = array<i32>} : memref<64x512xf32, #tpu.memory_space<vmem>>, vector<16xf32>,
      tpu.vector_store %arg7[%swap3A_466, %swap3A_467], %gather3A_445 {strides = array<i32>} : memref<64x512xf32, #tpu.memory_space<vmem>>, vector<16xf32>,
      %mul3A_469 = arith.constant 16 : i32
      %mul3A_470 = arith.muli %scan3A_271, %mul3A_469 : i32
      %swap3A_471 = arith.constant 27 : i32
      %swap3A_472 = arith.index_cast %swap3A_471 : i32 to index
      %swap3A_473 = arith.index_cast %mul3A_470 : i32 to index
      %swap3A_474 = tpu.vector_load %arg7[%swap3A_472, %swap3A_473] {strides = array<i32>} : memref<64x512xf32, #tpu.memory_space<vmem>>, vector<16xf32>,
      tpu.vector_store %arg7[%swap3A_472, %swap3A_473], %gather3A_446 {strides = array<i32>} : memref<64x512xf32, #tpu.memory_space<vmem>>, vector<16xf32>,
      %mul3A_475 = arith.constant 16 : i32
      %mul3A_476 = arith.muli %scan3A_271, %mul3A_475 : i32
      %swap3A_477 = arith.constant 28 : i32
      %swap3A_478 = arith.index_cast %swap3A_477 : i32 to index
      %swap3A_479 = arith.index_cast %mul3A_476 : i32 to index
      %swap3A_480 = tpu.vector_load %arg7[%swap3A_478, %swap3A_479] {strides = array<i32>} : memref<64x512xf32, #tpu.memory_space<vmem>>, vector<16xf32>,
      tpu.vector_store %arg7[%swap3A_478, %swap3A_479], %gather3A_447 {strides = array<i32>} : memref<64x512xf32, #tpu.memory_space<vmem>>, vector<16xf32>,
      %mul3A_481 = arith.constant 16 : i32
      %mul3A_482 = arith.muli %scan3A_271, %mul3A_481 : i32
      %swap3A_483 = arith.constant 29 : i32
      %swap3A_484 = arith.index_cast %swap3A_483 : i32 to index
      %swap3A_485 = arith.index_cast %mul3A_482 : i32 to index
      %swap3A_486 = tpu.vector_load %arg7[%swap3A_484, %swap3A_485] {strides = array<i32>} : memref<64x512xf32, #tpu.memory_space<vmem>>, vector<16xf32>,
      tpu.vector_store %arg7[%swap3A_484, %swap3A_485], %gather3A_448 {strides = array<i32>} : memref<64x512xf32, #tpu.memory_space<vmem>>, vector<16xf32>,
      %mul3A_487 = arith.constant 16 : i32
      %mul3A_488 = arith.muli %scan3A_271, %mul3A_487 : i32
      %swap3A_489 = arith.constant 30 : i32
      %swap3A_490 = arith.index_cast %swap3A_489 : i32 to index
      %swap3A_491 = arith.index_cast %mul3A_488 : i32 to index
      %swap3A_492 = tpu.vector_load %arg7[%swap3A_490, %swap3A_491] {strides = array<i32>} : memref<64x512xf32, #tpu.memory_space<vmem>>, vector<16xf32>,
      tpu.vector_store %arg7[%swap3A_490, %swap3A_491], %gather3A_449 {strides = array<i32>} : memref<64x512xf32, #tpu.memory_space<vmem>>, vector<16xf32>,
      %mul3A_493 = arith.constant 16 : i32
      %mul3A_494 = arith.muli %scan3A_271, %mul3A_493 : i32
      %swap3A_495 = arith.constant 31 : i32
      %swap3A_496 = arith.index_cast %swap3A_495 : i32 to index
      %swap3A_497 = arith.index_cast %mul3A_494 : i32 to index
      %swap3A_498 = tpu.vector_load %arg7[%swap3A_496, %swap3A_497] {strides = array<i32>} : memref<64x512xf32, #tpu.memory_space<vmem>>, vector<16xf32>,
      tpu.vector_store %arg7[%swap3A_496, %swap3A_497], %gather3A_450 {strides = array<i32>} : memref<64x512xf32, #tpu.memory_space<vmem>>, vector<16xf32>,
      %gather3A_499 = tpu.vector_load_idx %arg5[%broadcast_in_dim3A_67, %get3A_276] : memref<64x512xf32, #tpu.memory_space<vmem>>[vector<16xi32>, vector<16xi32>], vector<16xf32>,
      %gather3A_500 = tpu.vector_load_idx %arg5[%broadcast_in_dim3A_69, %get3A_276] : memref<64x512xf32, #tpu.memory_space<vmem>>[vector<16xi32>, vector<16xi32>], vector<16xf32>,
      %gather3A_501 = tpu.vector_load_idx %arg5[%broadcast_in_dim3A_71, %get3A_276] : memref<64x512xf32, #tpu.memory_space<vmem>>[vector<16xi32>, vector<16xi32>], vector<16xf32>,
      %gather3A_502 = tpu.vector_load_idx %arg5[%broadcast_in_dim3A_73, %get3A_276] : memref<64x512xf32, #tpu.memory_space<vmem>>[vector<16xi32>, vector<16xi32>], vector<16xf32>,
      %gather3A_503 = tpu.vector_load_idx %arg5[%broadcast_in_dim3A_75, %get3A_276] : memref<64x512xf32, #tpu.memory_space<vmem>>[vector<16xi32>, vector<16xi32>], vector<16xf32>,
      %gather3A_504 = tpu.vector_load_idx %arg5[%broadcast_in_dim3A_77, %get3A_276] : memref<64x512xf32, #tpu.memory_space<vmem>>[vector<16xi32>, vector<16xi32>], vector<16xf32>,
      %gather3A_505 = tpu.vector_load_idx %arg5[%broadcast_in_dim3A_79, %get3A_276] : memref<64x512xf32, #tpu.memory_space<vmem>>[vector<16xi32>, vector<16xi32>], vector<16xf32>,
      %gather3A_506 = tpu.vector_load_idx %arg5[%broadcast_in_dim3A_81, %get3A_276] : memref<64x512xf32, #tpu.memory_space<vmem>>[vector<16xi32>, vector<16xi32>], vector<16xf32>,
      %mul3A_507 = arith.constant 16 : i32
      %mul3A_508 = arith.muli %scan3A_271, %mul3A_507 : i32
      %swap3A_509 = arith.constant 32 : i32
      %swap3A_510 = arith.index_cast %swap3A_509 : i32 to index
      %swap3A_511 = arith.index_cast %mul3A_508 : i32 to index
      %swap3A_512 = tpu.vector_load %arg7[%swap3A_510, %swap3A_511] {strides = array<i32>} : memref<64x512xf32, #tpu.memory_space<vmem>>, vector<16xf32>,
      tpu.vector_store %arg7[%swap3A_510, %swap3A_511], %gather3A_499 {strides = array<i32>} : memref<64x512xf32, #tpu.memory_space<vmem>>, vector<16xf32>,
      %mul3A_513 = arith.constant 16 : i32
      %mul3A_514 = arith.muli %scan3A_271, %mul3A_513 : i32
      %swap3A_515 = arith.constant 33 : i32
      %swap3A_516 = arith.index_cast %swap3A_515 : i32 to index
      %swap3A_517 = arith.index_cast %mul3A_514 : i32 to index
      %swap3A_518 = tpu.vector_load %arg7[%swap3A_516, %swap3A_517] {strides = array<i32>} : memref<64x512xf32, #tpu.memory_space<vmem>>, vector<16xf32>,
      tpu.vector_store %arg7[%swap3A_516, %swap3A_517], %gather3A_500 {strides = array<i32>} : memref<64x512xf32, #tpu.memory_space<vmem>>, vector<16xf32>,
      %mul3A_519 = arith.constant 16 : i32
      %mul3A_520 = arith.muli %scan3A_271, %mul3A_519 : i32
      %swap3A_521 = arith.constant 34 : i32
      %swap3A_522 = arith.index_cast %swap3A_521 : i32 to index
      %swap3A_523 = arith.index_cast %mul3A_520 : i32 to index
      %swap3A_524 = tpu.vector_load %arg7[%swap3A_522, %swap3A_523] {strides = array<i32>} : memref<64x512xf32, #tpu.memory_space<vmem>>, vector<16xf32>,
      tpu.vector_store %arg7[%swap3A_522, %swap3A_523], %gather3A_501 {strides = array<i32>} : memref<64x512xf32, #tpu.memory_space<vmem>>, vector<16xf32>,
      %mul3A_525 = arith.constant 16 : i32
      %mul3A_526 = arith.muli %scan3A_271, %mul3A_525 : i32
      %swap3A_527 = arith.constant 35 : i32
      %swap3A_528 = arith.index_cast %swap3A_527 : i32 to index
      %swap3A_529 = arith.index_cast %mul3A_526 : i32 to index
      %swap3A_530 = tpu.vector_load %arg7[%swap3A_528, %swap3A_529] {strides = array<i32>} : memref<64x512xf32, #tpu.memory_space<vmem>>, vector<16xf32>,
      tpu.vector_store %arg7[%swap3A_528, %swap3A_529], %gather3A_502 {strides = array<i32>} : memref<64x512xf32, #tpu.memory_space<vmem>>, vector<16xf32>,
      %mul3A_531 = arith.constant 16 : i32
      %mul3A_532 = arith.muli %scan3A_271, %mul3A_531 : i32
      %swap3A_533 = arith.constant 36 : i32
      %swap3A_534 = arith.index_cast %swap3A_533 : i32 to index
      %swap3A_535 = arith.index_cast %mul3A_532 : i32 to index
      %swap3A_536 = tpu.vector_load %arg7[%swap3A_534, %swap3A_535] {strides = array<i32>} : memref<64x512xf32, #tpu.memory_space<vmem>>, vector<16xf32>,
      tpu.vector_store %arg7[%swap3A_534, %swap3A_535], %gather3A_503 {strides = array<i32>} : memref<64x512xf32, #tpu.memory_space<vmem>>, vector<16xf32>,
      %mul3A_537 = arith.constant 16 : i32
      %mul3A_538 = arith.muli %scan3A_271, %mul3A_537 : i32
      %swap3A_539 = arith.constant 37 : i32
      %swap3A_540 = arith.index_cast %swap3A_539 : i32 to index
      %swap3A_541 = arith.index_cast %mul3A_538 : i32 to index
      %swap3A_542 = tpu.vector_load %arg7[%swap3A_540, %swap3A_541] {strides = array<i32>} : memref<64x512xf32, #tpu.memory_space<vmem>>, vector<16xf32>,
      tpu.vector_store %arg7[%swap3A_540, %swap3A_541], %gather3A_504 {strides = array<i32>} : memref<64x512xf32, #tpu.memory_space<vmem>>, vector<16xf32>,
      %mul3A_543 = arith.constant 16 : i32
      %mul3A_544 = arith.muli %scan3A_271, %mul3A_543 : i32
      %swap3A_545 = arith.constant 38 : i32
      %swap3A_546 = arith.index_cast %swap3A_545 : i32 to index
      %swap3A_547 = arith.index_cast %mul3A_544 : i32 to index
      %swap3A_548 = tpu.vector_load %arg7[%swap3A_546, %swap3A_547] {strides = array<i32>} : memref<64x512xf32, #tpu.memory_space<vmem>>, vector<16xf32>,
      tpu.vector_store %arg7[%swap3A_546, %swap3A_547], %gather3A_505 {strides = array<i32>} : memref<64x512xf32, #tpu.memory_space<vmem>>, vector<16xf32>,
      %mul3A_549 = arith.constant 16 : i32
      %mul3A_550 = arith.muli %scan3A_271, %mul3A_549 : i32
      %swap3A_551 = arith.constant 39 : i32
      %swap3A_552 = arith.index_cast %swap3A_551 : i32 to index
      %swap3A_553 = arith.index_cast %mul3A_550 : i32 to index
      %swap3A_554 = tpu.vector_load %arg7[%swap3A_552, %swap3A_553] {strides = array<i32>} : memref<64x512xf32, #tpu.memory_space<vmem>>, vector<16xf32>,
      tpu.vector_store %arg7[%swap3A_552, %swap3A_553], %gather3A_506 {strides = array<i32>} : memref<64x512xf32, #tpu.memory_space<vmem>>, vector<16xf32>,
      %gather3A_555 = tpu.vector_load_idx %arg5[%broadcast_in_dim3A_83, %get3A_276] : memref<64x512xf32, #tpu.memory_space<vmem>>[vector<16xi32>, vector<16xi32>], vector<16xf32>,
      %gather3A_556 = tpu.vector_load_idx %arg5[%broadcast_in_dim3A_85, %get3A_276] : memref<64x512xf32, #tpu.memory_space<vmem>>[vector<16xi32>, vector<16xi32>], vector<16xf32>,
      %gather3A_557 = tpu.vector_load_idx %arg5[%broadcast_in_dim3A_87, %get3A_276] : memref<64x512xf32, #tpu.memory_space<vmem>>[vector<16xi32>, vector<16xi32>], vector<16xf32>,
      %gather3A_558 = tpu.vector_load_idx %arg5[%broadcast_in_dim3A_89, %get3A_276] : memref<64x512xf32, #tpu.memory_space<vmem>>[vector<16xi32>, vector<16xi32>], vector<16xf32>,
      %gather3A_559 = tpu.vector_load_idx %arg5[%broadcast_in_dim3A_91, %get3A_276] : memref<64x512xf32, #tpu.memory_space<vmem>>[vector<16xi32>, vector<16xi32>], vector<16xf32>,
      %gather3A_560 = tpu.vector_load_idx %arg5[%broadcast_in_dim3A_93, %get3A_276] : memref<64x512xf32, #tpu.memory_space<vmem>>[vector<16xi32>, vector<16xi32>], vector<16xf32>,
      %gather3A_561 = tpu.vector_load_idx %arg5[%broadcast_in_dim3A_95, %get3A_276] : memref<64x512xf32, #tpu.memory_space<vmem>>[vector<16xi32>, vector<16xi32>], vector<16xf32>,
      %gather3A_562 = tpu.vector_load_idx %arg5[%broadcast_in_dim3A_97, %get3A_276] : memref<64x512xf32, #tpu.memory_space<vmem>>[vector<16xi32>, vector<16xi32>], vector<16xf32>,
      %mul3A_563 = arith.constant 16 : i32
      %mul3A_564 = arith.muli %scan3A_271, %mul3A_563 : i32
      %swap3A_565 = arith.constant 40 : i32
      %swap3A_566 = arith.index_cast %swap3A_565 : i32 to index
      %swap3A_567 = arith.index_cast %mul3A_564 : i32 to index
      %swap3A_568 = tpu.vector_load %arg7[%swap3A_566, %swap3A_567] {strides = array<i32>} : memref<64x512xf32, #tpu.memory_space<vmem>>, vector<16xf32>,
      tpu.vector_store %arg7[%swap3A_566, %swap3A_567], %gather3A_555 {strides = array<i32>} : memref<64x512xf32, #tpu.memory_space<vmem>>, vector<16xf32>,
      %mul3A_569 = arith.constant 16 : i32
      %mul3A_570 = arith.muli %scan3A_271, %mul3A_569 : i32
      %swap3A_571 = arith.constant 41 : i32
      %swap3A_572 = arith.index_cast %swap3A_571 : i32 to index
      %swap3A_573 = arith.index_cast %mul3A_570 : i32 to index
      %swap3A_574 = tpu.vector_load %arg7[%swap3A_572, %swap3A_573] {strides = array<i32>} : memref<64x512xf32, #tpu.memory_space<vmem>>, vector<16xf32>,
      tpu.vector_store %arg7[%swap3A_572, %swap3A_573], %gather3A_556 {strides = array<i32>} : memref<64x512xf32, #tpu.memory_space<vmem>>, vector<16xf32>,
      %mul3A_575 = arith.constant 16 : i32
      %mul3A_576 = arith.muli %scan3A_271, %mul3A_575 : i32
      %swap3A_577 = arith.constant 42 : i32
      %swap3A_578 = arith.index_cast %swap3A_577 : i32 to index
      %swap3A_579 = arith.index_cast %mul3A_576 : i32 to index
      %swap3A_580 = tpu.vector_load %arg7[%swap3A_578, %swap3A_579] {strides = array<i32>} : memref<64x512xf32, #tpu.memory_space<vmem>>, vector<16xf32>,
      tpu.vector_store %arg7[%swap3A_578, %swap3A_579], %gather3A_557 {strides = array<i32>} : memref<64x512xf32, #tpu.memory_space<vmem>>, vector<16xf32>,
      %mul3A_581 = arith.constant 16 : i32
      %mul3A_582 = arith.muli %scan3A_271, %mul3A_581 : i32
      %swap3A_583 = arith.constant 43 : i32
      %swap3A_584 = arith.index_cast %swap3A_583 : i32 to index
      %swap3A_585 = arith.index_cast %mul3A_582 : i32 to index
      %swap3A_586 = tpu.vector_load %arg7[%swap3A_584, %swap3A_585] {strides = array<i32>} : memref<64x512xf32, #tpu.memory_space<vmem>>, vector<16xf32>,
      tpu.vector_store %arg7[%swap3A_584, %swap3A_585], %gather3A_558 {strides = array<i32>} : memref<64x512xf32, #tpu.memory_space<vmem>>, vector<16xf32>,
      %mul3A_587 = arith.constant 16 : i32
      %mul3A_588 = arith.muli %scan3A_271, %mul3A_587 : i32
      %swap3A_589 = arith.constant 44 : i32
      %swap3A_590 = arith.index_cast %swap3A_589 : i32 to index
      %swap3A_591 = arith.index_cast %mul3A_588 : i32 to index
      %swap3A_592 = tpu.vector_load %arg7[%swap3A_590, %swap3A_591] {strides = array<i32>} : memref<64x512xf32, #tpu.memory_space<vmem>>, vector<16xf32>,
      tpu.vector_store %arg7[%swap3A_590, %swap3A_591], %gather3A_559 {strides = array<i32>} : memref<64x512xf32, #tpu.memory_space<vmem>>, vector<16xf32>,
      %mul3A_593 = arith.constant 16 : i32
      %mul3A_594 = arith.muli %scan3A_271, %mul3A_593 : i32
      %swap3A_595 = arith.constant 45 : i32
      %swap3A_596 = arith.index_cast %swap3A_595 : i32 to index
      %swap3A_597 = arith.index_cast %mul3A_594 : i32 to index
      %swap3A_598 = tpu.vector_load %arg7[%swap3A_596, %swap3A_597] {strides = array<i32>} : memref<64x512xf32, #tpu.memory_space<vmem>>, vector<16xf32>,
      tpu.vector_store %arg7[%swap3A_596, %swap3A_597], %gather3A_560 {strides = array<i32>} : memref<64x512xf32, #tpu.memory_space<vmem>>, vector<16xf32>,
      %mul3A_599 = arith.constant 16 : i32
      %mul3A_600 = arith.muli %scan3A_271, %mul3A_599 : i32
      %swap3A_601 = arith.constant 46 : i32
      %swap3A_602 = arith.index_cast %swap3A_601 : i32 to index
      %swap3A_603 = arith.index_cast %mul3A_600 : i32 to index
      %swap3A_604 = tpu.vector_load %arg7[%swap3A_602, %swap3A_603] {strides = array<i32>} : memref<64x512xf32, #tpu.memory_space<vmem>>, vector<16xf32>,
      tpu.vector_store %arg7[%swap3A_602, %swap3A_603], %gather3A_561 {strides = array<i32>} : memref<64x512xf32, #tpu.memory_space<vmem>>, vector<16xf32>,
      %mul3A_605 = arith.constant 16 : i32
      %mul3A_606 = arith.muli %scan3A_271, %mul3A_605 : i32
      %swap3A_607 = arith.constant 47 : i32
      %swap3A_608 = arith.index_cast %swap3A_607 : i32 to index
      %swap3A_609 = arith.index_cast %mul3A_606 : i32 to index
      %swap3A_610 = tpu.vector_load %arg7[%swap3A_608, %swap3A_609] {strides = array<i32>} : memref<64x512xf32, #tpu.memory_space<vmem>>, vector<16xf32>,
      tpu.vector_store %arg7[%swap3A_608, %swap3A_609], %gather3A_562 {strides = array<i32>} : memref<64x512xf32, #tpu.memory_space<vmem>>, vector<16xf32>,
      %gather3A_611 = tpu.vector_load_idx %arg5[%broadcast_in_dim3A_99, %get3A_276] : memref<64x512xf32, #tpu.memory_space<vmem>>[vector<16xi32>, vector<16xi32>], vector<16xf32>,
      %gather3A_612 = tpu.vector_load_idx %arg5[%broadcast_in_dim3A_101, %get3A_276] : memref<64x512xf32, #tpu.memory_space<vmem>>[vector<16xi32>, vector<16xi32>], vector<16xf32>,
      %gather3A_613 = tpu.vector_load_idx %arg5[%broadcast_in_dim3A_103, %get3A_276] : memref<64x512xf32, #tpu.memory_space<vmem>>[vector<16xi32>, vector<16xi32>], vector<16xf32>,
      %gather3A_614 = tpu.vector_load_idx %arg5[%broadcast_in_dim3A_105, %get3A_276] : memref<64x512xf32, #tpu.memory_space<vmem>>[vector<16xi32>, vector<16xi32>], vector<16xf32>,
      %gather3A_615 = tpu.vector_load_idx %arg5[%broadcast_in_dim3A_107, %get3A_276] : memref<64x512xf32, #tpu.memory_space<vmem>>[vector<16xi32>, vector<16xi32>], vector<16xf32>,
      %gather3A_616 = tpu.vector_load_idx %arg5[%broadcast_in_dim3A_109, %get3A_276] : memref<64x512xf32, #tpu.memory_space<vmem>>[vector<16xi32>, vector<16xi32>], vector<16xf32>,
      %gather3A_617 = tpu.vector_load_idx %arg5[%broadcast_in_dim3A_111, %get3A_276] : memref<64x512xf32, #tpu.memory_space<vmem>>[vector<16xi32>, vector<16xi32>], vector<16xf32>,
      %gather3A_618 = tpu.vector_load_idx %arg5[%broadcast_in_dim3A_113, %get3A_276] : memref<64x512xf32, #tpu.memory_space<vmem>>[vector<16xi32>, vector<16xi32>], vector<16xf32>,
      %mul3A_619 = arith.constant 16 : i32
      %mul3A_620 = arith.muli %scan3A_271, %mul3A_619 : i32
      %swap3A_621 = arith.constant 48 : i32
      %swap3A_622 = arith.index_cast %swap3A_621 : i32 to index
      %swap3A_623 = arith.index_cast %mul3A_620 : i32 to index
      %swap3A_624 = tpu.vector_load %arg7[%swap3A_622, %swap3A_623] {strides = array<i32>} : memref<64x512xf32, #tpu.memory_space<vmem>>, vector<16xf32>,
      tpu.vector_store %arg7[%swap3A_622, %swap3A_623], %gather3A_611 {strides = array<i32>} : memref<64x512xf32, #tpu.memory_space<vmem>>, vector<16xf32>,
      %mul3A_625 = arith.constant 16 : i32
      %mul3A_626 = arith.muli %scan3A_271, %mul3A_625 : i32
      %swap3A_627 = arith.constant 49 : i32
      %swap3A_628 = arith.index_cast %swap3A_627 : i32 to index
      %swap3A_629 = arith.index_cast %mul3A_626 : i32 to index
      %swap3A_630 = tpu.vector_load %arg7[%swap3A_628, %swap3A_629] {strides = array<i32>} : memref<64x512xf32, #tpu.memory_space<vmem>>, vector<16xf32>,
      tpu.vector_store %arg7[%swap3A_628, %swap3A_629], %gather3A_612 {strides = array<i32>} : memref<64x512xf32, #tpu.memory_space<vmem>>, vector<16xf32>,
      %mul3A_631 = arith.constant 16 : i32
      %mul3A_632 = arith.muli %scan3A_271, %mul3A_631 : i32
      %swap3A_633 = arith.constant 50 : i32
      %swap3A_634 = arith.index_cast %swap3A_633 : i32 to index
      %swap3A_635 = arith.index_cast %mul3A_632 : i32 to index
      %swap3A_636 = tpu.vector_load %arg7[%swap3A_634, %swap3A_635] {strides = array<i32>} : memref<64x512xf32, #tpu.memory_space<vmem>>, vector<16xf32>,
      tpu.vector_store %arg7[%swap3A_634, %swap3A_635], %gather3A_613 {strides = array<i32>} : memref<64x512xf32, #tpu.memory_space<vmem>>, vector<16xf32>,
      %mul3A_637 = arith.constant 16 : i32
      %mul3A_638 = arith.muli %scan3A_271, %mul3A_637 : i32
      %swap3A_639 = arith.constant 51 : i32
      %swap3A_640 = arith.index_cast %swap3A_639 : i32 to index
      %swap3A_641 = arith.index_cast %mul3A_638 : i32 to index
      %swap3A_642 = tpu.vector_load %arg7[%swap3A_640, %swap3A_641] {strides = array<i32>} : memref<64x512xf32, #tpu.memory_space<vmem>>, vector<16xf32>,
      tpu.vector_store %arg7[%swap3A_640, %swap3A_641], %gather3A_614 {strides = array<i32>} : memref<64x512xf32, #tpu.memory_space<vmem>>, vector<16xf32>,
      %mul3A_643 = arith.constant 16 : i32
      %mul3A_644 = arith.muli %scan3A_271, %mul3A_643 : i32
      %swap3A_645 = arith.constant 52 : i32
      %swap3A_646 = arith.index_cast %swap3A_645 : i32 to index
      %swap3A_647 = arith.index_cast %mul3A_644 : i32 to index
      %swap3A_648 = tpu.vector_load %arg7[%swap3A_646, %swap3A_647] {strides = array<i32>} : memref<64x512xf32, #tpu.memory_space<vmem>>, vector<16xf32>,
      tpu.vector_store %arg7[%swap3A_646, %swap3A_647], %gather3A_615 {strides = array<i32>} : memref<64x512xf32, #tpu.memory_space<vmem>>, vector<16xf32>,
      %mul3A_649 = arith.constant 16 : i32
      %mul3A_650 = arith.muli %scan3A_271, %mul3A_649 : i32
      %swap3A_651 = arith.constant 53 : i32
      %swap3A_652 = arith.index_cast %swap3A_651 : i32 to index
      %swap3A_653 = arith.index_cast %mul3A_650 : i32 to index
      %swap3A_654 = tpu.vector_load %arg7[%swap3A_652, %swap3A_653] {strides = array<i32>} : memref<64x512xf32, #tpu.memory_space<vmem>>, vector<16xf32>,
      tpu.vector_store %arg7[%swap3A_652, %swap3A_653], %gather3A_616 {strides = array<i32>} : memref<64x512xf32, #tpu.memory_space<vmem>>, vector<16xf32>,
      %mul3A_655 = arith.constant 16 : i32
      %mul3A_656 = arith.muli %scan3A_271, %mul3A_655 : i32
      %swap3A_657 = arith.constant 54 : i32
      %swap3A_658 = arith.index_cast %swap3A_657 : i32 to index
      %swap3A_659 = arith.index_cast %mul3A_656 : i32 to index
      %swap3A_660 = tpu.vector_load %arg7[%swap3A_658, %swap3A_659] {strides = array<i32>} : memref<64x512xf32, #tpu.memory_space<vmem>>, vector<16xf32>,
      tpu.vector_store %arg7[%swap3A_658, %swap3A_659], %gather3A_617 {strides = array<i32>} : memref<64x512xf32, #tpu.memory_space<vmem>>, vector<16xf32>,
      %mul3A_661 = arith.constant 16 : i32
      %mul3A_662 = arith.muli %scan3A_271, %mul3A_661 : i32
      %swap3A_663 = arith.constant 55 : i32
      %swap3A_664 = arith.index_cast %swap3A_663 : i32 to index
      %swap3A_665 = arith.index_cast %mul3A_662 : i32 to index
      %swap3A_666 = tpu.vector_load %arg7[%swap3A_664, %swap3A_665] {strides = array<i32>} : memref<64x512xf32, #tpu.memory_space<vmem>>, vector<16xf32>,
      tpu.vector_store %arg7[%swap3A_664, %swap3A_665], %gather3A_618 {strides = array<i32>} : memref<64x512xf32, #tpu.memory_space<vmem>>, vector<16xf32>,
      %gather3A_667 = tpu.vector_load_idx %arg5[%broadcast_in_dim3A_115, %get3A_276] : memref<64x512xf32, #tpu.memory_space<vmem>>[vector<16xi32>, vector<16xi32>], vector<16xf32>,
      %gather3A_668 = tpu.vector_load_idx %arg5[%broadcast_in_dim3A_117, %get3A_276] : memref<64x512xf32, #tpu.memory_space<vmem>>[vector<16xi32>, vector<16xi32>], vector<16xf32>,
      %gather3A_669 = tpu.vector_load_idx %arg5[%broadcast_in_dim3A_119, %get3A_276] : memref<64x512xf32, #tpu.memory_space<vmem>>[vector<16xi32>, vector<16xi32>], vector<16xf32>,
      %gather3A_670 = tpu.vector_load_idx %arg5[%broadcast_in_dim3A_121, %get3A_276] : memref<64x512xf32, #tpu.memory_space<vmem>>[vector<16xi32>, vector<16xi32>], vector<16xf32>,
      %gather3A_671 = tpu.vector_load_idx %arg5[%broadcast_in_dim3A_123, %get3A_276] : memref<64x512xf32, #tpu.memory_space<vmem>>[vector<16xi32>, vector<16xi32>], vector<16xf32>,
      %gather3A_672 = tpu.vector_load_idx %arg5[%broadcast_in_dim3A_125, %get3A_276] : memref<64x512xf32, #tpu.memory_space<vmem>>[vector<16xi32>, vector<16xi32>], vector<16xf32>,
      %gather3A_673 = tpu.vector_load_idx %arg5[%broadcast_in_dim3A_127, %get3A_276] : memref<64x512xf32, #tpu.memory_space<vmem>>[vector<16xi32>, vector<16xi32>], vector<16xf32>,
      %gather3A_674 = tpu.vector_load_idx %arg5[%broadcast_in_dim3A_129, %get3A_276] : memref<64x512xf32, #tpu.memory_space<vmem>>[vector<16xi32>, vector<16xi32>], vector<16xf32>,
      %mul3A_675 = arith.constant 16 : i32
      %mul3A_676 = arith.muli %scan3A_271, %mul3A_675 : i32
      %swap3A_677 = arith.constant 56 : i32
      %swap3A_678 = arith.index_cast %swap3A_677 : i32 to index
      %swap3A_679 = arith.index_cast %mul3A_676 : i32 to index
      %swap3A_680 = tpu.vector_load %arg7[%swap3A_678, %swap3A_679] {strides = array<i32>} : memref<64x512xf32, #tpu.memory_space<vmem>>, vector<16xf32>,
      tpu.vector_store %arg7[%swap3A_678, %swap3A_679], %gather3A_667 {strides = array<i32>} : memref<64x512xf32, #tpu.memory_space<vmem>>, vector<16xf32>,
      %mul3A_681 = arith.constant 16 : i32
      %mul3A_682 = arith.muli %scan3A_271, %mul3A_681 : i32
      %swap3A_683 = arith.constant 57 : i32
      %swap3A_684 = arith.index_cast %swap3A_683 : i32 to index
      %swap3A_685 = arith.index_cast %mul3A_682 : i32 to index
      %swap3A_686 = tpu.vector_load %arg7[%swap3A_684, %swap3A_685] {strides = array<i32>} : memref<64x512xf32, #tpu.memory_space<vmem>>, vector<16xf32>,
      tpu.vector_store %arg7[%swap3A_684, %swap3A_685], %gather3A_668 {strides = array<i32>} : memref<64x512xf32, #tpu.memory_space<vmem>>, vector<16xf32>,
      %mul3A_687 = arith.constant 16 : i32
      %mul3A_688 = arith.muli %scan3A_271, %mul3A_687 : i32
      %swap3A_689 = arith.constant 58 : i32
      %swap3A_690 = arith.index_cast %swap3A_689 : i32 to index
      %swap3A_691 = arith.index_cast %mul3A_688 : i32 to index
      %swap3A_692 = tpu.vector_load %arg7[%swap3A_690, %swap3A_691] {strides = array<i32>} : memref<64x512xf32, #tpu.memory_space<vmem>>, vector<16xf32>,
      tpu.vector_store %arg7[%swap3A_690, %swap3A_691], %gather3A_669 {strides = array<i32>} : memref<64x512xf32, #tpu.memory_space<vmem>>, vector<16xf32>,
      %mul3A_693 = arith.constant 16 : i32
      %mul3A_694 = arith.muli %scan3A_271, %mul3A_693 : i32
      %swap3A_695 = arith.constant 59 : i32
      %swap3A_696 = arith.index_cast %swap3A_695 : i32 to index
      %swap3A_697 = arith.index_cast %mul3A_694 : i32 to index
      %swap3A_698 = tpu.vector_load %arg7[%swap3A_696, %swap3A_697] {strides = array<i32>} : memref<64x512xf32, #tpu.memory_space<vmem>>, vector<16xf32>,
      tpu.vector_store %arg7[%swap3A_696, %swap3A_697], %gather3A_670 {strides = array<i32>} : memref<64x512xf32, #tpu.memory_space<vmem>>, vector<16xf32>,
      %mul3A_699 = arith.constant 16 : i32
      %mul3A_700 = arith.muli %scan3A_271, %mul3A_699 : i32
      %swap3A_701 = arith.constant 60 : i32
      %swap3A_702 = arith.index_cast %swap3A_701 : i32 to index
      %swap3A_703 = arith.index_cast %mul3A_700 : i32 to index
      %swap3A_704 = tpu.vector_load %arg7[%swap3A_702, %swap3A_703] {strides = array<i32>} : memref<64x512xf32, #tpu.memory_space<vmem>>, vector<16xf32>,
      tpu.vector_store %arg7[%swap3A_702, %swap3A_703], %gather3A_671 {strides = array<i32>} : memref<64x512xf32, #tpu.memory_space<vmem>>, vector<16xf32>,
      %mul3A_705 = arith.constant 16 : i32
      %mul3A_706 = arith.muli %scan3A_271, %mul3A_705 : i32
      %swap3A_707 = arith.constant 61 : i32
      %swap3A_708 = arith.index_cast %swap3A_707 : i32 to index
      %swap3A_709 = arith.index_cast %mul3A_706 : i32 to index
      %swap3A_710 = tpu.vector_load %arg7[%swap3A_708, %swap3A_709] {strides = array<i32>} : memref<64x512xf32, #tpu.memory_space<vmem>>, vector<16xf32>,
      tpu.vector_store %arg7[%swap3A_708, %swap3A_709], %gather3A_672 {strides = array<i32>} : memref<64x512xf32, #tpu.memory_space<vmem>>, vector<16xf32>,
      %mul3A_711 = arith.constant 16 : i32
      %mul3A_712 = arith.muli %scan3A_271, %mul3A_711 : i32
      %swap3A_713 = arith.constant 62 : i32
      %swap3A_714 = arith.index_cast %swap3A_713 : i32 to index
      %swap3A_715 = arith.index_cast %mul3A_712 : i32 to index
      %swap3A_716 = tpu.vector_load %arg7[%swap3A_714, %swap3A_715] {strides = array<i32>} : memref<64x512xf32, #tpu.memory_space<vmem>>, vector<16xf32>,
      tpu.vector_store %arg7[%swap3A_714, %swap3A_715], %gather3A_673 {strides = array<i32>} : memref<64x512xf32, #tpu.memory_space<vmem>>, vector<16xf32>,
      %mul3A_717 = arith.constant 16 : i32
      %mul3A_718 = arith.muli %scan3A_271, %mul3A_717 : i32
      %swap3A_719 = arith.constant 63 : i32
      %swap3A_720 = arith.index_cast %swap3A_719 : i32 to index
      %swap3A_721 = arith.index_cast %mul3A_718 : i32 to index
      %swap3A_722 = tpu.vector_load %arg7[%swap3A_720, %swap3A_721] {strides = array<i32>} : memref<64x512xf32, #tpu.memory_space<vmem>>, vector<16xf32>,
      tpu.vector_store %arg7[%swap3A_720, %swap3A_721], %gather3A_674 {strides = array<i32>} : memref<64x512xf32, #tpu.memory_space<vmem>>, vector<16xf32>,
    }
    %scan3A_162 = arith.constant 32 : i32
    %add3A_163 = arith.constant 1024 : i32
    %add3A_164 = arith.addi %mul3A_2, %add3A_163 : i32
    %dma_start3A_165 = arith.constant 0 : i32
    %dma_start3A_166 = tpu.memref_slice %arg4[%dma_start3A_165, %add3A_164] : memref<64x131072xf32, #tpu.memory_space<hbm>> -> memref<64x512xf32, #tpu.memory_space<hbm>>
    %dma_start3A_167 = arith.constant 0 : i32
    %dma_start3A_168 = tpu.memref_slice %arg4[%dma_start3A_167, %add3A_164] : memref<64x131072xf32, #tpu.memory_space<hbm>> -> memref<64x512xf32, #tpu.memory_space<hbm>>
    tpu.enqueue_dma source(%arg7 : memref<64x512xf32, #tpu.memory_space<vmem>>) target(%dma_start3A_168 : memref<64x512xf32, #tpu.memory_space<hbm>>) target_semaphore(%arg9 : memref<!tpu.dma_semaphore, #tpu.memory_space<semaphore_mem>>)
    %add3A_169 = arith.constant 512 : i32
    %add3A_170 = arith.addi %mul3A_2, %add3A_169 : i32
    %dma_wait3A_171 = arith.constant 0 : i32
    %dma_wait3A_172 = tpu.memref_slice %arg4[%dma_wait3A_171, %add3A_170] : memref<64x131072xf32, #tpu.memory_space<hbm>> -> memref<64x512xf32, #tpu.memory_space<hbm>>
    %dma_wait3A_173 = arith.constant 0 : i32
    %dma_wait3A_174 = tpu.memref_slice %arg4[%dma_wait3A_173, %add3A_170] : memref<64x131072xf32, #tpu.memory_space<hbm>> -> memref<64x512xf32, #tpu.memory_space<hbm>>
    tpu.wait_dma2 semaphore(%arg10 : memref<!tpu.dma_semaphore, #tpu.memory_space<semaphore_mem>>) src(%arg8 : memref<64x512xf32, #tpu.memory_space<vmem>>) dst(%dma_wait3A_174 : memref<64x512xf32, #tpu.memory_space<hbm>>)
    %scan3A_175 = arith.constant 0 : i32
    %scan3A_176 = arith.constant 0 : i32
    %scan3A_177 = arith.constant 32 : i32
    %scan3A_178 = arith.addi %scan3A_176, %scan3A_177 : i32
    %scan3A_179 = arith.constant 1 : i32
    scf.for %scan3A_271 = %scan3A_176 to %scan3A_178 step %scan3A_179  : i32 {
      %mul3A_272 = arith.constant 16 : i32
      %mul3A_273 = arith.muli %scan3A_271, %mul3A_272 : i32
      %add3A_274 = arith.constant 1536 : i32
      %add3A_275 = arith.addi %add3A_274, %mul3A_273 : i32
      %get3A = arith.index_cast %add3A_275 : i32 to index
      %get3A_276 = tpu.vector_load %arg6[%get3A] {strides = array<i32>} : memref<4096xi32, #tpu.memory_space<vmem>>, vector<16xi32>,
      %gather3A = tpu.vector_load_idx %arg5[%broadcast_in_dim3A_3, %get3A_276] : memref<64x512xf32, #tpu.memory_space<vmem>>[vector<16xi32>, vector<16xi32>], vector<16xf32>,
      %gather3A_277 = tpu.vector_load_idx %arg5[%broadcast_in_dim3A_5, %get3A_276] : memref<64x512xf32, #tpu.memory_space<vmem>>[vector<16xi32>, vector<16xi32>], vector<16xf32>,
      %gather3A_278 = tpu.vector_load_idx %arg5[%broadcast_in_dim3A_7, %get3A_276] : memref<64x512xf32, #tpu.memory_space<vmem>>[vector<16xi32>, vector<16xi32>], vector<16xf32>,
      %gather3A_279 = tpu.vector_load_idx %arg5[%broadcast_in_dim3A_9, %get3A_276] : memref<64x512xf32, #tpu.memory_space<vmem>>[vector<16xi32>, vector<16xi32>], vector<16xf32>,
      %gather3A_280 = tpu.vector_load_idx %arg5[%broadcast_in_dim3A_11, %get3A_276] : memref<64x512xf32, #tpu.memory_space<vmem>>[vector<16xi32>, vector<16xi32>], vector<16xf32>,
      %gather3A_281 = tpu.vector_load_idx %arg5[%broadcast_in_dim3A_13, %get3A_276] : memref<64x512xf32, #tpu.memory_space<vmem>>[vector<16xi32>, vector<16xi32>], vector<16xf32>,
      %gather3A_282 = tpu.vector_load_idx %arg5[%broadcast_in_dim3A_15, %get3A_276] : memref<64x512xf32, #tpu.memory_space<vmem>>[vector<16xi32>, vector<16xi32>], vector<16xf32>,
      %gather3A_283 = tpu.vector_load_idx %arg5[%broadcast_in_dim3A_17, %get3A_276] : memref<64x512xf32, #tpu.memory_space<vmem>>[vector<16xi32>, vector<16xi32>], vector<16xf32>,
      %mul3A_284 = arith.constant 16 : i32
      %mul3A_285 = arith.muli %scan3A_271, %mul3A_284 : i32
      %swap3A = arith.constant 0 : i32
      %swap3A_286 = arith.index_cast %swap3A : i32 to index
      %swap3A_287 = arith.index_cast %mul3A_285 : i32 to index
      %swap3A_288 = tpu.vector_load %arg8[%swap3A_286, %swap3A_287] {strides = array<i32>} : memref<64x512xf32, #tpu.memory_space<vmem>>, vector<16xf32>,
      tpu.vector_store %arg8[%swap3A_286, %swap3A_287], %gather3A {strides = array<i32>} : memref<64x512xf32, #tpu.memory_space<vmem>>, vector<16xf32>,
      %mul3A_289 = arith.constant 16 : i32
      %mul3A_290 = arith.muli %scan3A_271, %mul3A_289 : i32
      %swap3A_291 = arith.constant 1 : i32
      %swap3A_292 = arith.index_cast %swap3A_291 : i32 to index
      %swap3A_293 = arith.index_cast %mul3A_290 : i32 to index
      %swap3A_294 = tpu.vector_load %arg8[%swap3A_292, %swap3A_293] {strides = array<i32>} : memref<64x512xf32, #tpu.memory_space<vmem>>, vector<16xf32>,
      tpu.vector_store %arg8[%swap3A_292, %swap3A_293], %gather3A_277 {strides = array<i32>} : memref<64x512xf32, #tpu.memory_space<vmem>>, vector<16xf32>,
      %mul3A_295 = arith.constant 16 : i32
      %mul3A_296 = arith.muli %scan3A_271, %mul3A_295 : i32
      %swap3A_297 = arith.constant 2 : i32
      %swap3A_298 = arith.index_cast %swap3A_297 : i32 to index
      %swap3A_299 = arith.index_cast %mul3A_296 : i32 to index
      %swap3A_300 = tpu.vector_load %arg8[%swap3A_298, %swap3A_299] {strides = array<i32>} : memref<64x512xf32, #tpu.memory_space<vmem>>, vector<16xf32>,
      tpu.vector_store %arg8[%swap3A_298, %swap3A_299], %gather3A_278 {strides = array<i32>} : memref<64x512xf32, #tpu.memory_space<vmem>>, vector<16xf32>,
      %mul3A_301 = arith.constant 16 : i32
      %mul3A_302 = arith.muli %scan3A_271, %mul3A_301 : i32
      %swap3A_303 = arith.constant 3 : i32
      %swap3A_304 = arith.index_cast %swap3A_303 : i32 to index
      %swap3A_305 = arith.index_cast %mul3A_302 : i32 to index
      %swap3A_306 = tpu.vector_load %arg8[%swap3A_304, %swap3A_305] {strides = array<i32>} : memref<64x512xf32, #tpu.memory_space<vmem>>, vector<16xf32>,
      tpu.vector_store %arg8[%swap3A_304, %swap3A_305], %gather3A_279 {strides = array<i32>} : memref<64x512xf32, #tpu.memory_space<vmem>>, vector<16xf32>,
      %mul3A_307 = arith.constant 16 : i32
      %mul3A_308 = arith.muli %scan3A_271, %mul3A_307 : i32
      %swap3A_309 = arith.constant 4 : i32
      %swap3A_310 = arith.index_cast %swap3A_309 : i32 to index
      %swap3A_311 = arith.index_cast %mul3A_308 : i32 to index
      %swap3A_312 = tpu.vector_load %arg8[%swap3A_310, %swap3A_311] {strides = array<i32>} : memref<64x512xf32, #tpu.memory_space<vmem>>, vector<16xf32>,
      tpu.vector_store %arg8[%swap3A_310, %swap3A_311], %gather3A_280 {strides = array<i32>} : memref<64x512xf32, #tpu.memory_space<vmem>>, vector<16xf32>,
      %mul3A_313 = arith.constant 16 : i32
      %mul3A_314 = arith.muli %scan3A_271, %mul3A_313 : i32
      %swap3A_315 = arith.constant 5 : i32
      %swap3A_316 = arith.index_cast %swap3A_315 : i32 to index
      %swap3A_317 = arith.index_cast %mul3A_314 : i32 to index
      %swap3A_318 = tpu.vector_load %arg8[%swap3A_316, %swap3A_317] {strides = array<i32>} : memref<64x512xf32, #tpu.memory_space<vmem>>, vector<16xf32>,
      tpu.vector_store %arg8[%swap3A_316, %swap3A_317], %gather3A_281 {strides = array<i32>} : memref<64x512xf32, #tpu.memory_space<vmem>>, vector<16xf32>,
      %mul3A_319 = arith.constant 16 : i32
      %mul3A_320 = arith.muli %scan3A_271, %mul3A_319 : i32
      %swap3A_321 = arith.constant 6 : i32
      %swap3A_322 = arith.index_cast %swap3A_321 : i32 to index
      %swap3A_323 = arith.index_cast %mul3A_320 : i32 to index
      %swap3A_324 = tpu.vector_load %arg8[%swap3A_322, %swap3A_323] {strides = array<i32>} : memref<64x512xf32, #tpu.memory_space<vmem>>, vector<16xf32>,
      tpu.vector_store %arg8[%swap3A_322, %swap3A_323], %gather3A_282 {strides = array<i32>} : memref<64x512xf32, #tpu.memory_space<vmem>>, vector<16xf32>,
      %mul3A_325 = arith.constant 16 : i32
      %mul3A_326 = arith.muli %scan3A_271, %mul3A_325 : i32
      %swap3A_327 = arith.constant 7 : i32
      %swap3A_328 = arith.index_cast %swap3A_327 : i32 to index
      %swap3A_329 = arith.index_cast %mul3A_326 : i32 to index
      %swap3A_330 = tpu.vector_load %arg8[%swap3A_328, %swap3A_329] {strides = array<i32>} : memref<64x512xf32, #tpu.memory_space<vmem>>, vector<16xf32>,
      tpu.vector_store %arg8[%swap3A_328, %swap3A_329], %gather3A_283 {strides = array<i32>} : memref<64x512xf32, #tpu.memory_space<vmem>>, vector<16xf32>,
      %gather3A_331 = tpu.vector_load_idx %arg5[%broadcast_in_dim3A_19, %get3A_276] : memref<64x512xf32, #tpu.memory_space<vmem>>[vector<16xi32>, vector<16xi32>], vector<16xf32>,
      %gather3A_332 = tpu.vector_load_idx %arg5[%broadcast_in_dim3A_21, %get3A_276] : memref<64x512xf32, #tpu.memory_space<vmem>>[vector<16xi32>, vector<16xi32>], vector<16xf32>,
      %gather3A_333 = tpu.vector_load_idx %arg5[%broadcast_in_dim3A_23, %get3A_276] : memref<64x512xf32, #tpu.memory_space<vmem>>[vector<16xi32>, vector<16xi32>], vector<16xf32>,
      %gather3A_334 = tpu.vector_load_idx %arg5[%broadcast_in_dim3A_25, %get3A_276] : memref<64x512xf32, #tpu.memory_space<vmem>>[vector<16xi32>, vector<16xi32>], vector<16xf32>,
      %gather3A_335 = tpu.vector_load_idx %arg5[%broadcast_in_dim3A_27, %get3A_276] : memref<64x512xf32, #tpu.memory_space<vmem>>[vector<16xi32>, vector<16xi32>], vector<16xf32>,
      %gather3A_336 = tpu.vector_load_idx %arg5[%broadcast_in_dim3A_29, %get3A_276] : memref<64x512xf32, #tpu.memory_space<vmem>>[vector<16xi32>, vector<16xi32>], vector<16xf32>,
      %gather3A_337 = tpu.vector_load_idx %arg5[%broadcast_in_dim3A_31, %get3A_276] : memref<64x512xf32, #tpu.memory_space<vmem>>[vector<16xi32>, vector<16xi32>], vector<16xf32>,
      %gather3A_338 = tpu.vector_load_idx %arg5[%broadcast_in_dim3A_33, %get3A_276] : memref<64x512xf32, #tpu.memory_space<vmem>>[vector<16xi32>, vector<16xi32>], vector<16xf32>,
      %mul3A_339 = arith.constant 16 : i32
      %mul3A_340 = arith.muli %scan3A_271, %mul3A_339 : i32
      %swap3A_341 = arith.constant 8 : i32
      %swap3A_342 = arith.index_cast %swap3A_341 : i32 to index
      %swap3A_343 = arith.index_cast %mul3A_340 : i32 to index
      %swap3A_344 = tpu.vector_load %arg8[%swap3A_342, %swap3A_343] {strides = array<i32>} : memref<64x512xf32, #tpu.memory_space<vmem>>, vector<16xf32>,
      tpu.vector_store %arg8[%swap3A_342, %swap3A_343], %gather3A_331 {strides = array<i32>} : memref<64x512xf32, #tpu.memory_space<vmem>>, vector<16xf32>,
      %mul3A_345 = arith.constant 16 : i32
      %mul3A_346 = arith.muli %scan3A_271, %mul3A_345 : i32
      %swap3A_347 = arith.constant 9 : i32
      %swap3A_348 = arith.index_cast %swap3A_347 : i32 to index
      %swap3A_349 = arith.index_cast %mul3A_346 : i32 to index
      %swap3A_350 = tpu.vector_load %arg8[%swap3A_348, %swap3A_349] {strides = array<i32>} : memref<64x512xf32, #tpu.memory_space<vmem>>, vector<16xf32>,
      tpu.vector_store %arg8[%swap3A_348, %swap3A_349], %gather3A_332 {strides = array<i32>} : memref<64x512xf32, #tpu.memory_space<vmem>>, vector<16xf32>,
      %mul3A_351 = arith.constant 16 : i32
      %mul3A_352 = arith.muli %scan3A_271, %mul3A_351 : i32
      %swap3A_353 = arith.constant 10 : i32
      %swap3A_354 = arith.index_cast %swap3A_353 : i32 to index
      %swap3A_355 = arith.index_cast %mul3A_352 : i32 to index
      %swap3A_356 = tpu.vector_load %arg8[%swap3A_354, %swap3A_355] {strides = array<i32>} : memref<64x512xf32, #tpu.memory_space<vmem>>, vector<16xf32>,
      tpu.vector_store %arg8[%swap3A_354, %swap3A_355], %gather3A_333 {strides = array<i32>} : memref<64x512xf32, #tpu.memory_space<vmem>>, vector<16xf32>,
      %mul3A_357 = arith.constant 16 : i32
      %mul3A_358 = arith.muli %scan3A_271, %mul3A_357 : i32
      %swap3A_359 = arith.constant 11 : i32
      %swap3A_360 = arith.index_cast %swap3A_359 : i32 to index
      %swap3A_361 = arith.index_cast %mul3A_358 : i32 to index
      %swap3A_362 = tpu.vector_load %arg8[%swap3A_360, %swap3A_361] {strides = array<i32>} : memref<64x512xf32, #tpu.memory_space<vmem>>, vector<16xf32>,
      tpu.vector_store %arg8[%swap3A_360, %swap3A_361], %gather3A_334 {strides = array<i32>} : memref<64x512xf32, #tpu.memory_space<vmem>>, vector<16xf32>,
      %mul3A_363 = arith.constant 16 : i32
      %mul3A_364 = arith.muli %scan3A_271, %mul3A_363 : i32
      %swap3A_365 = arith.constant 12 : i32
      %swap3A_366 = arith.index_cast %swap3A_365 : i32 to index
      %swap3A_367 = arith.index_cast %mul3A_364 : i32 to index
      %swap3A_368 = tpu.vector_load %arg8[%swap3A_366, %swap3A_367] {strides = array<i32>} : memref<64x512xf32, #tpu.memory_space<vmem>>, vector<16xf32>,
      tpu.vector_store %arg8[%swap3A_366, %swap3A_367], %gather3A_335 {strides = array<i32>} : memref<64x512xf32, #tpu.memory_space<vmem>>, vector<16xf32>,
      %mul3A_369 = arith.constant 16 : i32
      %mul3A_370 = arith.muli %scan3A_271, %mul3A_369 : i32
      %swap3A_371 = arith.constant 13 : i32
      %swap3A_372 = arith.index_cast %swap3A_371 : i32 to index
      %swap3A_373 = arith.index_cast %mul3A_370 : i32 to index
      %swap3A_374 = tpu.vector_load %arg8[%swap3A_372, %swap3A_373] {strides = array<i32>} : memref<64x512xf32, #tpu.memory_space<vmem>>, vector<16xf32>,
      tpu.vector_store %arg8[%swap3A_372, %swap3A_373], %gather3A_336 {strides = array<i32>} : memref<64x512xf32, #tpu.memory_space<vmem>>, vector<16xf32>,
      %mul3A_375 = arith.constant 16 : i32
      %mul3A_376 = arith.muli %scan3A_271, %mul3A_375 : i32
      %swap3A_377 = arith.constant 14 : i32
      %swap3A_378 = arith.index_cast %swap3A_377 : i32 to index
      %swap3A_379 = arith.index_cast %mul3A_376 : i32 to index
      %swap3A_380 = tpu.vector_load %arg8[%swap3A_378, %swap3A_379] {strides = array<i32>} : memref<64x512xf32, #tpu.memory_space<vmem>>, vector<16xf32>,
      tpu.vector_store %arg8[%swap3A_378, %swap3A_379], %gather3A_337 {strides = array<i32>} : memref<64x512xf32, #tpu.memory_space<vmem>>, vector<16xf32>,
      %mul3A_381 = arith.constant 16 : i32
      %mul3A_382 = arith.muli %scan3A_271, %mul3A_381 : i32
      %swap3A_383 = arith.constant 15 : i32
      %swap3A_384 = arith.index_cast %swap3A_383 : i32 to index
      %swap3A_385 = arith.index_cast %mul3A_382 : i32 to index
      %swap3A_386 = tpu.vector_load %arg8[%swap3A_384, %swap3A_385] {strides = array<i32>} : memref<64x512xf32, #tpu.memory_space<vmem>>, vector<16xf32>,
      tpu.vector_store %arg8[%swap3A_384, %swap3A_385], %gather3A_338 {strides = array<i32>} : memref<64x512xf32, #tpu.memory_space<vmem>>, vector<16xf32>,
      %gather3A_387 = tpu.vector_load_idx %arg5[%broadcast_in_dim3A_35, %get3A_276] : memref<64x512xf32, #tpu.memory_space<vmem>>[vector<16xi32>, vector<16xi32>], vector<16xf32>,
      %gather3A_388 = tpu.vector_load_idx %arg5[%broadcast_in_dim3A_37, %get3A_276] : memref<64x512xf32, #tpu.memory_space<vmem>>[vector<16xi32>, vector<16xi32>], vector<16xf32>,
      %gather3A_389 = tpu.vector_load_idx %arg5[%broadcast_in_dim3A_39, %get3A_276] : memref<64x512xf32, #tpu.memory_space<vmem>>[vector<16xi32>, vector<16xi32>], vector<16xf32>,
      %gather3A_390 = tpu.vector_load_idx %arg5[%broadcast_in_dim3A_41, %get3A_276] : memref<64x512xf32, #tpu.memory_space<vmem>>[vector<16xi32>, vector<16xi32>], vector<16xf32>,
      %gather3A_391 = tpu.vector_load_idx %arg5[%broadcast_in_dim3A_43, %get3A_276] : memref<64x512xf32, #tpu.memory_space<vmem>>[vector<16xi32>, vector<16xi32>], vector<16xf32>,
      %gather3A_392 = tpu.vector_load_idx %arg5[%broadcast_in_dim3A_45, %get3A_276] : memref<64x512xf32, #tpu.memory_space<vmem>>[vector<16xi32>, vector<16xi32>], vector<16xf32>,
      %gather3A_393 = tpu.vector_load_idx %arg5[%broadcast_in_dim3A_47, %get3A_276] : memref<64x512xf32, #tpu.memory_space<vmem>>[vector<16xi32>, vector<16xi32>], vector<16xf32>,
      %gather3A_394 = tpu.vector_load_idx %arg5[%broadcast_in_dim3A_49, %get3A_276] : memref<64x512xf32, #tpu.memory_space<vmem>>[vector<16xi32>, vector<16xi32>], vector<16xf32>,
      %mul3A_395 = arith.constant 16 : i32
      %mul3A_396 = arith.muli %scan3A_271, %mul3A_395 : i32
      %swap3A_397 = arith.constant 16 : i32
      %swap3A_398 = arith.index_cast %swap3A_397 : i32 to index
      %swap3A_399 = arith.index_cast %mul3A_396 : i32 to index
      %swap3A_400 = tpu.vector_load %arg8[%swap3A_398, %swap3A_399] {strides = array<i32>} : memref<64x512xf32, #tpu.memory_space<vmem>>, vector<16xf32>,
      tpu.vector_store %arg8[%swap3A_398, %swap3A_399], %gather3A_387 {strides = array<i32>} : memref<64x512xf32, #tpu.memory_space<vmem>>, vector<16xf32>,
      %mul3A_401 = arith.constant 16 : i32
      %mul3A_402 = arith.muli %scan3A_271, %mul3A_401 : i32
      %swap3A_403 = arith.constant 17 : i32
      %swap3A_404 = arith.index_cast %swap3A_403 : i32 to index
      %swap3A_405 = arith.index_cast %mul3A_402 : i32 to index
      %swap3A_406 = tpu.vector_load %arg8[%swap3A_404, %swap3A_405] {strides = array<i32>} : memref<64x512xf32, #tpu.memory_space<vmem>>, vector<16xf32>,
      tpu.vector_store %arg8[%swap3A_404, %swap3A_405], %gather3A_388 {strides = array<i32>} : memref<64x512xf32, #tpu.memory_space<vmem>>, vector<16xf32>,
      %mul3A_407 = arith.constant 16 : i32
      %mul3A_408 = arith.muli %scan3A_271, %mul3A_407 : i32
      %swap3A_409 = arith.constant 18 : i32
      %swap3A_410 = arith.index_cast %swap3A_409 : i32 to index
      %swap3A_411 = arith.index_cast %mul3A_408 : i32 to index
      %swap3A_412 = tpu.vector_load %arg8[%swap3A_410, %swap3A_411] {strides = array<i32>} : memref<64x512xf32, #tpu.memory_space<vmem>>, vector<16xf32>,
      tpu.vector_store %arg8[%swap3A_410, %swap3A_411], %gather3A_389 {strides = array<i32>} : memref<64x512xf32, #tpu.memory_space<vmem>>, vector<16xf32>,
      %mul3A_413 = arith.constant 16 : i32
      %mul3A_414 = arith.muli %scan3A_271, %mul3A_413 : i32
      %swap3A_415 = arith.constant 19 : i32
      %swap3A_416 = arith.index_cast %swap3A_415 : i32 to index
      %swap3A_417 = arith.index_cast %mul3A_414 : i32 to index
      %swap3A_418 = tpu.vector_load %arg8[%swap3A_416, %swap3A_417] {strides = array<i32>} : memref<64x512xf32, #tpu.memory_space<vmem>>, vector<16xf32>,
      tpu.vector_store %arg8[%swap3A_416, %swap3A_417], %gather3A_390 {strides = array<i32>} : memref<64x512xf32, #tpu.memory_space<vmem>>, vector<16xf32>,
      %mul3A_419 = arith.constant 16 : i32
      %mul3A_420 = arith.muli %scan3A_271, %mul3A_419 : i32
      %swap3A_421 = arith.constant 20 : i32
      %swap3A_422 = arith.index_cast %swap3A_421 : i32 to index
      %swap3A_423 = arith.index_cast %mul3A_420 : i32 to index
      %swap3A_424 = tpu.vector_load %arg8[%swap3A_422, %swap3A_423] {strides = array<i32>} : memref<64x512xf32, #tpu.memory_space<vmem>>, vector<16xf32>,
      tpu.vector_store %arg8[%swap3A_422, %swap3A_423], %gather3A_391 {strides = array<i32>} : memref<64x512xf32, #tpu.memory_space<vmem>>, vector<16xf32>,
      %mul3A_425 = arith.constant 16 : i32
      %mul3A_426 = arith.muli %scan3A_271, %mul3A_425 : i32
      %swap3A_427 = arith.constant 21 : i32
      %swap3A_428 = arith.index_cast %swap3A_427 : i32 to index
      %swap3A_429 = arith.index_cast %mul3A_426 : i32 to index
      %swap3A_430 = tpu.vector_load %arg8[%swap3A_428, %swap3A_429] {strides = array<i32>} : memref<64x512xf32, #tpu.memory_space<vmem>>, vector<16xf32>,
      tpu.vector_store %arg8[%swap3A_428, %swap3A_429], %gather3A_392 {strides = array<i32>} : memref<64x512xf32, #tpu.memory_space<vmem>>, vector<16xf32>,
      %mul3A_431 = arith.constant 16 : i32
      %mul3A_432 = arith.muli %scan3A_271, %mul3A_431 : i32
      %swap3A_433 = arith.constant 22 : i32
      %swap3A_434 = arith.index_cast %swap3A_433 : i32 to index
      %swap3A_435 = arith.index_cast %mul3A_432 : i32 to index
      %swap3A_436 = tpu.vector_load %arg8[%swap3A_434, %swap3A_435] {strides = array<i32>} : memref<64x512xf32, #tpu.memory_space<vmem>>, vector<16xf32>,
      tpu.vector_store %arg8[%swap3A_434, %swap3A_435], %gather3A_393 {strides = array<i32>} : memref<64x512xf32, #tpu.memory_space<vmem>>, vector<16xf32>,
      %mul3A_437 = arith.constant 16 : i32
      %mul3A_438 = arith.muli %scan3A_271, %mul3A_437 : i32
      %swap3A_439 = arith.constant 23 : i32
      %swap3A_440 = arith.index_cast %swap3A_439 : i32 to index
      %swap3A_441 = arith.index_cast %mul3A_438 : i32 to index
      %swap3A_442 = tpu.vector_load %arg8[%swap3A_440, %swap3A_441] {strides = array<i32>} : memref<64x512xf32, #tpu.memory_space<vmem>>, vector<16xf32>,
      tpu.vector_store %arg8[%swap3A_440, %swap3A_441], %gather3A_394 {strides = array<i32>} : memref<64x512xf32, #tpu.memory_space<vmem>>, vector<16xf32>,
      %gather3A_443 = tpu.vector_load_idx %arg5[%broadcast_in_dim3A_51, %get3A_276] : memref<64x512xf32, #tpu.memory_space<vmem>>[vector<16xi32>, vector<16xi32>], vector<16xf32>,
      %gather3A_444 = tpu.vector_load_idx %arg5[%broadcast_in_dim3A_53, %get3A_276] : memref<64x512xf32, #tpu.memory_space<vmem>>[vector<16xi32>, vector<16xi32>], vector<16xf32>,
      %gather3A_445 = tpu.vector_load_idx %arg5[%broadcast_in_dim3A_55, %get3A_276] : memref<64x512xf32, #tpu.memory_space<vmem>>[vector<16xi32>, vector<16xi32>], vector<16xf32>,
      %gather3A_446 = tpu.vector_load_idx %arg5[%broadcast_in_dim3A_57, %get3A_276] : memref<64x512xf32, #tpu.memory_space<vmem>>[vector<16xi32>, vector<16xi32>], vector<16xf32>,
      %gather3A_447 = tpu.vector_load_idx %arg5[%broadcast_in_dim3A_59, %get3A_276] : memref<64x512xf32, #tpu.memory_space<vmem>>[vector<16xi32>, vector<16xi32>], vector<16xf32>,
      %gather3A_448 = tpu.vector_load_idx %arg5[%broadcast_in_dim3A_61, %get3A_276] : memref<64x512xf32, #tpu.memory_space<vmem>>[vector<16xi32>, vector<16xi32>], vector<16xf32>,
      %gather3A_449 = tpu.vector_load_idx %arg5[%broadcast_in_dim3A_63, %get3A_276] : memref<64x512xf32, #tpu.memory_space<vmem>>[vector<16xi32>, vector<16xi32>], vector<16xf32>,
      %gather3A_450 = tpu.vector_load_idx %arg5[%broadcast_in_dim3A_65, %get3A_276] : memref<64x512xf32, #tpu.memory_space<vmem>>[vector<16xi32>, vector<16xi32>], vector<16xf32>,
      %mul3A_451 = arith.constant 16 : i32
      %mul3A_452 = arith.muli %scan3A_271, %mul3A_451 : i32
      %swap3A_453 = arith.constant 24 : i32
      %swap3A_454 = arith.index_cast %swap3A_453 : i32 to index
      %swap3A_455 = arith.index_cast %mul3A_452 : i32 to index
      %swap3A_456 = tpu.vector_load %arg8[%swap3A_454, %swap3A_455] {strides = array<i32>} : memref<64x512xf32, #tpu.memory_space<vmem>>, vector<16xf32>,
      tpu.vector_store %arg8[%swap3A_454, %swap3A_455], %gather3A_443 {strides = array<i32>} : memref<64x512xf32, #tpu.memory_space<vmem>>, vector<16xf32>,
      %mul3A_457 = arith.constant 16 : i32
      %mul3A_458 = arith.muli %scan3A_271, %mul3A_457 : i32
      %swap3A_459 = arith.constant 25 : i32
      %swap3A_460 = arith.index_cast %swap3A_459 : i32 to index
      %swap3A_461 = arith.index_cast %mul3A_458 : i32 to index
      %swap3A_462 = tpu.vector_load %arg8[%swap3A_460, %swap3A_461] {strides = array<i32>} : memref<64x512xf32, #tpu.memory_space<vmem>>, vector<16xf32>,
      tpu.vector_store %arg8[%swap3A_460, %swap3A_461], %gather3A_444 {strides = array<i32>} : memref<64x512xf32, #tpu.memory_space<vmem>>, vector<16xf32>,
      %mul3A_463 = arith.constant 16 : i32
      %mul3A_464 = arith.muli %scan3A_271, %mul3A_463 : i32
      %swap3A_465 = arith.constant 26 : i32
      %swap3A_466 = arith.index_cast %swap3A_465 : i32 to index
      %swap3A_467 = arith.index_cast %mul3A_464 : i32 to index
      %swap3A_468 = tpu.vector_load %arg8[%swap3A_466, %swap3A_467] {strides = array<i32>} : memref<64x512xf32, #tpu.memory_space<vmem>>, vector<16xf32>,
      tpu.vector_store %arg8[%swap3A_466, %swap3A_467], %gather3A_445 {strides = array<i32>} : memref<64x512xf32, #tpu.memory_space<vmem>>, vector<16xf32>,
      %mul3A_469 = arith.constant 16 : i32
      %mul3A_470 = arith.muli %scan3A_271, %mul3A_469 : i32
      %swap3A_471 = arith.constant 27 : i32
      %swap3A_472 = arith.index_cast %swap3A_471 : i32 to index
      %swap3A_473 = arith.index_cast %mul3A_470 : i32 to index
      %swap3A_474 = tpu.vector_load %arg8[%swap3A_472, %swap3A_473] {strides = array<i32>} : memref<64x512xf32, #tpu.memory_space<vmem>>, vector<16xf32>,
      tpu.vector_store %arg8[%swap3A_472, %swap3A_473], %gather3A_446 {strides = array<i32>} : memref<64x512xf32, #tpu.memory_space<vmem>>, vector<16xf32>,
      %mul3A_475 = arith.constant 16 : i32
      %mul3A_476 = arith.muli %scan3A_271, %mul3A_475 : i32
      %swap3A_477 = arith.constant 28 : i32
      %swap3A_478 = arith.index_cast %swap3A_477 : i32 to index
      %swap3A_479 = arith.index_cast %mul3A_476 : i32 to index
      %swap3A_480 = tpu.vector_load %arg8[%swap3A_478, %swap3A_479] {strides = array<i32>} : memref<64x512xf32, #tpu.memory_space<vmem>>, vector<16xf32>,
      tpu.vector_store %arg8[%swap3A_478, %swap3A_479], %gather3A_447 {strides = array<i32>} : memref<64x512xf32, #tpu.memory_space<vmem>>, vector<16xf32>,
      %mul3A_481 = arith.constant 16 : i32
      %mul3A_482 = arith.muli %scan3A_271, %mul3A_481 : i32
      %swap3A_483 = arith.constant 29 : i32
      %swap3A_484 = arith.index_cast %swap3A_483 : i32 to index
      %swap3A_485 = arith.index_cast %mul3A_482 : i32 to index
      %swap3A_486 = tpu.vector_load %arg8[%swap3A_484, %swap3A_485] {strides = array<i32>} : memref<64x512xf32, #tpu.memory_space<vmem>>, vector<16xf32>,
      tpu.vector_store %arg8[%swap3A_484, %swap3A_485], %gather3A_448 {strides = array<i32>} : memref<64x512xf32, #tpu.memory_space<vmem>>, vector<16xf32>,
      %mul3A_487 = arith.constant 16 : i32
      %mul3A_488 = arith.muli %scan3A_271, %mul3A_487 : i32
      %swap3A_489 = arith.constant 30 : i32
      %swap3A_490 = arith.index_cast %swap3A_489 : i32 to index
      %swap3A_491 = arith.index_cast %mul3A_488 : i32 to index
      %swap3A_492 = tpu.vector_load %arg8[%swap3A_490, %swap3A_491] {strides = array<i32>} : memref<64x512xf32, #tpu.memory_space<vmem>>, vector<16xf32>,
      tpu.vector_store %arg8[%swap3A_490, %swap3A_491], %gather3A_449 {strides = array<i32>} : memref<64x512xf32, #tpu.memory_space<vmem>>, vector<16xf32>,
      %mul3A_493 = arith.constant 16 : i32
      %mul3A_494 = arith.muli %scan3A_271, %mul3A_493 : i32
      %swap3A_495 = arith.constant 31 : i32
      %swap3A_496 = arith.index_cast %swap3A_495 : i32 to index
      %swap3A_497 = arith.index_cast %mul3A_494 : i32 to index
      %swap3A_498 = tpu.vector_load %arg8[%swap3A_496, %swap3A_497] {strides = array<i32>} : memref<64x512xf32, #tpu.memory_space<vmem>>, vector<16xf32>,
      tpu.vector_store %arg8[%swap3A_496, %swap3A_497], %gather3A_450 {strides = array<i32>} : memref<64x512xf32, #tpu.memory_space<vmem>>, vector<16xf32>,
      %gather3A_499 = tpu.vector_load_idx %arg5[%broadcast_in_dim3A_67, %get3A_276] : memref<64x512xf32, #tpu.memory_space<vmem>>[vector<16xi32>, vector<16xi32>], vector<16xf32>,
      %gather3A_500 = tpu.vector_load_idx %arg5[%broadcast_in_dim3A_69, %get3A_276] : memref<64x512xf32, #tpu.memory_space<vmem>>[vector<16xi32>, vector<16xi32>], vector<16xf32>,
      %gather3A_501 = tpu.vector_load_idx %arg5[%broadcast_in_dim3A_71, %get3A_276] : memref<64x512xf32, #tpu.memory_space<vmem>>[vector<16xi32>, vector<16xi32>], vector<16xf32>,
      %gather3A_502 = tpu.vector_load_idx %arg5[%broadcast_in_dim3A_73, %get3A_276] : memref<64x512xf32, #tpu.memory_space<vmem>>[vector<16xi32>, vector<16xi32>], vector<16xf32>,
      %gather3A_503 = tpu.vector_load_idx %arg5[%broadcast_in_dim3A_75, %get3A_276] : memref<64x512xf32, #tpu.memory_space<vmem>>[vector<16xi32>, vector<16xi32>], vector<16xf32>,
      %gather3A_504 = tpu.vector_load_idx %arg5[%broadcast_in_dim3A_77, %get3A_276] : memref<64x512xf32, #tpu.memory_space<vmem>>[vector<16xi32>, vector<16xi32>], vector<16xf32>,
      %gather3A_505 = tpu.vector_load_idx %arg5[%broadcast_in_dim3A_79, %get3A_276] : memref<64x512xf32, #tpu.memory_space<vmem>>[vector<16xi32>, vector<16xi32>], vector<16xf32>,
      %gather3A_506 = tpu.vector_load_idx %arg5[%broadcast_in_dim3A_81, %get3A_276] : memref<64x512xf32, #tpu.memory_space<vmem>>[vector<16xi32>, vector<16xi32>], vector<16xf32>,
      %mul3A_507 = arith.constant 16 : i32
      %mul3A_508 = arith.muli %scan3A_271, %mul3A_507 : i32
      %swap3A_509 = arith.constant 32 : i32
      %swap3A_510 = arith.index_cast %swap3A_509 : i32 to index
      %swap3A_511 = arith.index_cast %mul3A_508 : i32 to index
      %swap3A_512 = tpu.vector_load %arg8[%swap3A_510, %swap3A_511] {strides = array<i32>} : memref<64x512xf32, #tpu.memory_space<vmem>>, vector<16xf32>,
      tpu.vector_store %arg8[%swap3A_510, %swap3A_511], %gather3A_499 {strides = array<i32>} : memref<64x512xf32, #tpu.memory_space<vmem>>, vector<16xf32>,
      %mul3A_513 = arith.constant 16 : i32
      %mul3A_514 = arith.muli %scan3A_271, %mul3A_513 : i32
      %swap3A_515 = arith.constant 33 : i32
      %swap3A_516 = arith.index_cast %swap3A_515 : i32 to index
      %swap3A_517 = arith.index_cast %mul3A_514 : i32 to index
      %swap3A_518 = tpu.vector_load %arg8[%swap3A_516, %swap3A_517] {strides = array<i32>} : memref<64x512xf32, #tpu.memory_space<vmem>>, vector<16xf32>,
      tpu.vector_store %arg8[%swap3A_516, %swap3A_517], %gather3A_500 {strides = array<i32>} : memref<64x512xf32, #tpu.memory_space<vmem>>, vector<16xf32>,
      %mul3A_519 = arith.constant 16 : i32
      %mul3A_520 = arith.muli %scan3A_271, %mul3A_519 : i32
      %swap3A_521 = arith.constant 34 : i32
      %swap3A_522 = arith.index_cast %swap3A_521 : i32 to index
      %swap3A_523 = arith.index_cast %mul3A_520 : i32 to index
      %swap3A_524 = tpu.vector_load %arg8[%swap3A_522, %swap3A_523] {strides = array<i32>} : memref<64x512xf32, #tpu.memory_space<vmem>>, vector<16xf32>,
      tpu.vector_store %arg8[%swap3A_522, %swap3A_523], %gather3A_501 {strides = array<i32>} : memref<64x512xf32, #tpu.memory_space<vmem>>, vector<16xf32>,
      %mul3A_525 = arith.constant 16 : i32
      %mul3A_526 = arith.muli %scan3A_271, %mul3A_525 : i32
      %swap3A_527 = arith.constant 35 : i32
      %swap3A_528 = arith.index_cast %swap3A_527 : i32 to index
      %swap3A_529 = arith.index_cast %mul3A_526 : i32 to index
      %swap3A_530 = tpu.vector_load %arg8[%swap3A_528, %swap3A_529] {strides = array<i32>} : memref<64x512xf32, #tpu.memory_space<vmem>>, vector<16xf32>,
      tpu.vector_store %arg8[%swap3A_528, %swap3A_529], %gather3A_502 {strides = array<i32>} : memref<64x512xf32, #tpu.memory_space<vmem>>, vector<16xf32>,
      %mul3A_531 = arith.constant 16 : i32
      %mul3A_532 = arith.muli %scan3A_271, %mul3A_531 : i32
      %swap3A_533 = arith.constant 36 : i32
      %swap3A_534 = arith.index_cast %swap3A_533 : i32 to index
      %swap3A_535 = arith.index_cast %mul3A_532 : i32 to index
      %swap3A_536 = tpu.vector_load %arg8[%swap3A_534, %swap3A_535] {strides = array<i32>} : memref<64x512xf32, #tpu.memory_space<vmem>>, vector<16xf32>,
      tpu.vector_store %arg8[%swap3A_534, %swap3A_535], %gather3A_503 {strides = array<i32>} : memref<64x512xf32, #tpu.memory_space<vmem>>, vector<16xf32>,
      %mul3A_537 = arith.constant 16 : i32
      %mul3A_538 = arith.muli %scan3A_271, %mul3A_537 : i32
      %swap3A_539 = arith.constant 37 : i32
      %swap3A_540 = arith.index_cast %swap3A_539 : i32 to index
      %swap3A_541 = arith.index_cast %mul3A_538 : i32 to index
      %swap3A_542 = tpu.vector_load %arg8[%swap3A_540, %swap3A_541] {strides = array<i32>} : memref<64x512xf32, #tpu.memory_space<vmem>>, vector<16xf32>,
      tpu.vector_store %arg8[%swap3A_540, %swap3A_541], %gather3A_504 {strides = array<i32>} : memref<64x512xf32, #tpu.memory_space<vmem>>, vector<16xf32>,
      %mul3A_543 = arith.constant 16 : i32
      %mul3A_544 = arith.muli %scan3A_271, %mul3A_543 : i32
      %swap3A_545 = arith.constant 38 : i32
      %swap3A_546 = arith.index_cast %swap3A_545 : i32 to index
      %swap3A_547 = arith.index_cast %mul3A_544 : i32 to index
      %swap3A_548 = tpu.vector_load %arg8[%swap3A_546, %swap3A_547] {strides = array<i32>} : memref<64x512xf32, #tpu.memory_space<vmem>>, vector<16xf32>,
      tpu.vector_store %arg8[%swap3A_546, %swap3A_547], %gather3A_505 {strides = array<i32>} : memref<64x512xf32, #tpu.memory_space<vmem>>, vector<16xf32>,
      %mul3A_549 = arith.constant 16 : i32
      %mul3A_550 = arith.muli %scan3A_271, %mul3A_549 : i32
      %swap3A_551 = arith.constant 39 : i32
      %swap3A_552 = arith.index_cast %swap3A_551 : i32 to index
      %swap3A_553 = arith.index_cast %mul3A_550 : i32 to index
      %swap3A_554 = tpu.vector_load %arg8[%swap3A_552, %swap3A_553] {strides = array<i32>} : memref<64x512xf32, #tpu.memory_space<vmem>>, vector<16xf32>,
      tpu.vector_store %arg8[%swap3A_552, %swap3A_553], %gather3A_506 {strides = array<i32>} : memref<64x512xf32, #tpu.memory_space<vmem>>, vector<16xf32>,
      %gather3A_555 = tpu.vector_load_idx %arg5[%broadcast_in_dim3A_83, %get3A_276] : memref<64x512xf32, #tpu.memory_space<vmem>>[vector<16xi32>, vector<16xi32>], vector<16xf32>,
      %gather3A_556 = tpu.vector_load_idx %arg5[%broadcast_in_dim3A_85, %get3A_276] : memref<64x512xf32, #tpu.memory_space<vmem>>[vector<16xi32>, vector<16xi32>], vector<16xf32>,
      %gather3A_557 = tpu.vector_load_idx %arg5[%broadcast_in_dim3A_87, %get3A_276] : memref<64x512xf32, #tpu.memory_space<vmem>>[vector<16xi32>, vector<16xi32>], vector<16xf32>,
      %gather3A_558 = tpu.vector_load_idx %arg5[%broadcast_in_dim3A_89, %get3A_276] : memref<64x512xf32, #tpu.memory_space<vmem>>[vector<16xi32>, vector<16xi32>], vector<16xf32>,
      %gather3A_559 = tpu.vector_load_idx %arg5[%broadcast_in_dim3A_91, %get3A_276] : memref<64x512xf32, #tpu.memory_space<vmem>>[vector<16xi32>, vector<16xi32>], vector<16xf32>,
      %gather3A_560 = tpu.vector_load_idx %arg5[%broadcast_in_dim3A_93, %get3A_276] : memref<64x512xf32, #tpu.memory_space<vmem>>[vector<16xi32>, vector<16xi32>], vector<16xf32>,
      %gather3A_561 = tpu.vector_load_idx %arg5[%broadcast_in_dim3A_95, %get3A_276] : memref<64x512xf32, #tpu.memory_space<vmem>>[vector<16xi32>, vector<16xi32>], vector<16xf32>,
      %gather3A_562 = tpu.vector_load_idx %arg5[%broadcast_in_dim3A_97, %get3A_276] : memref<64x512xf32, #tpu.memory_space<vmem>>[vector<16xi32>, vector<16xi32>], vector<16xf32>,
      %mul3A_563 = arith.constant 16 : i32
      %mul3A_564 = arith.muli %scan3A_271, %mul3A_563 : i32
      %swap3A_565 = arith.constant 40 : i32
      %swap3A_566 = arith.index_cast %swap3A_565 : i32 to index
      %swap3A_567 = arith.index_cast %mul3A_564 : i32 to index
      %swap3A_568 = tpu.vector_load %arg8[%swap3A_566, %swap3A_567] {strides = array<i32>} : memref<64x512xf32, #tpu.memory_space<vmem>>, vector<16xf32>,
      tpu.vector_store %arg8[%swap3A_566, %swap3A_567], %gather3A_555 {strides = array<i32>} : memref<64x512xf32, #tpu.memory_space<vmem>>, vector<16xf32>,
      %mul3A_569 = arith.constant 16 : i32
      %mul3A_570 = arith.muli %scan3A_271, %mul3A_569 : i32
      %swap3A_571 = arith.constant 41 : i32
      %swap3A_572 = arith.index_cast %swap3A_571 : i32 to index
      %swap3A_573 = arith.index_cast %mul3A_570 : i32 to index
      %swap3A_574 = tpu.vector_load %arg8[%swap3A_572, %swap3A_573] {strides = array<i32>} : memref<64x512xf32, #tpu.memory_space<vmem>>, vector<16xf32>,
      tpu.vector_store %arg8[%swap3A_572, %swap3A_573], %gather3A_556 {strides = array<i32>} : memref<64x512xf32, #tpu.memory_space<vmem>>, vector<16xf32>,
      %mul3A_575 = arith.constant 16 : i32
      %mul3A_576 = arith.muli %scan3A_271, %mul3A_575 : i32
      %swap3A_577 = arith.constant 42 : i32
      %swap3A_578 = arith.index_cast %swap3A_577 : i32 to index
      %swap3A_579 = arith.index_cast %mul3A_576 : i32 to index
      %swap3A_580 = tpu.vector_load %arg8[%swap3A_578, %swap3A_579] {strides = array<i32>} : memref<64x512xf32, #tpu.memory_space<vmem>>, vector<16xf32>,
      tpu.vector_store %arg8[%swap3A_578, %swap3A_579], %gather3A_557 {strides = array<i32>} : memref<64x512xf32, #tpu.memory_space<vmem>>, vector<16xf32>,
      %mul3A_581 = arith.constant 16 : i32
      %mul3A_582 = arith.muli %scan3A_271, %mul3A_581 : i32
      %swap3A_583 = arith.constant 43 : i32
      %swap3A_584 = arith.index_cast %swap3A_583 : i32 to index
      %swap3A_585 = arith.index_cast %mul3A_582 : i32 to index
      %swap3A_586 = tpu.vector_load %arg8[%swap3A_584, %swap3A_585] {strides = array<i32>} : memref<64x512xf32, #tpu.memory_space<vmem>>, vector<16xf32>,
      tpu.vector_store %arg8[%swap3A_584, %swap3A_585], %gather3A_558 {strides = array<i32>} : memref<64x512xf32, #tpu.memory_space<vmem>>, vector<16xf32>,
      %mul3A_587 = arith.constant 16 : i32
      %mul3A_588 = arith.muli %scan3A_271, %mul3A_587 : i32
      %swap3A_589 = arith.constant 44 : i32
      %swap3A_590 = arith.index_cast %swap3A_589 : i32 to index
      %swap3A_591 = arith.index_cast %mul3A_588 : i32 to index
      %swap3A_592 = tpu.vector_load %arg8[%swap3A_590, %swap3A_591] {strides = array<i32>} : memref<64x512xf32, #tpu.memory_space<vmem>>, vector<16xf32>,
      tpu.vector_store %arg8[%swap3A_590, %swap3A_591], %gather3A_559 {strides = array<i32>} : memref<64x512xf32, #tpu.memory_space<vmem>>, vector<16xf32>,
      %mul3A_593 = arith.constant 16 : i32
      %mul3A_594 = arith.muli %scan3A_271, %mul3A_593 : i32
      %swap3A_595 = arith.constant 45 : i32
      %swap3A_596 = arith.index_cast %swap3A_595 : i32 to index
      %swap3A_597 = arith.index_cast %mul3A_594 : i32 to index
      %swap3A_598 = tpu.vector_load %arg8[%swap3A_596, %swap3A_597] {strides = array<i32>} : memref<64x512xf32, #tpu.memory_space<vmem>>, vector<16xf32>,
      tpu.vector_store %arg8[%swap3A_596, %swap3A_597], %gather3A_560 {strides = array<i32>} : memref<64x512xf32, #tpu.memory_space<vmem>>, vector<16xf32>,
      %mul3A_599 = arith.constant 16 : i32
      %mul3A_600 = arith.muli %scan3A_271, %mul3A_599 : i32
      %swap3A_601 = arith.constant 46 : i32
      %swap3A_602 = arith.index_cast %swap3A_601 : i32 to index
      %swap3A_603 = arith.index_cast %mul3A_600 : i32 to index
      %swap3A_604 = tpu.vector_load %arg8[%swap3A_602, %swap3A_603] {strides = array<i32>} : memref<64x512xf32, #tpu.memory_space<vmem>>, vector<16xf32>,
      tpu.vector_store %arg8[%swap3A_602, %swap3A_603], %gather3A_561 {strides = array<i32>} : memref<64x512xf32, #tpu.memory_space<vmem>>, vector<16xf32>,
      %mul3A_605 = arith.constant 16 : i32
      %mul3A_606 = arith.muli %scan3A_271, %mul3A_605 : i32
      %swap3A_607 = arith.constant 47 : i32
      %swap3A_608 = arith.index_cast %swap3A_607 : i32 to index
      %swap3A_609 = arith.index_cast %mul3A_606 : i32 to index
      %swap3A_610 = tpu.vector_load %arg8[%swap3A_608, %swap3A_609] {strides = array<i32>} : memref<64x512xf32, #tpu.memory_space<vmem>>, vector<16xf32>,
      tpu.vector_store %arg8[%swap3A_608, %swap3A_609], %gather3A_562 {strides = array<i32>} : memref<64x512xf32, #tpu.memory_space<vmem>>, vector<16xf32>,
      %gather3A_611 = tpu.vector_load_idx %arg5[%broadcast_in_dim3A_99, %get3A_276] : memref<64x512xf32, #tpu.memory_space<vmem>>[vector<16xi32>, vector<16xi32>], vector<16xf32>,
      %gather3A_612 = tpu.vector_load_idx %arg5[%broadcast_in_dim3A_101, %get3A_276] : memref<64x512xf32, #tpu.memory_space<vmem>>[vector<16xi32>, vector<16xi32>], vector<16xf32>,
      %gather3A_613 = tpu.vector_load_idx %arg5[%broadcast_in_dim3A_103, %get3A_276] : memref<64x512xf32, #tpu.memory_space<vmem>>[vector<16xi32>, vector<16xi32>], vector<16xf32>,
      %gather3A_614 = tpu.vector_load_idx %arg5[%broadcast_in_dim3A_105, %get3A_276] : memref<64x512xf32, #tpu.memory_space<vmem>>[vector<16xi32>, vector<16xi32>], vector<16xf32>,
      %gather3A_615 = tpu.vector_load_idx %arg5[%broadcast_in_dim3A_107, %get3A_276] : memref<64x512xf32, #tpu.memory_space<vmem>>[vector<16xi32>, vector<16xi32>], vector<16xf32>,
      %gather3A_616 = tpu.vector_load_idx %arg5[%broadcast_in_dim3A_109, %get3A_276] : memref<64x512xf32, #tpu.memory_space<vmem>>[vector<16xi32>, vector<16xi32>], vector<16xf32>,
      %gather3A_617 = tpu.vector_load_idx %arg5[%broadcast_in_dim3A_111, %get3A_276] : memref<64x512xf32, #tpu.memory_space<vmem>>[vector<16xi32>, vector<16xi32>], vector<16xf32>,
      %gather3A_618 = tpu.vector_load_idx %arg5[%broadcast_in_dim3A_113, %get3A_276] : memref<64x512xf32, #tpu.memory_space<vmem>>[vector<16xi32>, vector<16xi32>], vector<16xf32>,
      %mul3A_619 = arith.constant 16 : i32
      %mul3A_620 = arith.muli %scan3A_271, %mul3A_619 : i32
      %swap3A_621 = arith.constant 48 : i32
      %swap3A_622 = arith.index_cast %swap3A_621 : i32 to index
      %swap3A_623 = arith.index_cast %mul3A_620 : i32 to index
      %swap3A_624 = tpu.vector_load %arg8[%swap3A_622, %swap3A_623] {strides = array<i32>} : memref<64x512xf32, #tpu.memory_space<vmem>>, vector<16xf32>,
      tpu.vector_store %arg8[%swap3A_622, %swap3A_623], %gather3A_611 {strides = array<i32>} : memref<64x512xf32, #tpu.memory_space<vmem>>, vector<16xf32>,
      %mul3A_625 = arith.constant 16 : i32
      %mul3A_626 = arith.muli %scan3A_271, %mul3A_625 : i32
      %swap3A_627 = arith.constant 49 : i32
      %swap3A_628 = arith.index_cast %swap3A_627 : i32 to index
      %swap3A_629 = arith.index_cast %mul3A_626 : i32 to index
      %swap3A_630 = tpu.vector_load %arg8[%swap3A_628, %swap3A_629] {strides = array<i32>} : memref<64x512xf32, #tpu.memory_space<vmem>>, vector<16xf32>,
      tpu.vector_store %arg8[%swap3A_628, %swap3A_629], %gather3A_612 {strides = array<i32>} : memref<64x512xf32, #tpu.memory_space<vmem>>, vector<16xf32>,
      %mul3A_631 = arith.constant 16 : i32
      %mul3A_632 = arith.muli %scan3A_271, %mul3A_631 : i32
      %swap3A_633 = arith.constant 50 : i32
      %swap3A_634 = arith.index_cast %swap3A_633 : i32 to index
      %swap3A_635 = arith.index_cast %mul3A_632 : i32 to index
      %swap3A_636 = tpu.vector_load %arg8[%swap3A_634, %swap3A_635] {strides = array<i32>} : memref<64x512xf32, #tpu.memory_space<vmem>>, vector<16xf32>,
      tpu.vector_store %arg8[%swap3A_634, %swap3A_635], %gather3A_613 {strides = array<i32>} : memref<64x512xf32, #tpu.memory_space<vmem>>, vector<16xf32>,
      %mul3A_637 = arith.constant 16 : i32
      %mul3A_638 = arith.muli %scan3A_271, %mul3A_637 : i32
      %swap3A_639 = arith.constant 51 : i32
      %swap3A_640 = arith.index_cast %swap3A_639 : i32 to index
      %swap3A_641 = arith.index_cast %mul3A_638 : i32 to index
      %swap3A_642 = tpu.vector_load %arg8[%swap3A_640, %swap3A_641] {strides = array<i32>} : memref<64x512xf32, #tpu.memory_space<vmem>>, vector<16xf32>,
      tpu.vector_store %arg8[%swap3A_640, %swap3A_641], %gather3A_614 {strides = array<i32>} : memref<64x512xf32, #tpu.memory_space<vmem>>, vector<16xf32>,
      %mul3A_643 = arith.constant 16 : i32
      %mul3A_644 = arith.muli %scan3A_271, %mul3A_643 : i32
      %swap3A_645 = arith.constant 52 : i32
      %swap3A_646 = arith.index_cast %swap3A_645 : i32 to index
      %swap3A_647 = arith.index_cast %mul3A_644 : i32 to index
      %swap3A_648 = tpu.vector_load %arg8[%swap3A_646, %swap3A_647] {strides = array<i32>} : memref<64x512xf32, #tpu.memory_space<vmem>>, vector<16xf32>,
      tpu.vector_store %arg8[%swap3A_646, %swap3A_647], %gather3A_615 {strides = array<i32>} : memref<64x512xf32, #tpu.memory_space<vmem>>, vector<16xf32>,
      %mul3A_649 = arith.constant 16 : i32
      %mul3A_650 = arith.muli %scan3A_271, %mul3A_649 : i32
      %swap3A_651 = arith.constant 53 : i32
      %swap3A_652 = arith.index_cast %swap3A_651 : i32 to index
      %swap3A_653 = arith.index_cast %mul3A_650 : i32 to index
      %swap3A_654 = tpu.vector_load %arg8[%swap3A_652, %swap3A_653] {strides = array<i32>} : memref<64x512xf32, #tpu.memory_space<vmem>>, vector<16xf32>,
      tpu.vector_store %arg8[%swap3A_652, %swap3A_653], %gather3A_616 {strides = array<i32>} : memref<64x512xf32, #tpu.memory_space<vmem>>, vector<16xf32>,
      %mul3A_655 = arith.constant 16 : i32
      %mul3A_656 = arith.muli %scan3A_271, %mul3A_655 : i32
      %swap3A_657 = arith.constant 54 : i32
      %swap3A_658 = arith.index_cast %swap3A_657 : i32 to index
      %swap3A_659 = arith.index_cast %mul3A_656 : i32 to index
      %swap3A_660 = tpu.vector_load %arg8[%swap3A_658, %swap3A_659] {strides = array<i32>} : memref<64x512xf32, #tpu.memory_space<vmem>>, vector<16xf32>,
      tpu.vector_store %arg8[%swap3A_658, %swap3A_659], %gather3A_617 {strides = array<i32>} : memref<64x512xf32, #tpu.memory_space<vmem>>, vector<16xf32>,
      %mul3A_661 = arith.constant 16 : i32
      %mul3A_662 = arith.muli %scan3A_271, %mul3A_661 : i32
      %swap3A_663 = arith.constant 55 : i32
      %swap3A_664 = arith.index_cast %swap3A_663 : i32 to index
      %swap3A_665 = arith.index_cast %mul3A_662 : i32 to index
      %swap3A_666 = tpu.vector_load %arg8[%swap3A_664, %swap3A_665] {strides = array<i32>} : memref<64x512xf32, #tpu.memory_space<vmem>>, vector<16xf32>,
      tpu.vector_store %arg8[%swap3A_664, %swap3A_665], %gather3A_618 {strides = array<i32>} : memref<64x512xf32, #tpu.memory_space<vmem>>, vector<16xf32>,
      %gather3A_667 = tpu.vector_load_idx %arg5[%broadcast_in_dim3A_115, %get3A_276] : memref<64x512xf32, #tpu.memory_space<vmem>>[vector<16xi32>, vector<16xi32>], vector<16xf32>,
      %gather3A_668 = tpu.vector_load_idx %arg5[%broadcast_in_dim3A_117, %get3A_276] : memref<64x512xf32, #tpu.memory_space<vmem>>[vector<16xi32>, vector<16xi32>], vector<16xf32>,
      %gather3A_669 = tpu.vector_load_idx %arg5[%broadcast_in_dim3A_119, %get3A_276] : memref<64x512xf32, #tpu.memory_space<vmem>>[vector<16xi32>, vector<16xi32>], vector<16xf32>,
      %gather3A_670 = tpu.vector_load_idx %arg5[%broadcast_in_dim3A_121, %get3A_276] : memref<64x512xf32, #tpu.memory_space<vmem>>[vector<16xi32>, vector<16xi32>], vector<16xf32>,
      %gather3A_671 = tpu.vector_load_idx %arg5[%broadcast_in_dim3A_123, %get3A_276] : memref<64x512xf32, #tpu.memory_space<vmem>>[vector<16xi32>, vector<16xi32>], vector<16xf32>,
      %gather3A_672 = tpu.vector_load_idx %arg5[%broadcast_in_dim3A_125, %get3A_276] : memref<64x512xf32, #tpu.memory_space<vmem>>[vector<16xi32>, vector<16xi32>], vector<16xf32>,
      %gather3A_673 = tpu.vector_load_idx %arg5[%broadcast_in_dim3A_127, %get3A_276] : memref<64x512xf32, #tpu.memory_space<vmem>>[vector<16xi32>, vector<16xi32>], vector<16xf32>,
      %gather3A_674 = tpu.vector_load_idx %arg5[%broadcast_in_dim3A_129, %get3A_276] : memref<64x512xf32, #tpu.memory_space<vmem>>[vector<16xi32>, vector<16xi32>], vector<16xf32>,
      %mul3A_675 = arith.constant 16 : i32
      %mul3A_676 = arith.muli %scan3A_271, %mul3A_675 : i32
      %swap3A_677 = arith.constant 56 : i32
      %swap3A_678 = arith.index_cast %swap3A_677 : i32 to index
      %swap3A_679 = arith.index_cast %mul3A_676 : i32 to index
      %swap3A_680 = tpu.vector_load %arg8[%swap3A_678, %swap3A_679] {strides = array<i32>} : memref<64x512xf32, #tpu.memory_space<vmem>>, vector<16xf32>,
      tpu.vector_store %arg8[%swap3A_678, %swap3A_679], %gather3A_667 {strides = array<i32>} : memref<64x512xf32, #tpu.memory_space<vmem>>, vector<16xf32>,
      %mul3A_681 = arith.constant 16 : i32
      %mul3A_682 = arith.muli %scan3A_271, %mul3A_681 : i32
      %swap3A_683 = arith.constant 57 : i32
      %swap3A_684 = arith.index_cast %swap3A_683 : i32 to index
      %swap3A_685 = arith.index_cast %mul3A_682 : i32 to index
      %swap3A_686 = tpu.vector_load %arg8[%swap3A_684, %swap3A_685] {strides = array<i32>} : memref<64x512xf32, #tpu.memory_space<vmem>>, vector<16xf32>,
      tpu.vector_store %arg8[%swap3A_684, %swap3A_685], %gather3A_668 {strides = array<i32>} : memref<64x512xf32, #tpu.memory_space<vmem>>, vector<16xf32>,
      %mul3A_687 = arith.constant 16 : i32
      %mul3A_688 = arith.muli %scan3A_271, %mul3A_687 : i32
      %swap3A_689 = arith.constant 58 : i32
      %swap3A_690 = arith.index_cast %swap3A_689 : i32 to index
      %swap3A_691 = arith.index_cast %mul3A_688 : i32 to index
      %swap3A_692 = tpu.vector_load %arg8[%swap3A_690, %swap3A_691] {strides = array<i32>} : memref<64x512xf32, #tpu.memory_space<vmem>>, vector<16xf32>,
      tpu.vector_store %arg8[%swap3A_690, %swap3A_691], %gather3A_669 {strides = array<i32>} : memref<64x512xf32, #tpu.memory_space<vmem>>, vector<16xf32>,
      %mul3A_693 = arith.constant 16 : i32
      %mul3A_694 = arith.muli %scan3A_271, %mul3A_693 : i32
      %swap3A_695 = arith.constant 59 : i32
      %swap3A_696 = arith.index_cast %swap3A_695 : i32 to index
      %swap3A_697 = arith.index_cast %mul3A_694 : i32 to index
      %swap3A_698 = tpu.vector_load %arg8[%swap3A_696, %swap3A_697] {strides = array<i32>} : memref<64x512xf32, #tpu.memory_space<vmem>>, vector<16xf32>,
      tpu.vector_store %arg8[%swap3A_696, %swap3A_697], %gather3A_670 {strides = array<i32>} : memref<64x512xf32, #tpu.memory_space<vmem>>, vector<16xf32>,
      %mul3A_699 = arith.constant 16 : i32
      %mul3A_700 = arith.muli %scan3A_271, %mul3A_699 : i32
      %swap3A_701 = arith.constant 60 : i32
      %swap3A_702 = arith.index_cast %swap3A_701 : i32 to index
      %swap3A_703 = arith.index_cast %mul3A_700 : i32 to index
      %swap3A_704 = tpu.vector_load %arg8[%swap3A_702, %swap3A_703] {strides = array<i32>} : memref<64x512xf32, #tpu.memory_space<vmem>>, vector<16xf32>,
      tpu.vector_store %arg8[%swap3A_702, %swap3A_703], %gather3A_671 {strides = array<i32>} : memref<64x512xf32, #tpu.memory_space<vmem>>, vector<16xf32>,
      %mul3A_705 = arith.constant 16 : i32
      %mul3A_706 = arith.muli %scan3A_271, %mul3A_705 : i32
      %swap3A_707 = arith.constant 61 : i32
      %swap3A_708 = arith.index_cast %swap3A_707 : i32 to index
      %swap3A_709 = arith.index_cast %mul3A_706 : i32 to index
      %swap3A_710 = tpu.vector_load %arg8[%swap3A_708, %swap3A_709] {strides = array<i32>} : memref<64x512xf32, #tpu.memory_space<vmem>>, vector<16xf32>,
      tpu.vector_store %arg8[%swap3A_708, %swap3A_709], %gather3A_672 {strides = array<i32>} : memref<64x512xf32, #tpu.memory_space<vmem>>, vector<16xf32>,
      %mul3A_711 = arith.constant 16 : i32
      %mul3A_712 = arith.muli %scan3A_271, %mul3A_711 : i32
      %swap3A_713 = arith.constant 62 : i32
      %swap3A_714 = arith.index_cast %swap3A_713 : i32 to index
      %swap3A_715 = arith.index_cast %mul3A_712 : i32 to index
      %swap3A_716 = tpu.vector_load %arg8[%swap3A_714, %swap3A_715] {strides = array<i32>} : memref<64x512xf32, #tpu.memory_space<vmem>>, vector<16xf32>,
      tpu.vector_store %arg8[%swap3A_714, %swap3A_715], %gather3A_673 {strides = array<i32>} : memref<64x512xf32, #tpu.memory_space<vmem>>, vector<16xf32>,
      %mul3A_717 = arith.constant 16 : i32
      %mul3A_718 = arith.muli %scan3A_271, %mul3A_717 : i32
      %swap3A_719 = arith.constant 63 : i32
      %swap3A_720 = arith.index_cast %swap3A_719 : i32 to index
      %swap3A_721 = arith.index_cast %mul3A_718 : i32 to index
      %swap3A_722 = tpu.vector_load %arg8[%swap3A_720, %swap3A_721] {strides = array<i32>} : memref<64x512xf32, #tpu.memory_space<vmem>>, vector<16xf32>,
      tpu.vector_store %arg8[%swap3A_720, %swap3A_721], %gather3A_674 {strides = array<i32>} : memref<64x512xf32, #tpu.memory_space<vmem>>, vector<16xf32>,
    }
    %scan3A_180 = arith.constant 32 : i32
    %add3A_181 = arith.constant 1536 : i32
    %add3A_182 = arith.addi %mul3A_2, %add3A_181 : i32
    %dma_start3A_183 = arith.constant 0 : i32
    %dma_start3A_184 = tpu.memref_slice %arg4[%dma_start3A_183, %add3A_182] : memref<64x131072xf32, #tpu.memory_space<hbm>> -> memref<64x512xf32, #tpu.memory_space<hbm>>
    %dma_start3A_185 = arith.constant 0 : i32
    %dma_start3A_186 = tpu.memref_slice %arg4[%dma_start3A_185, %add3A_182] : memref<64x131072xf32, #tpu.memory_space<hbm>> -> memref<64x512xf32, #tpu.memory_space<hbm>>
    tpu.enqueue_dma source(%arg8 : memref<64x512xf32, #tpu.memory_space<vmem>>) target(%dma_start3A_186 : memref<64x512xf32, #tpu.memory_space<hbm>>) target_semaphore(%arg10 : memref<!tpu.dma_semaphore, #tpu.memory_space<semaphore_mem>>)
    %add3A_187 = arith.constant 1024 : i32
    %add3A_188 = arith.addi %mul3A_2, %add3A_187 : i32
    %dma_wait3A_189 = arith.constant 0 : i32
    %dma_wait3A_190 = tpu.memref_slice %arg4[%dma_wait3A_189, %add3A_188] : memref<64x131072xf32, #tpu.memory_space<hbm>> -> memref<64x512xf32, #tpu.memory_space<hbm>>
    %dma_wait3A_191 = arith.constant 0 : i32
    %dma_wait3A_192 = tpu.memref_slice %arg4[%dma_wait3A_191, %add3A_188] : memref<64x131072xf32, #tpu.memory_space<hbm>> -> memref<64x512xf32, #tpu.memory_space<hbm>>
    tpu.wait_dma2 semaphore(%arg9 : memref<!tpu.dma_semaphore, #tpu.memory_space<semaphore_mem>>) src(%arg7 : memref<64x512xf32, #tpu.memory_space<vmem>>) dst(%dma_wait3A_192 : memref<64x512xf32, #tpu.memory_space<hbm>>)
    %scan3A_193 = arith.constant 0 : i32
    %scan3A_194 = arith.constant 0 : i32
    %scan3A_195 = arith.constant 32 : i32
    %scan3A_196 = arith.addi %scan3A_194, %scan3A_195 : i32
    %scan3A_197 = arith.constant 1 : i32
    scf.for %scan3A_271 = %scan3A_194 to %scan3A_196 step %scan3A_197  : i32 {
      %mul3A_272 = arith.constant 16 : i32
      %mul3A_273 = arith.muli %scan3A_271, %mul3A_272 : i32
      %add3A_274 = arith.constant 2048 : i32
      %add3A_275 = arith.addi %add3A_274, %mul3A_273 : i32
      %get3A = arith.index_cast %add3A_275 : i32 to index
      %get3A_276 = tpu.vector_load %arg6[%get3A] {strides = array<i32>} : memref<4096xi32, #tpu.memory_space<vmem>>, vector<16xi32>,
      %gather3A = tpu.vector_load_idx %arg5[%broadcast_in_dim3A_3, %get3A_276] : memref<64x512xf32, #tpu.memory_space<vmem>>[vector<16xi32>, vector<16xi32>], vector<16xf32>,
      %gather3A_277 = tpu.vector_load_idx %arg5[%broadcast_in_dim3A_5, %get3A_276] : memref<64x512xf32, #tpu.memory_space<vmem>>[vector<16xi32>, vector<16xi32>], vector<16xf32>,
      %gather3A_278 = tpu.vector_load_idx %arg5[%broadcast_in_dim3A_7, %get3A_276] : memref<64x512xf32, #tpu.memory_space<vmem>>[vector<16xi32>, vector<16xi32>], vector<16xf32>,
      %gather3A_279 = tpu.vector_load_idx %arg5[%broadcast_in_dim3A_9, %get3A_276] : memref<64x512xf32, #tpu.memory_space<vmem>>[vector<16xi32>, vector<16xi32>], vector<16xf32>,
      %gather3A_280 = tpu.vector_load_idx %arg5[%broadcast_in_dim3A_11, %get3A_276] : memref<64x512xf32, #tpu.memory_space<vmem>>[vector<16xi32>, vector<16xi32>], vector<16xf32>,
      %gather3A_281 = tpu.vector_load_idx %arg5[%broadcast_in_dim3A_13, %get3A_276] : memref<64x512xf32, #tpu.memory_space<vmem>>[vector<16xi32>, vector<16xi32>], vector<16xf32>,
      %gather3A_282 = tpu.vector_load_idx %arg5[%broadcast_in_dim3A_15, %get3A_276] : memref<64x512xf32, #tpu.memory_space<vmem>>[vector<16xi32>, vector<16xi32>], vector<16xf32>,
      %gather3A_283 = tpu.vector_load_idx %arg5[%broadcast_in_dim3A_17, %get3A_276] : memref<64x512xf32, #tpu.memory_space<vmem>>[vector<16xi32>, vector<16xi32>], vector<16xf32>,
      %mul3A_284 = arith.constant 16 : i32
      %mul3A_285 = arith.muli %scan3A_271, %mul3A_284 : i32
      %swap3A = arith.constant 0 : i32
      %swap3A_286 = arith.index_cast %swap3A : i32 to index
      %swap3A_287 = arith.index_cast %mul3A_285 : i32 to index
      %swap3A_288 = tpu.vector_load %arg7[%swap3A_286, %swap3A_287] {strides = array<i32>} : memref<64x512xf32, #tpu.memory_space<vmem>>, vector<16xf32>,
      tpu.vector_store %arg7[%swap3A_286, %swap3A_287], %gather3A {strides = array<i32>} : memref<64x512xf32, #tpu.memory_space<vmem>>, vector<16xf32>,
      %mul3A_289 = arith.constant 16 : i32
      %mul3A_290 = arith.muli %scan3A_271, %mul3A_289 : i32
      %swap3A_291 = arith.constant 1 : i32
      %swap3A_292 = arith.index_cast %swap3A_291 : i32 to index
      %swap3A_293 = arith.index_cast %mul3A_290 : i32 to index
      %swap3A_294 = tpu.vector_load %arg7[%swap3A_292, %swap3A_293] {strides = array<i32>} : memref<64x512xf32, #tpu.memory_space<vmem>>, vector<16xf32>,
      tpu.vector_store %arg7[%swap3A_292, %swap3A_293], %gather3A_277 {strides = array<i32>} : memref<64x512xf32, #tpu.memory_space<vmem>>, vector<16xf32>,
      %mul3A_295 = arith.constant 16 : i32
      %mul3A_296 = arith.muli %scan3A_271, %mul3A_295 : i32
      %swap3A_297 = arith.constant 2 : i32
      %swap3A_298 = arith.index_cast %swap3A_297 : i32 to index
      %swap3A_299 = arith.index_cast %mul3A_296 : i32 to index
      %swap3A_300 = tpu.vector_load %arg7[%swap3A_298, %swap3A_299] {strides = array<i32>} : memref<64x512xf32, #tpu.memory_space<vmem>>, vector<16xf32>,
      tpu.vector_store %arg7[%swap3A_298, %swap3A_299], %gather3A_278 {strides = array<i32>} : memref<64x512xf32, #tpu.memory_space<vmem>>, vector<16xf32>,
      %mul3A_301 = arith.constant 16 : i32
      %mul3A_302 = arith.muli %scan3A_271, %mul3A_301 : i32
      %swap3A_303 = arith.constant 3 : i32
      %swap3A_304 = arith.index_cast %swap3A_303 : i32 to index
      %swap3A_305 = arith.index_cast %mul3A_302 : i32 to index
      %swap3A_306 = tpu.vector_load %arg7[%swap3A_304, %swap3A_305] {strides = array<i32>} : memref<64x512xf32, #tpu.memory_space<vmem>>, vector<16xf32>,
      tpu.vector_store %arg7[%swap3A_304, %swap3A_305], %gather3A_279 {strides = array<i32>} : memref<64x512xf32, #tpu.memory_space<vmem>>, vector<16xf32>,
      %mul3A_307 = arith.constant 16 : i32
      %mul3A_308 = arith.muli %scan3A_271, %mul3A_307 : i32
      %swap3A_309 = arith.constant 4 : i32
      %swap3A_310 = arith.index_cast %swap3A_309 : i32 to index
      %swap3A_311 = arith.index_cast %mul3A_308 : i32 to index
      %swap3A_312 = tpu.vector_load %arg7[%swap3A_310, %swap3A_311] {strides = array<i32>} : memref<64x512xf32, #tpu.memory_space<vmem>>, vector<16xf32>,
      tpu.vector_store %arg7[%swap3A_310, %swap3A_311], %gather3A_280 {strides = array<i32>} : memref<64x512xf32, #tpu.memory_space<vmem>>, vector<16xf32>,
      %mul3A_313 = arith.constant 16 : i32
      %mul3A_314 = arith.muli %scan3A_271, %mul3A_313 : i32
      %swap3A_315 = arith.constant 5 : i32
      %swap3A_316 = arith.index_cast %swap3A_315 : i32 to index
      %swap3A_317 = arith.index_cast %mul3A_314 : i32 to index
      %swap3A_318 = tpu.vector_load %arg7[%swap3A_316, %swap3A_317] {strides = array<i32>} : memref<64x512xf32, #tpu.memory_space<vmem>>, vector<16xf32>,
      tpu.vector_store %arg7[%swap3A_316, %swap3A_317], %gather3A_281 {strides = array<i32>} : memref<64x512xf32, #tpu.memory_space<vmem>>, vector<16xf32>,
      %mul3A_319 = arith.constant 16 : i32
      %mul3A_320 = arith.muli %scan3A_271, %mul3A_319 : i32
      %swap3A_321 = arith.constant 6 : i32
      %swap3A_322 = arith.index_cast %swap3A_321 : i32 to index
      %swap3A_323 = arith.index_cast %mul3A_320 : i32 to index
      %swap3A_324 = tpu.vector_load %arg7[%swap3A_322, %swap3A_323] {strides = array<i32>} : memref<64x512xf32, #tpu.memory_space<vmem>>, vector<16xf32>,
      tpu.vector_store %arg7[%swap3A_322, %swap3A_323], %gather3A_282 {strides = array<i32>} : memref<64x512xf32, #tpu.memory_space<vmem>>, vector<16xf32>,
      %mul3A_325 = arith.constant 16 : i32
      %mul3A_326 = arith.muli %scan3A_271, %mul3A_325 : i32
      %swap3A_327 = arith.constant 7 : i32
      %swap3A_328 = arith.index_cast %swap3A_327 : i32 to index
      %swap3A_329 = arith.index_cast %mul3A_326 : i32 to index
      %swap3A_330 = tpu.vector_load %arg7[%swap3A_328, %swap3A_329] {strides = array<i32>} : memref<64x512xf32, #tpu.memory_space<vmem>>, vector<16xf32>,
      tpu.vector_store %arg7[%swap3A_328, %swap3A_329], %gather3A_283 {strides = array<i32>} : memref<64x512xf32, #tpu.memory_space<vmem>>, vector<16xf32>,
      %gather3A_331 = tpu.vector_load_idx %arg5[%broadcast_in_dim3A_19, %get3A_276] : memref<64x512xf32, #tpu.memory_space<vmem>>[vector<16xi32>, vector<16xi32>], vector<16xf32>,
      %gather3A_332 = tpu.vector_load_idx %arg5[%broadcast_in_dim3A_21, %get3A_276] : memref<64x512xf32, #tpu.memory_space<vmem>>[vector<16xi32>, vector<16xi32>], vector<16xf32>,
      %gather3A_333 = tpu.vector_load_idx %arg5[%broadcast_in_dim3A_23, %get3A_276] : memref<64x512xf32, #tpu.memory_space<vmem>>[vector<16xi32>, vector<16xi32>], vector<16xf32>,
      %gather3A_334 = tpu.vector_load_idx %arg5[%broadcast_in_dim3A_25, %get3A_276] : memref<64x512xf32, #tpu.memory_space<vmem>>[vector<16xi32>, vector<16xi32>], vector<16xf32>,
      %gather3A_335 = tpu.vector_load_idx %arg5[%broadcast_in_dim3A_27, %get3A_276] : memref<64x512xf32, #tpu.memory_space<vmem>>[vector<16xi32>, vector<16xi32>], vector<16xf32>,
      %gather3A_336 = tpu.vector_load_idx %arg5[%broadcast_in_dim3A_29, %get3A_276] : memref<64x512xf32, #tpu.memory_space<vmem>>[vector<16xi32>, vector<16xi32>], vector<16xf32>,
      %gather3A_337 = tpu.vector_load_idx %arg5[%broadcast_in_dim3A_31, %get3A_276] : memref<64x512xf32, #tpu.memory_space<vmem>>[vector<16xi32>, vector<16xi32>], vector<16xf32>,
      %gather3A_338 = tpu.vector_load_idx %arg5[%broadcast_in_dim3A_33, %get3A_276] : memref<64x512xf32, #tpu.memory_space<vmem>>[vector<16xi32>, vector<16xi32>], vector<16xf32>,
      %mul3A_339 = arith.constant 16 : i32
      %mul3A_340 = arith.muli %scan3A_271, %mul3A_339 : i32
      %swap3A_341 = arith.constant 8 : i32
      %swap3A_342 = arith.index_cast %swap3A_341 : i32 to index
      %swap3A_343 = arith.index_cast %mul3A_340 : i32 to index
      %swap3A_344 = tpu.vector_load %arg7[%swap3A_342, %swap3A_343] {strides = array<i32>} : memref<64x512xf32, #tpu.memory_space<vmem>>, vector<16xf32>,
      tpu.vector_store %arg7[%swap3A_342, %swap3A_343], %gather3A_331 {strides = array<i32>} : memref<64x512xf32, #tpu.memory_space<vmem>>, vector<16xf32>,
      %mul3A_345 = arith.constant 16 : i32
      %mul3A_346 = arith.muli %scan3A_271, %mul3A_345 : i32
      %swap3A_347 = arith.constant 9 : i32
      %swap3A_348 = arith.index_cast %swap3A_347 : i32 to index
      %swap3A_349 = arith.index_cast %mul3A_346 : i32 to index
      %swap3A_350 = tpu.vector_load %arg7[%swap3A_348, %swap3A_349] {strides = array<i32>} : memref<64x512xf32, #tpu.memory_space<vmem>>, vector<16xf32>,
      tpu.vector_store %arg7[%swap3A_348, %swap3A_349], %gather3A_332 {strides = array<i32>} : memref<64x512xf32, #tpu.memory_space<vmem>>, vector<16xf32>,
      %mul3A_351 = arith.constant 16 : i32
      %mul3A_352 = arith.muli %scan3A_271, %mul3A_351 : i32
      %swap3A_353 = arith.constant 10 : i32
      %swap3A_354 = arith.index_cast %swap3A_353 : i32 to index
      %swap3A_355 = arith.index_cast %mul3A_352 : i32 to index
      %swap3A_356 = tpu.vector_load %arg7[%swap3A_354, %swap3A_355] {strides = array<i32>} : memref<64x512xf32, #tpu.memory_space<vmem>>, vector<16xf32>,
      tpu.vector_store %arg7[%swap3A_354, %swap3A_355], %gather3A_333 {strides = array<i32>} : memref<64x512xf32, #tpu.memory_space<vmem>>, vector<16xf32>,
      %mul3A_357 = arith.constant 16 : i32
      %mul3A_358 = arith.muli %scan3A_271, %mul3A_357 : i32
      %swap3A_359 = arith.constant 11 : i32
      %swap3A_360 = arith.index_cast %swap3A_359 : i32 to index
      %swap3A_361 = arith.index_cast %mul3A_358 : i32 to index
      %swap3A_362 = tpu.vector_load %arg7[%swap3A_360, %swap3A_361] {strides = array<i32>} : memref<64x512xf32, #tpu.memory_space<vmem>>, vector<16xf32>,
      tpu.vector_store %arg7[%swap3A_360, %swap3A_361], %gather3A_334 {strides = array<i32>} : memref<64x512xf32, #tpu.memory_space<vmem>>, vector<16xf32>,
      %mul3A_363 = arith.constant 16 : i32
      %mul3A_364 = arith.muli %scan3A_271, %mul3A_363 : i32
      %swap3A_365 = arith.constant 12 : i32
      %swap3A_366 = arith.index_cast %swap3A_365 : i32 to index
      %swap3A_367 = arith.index_cast %mul3A_364 : i32 to index
      %swap3A_368 = tpu.vector_load %arg7[%swap3A_366, %swap3A_367] {strides = array<i32>} : memref<64x512xf32, #tpu.memory_space<vmem>>, vector<16xf32>,
      tpu.vector_store %arg7[%swap3A_366, %swap3A_367], %gather3A_335 {strides = array<i32>} : memref<64x512xf32, #tpu.memory_space<vmem>>, vector<16xf32>,
      %mul3A_369 = arith.constant 16 : i32
      %mul3A_370 = arith.muli %scan3A_271, %mul3A_369 : i32
      %swap3A_371 = arith.constant 13 : i32
      %swap3A_372 = arith.index_cast %swap3A_371 : i32 to index
      %swap3A_373 = arith.index_cast %mul3A_370 : i32 to index
      %swap3A_374 = tpu.vector_load %arg7[%swap3A_372, %swap3A_373] {strides = array<i32>} : memref<64x512xf32, #tpu.memory_space<vmem>>, vector<16xf32>,
      tpu.vector_store %arg7[%swap3A_372, %swap3A_373], %gather3A_336 {strides = array<i32>} : memref<64x512xf32, #tpu.memory_space<vmem>>, vector<16xf32>,
      %mul3A_375 = arith.constant 16 : i32
      %mul3A_376 = arith.muli %scan3A_271, %mul3A_375 : i32
      %swap3A_377 = arith.constant 14 : i32
      %swap3A_378 = arith.index_cast %swap3A_377 : i32 to index
      %swap3A_379 = arith.index_cast %mul3A_376 : i32 to index
      %swap3A_380 = tpu.vector_load %arg7[%swap3A_378, %swap3A_379] {strides = array<i32>} : memref<64x512xf32, #tpu.memory_space<vmem>>, vector<16xf32>,
      tpu.vector_store %arg7[%swap3A_378, %swap3A_379], %gather3A_337 {strides = array<i32>} : memref<64x512xf32, #tpu.memory_space<vmem>>, vector<16xf32>,
      %mul3A_381 = arith.constant 16 : i32
      %mul3A_382 = arith.muli %scan3A_271, %mul3A_381 : i32
      %swap3A_383 = arith.constant 15 : i32
      %swap3A_384 = arith.index_cast %swap3A_383 : i32 to index
      %swap3A_385 = arith.index_cast %mul3A_382 : i32 to index
      %swap3A_386 = tpu.vector_load %arg7[%swap3A_384, %swap3A_385] {strides = array<i32>} : memref<64x512xf32, #tpu.memory_space<vmem>>, vector<16xf32>,
      tpu.vector_store %arg7[%swap3A_384, %swap3A_385], %gather3A_338 {strides = array<i32>} : memref<64x512xf32, #tpu.memory_space<vmem>>, vector<16xf32>,
      %gather3A_387 = tpu.vector_load_idx %arg5[%broadcast_in_dim3A_35, %get3A_276] : memref<64x512xf32, #tpu.memory_space<vmem>>[vector<16xi32>, vector<16xi32>], vector<16xf32>,
      %gather3A_388 = tpu.vector_load_idx %arg5[%broadcast_in_dim3A_37, %get3A_276] : memref<64x512xf32, #tpu.memory_space<vmem>>[vector<16xi32>, vector<16xi32>], vector<16xf32>,
      %gather3A_389 = tpu.vector_load_idx %arg5[%broadcast_in_dim3A_39, %get3A_276] : memref<64x512xf32, #tpu.memory_space<vmem>>[vector<16xi32>, vector<16xi32>], vector<16xf32>,
      %gather3A_390 = tpu.vector_load_idx %arg5[%broadcast_in_dim3A_41, %get3A_276] : memref<64x512xf32, #tpu.memory_space<vmem>>[vector<16xi32>, vector<16xi32>], vector<16xf32>,
      %gather3A_391 = tpu.vector_load_idx %arg5[%broadcast_in_dim3A_43, %get3A_276] : memref<64x512xf32, #tpu.memory_space<vmem>>[vector<16xi32>, vector<16xi32>], vector<16xf32>,
      %gather3A_392 = tpu.vector_load_idx %arg5[%broadcast_in_dim3A_45, %get3A_276] : memref<64x512xf32, #tpu.memory_space<vmem>>[vector<16xi32>, vector<16xi32>], vector<16xf32>,
      %gather3A_393 = tpu.vector_load_idx %arg5[%broadcast_in_dim3A_47, %get3A_276] : memref<64x512xf32, #tpu.memory_space<vmem>>[vector<16xi32>, vector<16xi32>], vector<16xf32>,
      %gather3A_394 = tpu.vector_load_idx %arg5[%broadcast_in_dim3A_49, %get3A_276] : memref<64x512xf32, #tpu.memory_space<vmem>>[vector<16xi32>, vector<16xi32>], vector<16xf32>,
      %mul3A_395 = arith.constant 16 : i32
      %mul3A_396 = arith.muli %scan3A_271, %mul3A_395 : i32
      %swap3A_397 = arith.constant 16 : i32
      %swap3A_398 = arith.index_cast %swap3A_397 : i32 to index
      %swap3A_399 = arith.index_cast %mul3A_396 : i32 to index
      %swap3A_400 = tpu.vector_load %arg7[%swap3A_398, %swap3A_399] {strides = array<i32>} : memref<64x512xf32, #tpu.memory_space<vmem>>, vector<16xf32>,
      tpu.vector_store %arg7[%swap3A_398, %swap3A_399], %gather3A_387 {strides = array<i32>} : memref<64x512xf32, #tpu.memory_space<vmem>>, vector<16xf32>,
      %mul3A_401 = arith.constant 16 : i32
      %mul3A_402 = arith.muli %scan3A_271, %mul3A_401 : i32
      %swap3A_403 = arith.constant 17 : i32
      %swap3A_404 = arith.index_cast %swap3A_403 : i32 to index
      %swap3A_405 = arith.index_cast %mul3A_402 : i32 to index
      %swap3A_406 = tpu.vector_load %arg7[%swap3A_404, %swap3A_405] {strides = array<i32>} : memref<64x512xf32, #tpu.memory_space<vmem>>, vector<16xf32>,
      tpu.vector_store %arg7[%swap3A_404, %swap3A_405], %gather3A_388 {strides = array<i32>} : memref<64x512xf32, #tpu.memory_space<vmem>>, vector<16xf32>,
      %mul3A_407 = arith.constant 16 : i32
      %mul3A_408 = arith.muli %scan3A_271, %mul3A_407 : i32
      %swap3A_409 = arith.constant 18 : i32
      %swap3A_410 = arith.index_cast %swap3A_409 : i32 to index
      %swap3A_411 = arith.index_cast %mul3A_408 : i32 to index
      %swap3A_412 = tpu.vector_load %arg7[%swap3A_410, %swap3A_411] {strides = array<i32>} : memref<64x512xf32, #tpu.memory_space<vmem>>, vector<16xf32>,
      tpu.vector_store %arg7[%swap3A_410, %swap3A_411], %gather3A_389 {strides = array<i32>} : memref<64x512xf32, #tpu.memory_space<vmem>>, vector<16xf32>,
      %mul3A_413 = arith.constant 16 : i32
      %mul3A_414 = arith.muli %scan3A_271, %mul3A_413 : i32
      %swap3A_415 = arith.constant 19 : i32
      %swap3A_416 = arith.index_cast %swap3A_415 : i32 to index
      %swap3A_417 = arith.index_cast %mul3A_414 : i32 to index
      %swap3A_418 = tpu.vector_load %arg7[%swap3A_416, %swap3A_417] {strides = array<i32>} : memref<64x512xf32, #tpu.memory_space<vmem>>, vector<16xf32>,
      tpu.vector_store %arg7[%swap3A_416, %swap3A_417], %gather3A_390 {strides = array<i32>} : memref<64x512xf32, #tpu.memory_space<vmem>>, vector<16xf32>,
      %mul3A_419 = arith.constant 16 : i32
      %mul3A_420 = arith.muli %scan3A_271, %mul3A_419 : i32
      %swap3A_421 = arith.constant 20 : i32
      %swap3A_422 = arith.index_cast %swap3A_421 : i32 to index
      %swap3A_423 = arith.index_cast %mul3A_420 : i32 to index
      %swap3A_424 = tpu.vector_load %arg7[%swap3A_422, %swap3A_423] {strides = array<i32>} : memref<64x512xf32, #tpu.memory_space<vmem>>, vector<16xf32>,
      tpu.vector_store %arg7[%swap3A_422, %swap3A_423], %gather3A_391 {strides = array<i32>} : memref<64x512xf32, #tpu.memory_space<vmem>>, vector<16xf32>,
      %mul3A_425 = arith.constant 16 : i32
      %mul3A_426 = arith.muli %scan3A_271, %mul3A_425 : i32
      %swap3A_427 = arith.constant 21 : i32
      %swap3A_428 = arith.index_cast %swap3A_427 : i32 to index
      %swap3A_429 = arith.index_cast %mul3A_426 : i32 to index
      %swap3A_430 = tpu.vector_load %arg7[%swap3A_428, %swap3A_429] {strides = array<i32>} : memref<64x512xf32, #tpu.memory_space<vmem>>, vector<16xf32>,
      tpu.vector_store %arg7[%swap3A_428, %swap3A_429], %gather3A_392 {strides = array<i32>} : memref<64x512xf32, #tpu.memory_space<vmem>>, vector<16xf32>,
      %mul3A_431 = arith.constant 16 : i32
      %mul3A_432 = arith.muli %scan3A_271, %mul3A_431 : i32
      %swap3A_433 = arith.constant 22 : i32
      %swap3A_434 = arith.index_cast %swap3A_433 : i32 to index
      %swap3A_435 = arith.index_cast %mul3A_432 : i32 to index
      %swap3A_436 = tpu.vector_load %arg7[%swap3A_434, %swap3A_435] {strides = array<i32>} : memref<64x512xf32, #tpu.memory_space<vmem>>, vector<16xf32>,
      tpu.vector_store %arg7[%swap3A_434, %swap3A_435], %gather3A_393 {strides = array<i32>} : memref<64x512xf32, #tpu.memory_space<vmem>>, vector<16xf32>,
      %mul3A_437 = arith.constant 16 : i32
      %mul3A_438 = arith.muli %scan3A_271, %mul3A_437 : i32
      %swap3A_439 = arith.constant 23 : i32
      %swap3A_440 = arith.index_cast %swap3A_439 : i32 to index
      %swap3A_441 = arith.index_cast %mul3A_438 : i32 to index
      %swap3A_442 = tpu.vector_load %arg7[%swap3A_440, %swap3A_441] {strides = array<i32>} : memref<64x512xf32, #tpu.memory_space<vmem>>, vector<16xf32>,
      tpu.vector_store %arg7[%swap3A_440, %swap3A_441], %gather3A_394 {strides = array<i32>} : memref<64x512xf32, #tpu.memory_space<vmem>>, vector<16xf32>,
      %gather3A_443 = tpu.vector_load_idx %arg5[%broadcast_in_dim3A_51, %get3A_276] : memref<64x512xf32, #tpu.memory_space<vmem>>[vector<16xi32>, vector<16xi32>], vector<16xf32>,
      %gather3A_444 = tpu.vector_load_idx %arg5[%broadcast_in_dim3A_53, %get3A_276] : memref<64x512xf32, #tpu.memory_space<vmem>>[vector<16xi32>, vector<16xi32>], vector<16xf32>,
      %gather3A_445 = tpu.vector_load_idx %arg5[%broadcast_in_dim3A_55, %get3A_276] : memref<64x512xf32, #tpu.memory_space<vmem>>[vector<16xi32>, vector<16xi32>], vector<16xf32>,
      %gather3A_446 = tpu.vector_load_idx %arg5[%broadcast_in_dim3A_57, %get3A_276] : memref<64x512xf32, #tpu.memory_space<vmem>>[vector<16xi32>, vector<16xi32>], vector<16xf32>,
      %gather3A_447 = tpu.vector_load_idx %arg5[%broadcast_in_dim3A_59, %get3A_276] : memref<64x512xf32, #tpu.memory_space<vmem>>[vector<16xi32>, vector<16xi32>], vector<16xf32>,
      %gather3A_448 = tpu.vector_load_idx %arg5[%broadcast_in_dim3A_61, %get3A_276] : memref<64x512xf32, #tpu.memory_space<vmem>>[vector<16xi32>, vector<16xi32>], vector<16xf32>,
      %gather3A_449 = tpu.vector_load_idx %arg5[%broadcast_in_dim3A_63, %get3A_276] : memref<64x512xf32, #tpu.memory_space<vmem>>[vector<16xi32>, vector<16xi32>], vector<16xf32>,
      %gather3A_450 = tpu.vector_load_idx %arg5[%broadcast_in_dim3A_65, %get3A_276] : memref<64x512xf32, #tpu.memory_space<vmem>>[vector<16xi32>, vector<16xi32>], vector<16xf32>,
      %mul3A_451 = arith.constant 16 : i32
      %mul3A_452 = arith.muli %scan3A_271, %mul3A_451 : i32
      %swap3A_453 = arith.constant 24 : i32
      %swap3A_454 = arith.index_cast %swap3A_453 : i32 to index
      %swap3A_455 = arith.index_cast %mul3A_452 : i32 to index
      %swap3A_456 = tpu.vector_load %arg7[%swap3A_454, %swap3A_455] {strides = array<i32>} : memref<64x512xf32, #tpu.memory_space<vmem>>, vector<16xf32>,
      tpu.vector_store %arg7[%swap3A_454, %swap3A_455], %gather3A_443 {strides = array<i32>} : memref<64x512xf32, #tpu.memory_space<vmem>>, vector<16xf32>,
      %mul3A_457 = arith.constant 16 : i32
      %mul3A_458 = arith.muli %scan3A_271, %mul3A_457 : i32
      %swap3A_459 = arith.constant 25 : i32
      %swap3A_460 = arith.index_cast %swap3A_459 : i32 to index
      %swap3A_461 = arith.index_cast %mul3A_458 : i32 to index
      %swap3A_462 = tpu.vector_load %arg7[%swap3A_460, %swap3A_461] {strides = array<i32>} : memref<64x512xf32, #tpu.memory_space<vmem>>, vector<16xf32>,
      tpu.vector_store %arg7[%swap3A_460, %swap3A_461], %gather3A_444 {strides = array<i32>} : memref<64x512xf32, #tpu.memory_space<vmem>>, vector<16xf32>,
      %mul3A_463 = arith.constant 16 : i32
      %mul3A_464 = arith.muli %scan3A_271, %mul3A_463 : i32
      %swap3A_465 = arith.constant 26 : i32
      %swap3A_466 = arith.index_cast %swap3A_465 : i32 to index
      %swap3A_467 = arith.index_cast %mul3A_464 : i32 to index
      %swap3A_468 = tpu.vector_load %arg7[%swap3A_466, %swap3A_467] {strides = array<i32>} : memref<64x512xf32, #tpu.memory_space<vmem>>, vector<16xf32>,
      tpu.vector_store %arg7[%swap3A_466, %swap3A_467], %gather3A_445 {strides = array<i32>} : memref<64x512xf32, #tpu.memory_space<vmem>>, vector<16xf32>,
      %mul3A_469 = arith.constant 16 : i32
      %mul3A_470 = arith.muli %scan3A_271, %mul3A_469 : i32
      %swap3A_471 = arith.constant 27 : i32
      %swap3A_472 = arith.index_cast %swap3A_471 : i32 to index
      %swap3A_473 = arith.index_cast %mul3A_470 : i32 to index
      %swap3A_474 = tpu.vector_load %arg7[%swap3A_472, %swap3A_473] {strides = array<i32>} : memref<64x512xf32, #tpu.memory_space<vmem>>, vector<16xf32>,
      tpu.vector_store %arg7[%swap3A_472, %swap3A_473], %gather3A_446 {strides = array<i32>} : memref<64x512xf32, #tpu.memory_space<vmem>>, vector<16xf32>,
      %mul3A_475 = arith.constant 16 : i32
      %mul3A_476 = arith.muli %scan3A_271, %mul3A_475 : i32
      %swap3A_477 = arith.constant 28 : i32
      %swap3A_478 = arith.index_cast %swap3A_477 : i32 to index
      %swap3A_479 = arith.index_cast %mul3A_476 : i32 to index
      %swap3A_480 = tpu.vector_load %arg7[%swap3A_478, %swap3A_479] {strides = array<i32>} : memref<64x512xf32, #tpu.memory_space<vmem>>, vector<16xf32>,
      tpu.vector_store %arg7[%swap3A_478, %swap3A_479], %gather3A_447 {strides = array<i32>} : memref<64x512xf32, #tpu.memory_space<vmem>>, vector<16xf32>,
      %mul3A_481 = arith.constant 16 : i32
      %mul3A_482 = arith.muli %scan3A_271, %mul3A_481 : i32
      %swap3A_483 = arith.constant 29 : i32
      %swap3A_484 = arith.index_cast %swap3A_483 : i32 to index
      %swap3A_485 = arith.index_cast %mul3A_482 : i32 to index
      %swap3A_486 = tpu.vector_load %arg7[%swap3A_484, %swap3A_485] {strides = array<i32>} : memref<64x512xf32, #tpu.memory_space<vmem>>, vector<16xf32>,
      tpu.vector_store %arg7[%swap3A_484, %swap3A_485], %gather3A_448 {strides = array<i32>} : memref<64x512xf32, #tpu.memory_space<vmem>>, vector<16xf32>,
      %mul3A_487 = arith.constant 16 : i32
      %mul3A_488 = arith.muli %scan3A_271, %mul3A_487 : i32
      %swap3A_489 = arith.constant 30 : i32
      %swap3A_490 = arith.index_cast %swap3A_489 : i32 to index
      %swap3A_491 = arith.index_cast %mul3A_488 : i32 to index
      %swap3A_492 = tpu.vector_load %arg7[%swap3A_490, %swap3A_491] {strides = array<i32>} : memref<64x512xf32, #tpu.memory_space<vmem>>, vector<16xf32>,
      tpu.vector_store %arg7[%swap3A_490, %swap3A_491], %gather3A_449 {strides = array<i32>} : memref<64x512xf32, #tpu.memory_space<vmem>>, vector<16xf32>,
      %mul3A_493 = arith.constant 16 : i32
      %mul3A_494 = arith.muli %scan3A_271, %mul3A_493 : i32
      %swap3A_495 = arith.constant 31 : i32
      %swap3A_496 = arith.index_cast %swap3A_495 : i32 to index
      %swap3A_497 = arith.index_cast %mul3A_494 : i32 to index
      %swap3A_498 = tpu.vector_load %arg7[%swap3A_496, %swap3A_497] {strides = array<i32>} : memref<64x512xf32, #tpu.memory_space<vmem>>, vector<16xf32>,
      tpu.vector_store %arg7[%swap3A_496, %swap3A_497], %gather3A_450 {strides = array<i32>} : memref<64x512xf32, #tpu.memory_space<vmem>>, vector<16xf32>,
      %gather3A_499 = tpu.vector_load_idx %arg5[%broadcast_in_dim3A_67, %get3A_276] : memref<64x512xf32, #tpu.memory_space<vmem>>[vector<16xi32>, vector<16xi32>], vector<16xf32>,
      %gather3A_500 = tpu.vector_load_idx %arg5[%broadcast_in_dim3A_69, %get3A_276] : memref<64x512xf32, #tpu.memory_space<vmem>>[vector<16xi32>, vector<16xi32>], vector<16xf32>,
      %gather3A_501 = tpu.vector_load_idx %arg5[%broadcast_in_dim3A_71, %get3A_276] : memref<64x512xf32, #tpu.memory_space<vmem>>[vector<16xi32>, vector<16xi32>], vector<16xf32>,
      %gather3A_502 = tpu.vector_load_idx %arg5[%broadcast_in_dim3A_73, %get3A_276] : memref<64x512xf32, #tpu.memory_space<vmem>>[vector<16xi32>, vector<16xi32>], vector<16xf32>,
      %gather3A_503 = tpu.vector_load_idx %arg5[%broadcast_in_dim3A_75, %get3A_276] : memref<64x512xf32, #tpu.memory_space<vmem>>[vector<16xi32>, vector<16xi32>], vector<16xf32>,
      %gather3A_504 = tpu.vector_load_idx %arg5[%broadcast_in_dim3A_77, %get3A_276] : memref<64x512xf32, #tpu.memory_space<vmem>>[vector<16xi32>, vector<16xi32>], vector<16xf32>,
      %gather3A_505 = tpu.vector_load_idx %arg5[%broadcast_in_dim3A_79, %get3A_276] : memref<64x512xf32, #tpu.memory_space<vmem>>[vector<16xi32>, vector<16xi32>], vector<16xf32>,
      %gather3A_506 = tpu.vector_load_idx %arg5[%broadcast_in_dim3A_81, %get3A_276] : memref<64x512xf32, #tpu.memory_space<vmem>>[vector<16xi32>, vector<16xi32>], vector<16xf32>,
      %mul3A_507 = arith.constant 16 : i32
      %mul3A_508 = arith.muli %scan3A_271, %mul3A_507 : i32
      %swap3A_509 = arith.constant 32 : i32
      %swap3A_510 = arith.index_cast %swap3A_509 : i32 to index
      %swap3A_511 = arith.index_cast %mul3A_508 : i32 to index
      %swap3A_512 = tpu.vector_load %arg7[%swap3A_510, %swap3A_511] {strides = array<i32>} : memref<64x512xf32, #tpu.memory_space<vmem>>, vector<16xf32>,
      tpu.vector_store %arg7[%swap3A_510, %swap3A_511], %gather3A_499 {strides = array<i32>} : memref<64x512xf32, #tpu.memory_space<vmem>>, vector<16xf32>,
      %mul3A_513 = arith.constant 16 : i32
      %mul3A_514 = arith.muli %scan3A_271, %mul3A_513 : i32
      %swap3A_515 = arith.constant 33 : i32
      %swap3A_516 = arith.index_cast %swap3A_515 : i32 to index
      %swap3A_517 = arith.index_cast %mul3A_514 : i32 to index
      %swap3A_518 = tpu.vector_load %arg7[%swap3A_516, %swap3A_517] {strides = array<i32>} : memref<64x512xf32, #tpu.memory_space<vmem>>, vector<16xf32>,
      tpu.vector_store %arg7[%swap3A_516, %swap3A_517], %gather3A_500 {strides = array<i32>} : memref<64x512xf32, #tpu.memory_space<vmem>>, vector<16xf32>,
      %mul3A_519 = arith.constant 16 : i32
      %mul3A_520 = arith.muli %scan3A_271, %mul3A_519 : i32
      %swap3A_521 = arith.constant 34 : i32
      %swap3A_522 = arith.index_cast %swap3A_521 : i32 to index
      %swap3A_523 = arith.index_cast %mul3A_520 : i32 to index
      %swap3A_524 = tpu.vector_load %arg7[%swap3A_522, %swap3A_523] {strides = array<i32>} : memref<64x512xf32, #tpu.memory_space<vmem>>, vector<16xf32>,
      tpu.vector_store %arg7[%swap3A_522, %swap3A_523], %gather3A_501 {strides = array<i32>} : memref<64x512xf32, #tpu.memory_space<vmem>>, vector<16xf32>,
      %mul3A_525 = arith.constant 16 : i32
      %mul3A_526 = arith.muli %scan3A_271, %mul3A_525 : i32
      %swap3A_527 = arith.constant 35 : i32
      %swap3A_528 = arith.index_cast %swap3A_527 : i32 to index
      %swap3A_529 = arith.index_cast %mul3A_526 : i32 to index
      %swap3A_530 = tpu.vector_load %arg7[%swap3A_528, %swap3A_529] {strides = array<i32>} : memref<64x512xf32, #tpu.memory_space<vmem>>, vector<16xf32>,
      tpu.vector_store %arg7[%swap3A_528, %swap3A_529], %gather3A_502 {strides = array<i32>} : memref<64x512xf32, #tpu.memory_space<vmem>>, vector<16xf32>,
      %mul3A_531 = arith.constant 16 : i32
      %mul3A_532 = arith.muli %scan3A_271, %mul3A_531 : i32
      %swap3A_533 = arith.constant 36 : i32
      %swap3A_534 = arith.index_cast %swap3A_533 : i32 to index
      %swap3A_535 = arith.index_cast %mul3A_532 : i32 to index
      %swap3A_536 = tpu.vector_load %arg7[%swap3A_534, %swap3A_535] {strides = array<i32>} : memref<64x512xf32, #tpu.memory_space<vmem>>, vector<16xf32>,
      tpu.vector_store %arg7[%swap3A_534, %swap3A_535], %gather3A_503 {strides = array<i32>} : memref<64x512xf32, #tpu.memory_space<vmem>>, vector<16xf32>,
      %mul3A_537 = arith.constant 16 : i32
      %mul3A_538 = arith.muli %scan3A_271, %mul3A_537 : i32
      %swap3A_539 = arith.constant 37 : i32
      %swap3A_540 = arith.index_cast %swap3A_539 : i32 to index
      %swap3A_541 = arith.index_cast %mul3A_538 : i32 to index
      %swap3A_542 = tpu.vector_load %arg7[%swap3A_540, %swap3A_541] {strides = array<i32>} : memref<64x512xf32, #tpu.memory_space<vmem>>, vector<16xf32>,
      tpu.vector_store %arg7[%swap3A_540, %swap3A_541], %gather3A_504 {strides = array<i32>} : memref<64x512xf32, #tpu.memory_space<vmem>>, vector<16xf32>,
      %mul3A_543 = arith.constant 16 : i32
      %mul3A_544 = arith.muli %scan3A_271, %mul3A_543 : i32
      %swap3A_545 = arith.constant 38 : i32
      %swap3A_546 = arith.index_cast %swap3A_545 : i32 to index
      %swap3A_547 = arith.index_cast %mul3A_544 : i32 to index
      %swap3A_548 = tpu.vector_load %arg7[%swap3A_546, %swap3A_547] {strides = array<i32>} : memref<64x512xf32, #tpu.memory_space<vmem>>, vector<16xf32>,
      tpu.vector_store %arg7[%swap3A_546, %swap3A_547], %gather3A_505 {strides = array<i32>} : memref<64x512xf32, #tpu.memory_space<vmem>>, vector<16xf32>,
      %mul3A_549 = arith.constant 16 : i32
      %mul3A_550 = arith.muli %scan3A_271, %mul3A_549 : i32
      %swap3A_551 = arith.constant 39 : i32
      %swap3A_552 = arith.index_cast %swap3A_551 : i32 to index
      %swap3A_553 = arith.index_cast %mul3A_550 : i32 to index
      %swap3A_554 = tpu.vector_load %arg7[%swap3A_552, %swap3A_553] {strides = array<i32>} : memref<64x512xf32, #tpu.memory_space<vmem>>, vector<16xf32>,
      tpu.vector_store %arg7[%swap3A_552, %swap3A_553], %gather3A_506 {strides = array<i32>} : memref<64x512xf32, #tpu.memory_space<vmem>>, vector<16xf32>,
      %gather3A_555 = tpu.vector_load_idx %arg5[%broadcast_in_dim3A_83, %get3A_276] : memref<64x512xf32, #tpu.memory_space<vmem>>[vector<16xi32>, vector<16xi32>], vector<16xf32>,
      %gather3A_556 = tpu.vector_load_idx %arg5[%broadcast_in_dim3A_85, %get3A_276] : memref<64x512xf32, #tpu.memory_space<vmem>>[vector<16xi32>, vector<16xi32>], vector<16xf32>,
      %gather3A_557 = tpu.vector_load_idx %arg5[%broadcast_in_dim3A_87, %get3A_276] : memref<64x512xf32, #tpu.memory_space<vmem>>[vector<16xi32>, vector<16xi32>], vector<16xf32>,
      %gather3A_558 = tpu.vector_load_idx %arg5[%broadcast_in_dim3A_89, %get3A_276] : memref<64x512xf32, #tpu.memory_space<vmem>>[vector<16xi32>, vector<16xi32>], vector<16xf32>,
      %gather3A_559 = tpu.vector_load_idx %arg5[%broadcast_in_dim3A_91, %get3A_276] : memref<64x512xf32, #tpu.memory_space<vmem>>[vector<16xi32>, vector<16xi32>], vector<16xf32>,
      %gather3A_560 = tpu.vector_load_idx %arg5[%broadcast_in_dim3A_93, %get3A_276] : memref<64x512xf32, #tpu.memory_space<vmem>>[vector<16xi32>, vector<16xi32>], vector<16xf32>,
      %gather3A_561 = tpu.vector_load_idx %arg5[%broadcast_in_dim3A_95, %get3A_276] : memref<64x512xf32, #tpu.memory_space<vmem>>[vector<16xi32>, vector<16xi32>], vector<16xf32>,
      %gather3A_562 = tpu.vector_load_idx %arg5[%broadcast_in_dim3A_97, %get3A_276] : memref<64x512xf32, #tpu.memory_space<vmem>>[vector<16xi32>, vector<16xi32>], vector<16xf32>,
      %mul3A_563 = arith.constant 16 : i32
      %mul3A_564 = arith.muli %scan3A_271, %mul3A_563 : i32
      %swap3A_565 = arith.constant 40 : i32
      %swap3A_566 = arith.index_cast %swap3A_565 : i32 to index
      %swap3A_567 = arith.index_cast %mul3A_564 : i32 to index
      %swap3A_568 = tpu.vector_load %arg7[%swap3A_566, %swap3A_567] {strides = array<i32>} : memref<64x512xf32, #tpu.memory_space<vmem>>, vector<16xf32>,
      tpu.vector_store %arg7[%swap3A_566, %swap3A_567], %gather3A_555 {strides = array<i32>} : memref<64x512xf32, #tpu.memory_space<vmem>>, vector<16xf32>,
      %mul3A_569 = arith.constant 16 : i32
      %mul3A_570 = arith.muli %scan3A_271, %mul3A_569 : i32
      %swap3A_571 = arith.constant 41 : i32
      %swap3A_572 = arith.index_cast %swap3A_571 : i32 to index
      %swap3A_573 = arith.index_cast %mul3A_570 : i32 to index
      %swap3A_574 = tpu.vector_load %arg7[%swap3A_572, %swap3A_573] {strides = array<i32>} : memref<64x512xf32, #tpu.memory_space<vmem>>, vector<16xf32>,
      tpu.vector_store %arg7[%swap3A_572, %swap3A_573], %gather3A_556 {strides = array<i32>} : memref<64x512xf32, #tpu.memory_space<vmem>>, vector<16xf32>,
      %mul3A_575 = arith.constant 16 : i32
      %mul3A_576 = arith.muli %scan3A_271, %mul3A_575 : i32
      %swap3A_577 = arith.constant 42 : i32
      %swap3A_578 = arith.index_cast %swap3A_577 : i32 to index
      %swap3A_579 = arith.index_cast %mul3A_576 : i32 to index
      %swap3A_580 = tpu.vector_load %arg7[%swap3A_578, %swap3A_579] {strides = array<i32>} : memref<64x512xf32, #tpu.memory_space<vmem>>, vector<16xf32>,
      tpu.vector_store %arg7[%swap3A_578, %swap3A_579], %gather3A_557 {strides = array<i32>} : memref<64x512xf32, #tpu.memory_space<vmem>>, vector<16xf32>,
      %mul3A_581 = arith.constant 16 : i32
      %mul3A_582 = arith.muli %scan3A_271, %mul3A_581 : i32
      %swap3A_583 = arith.constant 43 : i32
      %swap3A_584 = arith.index_cast %swap3A_583 : i32 to index
      %swap3A_585 = arith.index_cast %mul3A_582 : i32 to index
      %swap3A_586 = tpu.vector_load %arg7[%swap3A_584, %swap3A_585] {strides = array<i32>} : memref<64x512xf32, #tpu.memory_space<vmem>>, vector<16xf32>,
      tpu.vector_store %arg7[%swap3A_584, %swap3A_585], %gather3A_558 {strides = array<i32>} : memref<64x512xf32, #tpu.memory_space<vmem>>, vector<16xf32>,
      %mul3A_587 = arith.constant 16 : i32
      %mul3A_588 = arith.muli %scan3A_271, %mul3A_587 : i32
      %swap3A_589 = arith.constant 44 : i32
      %swap3A_590 = arith.index_cast %swap3A_589 : i32 to index
      %swap3A_591 = arith.index_cast %mul3A_588 : i32 to index
      %swap3A_592 = tpu.vector_load %arg7[%swap3A_590, %swap3A_591] {strides = array<i32>} : memref<64x512xf32, #tpu.memory_space<vmem>>, vector<16xf32>,
      tpu.vector_store %arg7[%swap3A_590, %swap3A_591], %gather3A_559 {strides = array<i32>} : memref<64x512xf32, #tpu.memory_space<vmem>>, vector<16xf32>,
      %mul3A_593 = arith.constant 16 : i32
      %mul3A_594 = arith.muli %scan3A_271, %mul3A_593 : i32
      %swap3A_595 = arith.constant 45 : i32
      %swap3A_596 = arith.index_cast %swap3A_595 : i32 to index
      %swap3A_597 = arith.index_cast %mul3A_594 : i32 to index
      %swap3A_598 = tpu.vector_load %arg7[%swap3A_596, %swap3A_597] {strides = array<i32>} : memref<64x512xf32, #tpu.memory_space<vmem>>, vector<16xf32>,
      tpu.vector_store %arg7[%swap3A_596, %swap3A_597], %gather3A_560 {strides = array<i32>} : memref<64x512xf32, #tpu.memory_space<vmem>>, vector<16xf32>,
      %mul3A_599 = arith.constant 16 : i32
      %mul3A_600 = arith.muli %scan3A_271, %mul3A_599 : i32
      %swap3A_601 = arith.constant 46 : i32
      %swap3A_602 = arith.index_cast %swap3A_601 : i32 to index
      %swap3A_603 = arith.index_cast %mul3A_600 : i32 to index
      %swap3A_604 = tpu.vector_load %arg7[%swap3A_602, %swap3A_603] {strides = array<i32>} : memref<64x512xf32, #tpu.memory_space<vmem>>, vector<16xf32>,
      tpu.vector_store %arg7[%swap3A_602, %swap3A_603], %gather3A_561 {strides = array<i32>} : memref<64x512xf32, #tpu.memory_space<vmem>>, vector<16xf32>,
      %mul3A_605 = arith.constant 16 : i32
      %mul3A_606 = arith.muli %scan3A_271, %mul3A_605 : i32
      %swap3A_607 = arith.constant 47 : i32
      %swap3A_608 = arith.index_cast %swap3A_607 : i32 to index
      %swap3A_609 = arith.index_cast %mul3A_606 : i32 to index
      %swap3A_610 = tpu.vector_load %arg7[%swap3A_608, %swap3A_609] {strides = array<i32>} : memref<64x512xf32, #tpu.memory_space<vmem>>, vector<16xf32>,
      tpu.vector_store %arg7[%swap3A_608, %swap3A_609], %gather3A_562 {strides = array<i32>} : memref<64x512xf32, #tpu.memory_space<vmem>>, vector<16xf32>,
      %gather3A_611 = tpu.vector_load_idx %arg5[%broadcast_in_dim3A_99, %get3A_276] : memref<64x512xf32, #tpu.memory_space<vmem>>[vector<16xi32>, vector<16xi32>], vector<16xf32>,
      %gather3A_612 = tpu.vector_load_idx %arg5[%broadcast_in_dim3A_101, %get3A_276] : memref<64x512xf32, #tpu.memory_space<vmem>>[vector<16xi32>, vector<16xi32>], vector<16xf32>,
      %gather3A_613 = tpu.vector_load_idx %arg5[%broadcast_in_dim3A_103, %get3A_276] : memref<64x512xf32, #tpu.memory_space<vmem>>[vector<16xi32>, vector<16xi32>], vector<16xf32>,
      %gather3A_614 = tpu.vector_load_idx %arg5[%broadcast_in_dim3A_105, %get3A_276] : memref<64x512xf32, #tpu.memory_space<vmem>>[vector<16xi32>, vector<16xi32>], vector<16xf32>,
      %gather3A_615 = tpu.vector_load_idx %arg5[%broadcast_in_dim3A_107, %get3A_276] : memref<64x512xf32, #tpu.memory_space<vmem>>[vector<16xi32>, vector<16xi32>], vector<16xf32>,
      %gather3A_616 = tpu.vector_load_idx %arg5[%broadcast_in_dim3A_109, %get3A_276] : memref<64x512xf32, #tpu.memory_space<vmem>>[vector<16xi32>, vector<16xi32>], vector<16xf32>,
      %gather3A_617 = tpu.vector_load_idx %arg5[%broadcast_in_dim3A_111, %get3A_276] : memref<64x512xf32, #tpu.memory_space<vmem>>[vector<16xi32>, vector<16xi32>], vector<16xf32>,
      %gather3A_618 = tpu.vector_load_idx %arg5[%broadcast_in_dim3A_113, %get3A_276] : memref<64x512xf32, #tpu.memory_space<vmem>>[vector<16xi32>, vector<16xi32>], vector<16xf32>,
      %mul3A_619 = arith.constant 16 : i32
      %mul3A_620 = arith.muli %scan3A_271, %mul3A_619 : i32
      %swap3A_621 = arith.constant 48 : i32
      %swap3A_622 = arith.index_cast %swap3A_621 : i32 to index
      %swap3A_623 = arith.index_cast %mul3A_620 : i32 to index
      %swap3A_624 = tpu.vector_load %arg7[%swap3A_622, %swap3A_623] {strides = array<i32>} : memref<64x512xf32, #tpu.memory_space<vmem>>, vector<16xf32>,
      tpu.vector_store %arg7[%swap3A_622, %swap3A_623], %gather3A_611 {strides = array<i32>} : memref<64x512xf32, #tpu.memory_space<vmem>>, vector<16xf32>,
      %mul3A_625 = arith.constant 16 : i32
      %mul3A_626 = arith.muli %scan3A_271, %mul3A_625 : i32
      %swap3A_627 = arith.constant 49 : i32
      %swap3A_628 = arith.index_cast %swap3A_627 : i32 to index
      %swap3A_629 = arith.index_cast %mul3A_626 : i32 to index
      %swap3A_630 = tpu.vector_load %arg7[%swap3A_628, %swap3A_629] {strides = array<i32>} : memref<64x512xf32, #tpu.memory_space<vmem>>, vector<16xf32>,
      tpu.vector_store %arg7[%swap3A_628, %swap3A_629], %gather3A_612 {strides = array<i32>} : memref<64x512xf32, #tpu.memory_space<vmem>>, vector<16xf32>,
      %mul3A_631 = arith.constant 16 : i32
      %mul3A_632 = arith.muli %scan3A_271, %mul3A_631 : i32
      %swap3A_633 = arith.constant 50 : i32
      %swap3A_634 = arith.index_cast %swap3A_633 : i32 to index
      %swap3A_635 = arith.index_cast %mul3A_632 : i32 to index
      %swap3A_636 = tpu.vector_load %arg7[%swap3A_634, %swap3A_635] {strides = array<i32>} : memref<64x512xf32, #tpu.memory_space<vmem>>, vector<16xf32>,
      tpu.vector_store %arg7[%swap3A_634, %swap3A_635], %gather3A_613 {strides = array<i32>} : memref<64x512xf32, #tpu.memory_space<vmem>>, vector<16xf32>,
      %mul3A_637 = arith.constant 16 : i32
      %mul3A_638 = arith.muli %scan3A_271, %mul3A_637 : i32
      %swap3A_639 = arith.constant 51 : i32
      %swap3A_640 = arith.index_cast %swap3A_639 : i32 to index
      %swap3A_641 = arith.index_cast %mul3A_638 : i32 to index
      %swap3A_642 = tpu.vector_load %arg7[%swap3A_640, %swap3A_641] {strides = array<i32>} : memref<64x512xf32, #tpu.memory_space<vmem>>, vector<16xf32>,
      tpu.vector_store %arg7[%swap3A_640, %swap3A_641], %gather3A_614 {strides = array<i32>} : memref<64x512xf32, #tpu.memory_space<vmem>>, vector<16xf32>,
      %mul3A_643 = arith.constant 16 : i32
      %mul3A_644 = arith.muli %scan3A_271, %mul3A_643 : i32
      %swap3A_645 = arith.constant 52 : i32
      %swap3A_646 = arith.index_cast %swap3A_645 : i32 to index
      %swap3A_647 = arith.index_cast %mul3A_644 : i32 to index
      %swap3A_648 = tpu.vector_load %arg7[%swap3A_646, %swap3A_647] {strides = array<i32>} : memref<64x512xf32, #tpu.memory_space<vmem>>, vector<16xf32>,
      tpu.vector_store %arg7[%swap3A_646, %swap3A_647], %gather3A_615 {strides = array<i32>} : memref<64x512xf32, #tpu.memory_space<vmem>>, vector<16xf32>,
      %mul3A_649 = arith.constant 16 : i32
      %mul3A_650 = arith.muli %scan3A_271, %mul3A_649 : i32
      %swap3A_651 = arith.constant 53 : i32
      %swap3A_652 = arith.index_cast %swap3A_651 : i32 to index
      %swap3A_653 = arith.index_cast %mul3A_650 : i32 to index
      %swap3A_654 = tpu.vector_load %arg7[%swap3A_652, %swap3A_653] {strides = array<i32>} : memref<64x512xf32, #tpu.memory_space<vmem>>, vector<16xf32>,
      tpu.vector_store %arg7[%swap3A_652, %swap3A_653], %gather3A_616 {strides = array<i32>} : memref<64x512xf32, #tpu.memory_space<vmem>>, vector<16xf32>,
      %mul3A_655 = arith.constant 16 : i32
      %mul3A_656 = arith.muli %scan3A_271, %mul3A_655 : i32
      %swap3A_657 = arith.constant 54 : i32
      %swap3A_658 = arith.index_cast %swap3A_657 : i32 to index
      %swap3A_659 = arith.index_cast %mul3A_656 : i32 to index
      %swap3A_660 = tpu.vector_load %arg7[%swap3A_658, %swap3A_659] {strides = array<i32>} : memref<64x512xf32, #tpu.memory_space<vmem>>, vector<16xf32>,
      tpu.vector_store %arg7[%swap3A_658, %swap3A_659], %gather3A_617 {strides = array<i32>} : memref<64x512xf32, #tpu.memory_space<vmem>>, vector<16xf32>,
      %mul3A_661 = arith.constant 16 : i32
      %mul3A_662 = arith.muli %scan3A_271, %mul3A_661 : i32
      %swap3A_663 = arith.constant 55 : i32
      %swap3A_664 = arith.index_cast %swap3A_663 : i32 to index
      %swap3A_665 = arith.index_cast %mul3A_662 : i32 to index
      %swap3A_666 = tpu.vector_load %arg7[%swap3A_664, %swap3A_665] {strides = array<i32>} : memref<64x512xf32, #tpu.memory_space<vmem>>, vector<16xf32>,
      tpu.vector_store %arg7[%swap3A_664, %swap3A_665], %gather3A_618 {strides = array<i32>} : memref<64x512xf32, #tpu.memory_space<vmem>>, vector<16xf32>,
      %gather3A_667 = tpu.vector_load_idx %arg5[%broadcast_in_dim3A_115, %get3A_276] : memref<64x512xf32, #tpu.memory_space<vmem>>[vector<16xi32>, vector<16xi32>], vector<16xf32>,
      %gather3A_668 = tpu.vector_load_idx %arg5[%broadcast_in_dim3A_117, %get3A_276] : memref<64x512xf32, #tpu.memory_space<vmem>>[vector<16xi32>, vector<16xi32>], vector<16xf32>,
      %gather3A_669 = tpu.vector_load_idx %arg5[%broadcast_in_dim3A_119, %get3A_276] : memref<64x512xf32, #tpu.memory_space<vmem>>[vector<16xi32>, vector<16xi32>], vector<16xf32>,
      %gather3A_670 = tpu.vector_load_idx %arg5[%broadcast_in_dim3A_121, %get3A_276] : memref<64x512xf32, #tpu.memory_space<vmem>>[vector<16xi32>, vector<16xi32>], vector<16xf32>,
      %gather3A_671 = tpu.vector_load_idx %arg5[%broadcast_in_dim3A_123, %get3A_276] : memref<64x512xf32, #tpu.memory_space<vmem>>[vector<16xi32>, vector<16xi32>], vector<16xf32>,
      %gather3A_672 = tpu.vector_load_idx %arg5[%broadcast_in_dim3A_125, %get3A_276] : memref<64x512xf32, #tpu.memory_space<vmem>>[vector<16xi32>, vector<16xi32>], vector<16xf32>,
      %gather3A_673 = tpu.vector_load_idx %arg5[%broadcast_in_dim3A_127, %get3A_276] : memref<64x512xf32, #tpu.memory_space<vmem>>[vector<16xi32>, vector<16xi32>], vector<16xf32>,
      %gather3A_674 = tpu.vector_load_idx %arg5[%broadcast_in_dim3A_129, %get3A_276] : memref<64x512xf32, #tpu.memory_space<vmem>>[vector<16xi32>, vector<16xi32>], vector<16xf32>,
      %mul3A_675 = arith.constant 16 : i32
      %mul3A_676 = arith.muli %scan3A_271, %mul3A_675 : i32
      %swap3A_677 = arith.constant 56 : i32
      %swap3A_678 = arith.index_cast %swap3A_677 : i32 to index
      %swap3A_679 = arith.index_cast %mul3A_676 : i32 to index
      %swap3A_680 = tpu.vector_load %arg7[%swap3A_678, %swap3A_679] {strides = array<i32>} : memref<64x512xf32, #tpu.memory_space<vmem>>, vector<16xf32>,
      tpu.vector_store %arg7[%swap3A_678, %swap3A_679], %gather3A_667 {strides = array<i32>} : memref<64x512xf32, #tpu.memory_space<vmem>>, vector<16xf32>,
      %mul3A_681 = arith.constant 16 : i32
      %mul3A_682 = arith.muli %scan3A_271, %mul3A_681 : i32
      %swap3A_683 = arith.constant 57 : i32
      %swap3A_684 = arith.index_cast %swap3A_683 : i32 to index
      %swap3A_685 = arith.index_cast %mul3A_682 : i32 to index
      %swap3A_686 = tpu.vector_load %arg7[%swap3A_684, %swap3A_685] {strides = array<i32>} : memref<64x512xf32, #tpu.memory_space<vmem>>, vector<16xf32>,
      tpu.vector_store %arg7[%swap3A_684, %swap3A_685], %gather3A_668 {strides = array<i32>} : memref<64x512xf32, #tpu.memory_space<vmem>>, vector<16xf32>,
      %mul3A_687 = arith.constant 16 : i32
      %mul3A_688 = arith.muli %scan3A_271, %mul3A_687 : i32
      %swap3A_689 = arith.constant 58 : i32
      %swap3A_690 = arith.index_cast %swap3A_689 : i32 to index
      %swap3A_691 = arith.index_cast %mul3A_688 : i32 to index
      %swap3A_692 = tpu.vector_load %arg7[%swap3A_690, %swap3A_691] {strides = array<i32>} : memref<64x512xf32, #tpu.memory_space<vmem>>, vector<16xf32>,
      tpu.vector_store %arg7[%swap3A_690, %swap3A_691], %gather3A_669 {strides = array<i32>} : memref<64x512xf32, #tpu.memory_space<vmem>>, vector<16xf32>,
      %mul3A_693 = arith.constant 16 : i32
      %mul3A_694 = arith.muli %scan3A_271, %mul3A_693 : i32
      %swap3A_695 = arith.constant 59 : i32
      %swap3A_696 = arith.index_cast %swap3A_695 : i32 to index
      %swap3A_697 = arith.index_cast %mul3A_694 : i32 to index
      %swap3A_698 = tpu.vector_load %arg7[%swap3A_696, %swap3A_697] {strides = array<i32>} : memref<64x512xf32, #tpu.memory_space<vmem>>, vector<16xf32>,
      tpu.vector_store %arg7[%swap3A_696, %swap3A_697], %gather3A_670 {strides = array<i32>} : memref<64x512xf32, #tpu.memory_space<vmem>>, vector<16xf32>,
      %mul3A_699 = arith.constant 16 : i32
      %mul3A_700 = arith.muli %scan3A_271, %mul3A_699 : i32
      %swap3A_701 = arith.constant 60 : i32
      %swap3A_702 = arith.index_cast %swap3A_701 : i32 to index
      %swap3A_703 = arith.index_cast %mul3A_700 : i32 to index
      %swap3A_704 = tpu.vector_load %arg7[%swap3A_702, %swap3A_703] {strides = array<i32>} : memref<64x512xf32, #tpu.memory_space<vmem>>, vector<16xf32>,
      tpu.vector_store %arg7[%swap3A_702, %swap3A_703], %gather3A_671 {strides = array<i32>} : memref<64x512xf32, #tpu.memory_space<vmem>>, vector<16xf32>,
      %mul3A_705 = arith.constant 16 : i32
      %mul3A_706 = arith.muli %scan3A_271, %mul3A_705 : i32
      %swap3A_707 = arith.constant 61 : i32
      %swap3A_708 = arith.index_cast %swap3A_707 : i32 to index
      %swap3A_709 = arith.index_cast %mul3A_706 : i32 to index
      %swap3A_710 = tpu.vector_load %arg7[%swap3A_708, %swap3A_709] {strides = array<i32>} : memref<64x512xf32, #tpu.memory_space<vmem>>, vector<16xf32>,
      tpu.vector_store %arg7[%swap3A_708, %swap3A_709], %gather3A_672 {strides = array<i32>} : memref<64x512xf32, #tpu.memory_space<vmem>>, vector<16xf32>,
      %mul3A_711 = arith.constant 16 : i32
      %mul3A_712 = arith.muli %scan3A_271, %mul3A_711 : i32
      %swap3A_713 = arith.constant 62 : i32
      %swap3A_714 = arith.index_cast %swap3A_713 : i32 to index
      %swap3A_715 = arith.index_cast %mul3A_712 : i32 to index
      %swap3A_716 = tpu.vector_load %arg7[%swap3A_714, %swap3A_715] {strides = array<i32>} : memref<64x512xf32, #tpu.memory_space<vmem>>, vector<16xf32>,
      tpu.vector_store %arg7[%swap3A_714, %swap3A_715], %gather3A_673 {strides = array<i32>} : memref<64x512xf32, #tpu.memory_space<vmem>>, vector<16xf32>,
      %mul3A_717 = arith.constant 16 : i32
      %mul3A_718 = arith.muli %scan3A_271, %mul3A_717 : i32
      %swap3A_719 = arith.constant 63 : i32
      %swap3A_720 = arith.index_cast %swap3A_719 : i32 to index
      %swap3A_721 = arith.index_cast %mul3A_718 : i32 to index
      %swap3A_722 = tpu.vector_load %arg7[%swap3A_720, %swap3A_721] {strides = array<i32>} : memref<64x512xf32, #tpu.memory_space<vmem>>, vector<16xf32>,
      tpu.vector_store %arg7[%swap3A_720, %swap3A_721], %gather3A_674 {strides = array<i32>} : memref<64x512xf32, #tpu.memory_space<vmem>>, vector<16xf32>,
    }
    %scan3A_198 = arith.constant 32 : i32
    %add3A_199 = arith.constant 2048 : i32
    %add3A_200 = arith.addi %mul3A_2, %add3A_199 : i32
    %dma_start3A_201 = arith.constant 0 : i32
    %dma_start3A_202 = tpu.memref_slice %arg4[%dma_start3A_201, %add3A_200] : memref<64x131072xf32, #tpu.memory_space<hbm>> -> memref<64x512xf32, #tpu.memory_space<hbm>>
    %dma_start3A_203 = arith.constant 0 : i32
    %dma_start3A_204 = tpu.memref_slice %arg4[%dma_start3A_203, %add3A_200] : memref<64x131072xf32, #tpu.memory_space<hbm>> -> memref<64x512xf32, #tpu.memory_space<hbm>>
    tpu.enqueue_dma source(%arg7 : memref<64x512xf32, #tpu.memory_space<vmem>>) target(%dma_start3A_204 : memref<64x512xf32, #tpu.memory_space<hbm>>) target_semaphore(%arg9 : memref<!tpu.dma_semaphore, #tpu.memory_space<semaphore_mem>>)
    %add3A_205 = arith.constant 1536 : i32
    %add3A_206 = arith.addi %mul3A_2, %add3A_205 : i32
    %dma_wait3A_207 = arith.constant 0 : i32
    %dma_wait3A_208 = tpu.memref_slice %arg4[%dma_wait3A_207, %add3A_206] : memref<64x131072xf32, #tpu.memory_space<hbm>> -> memref<64x512xf32, #tpu.memory_space<hbm>>
    %dma_wait3A_209 = arith.constant 0 : i32
    %dma_wait3A_210 = tpu.memref_slice %arg4[%dma_wait3A_209, %add3A_206] : memref<64x131072xf32, #tpu.memory_space<hbm>> -> memref<64x512xf32, #tpu.memory_space<hbm>>
    tpu.wait_dma2 semaphore(%arg10 : memref<!tpu.dma_semaphore, #tpu.memory_space<semaphore_mem>>) src(%arg8 : memref<64x512xf32, #tpu.memory_space<vmem>>) dst(%dma_wait3A_210 : memref<64x512xf32, #tpu.memory_space<hbm>>)
    %scan3A_211 = arith.constant 0 : i32
    %scan3A_212 = arith.constant 0 : i32
    %scan3A_213 = arith.constant 32 : i32
    %scan3A_214 = arith.addi %scan3A_212, %scan3A_213 : i32
    %scan3A_215 = arith.constant 1 : i32
    scf.for %scan3A_271 = %scan3A_212 to %scan3A_214 step %scan3A_215  : i32 {
      %mul3A_272 = arith.constant 16 : i32
      %mul3A_273 = arith.muli %scan3A_271, %mul3A_272 : i32
      %add3A_274 = arith.constant 2560 : i32
      %add3A_275 = arith.addi %add3A_274, %mul3A_273 : i32
      %get3A = arith.index_cast %add3A_275 : i32 to index
      %get3A_276 = tpu.vector_load %arg6[%get3A] {strides = array<i32>} : memref<4096xi32, #tpu.memory_space<vmem>>, vector<16xi32>,
      %gather3A = tpu.vector_load_idx %arg5[%broadcast_in_dim3A_3, %get3A_276] : memref<64x512xf32, #tpu.memory_space<vmem>>[vector<16xi32>, vector<16xi32>], vector<16xf32>,
      %gather3A_277 = tpu.vector_load_idx %arg5[%broadcast_in_dim3A_5, %get3A_276] : memref<64x512xf32, #tpu.memory_space<vmem>>[vector<16xi32>, vector<16xi32>], vector<16xf32>,
      %gather3A_278 = tpu.vector_load_idx %arg5[%broadcast_in_dim3A_7, %get3A_276] : memref<64x512xf32, #tpu.memory_space<vmem>>[vector<16xi32>, vector<16xi32>], vector<16xf32>,
      %gather3A_279 = tpu.vector_load_idx %arg5[%broadcast_in_dim3A_9, %get3A_276] : memref<64x512xf32, #tpu.memory_space<vmem>>[vector<16xi32>, vector<16xi32>], vector<16xf32>,
      %gather3A_280 = tpu.vector_load_idx %arg5[%broadcast_in_dim3A_11, %get3A_276] : memref<64x512xf32, #tpu.memory_space<vmem>>[vector<16xi32>, vector<16xi32>], vector<16xf32>,
      %gather3A_281 = tpu.vector_load_idx %arg5[%broadcast_in_dim3A_13, %get3A_276] : memref<64x512xf32, #tpu.memory_space<vmem>>[vector<16xi32>, vector<16xi32>], vector<16xf32>,
      %gather3A_282 = tpu.vector_load_idx %arg5[%broadcast_in_dim3A_15, %get3A_276] : memref<64x512xf32, #tpu.memory_space<vmem>>[vector<16xi32>, vector<16xi32>], vector<16xf32>,
      %gather3A_283 = tpu.vector_load_idx %arg5[%broadcast_in_dim3A_17, %get3A_276] : memref<64x512xf32, #tpu.memory_space<vmem>>[vector<16xi32>, vector<16xi32>], vector<16xf32>,
      %mul3A_284 = arith.constant 16 : i32
      %mul3A_285 = arith.muli %scan3A_271, %mul3A_284 : i32
      %swap3A = arith.constant 0 : i32
      %swap3A_286 = arith.index_cast %swap3A : i32 to index
      %swap3A_287 = arith.index_cast %mul3A_285 : i32 to index
      %swap3A_288 = tpu.vector_load %arg8[%swap3A_286, %swap3A_287] {strides = array<i32>} : memref<64x512xf32, #tpu.memory_space<vmem>>, vector<16xf32>,
      tpu.vector_store %arg8[%swap3A_286, %swap3A_287], %gather3A {strides = array<i32>} : memref<64x512xf32, #tpu.memory_space<vmem>>, vector<16xf32>,
      %mul3A_289 = arith.constant 16 : i32
      %mul3A_290 = arith.muli %scan3A_271, %mul3A_289 : i32
      %swap3A_291 = arith.constant 1 : i32
      %swap3A_292 = arith.index_cast %swap3A_291 : i32 to index
      %swap3A_293 = arith.index_cast %mul3A_290 : i32 to index
      %swap3A_294 = tpu.vector_load %arg8[%swap3A_292, %swap3A_293] {strides = array<i32>} : memref<64x512xf32, #tpu.memory_space<vmem>>, vector<16xf32>,
      tpu.vector_store %arg8[%swap3A_292, %swap3A_293], %gather3A_277 {strides = array<i32>} : memref<64x512xf32, #tpu.memory_space<vmem>>, vector<16xf32>,
      %mul3A_295 = arith.constant 16 : i32
      %mul3A_296 = arith.muli %scan3A_271, %mul3A_295 : i32
      %swap3A_297 = arith.constant 2 : i32
      %swap3A_298 = arith.index_cast %swap3A_297 : i32 to index
      %swap3A_299 = arith.index_cast %mul3A_296 : i32 to index
      %swap3A_300 = tpu.vector_load %arg8[%swap3A_298, %swap3A_299] {strides = array<i32>} : memref<64x512xf32, #tpu.memory_space<vmem>>, vector<16xf32>,
      tpu.vector_store %arg8[%swap3A_298, %swap3A_299], %gather3A_278 {strides = array<i32>} : memref<64x512xf32, #tpu.memory_space<vmem>>, vector<16xf32>,
      %mul3A_301 = arith.constant 16 : i32
      %mul3A_302 = arith.muli %scan3A_271, %mul3A_301 : i32
      %swap3A_303 = arith.constant 3 : i32
      %swap3A_304 = arith.index_cast %swap3A_303 : i32 to index
      %swap3A_305 = arith.index_cast %mul3A_302 : i32 to index
      %swap3A_306 = tpu.vector_load %arg8[%swap3A_304, %swap3A_305] {strides = array<i32>} : memref<64x512xf32, #tpu.memory_space<vmem>>, vector<16xf32>,
      tpu.vector_store %arg8[%swap3A_304, %swap3A_305], %gather3A_279 {strides = array<i32>} : memref<64x512xf32, #tpu.memory_space<vmem>>, vector<16xf32>,
      %mul3A_307 = arith.constant 16 : i32
      %mul3A_308 = arith.muli %scan3A_271, %mul3A_307 : i32
      %swap3A_309 = arith.constant 4 : i32
      %swap3A_310 = arith.index_cast %swap3A_309 : i32 to index
      %swap3A_311 = arith.index_cast %mul3A_308 : i32 to index
      %swap3A_312 = tpu.vector_load %arg8[%swap3A_310, %swap3A_311] {strides = array<i32>} : memref<64x512xf32, #tpu.memory_space<vmem>>, vector<16xf32>,
      tpu.vector_store %arg8[%swap3A_310, %swap3A_311], %gather3A_280 {strides = array<i32>} : memref<64x512xf32, #tpu.memory_space<vmem>>, vector<16xf32>,
      %mul3A_313 = arith.constant 16 : i32
      %mul3A_314 = arith.muli %scan3A_271, %mul3A_313 : i32
      %swap3A_315 = arith.constant 5 : i32
      %swap3A_316 = arith.index_cast %swap3A_315 : i32 to index
      %swap3A_317 = arith.index_cast %mul3A_314 : i32 to index
      %swap3A_318 = tpu.vector_load %arg8[%swap3A_316, %swap3A_317] {strides = array<i32>} : memref<64x512xf32, #tpu.memory_space<vmem>>, vector<16xf32>,
      tpu.vector_store %arg8[%swap3A_316, %swap3A_317], %gather3A_281 {strides = array<i32>} : memref<64x512xf32, #tpu.memory_space<vmem>>, vector<16xf32>,
      %mul3A_319 = arith.constant 16 : i32
      %mul3A_320 = arith.muli %scan3A_271, %mul3A_319 : i32
      %swap3A_321 = arith.constant 6 : i32
      %swap3A_322 = arith.index_cast %swap3A_321 : i32 to index
      %swap3A_323 = arith.index_cast %mul3A_320 : i32 to index
      %swap3A_324 = tpu.vector_load %arg8[%swap3A_322, %swap3A_323] {strides = array<i32>} : memref<64x512xf32, #tpu.memory_space<vmem>>, vector<16xf32>,
      tpu.vector_store %arg8[%swap3A_322, %swap3A_323], %gather3A_282 {strides = array<i32>} : memref<64x512xf32, #tpu.memory_space<vmem>>, vector<16xf32>,
      %mul3A_325 = arith.constant 16 : i32
      %mul3A_326 = arith.muli %scan3A_271, %mul3A_325 : i32
      %swap3A_327 = arith.constant 7 : i32
      %swap3A_328 = arith.index_cast %swap3A_327 : i32 to index
      %swap3A_329 = arith.index_cast %mul3A_326 : i32 to index
      %swap3A_330 = tpu.vector_load %arg8[%swap3A_328, %swap3A_329] {strides = array<i32>} : memref<64x512xf32, #tpu.memory_space<vmem>>, vector<16xf32>,
      tpu.vector_store %arg8[%swap3A_328, %swap3A_329], %gather3A_283 {strides = array<i32>} : memref<64x512xf32, #tpu.memory_space<vmem>>, vector<16xf32>,
      %gather3A_331 = tpu.vector_load_idx %arg5[%broadcast_in_dim3A_19, %get3A_276] : memref<64x512xf32, #tpu.memory_space<vmem>>[vector<16xi32>, vector<16xi32>], vector<16xf32>,
      %gather3A_332 = tpu.vector_load_idx %arg5[%broadcast_in_dim3A_21, %get3A_276] : memref<64x512xf32, #tpu.memory_space<vmem>>[vector<16xi32>, vector<16xi32>], vector<16xf32>,
      %gather3A_333 = tpu.vector_load_idx %arg5[%broadcast_in_dim3A_23, %get3A_276] : memref<64x512xf32, #tpu.memory_space<vmem>>[vector<16xi32>, vector<16xi32>], vector<16xf32>,
      %gather3A_334 = tpu.vector_load_idx %arg5[%broadcast_in_dim3A_25, %get3A_276] : memref<64x512xf32, #tpu.memory_space<vmem>>[vector<16xi32>, vector<16xi32>], vector<16xf32>,
      %gather3A_335 = tpu.vector_load_idx %arg5[%broadcast_in_dim3A_27, %get3A_276] : memref<64x512xf32, #tpu.memory_space<vmem>>[vector<16xi32>, vector<16xi32>], vector<16xf32>,
      %gather3A_336 = tpu.vector_load_idx %arg5[%broadcast_in_dim3A_29, %get3A_276] : memref<64x512xf32, #tpu.memory_space<vmem>>[vector<16xi32>, vector<16xi32>], vector<16xf32>,
      %gather3A_337 = tpu.vector_load_idx %arg5[%broadcast_in_dim3A_31, %get3A_276] : memref<64x512xf32, #tpu.memory_space<vmem>>[vector<16xi32>, vector<16xi32>], vector<16xf32>,
      %gather3A_338 = tpu.vector_load_idx %arg5[%broadcast_in_dim3A_33, %get3A_276] : memref<64x512xf32, #tpu.memory_space<vmem>>[vector<16xi32>, vector<16xi32>], vector<16xf32>,
      %mul3A_339 = arith.constant 16 : i32
      %mul3A_340 = arith.muli %scan3A_271, %mul3A_339 : i32
      %swap3A_341 = arith.constant 8 : i32
      %swap3A_342 = arith.index_cast %swap3A_341 : i32 to index
      %swap3A_343 = arith.index_cast %mul3A_340 : i32 to index
      %swap3A_344 = tpu.vector_load %arg8[%swap3A_342, %swap3A_343] {strides = array<i32>} : memref<64x512xf32, #tpu.memory_space<vmem>>, vector<16xf32>,
      tpu.vector_store %arg8[%swap3A_342, %swap3A_343], %gather3A_331 {strides = array<i32>} : memref<64x512xf32, #tpu.memory_space<vmem>>, vector<16xf32>,
      %mul3A_345 = arith.constant 16 : i32
      %mul3A_346 = arith.muli %scan3A_271, %mul3A_345 : i32
      %swap3A_347 = arith.constant 9 : i32
      %swap3A_348 = arith.index_cast %swap3A_347 : i32 to index
      %swap3A_349 = arith.index_cast %mul3A_346 : i32 to index
      %swap3A_350 = tpu.vector_load %arg8[%swap3A_348, %swap3A_349] {strides = array<i32>} : memref<64x512xf32, #tpu.memory_space<vmem>>, vector<16xf32>,
      tpu.vector_store %arg8[%swap3A_348, %swap3A_349], %gather3A_332 {strides = array<i32>} : memref<64x512xf32, #tpu.memory_space<vmem>>, vector<16xf32>,
      %mul3A_351 = arith.constant 16 : i32
      %mul3A_352 = arith.muli %scan3A_271, %mul3A_351 : i32
      %swap3A_353 = arith.constant 10 : i32
      %swap3A_354 = arith.index_cast %swap3A_353 : i32 to index
      %swap3A_355 = arith.index_cast %mul3A_352 : i32 to index
      %swap3A_356 = tpu.vector_load %arg8[%swap3A_354, %swap3A_355] {strides = array<i32>} : memref<64x512xf32, #tpu.memory_space<vmem>>, vector<16xf32>,
      tpu.vector_store %arg8[%swap3A_354, %swap3A_355], %gather3A_333 {strides = array<i32>} : memref<64x512xf32, #tpu.memory_space<vmem>>, vector<16xf32>,
      %mul3A_357 = arith.constant 16 : i32
      %mul3A_358 = arith.muli %scan3A_271, %mul3A_357 : i32
      %swap3A_359 = arith.constant 11 : i32
      %swap3A_360 = arith.index_cast %swap3A_359 : i32 to index
      %swap3A_361 = arith.index_cast %mul3A_358 : i32 to index
      %swap3A_362 = tpu.vector_load %arg8[%swap3A_360, %swap3A_361] {strides = array<i32>} : memref<64x512xf32, #tpu.memory_space<vmem>>, vector<16xf32>,
      tpu.vector_store %arg8[%swap3A_360, %swap3A_361], %gather3A_334 {strides = array<i32>} : memref<64x512xf32, #tpu.memory_space<vmem>>, vector<16xf32>,
      %mul3A_363 = arith.constant 16 : i32
      %mul3A_364 = arith.muli %scan3A_271, %mul3A_363 : i32
      %swap3A_365 = arith.constant 12 : i32
      %swap3A_366 = arith.index_cast %swap3A_365 : i32 to index
      %swap3A_367 = arith.index_cast %mul3A_364 : i32 to index
      %swap3A_368 = tpu.vector_load %arg8[%swap3A_366, %swap3A_367] {strides = array<i32>} : memref<64x512xf32, #tpu.memory_space<vmem>>, vector<16xf32>,
      tpu.vector_store %arg8[%swap3A_366, %swap3A_367], %gather3A_335 {strides = array<i32>} : memref<64x512xf32, #tpu.memory_space<vmem>>, vector<16xf32>,
      %mul3A_369 = arith.constant 16 : i32
      %mul3A_370 = arith.muli %scan3A_271, %mul3A_369 : i32
      %swap3A_371 = arith.constant 13 : i32
      %swap3A_372 = arith.index_cast %swap3A_371 : i32 to index
      %swap3A_373 = arith.index_cast %mul3A_370 : i32 to index
      %swap3A_374 = tpu.vector_load %arg8[%swap3A_372, %swap3A_373] {strides = array<i32>} : memref<64x512xf32, #tpu.memory_space<vmem>>, vector<16xf32>,
      tpu.vector_store %arg8[%swap3A_372, %swap3A_373], %gather3A_336 {strides = array<i32>} : memref<64x512xf32, #tpu.memory_space<vmem>>, vector<16xf32>,
      %mul3A_375 = arith.constant 16 : i32
      %mul3A_376 = arith.muli %scan3A_271, %mul3A_375 : i32
      %swap3A_377 = arith.constant 14 : i32
      %swap3A_378 = arith.index_cast %swap3A_377 : i32 to index
      %swap3A_379 = arith.index_cast %mul3A_376 : i32 to index
      %swap3A_380 = tpu.vector_load %arg8[%swap3A_378, %swap3A_379] {strides = array<i32>} : memref<64x512xf32, #tpu.memory_space<vmem>>, vector<16xf32>,
      tpu.vector_store %arg8[%swap3A_378, %swap3A_379], %gather3A_337 {strides = array<i32>} : memref<64x512xf32, #tpu.memory_space<vmem>>, vector<16xf32>,
      %mul3A_381 = arith.constant 16 : i32
      %mul3A_382 = arith.muli %scan3A_271, %mul3A_381 : i32
      %swap3A_383 = arith.constant 15 : i32
      %swap3A_384 = arith.index_cast %swap3A_383 : i32 to index
      %swap3A_385 = arith.index_cast %mul3A_382 : i32 to index
      %swap3A_386 = tpu.vector_load %arg8[%swap3A_384, %swap3A_385] {strides = array<i32>} : memref<64x512xf32, #tpu.memory_space<vmem>>, vector<16xf32>,
      tpu.vector_store %arg8[%swap3A_384, %swap3A_385], %gather3A_338 {strides = array<i32>} : memref<64x512xf32, #tpu.memory_space<vmem>>, vector<16xf32>,
      %gather3A_387 = tpu.vector_load_idx %arg5[%broadcast_in_dim3A_35, %get3A_276] : memref<64x512xf32, #tpu.memory_space<vmem>>[vector<16xi32>, vector<16xi32>], vector<16xf32>,
      %gather3A_388 = tpu.vector_load_idx %arg5[%broadcast_in_dim3A_37, %get3A_276] : memref<64x512xf32, #tpu.memory_space<vmem>>[vector<16xi32>, vector<16xi32>], vector<16xf32>,
      %gather3A_389 = tpu.vector_load_idx %arg5[%broadcast_in_dim3A_39, %get3A_276] : memref<64x512xf32, #tpu.memory_space<vmem>>[vector<16xi32>, vector<16xi32>], vector<16xf32>,
      %gather3A_390 = tpu.vector_load_idx %arg5[%broadcast_in_dim3A_41, %get3A_276] : memref<64x512xf32, #tpu.memory_space<vmem>>[vector<16xi32>, vector<16xi32>], vector<16xf32>,
      %gather3A_391 = tpu.vector_load_idx %arg5[%broadcast_in_dim3A_43, %get3A_276] : memref<64x512xf32, #tpu.memory_space<vmem>>[vector<16xi32>, vector<16xi32>], vector<16xf32>,
      %gather3A_392 = tpu.vector_load_idx %arg5[%broadcast_in_dim3A_45, %get3A_276] : memref<64x512xf32, #tpu.memory_space<vmem>>[vector<16xi32>, vector<16xi32>], vector<16xf32>,
      %gather3A_393 = tpu.vector_load_idx %arg5[%broadcast_in_dim3A_47, %get3A_276] : memref<64x512xf32, #tpu.memory_space<vmem>>[vector<16xi32>, vector<16xi32>], vector<16xf32>,
      %gather3A_394 = tpu.vector_load_idx %arg5[%broadcast_in_dim3A_49, %get3A_276] : memref<64x512xf32, #tpu.memory_space<vmem>>[vector<16xi32>, vector<16xi32>], vector<16xf32>,
      %mul3A_395 = arith.constant 16 : i32
      %mul3A_396 = arith.muli %scan3A_271, %mul3A_395 : i32
      %swap3A_397 = arith.constant 16 : i32
      %swap3A_398 = arith.index_cast %swap3A_397 : i32 to index
      %swap3A_399 = arith.index_cast %mul3A_396 : i32 to index
      %swap3A_400 = tpu.vector_load %arg8[%swap3A_398, %swap3A_399] {strides = array<i32>} : memref<64x512xf32, #tpu.memory_space<vmem>>, vector<16xf32>,
      tpu.vector_store %arg8[%swap3A_398, %swap3A_399], %gather3A_387 {strides = array<i32>} : memref<64x512xf32, #tpu.memory_space<vmem>>, vector<16xf32>,
      %mul3A_401 = arith.constant 16 : i32
      %mul3A_402 = arith.muli %scan3A_271, %mul3A_401 : i32
      %swap3A_403 = arith.constant 17 : i32
      %swap3A_404 = arith.index_cast %swap3A_403 : i32 to index
      %swap3A_405 = arith.index_cast %mul3A_402 : i32 to index
      %swap3A_406 = tpu.vector_load %arg8[%swap3A_404, %swap3A_405] {strides = array<i32>} : memref<64x512xf32, #tpu.memory_space<vmem>>, vector<16xf32>,
      tpu.vector_store %arg8[%swap3A_404, %swap3A_405], %gather3A_388 {strides = array<i32>} : memref<64x512xf32, #tpu.memory_space<vmem>>, vector<16xf32>,
      %mul3A_407 = arith.constant 16 : i32
      %mul3A_408 = arith.muli %scan3A_271, %mul3A_407 : i32
      %swap3A_409 = arith.constant 18 : i32
      %swap3A_410 = arith.index_cast %swap3A_409 : i32 to index
      %swap3A_411 = arith.index_cast %mul3A_408 : i32 to index
      %swap3A_412 = tpu.vector_load %arg8[%swap3A_410, %swap3A_411] {strides = array<i32>} : memref<64x512xf32, #tpu.memory_space<vmem>>, vector<16xf32>,
      tpu.vector_store %arg8[%swap3A_410, %swap3A_411], %gather3A_389 {strides = array<i32>} : memref<64x512xf32, #tpu.memory_space<vmem>>, vector<16xf32>,
      %mul3A_413 = arith.constant 16 : i32
      %mul3A_414 = arith.muli %scan3A_271, %mul3A_413 : i32
      %swap3A_415 = arith.constant 19 : i32
      %swap3A_416 = arith.index_cast %swap3A_415 : i32 to index
      %swap3A_417 = arith.index_cast %mul3A_414 : i32 to index
      %swap3A_418 = tpu.vector_load %arg8[%swap3A_416, %swap3A_417] {strides = array<i32>} : memref<64x512xf32, #tpu.memory_space<vmem>>, vector<16xf32>,
      tpu.vector_store %arg8[%swap3A_416, %swap3A_417], %gather3A_390 {strides = array<i32>} : memref<64x512xf32, #tpu.memory_space<vmem>>, vector<16xf32>,
      %mul3A_419 = arith.constant 16 : i32
      %mul3A_420 = arith.muli %scan3A_271, %mul3A_419 : i32
      %swap3A_421 = arith.constant 20 : i32
      %swap3A_422 = arith.index_cast %swap3A_421 : i32 to index
      %swap3A_423 = arith.index_cast %mul3A_420 : i32 to index
      %swap3A_424 = tpu.vector_load %arg8[%swap3A_422, %swap3A_423] {strides = array<i32>} : memref<64x512xf32, #tpu.memory_space<vmem>>, vector<16xf32>,
      tpu.vector_store %arg8[%swap3A_422, %swap3A_423], %gather3A_391 {strides = array<i32>} : memref<64x512xf32, #tpu.memory_space<vmem>>, vector<16xf32>,
      %mul3A_425 = arith.constant 16 : i32
      %mul3A_426 = arith.muli %scan3A_271, %mul3A_425 : i32
      %swap3A_427 = arith.constant 21 : i32
      %swap3A_428 = arith.index_cast %swap3A_427 : i32 to index
      %swap3A_429 = arith.index_cast %mul3A_426 : i32 to index
      %swap3A_430 = tpu.vector_load %arg8[%swap3A_428, %swap3A_429] {strides = array<i32>} : memref<64x512xf32, #tpu.memory_space<vmem>>, vector<16xf32>,
      tpu.vector_store %arg8[%swap3A_428, %swap3A_429], %gather3A_392 {strides = array<i32>} : memref<64x512xf32, #tpu.memory_space<vmem>>, vector<16xf32>,
      %mul3A_431 = arith.constant 16 : i32
      %mul3A_432 = arith.muli %scan3A_271, %mul3A_431 : i32
      %swap3A_433 = arith.constant 22 : i32
      %swap3A_434 = arith.index_cast %swap3A_433 : i32 to index
      %swap3A_435 = arith.index_cast %mul3A_432 : i32 to index
      %swap3A_436 = tpu.vector_load %arg8[%swap3A_434, %swap3A_435] {strides = array<i32>} : memref<64x512xf32, #tpu.memory_space<vmem>>, vector<16xf32>,
      tpu.vector_store %arg8[%swap3A_434, %swap3A_435], %gather3A_393 {strides = array<i32>} : memref<64x512xf32, #tpu.memory_space<vmem>>, vector<16xf32>,
      %mul3A_437 = arith.constant 16 : i32
      %mul3A_438 = arith.muli %scan3A_271, %mul3A_437 : i32
      %swap3A_439 = arith.constant 23 : i32
      %swap3A_440 = arith.index_cast %swap3A_439 : i32 to index
      %swap3A_441 = arith.index_cast %mul3A_438 : i32 to index
      %swap3A_442 = tpu.vector_load %arg8[%swap3A_440, %swap3A_441] {strides = array<i32>} : memref<64x512xf32, #tpu.memory_space<vmem>>, vector<16xf32>,
      tpu.vector_store %arg8[%swap3A_440, %swap3A_441], %gather3A_394 {strides = array<i32>} : memref<64x512xf32, #tpu.memory_space<vmem>>, vector<16xf32>,
      %gather3A_443 = tpu.vector_load_idx %arg5[%broadcast_in_dim3A_51, %get3A_276] : memref<64x512xf32, #tpu.memory_space<vmem>>[vector<16xi32>, vector<16xi32>], vector<16xf32>,
      %gather3A_444 = tpu.vector_load_idx %arg5[%broadcast_in_dim3A_53, %get3A_276] : memref<64x512xf32, #tpu.memory_space<vmem>>[vector<16xi32>, vector<16xi32>], vector<16xf32>,
      %gather3A_445 = tpu.vector_load_idx %arg5[%broadcast_in_dim3A_55, %get3A_276] : memref<64x512xf32, #tpu.memory_space<vmem>>[vector<16xi32>, vector<16xi32>], vector<16xf32>,
      %gather3A_446 = tpu.vector_load_idx %arg5[%broadcast_in_dim3A_57, %get3A_276] : memref<64x512xf32, #tpu.memory_space<vmem>>[vector<16xi32>, vector<16xi32>], vector<16xf32>,
      %gather3A_447 = tpu.vector_load_idx %arg5[%broadcast_in_dim3A_59, %get3A_276] : memref<64x512xf32, #tpu.memory_space<vmem>>[vector<16xi32>, vector<16xi32>], vector<16xf32>,
      %gather3A_448 = tpu.vector_load_idx %arg5[%broadcast_in_dim3A_61, %get3A_276] : memref<64x512xf32, #tpu.memory_space<vmem>>[vector<16xi32>, vector<16xi32>], vector<16xf32>,
      %gather3A_449 = tpu.vector_load_idx %arg5[%broadcast_in_dim3A_63, %get3A_276] : memref<64x512xf32, #tpu.memory_space<vmem>>[vector<16xi32>, vector<16xi32>], vector<16xf32>,
      %gather3A_450 = tpu.vector_load_idx %arg5[%broadcast_in_dim3A_65, %get3A_276] : memref<64x512xf32, #tpu.memory_space<vmem>>[vector<16xi32>, vector<16xi32>], vector<16xf32>,
      %mul3A_451 = arith.constant 16 : i32
      %mul3A_452 = arith.muli %scan3A_271, %mul3A_451 : i32
      %swap3A_453 = arith.constant 24 : i32
      %swap3A_454 = arith.index_cast %swap3A_453 : i32 to index
      %swap3A_455 = arith.index_cast %mul3A_452 : i32 to index
      %swap3A_456 = tpu.vector_load %arg8[%swap3A_454, %swap3A_455] {strides = array<i32>} : memref<64x512xf32, #tpu.memory_space<vmem>>, vector<16xf32>,
      tpu.vector_store %arg8[%swap3A_454, %swap3A_455], %gather3A_443 {strides = array<i32>} : memref<64x512xf32, #tpu.memory_space<vmem>>, vector<16xf32>,
      %mul3A_457 = arith.constant 16 : i32
      %mul3A_458 = arith.muli %scan3A_271, %mul3A_457 : i32
      %swap3A_459 = arith.constant 25 : i32
      %swap3A_460 = arith.index_cast %swap3A_459 : i32 to index
      %swap3A_461 = arith.index_cast %mul3A_458 : i32 to index
      %swap3A_462 = tpu.vector_load %arg8[%swap3A_460, %swap3A_461] {strides = array<i32>} : memref<64x512xf32, #tpu.memory_space<vmem>>, vector<16xf32>,
      tpu.vector_store %arg8[%swap3A_460, %swap3A_461], %gather3A_444 {strides = array<i32>} : memref<64x512xf32, #tpu.memory_space<vmem>>, vector<16xf32>,
      %mul3A_463 = arith.constant 16 : i32
      %mul3A_464 = arith.muli %scan3A_271, %mul3A_463 : i32
      %swap3A_465 = arith.constant 26 : i32
      %swap3A_466 = arith.index_cast %swap3A_465 : i32 to index
      %swap3A_467 = arith.index_cast %mul3A_464 : i32 to index
      %swap3A_468 = tpu.vector_load %arg8[%swap3A_466, %swap3A_467] {strides = array<i32>} : memref<64x512xf32, #tpu.memory_space<vmem>>, vector<16xf32>,
      tpu.vector_store %arg8[%swap3A_466, %swap3A_467], %gather3A_445 {strides = array<i32>} : memref<64x512xf32, #tpu.memory_space<vmem>>, vector<16xf32>,
      %mul3A_469 = arith.constant 16 : i32
      %mul3A_470 = arith.muli %scan3A_271, %mul3A_469 : i32
      %swap3A_471 = arith.constant 27 : i32
      %swap3A_472 = arith.index_cast %swap3A_471 : i32 to index
      %swap3A_473 = arith.index_cast %mul3A_470 : i32 to index
      %swap3A_474 = tpu.vector_load %arg8[%swap3A_472, %swap3A_473] {strides = array<i32>} : memref<64x512xf32, #tpu.memory_space<vmem>>, vector<16xf32>,
      tpu.vector_store %arg8[%swap3A_472, %swap3A_473], %gather3A_446 {strides = array<i32>} : memref<64x512xf32, #tpu.memory_space<vmem>>, vector<16xf32>,
      %mul3A_475 = arith.constant 16 : i32
      %mul3A_476 = arith.muli %scan3A_271, %mul3A_475 : i32
      %swap3A_477 = arith.constant 28 : i32
      %swap3A_478 = arith.index_cast %swap3A_477 : i32 to index
      %swap3A_479 = arith.index_cast %mul3A_476 : i32 to index
      %swap3A_480 = tpu.vector_load %arg8[%swap3A_478, %swap3A_479] {strides = array<i32>} : memref<64x512xf32, #tpu.memory_space<vmem>>, vector<16xf32>,
      tpu.vector_store %arg8[%swap3A_478, %swap3A_479], %gather3A_447 {strides = array<i32>} : memref<64x512xf32, #tpu.memory_space<vmem>>, vector<16xf32>,
      %mul3A_481 = arith.constant 16 : i32
      %mul3A_482 = arith.muli %scan3A_271, %mul3A_481 : i32
      %swap3A_483 = arith.constant 29 : i32
      %swap3A_484 = arith.index_cast %swap3A_483 : i32 to index
      %swap3A_485 = arith.index_cast %mul3A_482 : i32 to index
      %swap3A_486 = tpu.vector_load %arg8[%swap3A_484, %swap3A_485] {strides = array<i32>} : memref<64x512xf32, #tpu.memory_space<vmem>>, vector<16xf32>,
      tpu.vector_store %arg8[%swap3A_484, %swap3A_485], %gather3A_448 {strides = array<i32>} : memref<64x512xf32, #tpu.memory_space<vmem>>, vector<16xf32>,
      %mul3A_487 = arith.constant 16 : i32
      %mul3A_488 = arith.muli %scan3A_271, %mul3A_487 : i32
      %swap3A_489 = arith.constant 30 : i32
      %swap3A_490 = arith.index_cast %swap3A_489 : i32 to index
      %swap3A_491 = arith.index_cast %mul3A_488 : i32 to index
      %swap3A_492 = tpu.vector_load %arg8[%swap3A_490, %swap3A_491] {strides = array<i32>} : memref<64x512xf32, #tpu.memory_space<vmem>>, vector<16xf32>,
      tpu.vector_store %arg8[%swap3A_490, %swap3A_491], %gather3A_449 {strides = array<i32>} : memref<64x512xf32, #tpu.memory_space<vmem>>, vector<16xf32>,
      %mul3A_493 = arith.constant 16 : i32
      %mul3A_494 = arith.muli %scan3A_271, %mul3A_493 : i32
      %swap3A_495 = arith.constant 31 : i32
      %swap3A_496 = arith.index_cast %swap3A_495 : i32 to index
      %swap3A_497 = arith.index_cast %mul3A_494 : i32 to index
      %swap3A_498 = tpu.vector_load %arg8[%swap3A_496, %swap3A_497] {strides = array<i32>} : memref<64x512xf32, #tpu.memory_space<vmem>>, vector<16xf32>,
      tpu.vector_store %arg8[%swap3A_496, %swap3A_497], %gather3A_450 {strides = array<i32>} : memref<64x512xf32, #tpu.memory_space<vmem>>, vector<16xf32>,
      %gather3A_499 = tpu.vector_load_idx %arg5[%broadcast_in_dim3A_67, %get3A_276] : memref<64x512xf32, #tpu.memory_space<vmem>>[vector<16xi32>, vector<16xi32>], vector<16xf32>,
      %gather3A_500 = tpu.vector_load_idx %arg5[%broadcast_in_dim3A_69, %get3A_276] : memref<64x512xf32, #tpu.memory_space<vmem>>[vector<16xi32>, vector<16xi32>], vector<16xf32>,
      %gather3A_501 = tpu.vector_load_idx %arg5[%broadcast_in_dim3A_71, %get3A_276] : memref<64x512xf32, #tpu.memory_space<vmem>>[vector<16xi32>, vector<16xi32>], vector<16xf32>,
      %gather3A_502 = tpu.vector_load_idx %arg5[%broadcast_in_dim3A_73, %get3A_276] : memref<64x512xf32, #tpu.memory_space<vmem>>[vector<16xi32>, vector<16xi32>], vector<16xf32>,
      %gather3A_503 = tpu.vector_load_idx %arg5[%broadcast_in_dim3A_75, %get3A_276] : memref<64x512xf32, #tpu.memory_space<vmem>>[vector<16xi32>, vector<16xi32>], vector<16xf32>,
      %gather3A_504 = tpu.vector_load_idx %arg5[%broadcast_in_dim3A_77, %get3A_276] : memref<64x512xf32, #tpu.memory_space<vmem>>[vector<16xi32>, vector<16xi32>], vector<16xf32>,
      %gather3A_505 = tpu.vector_load_idx %arg5[%broadcast_in_dim3A_79, %get3A_276] : memref<64x512xf32, #tpu.memory_space<vmem>>[vector<16xi32>, vector<16xi32>], vector<16xf32>,
      %gather3A_506 = tpu.vector_load_idx %arg5[%broadcast_in_dim3A_81, %get3A_276] : memref<64x512xf32, #tpu.memory_space<vmem>>[vector<16xi32>, vector<16xi32>], vector<16xf32>,
      %mul3A_507 = arith.constant 16 : i32
      %mul3A_508 = arith.muli %scan3A_271, %mul3A_507 : i32
      %swap3A_509 = arith.constant 32 : i32
      %swap3A_510 = arith.index_cast %swap3A_509 : i32 to index
      %swap3A_511 = arith.index_cast %mul3A_508 : i32 to index
      %swap3A_512 = tpu.vector_load %arg8[%swap3A_510, %swap3A_511] {strides = array<i32>} : memref<64x512xf32, #tpu.memory_space<vmem>>, vector<16xf32>,
      tpu.vector_store %arg8[%swap3A_510, %swap3A_511], %gather3A_499 {strides = array<i32>} : memref<64x512xf32, #tpu.memory_space<vmem>>, vector<16xf32>,
      %mul3A_513 = arith.constant 16 : i32
      %mul3A_514 = arith.muli %scan3A_271, %mul3A_513 : i32
      %swap3A_515 = arith.constant 33 : i32
      %swap3A_516 = arith.index_cast %swap3A_515 : i32 to index
      %swap3A_517 = arith.index_cast %mul3A_514 : i32 to index
      %swap3A_518 = tpu.vector_load %arg8[%swap3A_516, %swap3A_517] {strides = array<i32>} : memref<64x512xf32, #tpu.memory_space<vmem>>, vector<16xf32>,
      tpu.vector_store %arg8[%swap3A_516, %swap3A_517], %gather3A_500 {strides = array<i32>} : memref<64x512xf32, #tpu.memory_space<vmem>>, vector<16xf32>,
      %mul3A_519 = arith.constant 16 : i32
      %mul3A_520 = arith.muli %scan3A_271, %mul3A_519 : i32
      %swap3A_521 = arith.constant 34 : i32
      %swap3A_522 = arith.index_cast %swap3A_521 : i32 to index
      %swap3A_523 = arith.index_cast %mul3A_520 : i32 to index
      %swap3A_524 = tpu.vector_load %arg8[%swap3A_522, %swap3A_523] {strides = array<i32>} : memref<64x512xf32, #tpu.memory_space<vmem>>, vector<16xf32>,
      tpu.vector_store %arg8[%swap3A_522, %swap3A_523], %gather3A_501 {strides = array<i32>} : memref<64x512xf32, #tpu.memory_space<vmem>>, vector<16xf32>,
      %mul3A_525 = arith.constant 16 : i32
      %mul3A_526 = arith.muli %scan3A_271, %mul3A_525 : i32
      %swap3A_527 = arith.constant 35 : i32
      %swap3A_528 = arith.index_cast %swap3A_527 : i32 to index
      %swap3A_529 = arith.index_cast %mul3A_526 : i32 to index
      %swap3A_530 = tpu.vector_load %arg8[%swap3A_528, %swap3A_529] {strides = array<i32>} : memref<64x512xf32, #tpu.memory_space<vmem>>, vector<16xf32>,
      tpu.vector_store %arg8[%swap3A_528, %swap3A_529], %gather3A_502 {strides = array<i32>} : memref<64x512xf32, #tpu.memory_space<vmem>>, vector<16xf32>,
      %mul3A_531 = arith.constant 16 : i32
      %mul3A_532 = arith.muli %scan3A_271, %mul3A_531 : i32
      %swap3A_533 = arith.constant 36 : i32
      %swap3A_534 = arith.index_cast %swap3A_533 : i32 to index
      %swap3A_535 = arith.index_cast %mul3A_532 : i32 to index
      %swap3A_536 = tpu.vector_load %arg8[%swap3A_534, %swap3A_535] {strides = array<i32>} : memref<64x512xf32, #tpu.memory_space<vmem>>, vector<16xf32>,
      tpu.vector_store %arg8[%swap3A_534, %swap3A_535], %gather3A_503 {strides = array<i32>} : memref<64x512xf32, #tpu.memory_space<vmem>>, vector<16xf32>,
      %mul3A_537 = arith.constant 16 : i32
      %mul3A_538 = arith.muli %scan3A_271, %mul3A_537 : i32
      %swap3A_539 = arith.constant 37 : i32
      %swap3A_540 = arith.index_cast %swap3A_539 : i32 to index
      %swap3A_541 = arith.index_cast %mul3A_538 : i32 to index
      %swap3A_542 = tpu.vector_load %arg8[%swap3A_540, %swap3A_541] {strides = array<i32>} : memref<64x512xf32, #tpu.memory_space<vmem>>, vector<16xf32>,
      tpu.vector_store %arg8[%swap3A_540, %swap3A_541], %gather3A_504 {strides = array<i32>} : memref<64x512xf32, #tpu.memory_space<vmem>>, vector<16xf32>,
      %mul3A_543 = arith.constant 16 : i32
      %mul3A_544 = arith.muli %scan3A_271, %mul3A_543 : i32
      %swap3A_545 = arith.constant 38 : i32
      %swap3A_546 = arith.index_cast %swap3A_545 : i32 to index
      %swap3A_547 = arith.index_cast %mul3A_544 : i32 to index
      %swap3A_548 = tpu.vector_load %arg8[%swap3A_546, %swap3A_547] {strides = array<i32>} : memref<64x512xf32, #tpu.memory_space<vmem>>, vector<16xf32>,
      tpu.vector_store %arg8[%swap3A_546, %swap3A_547], %gather3A_505 {strides = array<i32>} : memref<64x512xf32, #tpu.memory_space<vmem>>, vector<16xf32>,
      %mul3A_549 = arith.constant 16 : i32
      %mul3A_550 = arith.muli %scan3A_271, %mul3A_549 : i32
      %swap3A_551 = arith.constant 39 : i32
      %swap3A_552 = arith.index_cast %swap3A_551 : i32 to index
      %swap3A_553 = arith.index_cast %mul3A_550 : i32 to index
      %swap3A_554 = tpu.vector_load %arg8[%swap3A_552, %swap3A_553] {strides = array<i32>} : memref<64x512xf32, #tpu.memory_space<vmem>>, vector<16xf32>,
      tpu.vector_store %arg8[%swap3A_552, %swap3A_553], %gather3A_506 {strides = array<i32>} : memref<64x512xf32, #tpu.memory_space<vmem>>, vector<16xf32>,
      %gather3A_555 = tpu.vector_load_idx %arg5[%broadcast_in_dim3A_83, %get3A_276] : memref<64x512xf32, #tpu.memory_space<vmem>>[vector<16xi32>, vector<16xi32>], vector<16xf32>,
      %gather3A_556 = tpu.vector_load_idx %arg5[%broadcast_in_dim3A_85, %get3A_276] : memref<64x512xf32, #tpu.memory_space<vmem>>[vector<16xi32>, vector<16xi32>], vector<16xf32>,
      %gather3A_557 = tpu.vector_load_idx %arg5[%broadcast_in_dim3A_87, %get3A_276] : memref<64x512xf32, #tpu.memory_space<vmem>>[vector<16xi32>, vector<16xi32>], vector<16xf32>,
      %gather3A_558 = tpu.vector_load_idx %arg5[%broadcast_in_dim3A_89, %get3A_276] : memref<64x512xf32, #tpu.memory_space<vmem>>[vector<16xi32>, vector<16xi32>], vector<16xf32>,
      %gather3A_559 = tpu.vector_load_idx %arg5[%broadcast_in_dim3A_91, %get3A_276] : memref<64x512xf32, #tpu.memory_space<vmem>>[vector<16xi32>, vector<16xi32>], vector<16xf32>,
      %gather3A_560 = tpu.vector_load_idx %arg5[%broadcast_in_dim3A_93, %get3A_276] : memref<64x512xf32, #tpu.memory_space<vmem>>[vector<16xi32>, vector<16xi32>], vector<16xf32>,
      %gather3A_561 = tpu.vector_load_idx %arg5[%broadcast_in_dim3A_95, %get3A_276] : memref<64x512xf32, #tpu.memory_space<vmem>>[vector<16xi32>, vector<16xi32>], vector<16xf32>,
      %gather3A_562 = tpu.vector_load_idx %arg5[%broadcast_in_dim3A_97, %get3A_276] : memref<64x512xf32, #tpu.memory_space<vmem>>[vector<16xi32>, vector<16xi32>], vector<16xf32>,
      %mul3A_563 = arith.constant 16 : i32
      %mul3A_564 = arith.muli %scan3A_271, %mul3A_563 : i32
      %swap3A_565 = arith.constant 40 : i32
      %swap3A_566 = arith.index_cast %swap3A_565 : i32 to index
      %swap3A_567 = arith.index_cast %mul3A_564 : i32 to index
      %swap3A_568 = tpu.vector_load %arg8[%swap3A_566, %swap3A_567] {strides = array<i32>} : memref<64x512xf32, #tpu.memory_space<vmem>>, vector<16xf32>,
      tpu.vector_store %arg8[%swap3A_566, %swap3A_567], %gather3A_555 {strides = array<i32>} : memref<64x512xf32, #tpu.memory_space<vmem>>, vector<16xf32>,
      %mul3A_569 = arith.constant 16 : i32
      %mul3A_570 = arith.muli %scan3A_271, %mul3A_569 : i32
      %swap3A_571 = arith.constant 41 : i32
      %swap3A_572 = arith.index_cast %swap3A_571 : i32 to index
      %swap3A_573 = arith.index_cast %mul3A_570 : i32 to index
      %swap3A_574 = tpu.vector_load %arg8[%swap3A_572, %swap3A_573] {strides = array<i32>} : memref<64x512xf32, #tpu.memory_space<vmem>>, vector<16xf32>,
      tpu.vector_store %arg8[%swap3A_572, %swap3A_573], %gather3A_556 {strides = array<i32>} : memref<64x512xf32, #tpu.memory_space<vmem>>, vector<16xf32>,
      %mul3A_575 = arith.constant 16 : i32
      %mul3A_576 = arith.muli %scan3A_271, %mul3A_575 : i32
      %swap3A_577 = arith.constant 42 : i32
      %swap3A_578 = arith.index_cast %swap3A_577 : i32 to index
      %swap3A_579 = arith.index_cast %mul3A_576 : i32 to index
      %swap3A_580 = tpu.vector_load %arg8[%swap3A_578, %swap3A_579] {strides = array<i32>} : memref<64x512xf32, #tpu.memory_space<vmem>>, vector<16xf32>,
      tpu.vector_store %arg8[%swap3A_578, %swap3A_579], %gather3A_557 {strides = array<i32>} : memref<64x512xf32, #tpu.memory_space<vmem>>, vector<16xf32>,
      %mul3A_581 = arith.constant 16 : i32
      %mul3A_582 = arith.muli %scan3A_271, %mul3A_581 : i32
      %swap3A_583 = arith.constant 43 : i32
      %swap3A_584 = arith.index_cast %swap3A_583 : i32 to index
      %swap3A_585 = arith.index_cast %mul3A_582 : i32 to index
      %swap3A_586 = tpu.vector_load %arg8[%swap3A_584, %swap3A_585] {strides = array<i32>} : memref<64x512xf32, #tpu.memory_space<vmem>>, vector<16xf32>,
      tpu.vector_store %arg8[%swap3A_584, %swap3A_585], %gather3A_558 {strides = array<i32>} : memref<64x512xf32, #tpu.memory_space<vmem>>, vector<16xf32>,
      %mul3A_587 = arith.constant 16 : i32
      %mul3A_588 = arith.muli %scan3A_271, %mul3A_587 : i32
      %swap3A_589 = arith.constant 44 : i32
      %swap3A_590 = arith.index_cast %swap3A_589 : i32 to index
      %swap3A_591 = arith.index_cast %mul3A_588 : i32 to index
      %swap3A_592 = tpu.vector_load %arg8[%swap3A_590, %swap3A_591] {strides = array<i32>} : memref<64x512xf32, #tpu.memory_space<vmem>>, vector<16xf32>,
      tpu.vector_store %arg8[%swap3A_590, %swap3A_591], %gather3A_559 {strides = array<i32>} : memref<64x512xf32, #tpu.memory_space<vmem>>, vector<16xf32>,
      %mul3A_593 = arith.constant 16 : i32
      %mul3A_594 = arith.muli %scan3A_271, %mul3A_593 : i32
      %swap3A_595 = arith.constant 45 : i32
      %swap3A_596 = arith.index_cast %swap3A_595 : i32 to index
      %swap3A_597 = arith.index_cast %mul3A_594 : i32 to index
      %swap3A_598 = tpu.vector_load %arg8[%swap3A_596, %swap3A_597] {strides = array<i32>} : memref<64x512xf32, #tpu.memory_space<vmem>>, vector<16xf32>,
      tpu.vector_store %arg8[%swap3A_596, %swap3A_597], %gather3A_560 {strides = array<i32>} : memref<64x512xf32, #tpu.memory_space<vmem>>, vector<16xf32>,
      %mul3A_599 = arith.constant 16 : i32
      %mul3A_600 = arith.muli %scan3A_271, %mul3A_599 : i32
      %swap3A_601 = arith.constant 46 : i32
      %swap3A_602 = arith.index_cast %swap3A_601 : i32 to index
      %swap3A_603 = arith.index_cast %mul3A_600 : i32 to index
      %swap3A_604 = tpu.vector_load %arg8[%swap3A_602, %swap3A_603] {strides = array<i32>} : memref<64x512xf32, #tpu.memory_space<vmem>>, vector<16xf32>,
      tpu.vector_store %arg8[%swap3A_602, %swap3A_603], %gather3A_561 {strides = array<i32>} : memref<64x512xf32, #tpu.memory_space<vmem>>, vector<16xf32>,
      %mul3A_605 = arith.constant 16 : i32
      %mul3A_606 = arith.muli %scan3A_271, %mul3A_605 : i32
      %swap3A_607 = arith.constant 47 : i32
      %swap3A_608 = arith.index_cast %swap3A_607 : i32 to index
      %swap3A_609 = arith.index_cast %mul3A_606 : i32 to index
      %swap3A_610 = tpu.vector_load %arg8[%swap3A_608, %swap3A_609] {strides = array<i32>} : memref<64x512xf32, #tpu.memory_space<vmem>>, vector<16xf32>,
      tpu.vector_store %arg8[%swap3A_608, %swap3A_609], %gather3A_562 {strides = array<i32>} : memref<64x512xf32, #tpu.memory_space<vmem>>, vector<16xf32>,
      %gather3A_611 = tpu.vector_load_idx %arg5[%broadcast_in_dim3A_99, %get3A_276] : memref<64x512xf32, #tpu.memory_space<vmem>>[vector<16xi32>, vector<16xi32>], vector<16xf32>,
      %gather3A_612 = tpu.vector_load_idx %arg5[%broadcast_in_dim3A_101, %get3A_276] : memref<64x512xf32, #tpu.memory_space<vmem>>[vector<16xi32>, vector<16xi32>], vector<16xf32>,
      %gather3A_613 = tpu.vector_load_idx %arg5[%broadcast_in_dim3A_103, %get3A_276] : memref<64x512xf32, #tpu.memory_space<vmem>>[vector<16xi32>, vector<16xi32>], vector<16xf32>,
      %gather3A_614 = tpu.vector_load_idx %arg5[%broadcast_in_dim3A_105, %get3A_276] : memref<64x512xf32, #tpu.memory_space<vmem>>[vector<16xi32>, vector<16xi32>], vector<16xf32>,
      %gather3A_615 = tpu.vector_load_idx %arg5[%broadcast_in_dim3A_107, %get3A_276] : memref<64x512xf32, #tpu.memory_space<vmem>>[vector<16xi32>, vector<16xi32>], vector<16xf32>,
      %gather3A_616 = tpu.vector_load_idx %arg5[%broadcast_in_dim3A_109, %get3A_276] : memref<64x512xf32, #tpu.memory_space<vmem>>[vector<16xi32>, vector<16xi32>], vector<16xf32>,
      %gather3A_617 = tpu.vector_load_idx %arg5[%broadcast_in_dim3A_111, %get3A_276] : memref<64x512xf32, #tpu.memory_space<vmem>>[vector<16xi32>, vector<16xi32>], vector<16xf32>,
      %gather3A_618 = tpu.vector_load_idx %arg5[%broadcast_in_dim3A_113, %get3A_276] : memref<64x512xf32, #tpu.memory_space<vmem>>[vector<16xi32>, vector<16xi32>], vector<16xf32>,
      %mul3A_619 = arith.constant 16 : i32
      %mul3A_620 = arith.muli %scan3A_271, %mul3A_619 : i32
      %swap3A_621 = arith.constant 48 : i32
      %swap3A_622 = arith.index_cast %swap3A_621 : i32 to index
      %swap3A_623 = arith.index_cast %mul3A_620 : i32 to index
      %swap3A_624 = tpu.vector_load %arg8[%swap3A_622, %swap3A_623] {strides = array<i32>} : memref<64x512xf32, #tpu.memory_space<vmem>>, vector<16xf32>,
      tpu.vector_store %arg8[%swap3A_622, %swap3A_623], %gather3A_611 {strides = array<i32>} : memref<64x512xf32, #tpu.memory_space<vmem>>, vector<16xf32>,
      %mul3A_625 = arith.constant 16 : i32
      %mul3A_626 = arith.muli %scan3A_271, %mul3A_625 : i32
      %swap3A_627 = arith.constant 49 : i32
      %swap3A_628 = arith.index_cast %swap3A_627 : i32 to index
      %swap3A_629 = arith.index_cast %mul3A_626 : i32 to index
      %swap3A_630 = tpu.vector_load %arg8[%swap3A_628, %swap3A_629] {strides = array<i32>} : memref<64x512xf32, #tpu.memory_space<vmem>>, vector<16xf32>,
      tpu.vector_store %arg8[%swap3A_628, %swap3A_629], %gather3A_612 {strides = array<i32>} : memref<64x512xf32, #tpu.memory_space<vmem>>, vector<16xf32>,
      %mul3A_631 = arith.constant 16 : i32
      %mul3A_632 = arith.muli %scan3A_271, %mul3A_631 : i32
      %swap3A_633 = arith.constant 50 : i32
      %swap3A_634 = arith.index_cast %swap3A_633 : i32 to index
      %swap3A_635 = arith.index_cast %mul3A_632 : i32 to index
      %swap3A_636 = tpu.vector_load %arg8[%swap3A_634, %swap3A_635] {strides = array<i32>} : memref<64x512xf32, #tpu.memory_space<vmem>>, vector<16xf32>,
      tpu.vector_store %arg8[%swap3A_634, %swap3A_635], %gather3A_613 {strides = array<i32>} : memref<64x512xf32, #tpu.memory_space<vmem>>, vector<16xf32>,
      %mul3A_637 = arith.constant 16 : i32
      %mul3A_638 = arith.muli %scan3A_271, %mul3A_637 : i32
      %swap3A_639 = arith.constant 51 : i32
      %swap3A_640 = arith.index_cast %swap3A_639 : i32 to index
      %swap3A_641 = arith.index_cast %mul3A_638 : i32 to index
      %swap3A_642 = tpu.vector_load %arg8[%swap3A_640, %swap3A_641] {strides = array<i32>} : memref<64x512xf32, #tpu.memory_space<vmem>>, vector<16xf32>,
      tpu.vector_store %arg8[%swap3A_640, %swap3A_641], %gather3A_614 {strides = array<i32>} : memref<64x512xf32, #tpu.memory_space<vmem>>, vector<16xf32>,
      %mul3A_643 = arith.constant 16 : i32
      %mul3A_644 = arith.muli %scan3A_271, %mul3A_643 : i32
      %swap3A_645 = arith.constant 52 : i32
      %swap3A_646 = arith.index_cast %swap3A_645 : i32 to index
      %swap3A_647 = arith.index_cast %mul3A_644 : i32 to index
      %swap3A_648 = tpu.vector_load %arg8[%swap3A_646, %swap3A_647] {strides = array<i32>} : memref<64x512xf32, #tpu.memory_space<vmem>>, vector<16xf32>,
      tpu.vector_store %arg8[%swap3A_646, %swap3A_647], %gather3A_615 {strides = array<i32>} : memref<64x512xf32, #tpu.memory_space<vmem>>, vector<16xf32>,
      %mul3A_649 = arith.constant 16 : i32
      %mul3A_650 = arith.muli %scan3A_271, %mul3A_649 : i32
      %swap3A_651 = arith.constant 53 : i32
      %swap3A_652 = arith.index_cast %swap3A_651 : i32 to index
      %swap3A_653 = arith.index_cast %mul3A_650 : i32 to index
      %swap3A_654 = tpu.vector_load %arg8[%swap3A_652, %swap3A_653] {strides = array<i32>} : memref<64x512xf32, #tpu.memory_space<vmem>>, vector<16xf32>,
      tpu.vector_store %arg8[%swap3A_652, %swap3A_653], %gather3A_616 {strides = array<i32>} : memref<64x512xf32, #tpu.memory_space<vmem>>, vector<16xf32>,
      %mul3A_655 = arith.constant 16 : i32
      %mul3A_656 = arith.muli %scan3A_271, %mul3A_655 : i32
      %swap3A_657 = arith.constant 54 : i32
      %swap3A_658 = arith.index_cast %swap3A_657 : i32 to index
      %swap3A_659 = arith.index_cast %mul3A_656 : i32 to index
      %swap3A_660 = tpu.vector_load %arg8[%swap3A_658, %swap3A_659] {strides = array<i32>} : memref<64x512xf32, #tpu.memory_space<vmem>>, vector<16xf32>,
      tpu.vector_store %arg8[%swap3A_658, %swap3A_659], %gather3A_617 {strides = array<i32>} : memref<64x512xf32, #tpu.memory_space<vmem>>, vector<16xf32>,
      %mul3A_661 = arith.constant 16 : i32
      %mul3A_662 = arith.muli %scan3A_271, %mul3A_661 : i32
      %swap3A_663 = arith.constant 55 : i32
      %swap3A_664 = arith.index_cast %swap3A_663 : i32 to index
      %swap3A_665 = arith.index_cast %mul3A_662 : i32 to index
      %swap3A_666 = tpu.vector_load %arg8[%swap3A_664, %swap3A_665] {strides = array<i32>} : memref<64x512xf32, #tpu.memory_space<vmem>>, vector<16xf32>,
      tpu.vector_store %arg8[%swap3A_664, %swap3A_665], %gather3A_618 {strides = array<i32>} : memref<64x512xf32, #tpu.memory_space<vmem>>, vector<16xf32>,
      %gather3A_667 = tpu.vector_load_idx %arg5[%broadcast_in_dim3A_115, %get3A_276] : memref<64x512xf32, #tpu.memory_space<vmem>>[vector<16xi32>, vector<16xi32>], vector<16xf32>,
      %gather3A_668 = tpu.vector_load_idx %arg5[%broadcast_in_dim3A_117, %get3A_276] : memref<64x512xf32, #tpu.memory_space<vmem>>[vector<16xi32>, vector<16xi32>], vector<16xf32>,
      %gather3A_669 = tpu.vector_load_idx %arg5[%broadcast_in_dim3A_119, %get3A_276] : memref<64x512xf32, #tpu.memory_space<vmem>>[vector<16xi32>, vector<16xi32>], vector<16xf32>,
      %gather3A_670 = tpu.vector_load_idx %arg5[%broadcast_in_dim3A_121, %get3A_276] : memref<64x512xf32, #tpu.memory_space<vmem>>[vector<16xi32>, vector<16xi32>], vector<16xf32>,
      %gather3A_671 = tpu.vector_load_idx %arg5[%broadcast_in_dim3A_123, %get3A_276] : memref<64x512xf32, #tpu.memory_space<vmem>>[vector<16xi32>, vector<16xi32>], vector<16xf32>,
      %gather3A_672 = tpu.vector_load_idx %arg5[%broadcast_in_dim3A_125, %get3A_276] : memref<64x512xf32, #tpu.memory_space<vmem>>[vector<16xi32>, vector<16xi32>], vector<16xf32>,
      %gather3A_673 = tpu.vector_load_idx %arg5[%broadcast_in_dim3A_127, %get3A_276] : memref<64x512xf32, #tpu.memory_space<vmem>>[vector<16xi32>, vector<16xi32>], vector<16xf32>,
      %gather3A_674 = tpu.vector_load_idx %arg5[%broadcast_in_dim3A_129, %get3A_276] : memref<64x512xf32, #tpu.memory_space<vmem>>[vector<16xi32>, vector<16xi32>], vector<16xf32>,
      %mul3A_675 = arith.constant 16 : i32
      %mul3A_676 = arith.muli %scan3A_271, %mul3A_675 : i32
      %swap3A_677 = arith.constant 56 : i32
      %swap3A_678 = arith.index_cast %swap3A_677 : i32 to index
      %swap3A_679 = arith.index_cast %mul3A_676 : i32 to index
      %swap3A_680 = tpu.vector_load %arg8[%swap3A_678, %swap3A_679] {strides = array<i32>} : memref<64x512xf32, #tpu.memory_space<vmem>>, vector<16xf32>,
      tpu.vector_store %arg8[%swap3A_678, %swap3A_679], %gather3A_667 {strides = array<i32>} : memref<64x512xf32, #tpu.memory_space<vmem>>, vector<16xf32>,
      %mul3A_681 = arith.constant 16 : i32
      %mul3A_682 = arith.muli %scan3A_271, %mul3A_681 : i32
      %swap3A_683 = arith.constant 57 : i32
      %swap3A_684 = arith.index_cast %swap3A_683 : i32 to index
      %swap3A_685 = arith.index_cast %mul3A_682 : i32 to index
      %swap3A_686 = tpu.vector_load %arg8[%swap3A_684, %swap3A_685] {strides = array<i32>} : memref<64x512xf32, #tpu.memory_space<vmem>>, vector<16xf32>,
      tpu.vector_store %arg8[%swap3A_684, %swap3A_685], %gather3A_668 {strides = array<i32>} : memref<64x512xf32, #tpu.memory_space<vmem>>, vector<16xf32>,
      %mul3A_687 = arith.constant 16 : i32
      %mul3A_688 = arith.muli %scan3A_271, %mul3A_687 : i32
      %swap3A_689 = arith.constant 58 : i32
      %swap3A_690 = arith.index_cast %swap3A_689 : i32 to index
      %swap3A_691 = arith.index_cast %mul3A_688 : i32 to index
      %swap3A_692 = tpu.vector_load %arg8[%swap3A_690, %swap3A_691] {strides = array<i32>} : memref<64x512xf32, #tpu.memory_space<vmem>>, vector<16xf32>,
      tpu.vector_store %arg8[%swap3A_690, %swap3A_691], %gather3A_669 {strides = array<i32>} : memref<64x512xf32, #tpu.memory_space<vmem>>, vector<16xf32>,
      %mul3A_693 = arith.constant 16 : i32
      %mul3A_694 = arith.muli %scan3A_271, %mul3A_693 : i32
      %swap3A_695 = arith.constant 59 : i32
      %swap3A_696 = arith.index_cast %swap3A_695 : i32 to index
      %swap3A_697 = arith.index_cast %mul3A_694 : i32 to index
      %swap3A_698 = tpu.vector_load %arg8[%swap3A_696, %swap3A_697] {strides = array<i32>} : memref<64x512xf32, #tpu.memory_space<vmem>>, vector<16xf32>,
      tpu.vector_store %arg8[%swap3A_696, %swap3A_697], %gather3A_670 {strides = array<i32>} : memref<64x512xf32, #tpu.memory_space<vmem>>, vector<16xf32>,
      %mul3A_699 = arith.constant 16 : i32
      %mul3A_700 = arith.muli %scan3A_271, %mul3A_699 : i32
      %swap3A_701 = arith.constant 60 : i32
      %swap3A_702 = arith.index_cast %swap3A_701 : i32 to index
      %swap3A_703 = arith.index_cast %mul3A_700 : i32 to index
      %swap3A_704 = tpu.vector_load %arg8[%swap3A_702, %swap3A_703] {strides = array<i32>} : memref<64x512xf32, #tpu.memory_space<vmem>>, vector<16xf32>,
      tpu.vector_store %arg8[%swap3A_702, %swap3A_703], %gather3A_671 {strides = array<i32>} : memref<64x512xf32, #tpu.memory_space<vmem>>, vector<16xf32>,
      %mul3A_705 = arith.constant 16 : i32
      %mul3A_706 = arith.muli %scan3A_271, %mul3A_705 : i32
      %swap3A_707 = arith.constant 61 : i32
      %swap3A_708 = arith.index_cast %swap3A_707 : i32 to index
      %swap3A_709 = arith.index_cast %mul3A_706 : i32 to index
      %swap3A_710 = tpu.vector_load %arg8[%swap3A_708, %swap3A_709] {strides = array<i32>} : memref<64x512xf32, #tpu.memory_space<vmem>>, vector<16xf32>,
      tpu.vector_store %arg8[%swap3A_708, %swap3A_709], %gather3A_672 {strides = array<i32>} : memref<64x512xf32, #tpu.memory_space<vmem>>, vector<16xf32>,
      %mul3A_711 = arith.constant 16 : i32
      %mul3A_712 = arith.muli %scan3A_271, %mul3A_711 : i32
      %swap3A_713 = arith.constant 62 : i32
      %swap3A_714 = arith.index_cast %swap3A_713 : i32 to index
      %swap3A_715 = arith.index_cast %mul3A_712 : i32 to index
      %swap3A_716 = tpu.vector_load %arg8[%swap3A_714, %swap3A_715] {strides = array<i32>} : memref<64x512xf32, #tpu.memory_space<vmem>>, vector<16xf32>,
      tpu.vector_store %arg8[%swap3A_714, %swap3A_715], %gather3A_673 {strides = array<i32>} : memref<64x512xf32, #tpu.memory_space<vmem>>, vector<16xf32>,
      %mul3A_717 = arith.constant 16 : i32
      %mul3A_718 = arith.muli %scan3A_271, %mul3A_717 : i32
      %swap3A_719 = arith.constant 63 : i32
      %swap3A_720 = arith.index_cast %swap3A_719 : i32 to index
      %swap3A_721 = arith.index_cast %mul3A_718 : i32 to index
      %swap3A_722 = tpu.vector_load %arg8[%swap3A_720, %swap3A_721] {strides = array<i32>} : memref<64x512xf32, #tpu.memory_space<vmem>>, vector<16xf32>,
      tpu.vector_store %arg8[%swap3A_720, %swap3A_721], %gather3A_674 {strides = array<i32>} : memref<64x512xf32, #tpu.memory_space<vmem>>, vector<16xf32>,
    }
    %scan3A_216 = arith.constant 32 : i32
    %add3A_217 = arith.constant 2560 : i32
    %add3A_218 = arith.addi %mul3A_2, %add3A_217 : i32
    %dma_start3A_219 = arith.constant 0 : i32
    %dma_start3A_220 = tpu.memref_slice %arg4[%dma_start3A_219, %add3A_218] : memref<64x131072xf32, #tpu.memory_space<hbm>> -> memref<64x512xf32, #tpu.memory_space<hbm>>
    %dma_start3A_221 = arith.constant 0 : i32
    %dma_start3A_222 = tpu.memref_slice %arg4[%dma_start3A_221, %add3A_218] : memref<64x131072xf32, #tpu.memory_space<hbm>> -> memref<64x512xf32, #tpu.memory_space<hbm>>
    tpu.enqueue_dma source(%arg8 : memref<64x512xf32, #tpu.memory_space<vmem>>) target(%dma_start3A_222 : memref<64x512xf32, #tpu.memory_space<hbm>>) target_semaphore(%arg10 : memref<!tpu.dma_semaphore, #tpu.memory_space<semaphore_mem>>)
    %add3A_223 = arith.constant 2048 : i32
    %add3A_224 = arith.addi %mul3A_2, %add3A_223 : i32
    %dma_wait3A_225 = arith.constant 0 : i32
    %dma_wait3A_226 = tpu.memref_slice %arg4[%dma_wait3A_225, %add3A_224] : memref<64x131072xf32, #tpu.memory_space<hbm>> -> memref<64x512xf32, #tpu.memory_space<hbm>>
    %dma_wait3A_227 = arith.constant 0 : i32
    %dma_wait3A_228 = tpu.memref_slice %arg4[%dma_wait3A_227, %add3A_224] : memref<64x131072xf32, #tpu.memory_space<hbm>> -> memref<64x512xf32, #tpu.memory_space<hbm>>
    tpu.wait_dma2 semaphore(%arg9 : memref<!tpu.dma_semaphore, #tpu.memory_space<semaphore_mem>>) src(%arg7 : memref<64x512xf32, #tpu.memory_space<vmem>>) dst(%dma_wait3A_228 : memref<64x512xf32, #tpu.memory_space<hbm>>)
    %scan3A_229 = arith.constant 0 : i32
    %scan3A_230 = arith.constant 0 : i32
    %scan3A_231 = arith.constant 32 : i32
    %scan3A_232 = arith.addi %scan3A_230, %scan3A_231 : i32
    %scan3A_233 = arith.constant 1 : i32
    scf.for %scan3A_271 = %scan3A_230 to %scan3A_232 step %scan3A_233  : i32 {
      %mul3A_272 = arith.constant 16 : i32
      %mul3A_273 = arith.muli %scan3A_271, %mul3A_272 : i32
      %add3A_274 = arith.constant 3072 : i32
      %add3A_275 = arith.addi %add3A_274, %mul3A_273 : i32
      %get3A = arith.index_cast %add3A_275 : i32 to index
      %get3A_276 = tpu.vector_load %arg6[%get3A] {strides = array<i32>} : memref<4096xi32, #tpu.memory_space<vmem>>, vector<16xi32>,
      %gather3A = tpu.vector_load_idx %arg5[%broadcast_in_dim3A_3, %get3A_276] : memref<64x512xf32, #tpu.memory_space<vmem>>[vector<16xi32>, vector<16xi32>], vector<16xf32>,
      %gather3A_277 = tpu.vector_load_idx %arg5[%broadcast_in_dim3A_5, %get3A_276] : memref<64x512xf32, #tpu.memory_space<vmem>>[vector<16xi32>, vector<16xi32>], vector<16xf32>,
      %gather3A_278 = tpu.vector_load_idx %arg5[%broadcast_in_dim3A_7, %get3A_276] : memref<64x512xf32, #tpu.memory_space<vmem>>[vector<16xi32>, vector<16xi32>], vector<16xf32>,
      %gather3A_279 = tpu.vector_load_idx %arg5[%broadcast_in_dim3A_9, %get3A_276] : memref<64x512xf32, #tpu.memory_space<vmem>>[vector<16xi32>, vector<16xi32>], vector<16xf32>,
      %gather3A_280 = tpu.vector_load_idx %arg5[%broadcast_in_dim3A_11, %get3A_276] : memref<64x512xf32, #tpu.memory_space<vmem>>[vector<16xi32>, vector<16xi32>], vector<16xf32>,
      %gather3A_281 = tpu.vector_load_idx %arg5[%broadcast_in_dim3A_13, %get3A_276] : memref<64x512xf32, #tpu.memory_space<vmem>>[vector<16xi32>, vector<16xi32>], vector<16xf32>,
      %gather3A_282 = tpu.vector_load_idx %arg5[%broadcast_in_dim3A_15, %get3A_276] : memref<64x512xf32, #tpu.memory_space<vmem>>[vector<16xi32>, vector<16xi32>], vector<16xf32>,
      %gather3A_283 = tpu.vector_load_idx %arg5[%broadcast_in_dim3A_17, %get3A_276] : memref<64x512xf32, #tpu.memory_space<vmem>>[vector<16xi32>, vector<16xi32>], vector<16xf32>,
      %mul3A_284 = arith.constant 16 : i32
      %mul3A_285 = arith.muli %scan3A_271, %mul3A_284 : i32
      %swap3A = arith.constant 0 : i32
      %swap3A_286 = arith.index_cast %swap3A : i32 to index
      %swap3A_287 = arith.index_cast %mul3A_285 : i32 to index
      %swap3A_288 = tpu.vector_load %arg7[%swap3A_286, %swap3A_287] {strides = array<i32>} : memref<64x512xf32, #tpu.memory_space<vmem>>, vector<16xf32>,
      tpu.vector_store %arg7[%swap3A_286, %swap3A_287], %gather3A {strides = array<i32>} : memref<64x512xf32, #tpu.memory_space<vmem>>, vector<16xf32>,
      %mul3A_289 = arith.constant 16 : i32
      %mul3A_290 = arith.muli %scan3A_271, %mul3A_289 : i32
      %swap3A_291 = arith.constant 1 : i32
      %swap3A_292 = arith.index_cast %swap3A_291 : i32 to index
      %swap3A_293 = arith.index_cast %mul3A_290 : i32 to index
      %swap3A_294 = tpu.vector_load %arg7[%swap3A_292, %swap3A_293] {strides = array<i32>} : memref<64x512xf32, #tpu.memory_space<vmem>>, vector<16xf32>,
      tpu.vector_store %arg7[%swap3A_292, %swap3A_293], %gather3A_277 {strides = array<i32>} : memref<64x512xf32, #tpu.memory_space<vmem>>, vector<16xf32>,
      %mul3A_295 = arith.constant 16 : i32
      %mul3A_296 = arith.muli %scan3A_271, %mul3A_295 : i32
      %swap3A_297 = arith.constant 2 : i32
      %swap3A_298 = arith.index_cast %swap3A_297 : i32 to index
      %swap3A_299 = arith.index_cast %mul3A_296 : i32 to index
      %swap3A_300 = tpu.vector_load %arg7[%swap3A_298, %swap3A_299] {strides = array<i32>} : memref<64x512xf32, #tpu.memory_space<vmem>>, vector<16xf32>,
      tpu.vector_store %arg7[%swap3A_298, %swap3A_299], %gather3A_278 {strides = array<i32>} : memref<64x512xf32, #tpu.memory_space<vmem>>, vector<16xf32>,
      %mul3A_301 = arith.constant 16 : i32
      %mul3A_302 = arith.muli %scan3A_271, %mul3A_301 : i32
      %swap3A_303 = arith.constant 3 : i32
      %swap3A_304 = arith.index_cast %swap3A_303 : i32 to index
      %swap3A_305 = arith.index_cast %mul3A_302 : i32 to index
      %swap3A_306 = tpu.vector_load %arg7[%swap3A_304, %swap3A_305] {strides = array<i32>} : memref<64x512xf32, #tpu.memory_space<vmem>>, vector<16xf32>,
      tpu.vector_store %arg7[%swap3A_304, %swap3A_305], %gather3A_279 {strides = array<i32>} : memref<64x512xf32, #tpu.memory_space<vmem>>, vector<16xf32>,
      %mul3A_307 = arith.constant 16 : i32
      %mul3A_308 = arith.muli %scan3A_271, %mul3A_307 : i32
      %swap3A_309 = arith.constant 4 : i32
      %swap3A_310 = arith.index_cast %swap3A_309 : i32 to index
      %swap3A_311 = arith.index_cast %mul3A_308 : i32 to index
      %swap3A_312 = tpu.vector_load %arg7[%swap3A_310, %swap3A_311] {strides = array<i32>} : memref<64x512xf32, #tpu.memory_space<vmem>>, vector<16xf32>,
      tpu.vector_store %arg7[%swap3A_310, %swap3A_311], %gather3A_280 {strides = array<i32>} : memref<64x512xf32, #tpu.memory_space<vmem>>, vector<16xf32>,
      %mul3A_313 = arith.constant 16 : i32
      %mul3A_314 = arith.muli %scan3A_271, %mul3A_313 : i32
      %swap3A_315 = arith.constant 5 : i32
      %swap3A_316 = arith.index_cast %swap3A_315 : i32 to index
      %swap3A_317 = arith.index_cast %mul3A_314 : i32 to index
      %swap3A_318 = tpu.vector_load %arg7[%swap3A_316, %swap3A_317] {strides = array<i32>} : memref<64x512xf32, #tpu.memory_space<vmem>>, vector<16xf32>,
      tpu.vector_store %arg7[%swap3A_316, %swap3A_317], %gather3A_281 {strides = array<i32>} : memref<64x512xf32, #tpu.memory_space<vmem>>, vector<16xf32>,
      %mul3A_319 = arith.constant 16 : i32
      %mul3A_320 = arith.muli %scan3A_271, %mul3A_319 : i32
      %swap3A_321 = arith.constant 6 : i32
      %swap3A_322 = arith.index_cast %swap3A_321 : i32 to index
      %swap3A_323 = arith.index_cast %mul3A_320 : i32 to index
      %swap3A_324 = tpu.vector_load %arg7[%swap3A_322, %swap3A_323] {strides = array<i32>} : memref<64x512xf32, #tpu.memory_space<vmem>>, vector<16xf32>,
      tpu.vector_store %arg7[%swap3A_322, %swap3A_323], %gather3A_282 {strides = array<i32>} : memref<64x512xf32, #tpu.memory_space<vmem>>, vector<16xf32>,
      %mul3A_325 = arith.constant 16 : i32
      %mul3A_326 = arith.muli %scan3A_271, %mul3A_325 : i32
      %swap3A_327 = arith.constant 7 : i32
      %swap3A_328 = arith.index_cast %swap3A_327 : i32 to index
      %swap3A_329 = arith.index_cast %mul3A_326 : i32 to index
      %swap3A_330 = tpu.vector_load %arg7[%swap3A_328, %swap3A_329] {strides = array<i32>} : memref<64x512xf32, #tpu.memory_space<vmem>>, vector<16xf32>,
      tpu.vector_store %arg7[%swap3A_328, %swap3A_329], %gather3A_283 {strides = array<i32>} : memref<64x512xf32, #tpu.memory_space<vmem>>, vector<16xf32>,
      %gather3A_331 = tpu.vector_load_idx %arg5[%broadcast_in_dim3A_19, %get3A_276] : memref<64x512xf32, #tpu.memory_space<vmem>>[vector<16xi32>, vector<16xi32>], vector<16xf32>,
      %gather3A_332 = tpu.vector_load_idx %arg5[%broadcast_in_dim3A_21, %get3A_276] : memref<64x512xf32, #tpu.memory_space<vmem>>[vector<16xi32>, vector<16xi32>], vector<16xf32>,
      %gather3A_333 = tpu.vector_load_idx %arg5[%broadcast_in_dim3A_23, %get3A_276] : memref<64x512xf32, #tpu.memory_space<vmem>>[vector<16xi32>, vector<16xi32>], vector<16xf32>,
      %gather3A_334 = tpu.vector_load_idx %arg5[%broadcast_in_dim3A_25, %get3A_276] : memref<64x512xf32, #tpu.memory_space<vmem>>[vector<16xi32>, vector<16xi32>], vector<16xf32>,
      %gather3A_335 = tpu.vector_load_idx %arg5[%broadcast_in_dim3A_27, %get3A_276] : memref<64x512xf32, #tpu.memory_space<vmem>>[vector<16xi32>, vector<16xi32>], vector<16xf32>,
      %gather3A_336 = tpu.vector_load_idx %arg5[%broadcast_in_dim3A_29, %get3A_276] : memref<64x512xf32, #tpu.memory_space<vmem>>[vector<16xi32>, vector<16xi32>], vector<16xf32>,
      %gather3A_337 = tpu.vector_load_idx %arg5[%broadcast_in_dim3A_31, %get3A_276] : memref<64x512xf32, #tpu.memory_space<vmem>>[vector<16xi32>, vector<16xi32>], vector<16xf32>,
      %gather3A_338 = tpu.vector_load_idx %arg5[%broadcast_in_dim3A_33, %get3A_276] : memref<64x512xf32, #tpu.memory_space<vmem>>[vector<16xi32>, vector<16xi32>], vector<16xf32>,
      %mul3A_339 = arith.constant 16 : i32
      %mul3A_340 = arith.muli %scan3A_271, %mul3A_339 : i32
      %swap3A_341 = arith.constant 8 : i32
      %swap3A_342 = arith.index_cast %swap3A_341 : i32 to index
      %swap3A_343 = arith.index_cast %mul3A_340 : i32 to index
      %swap3A_344 = tpu.vector_load %arg7[%swap3A_342, %swap3A_343] {strides = array<i32>} : memref<64x512xf32, #tpu.memory_space<vmem>>, vector<16xf32>,
      tpu.vector_store %arg7[%swap3A_342, %swap3A_343], %gather3A_331 {strides = array<i32>} : memref<64x512xf32, #tpu.memory_space<vmem>>, vector<16xf32>,
      %mul3A_345 = arith.constant 16 : i32
      %mul3A_346 = arith.muli %scan3A_271, %mul3A_345 : i32
      %swap3A_347 = arith.constant 9 : i32
      %swap3A_348 = arith.index_cast %swap3A_347 : i32 to index
      %swap3A_349 = arith.index_cast %mul3A_346 : i32 to index
      %swap3A_350 = tpu.vector_load %arg7[%swap3A_348, %swap3A_349] {strides = array<i32>} : memref<64x512xf32, #tpu.memory_space<vmem>>, vector<16xf32>,
      tpu.vector_store %arg7[%swap3A_348, %swap3A_349], %gather3A_332 {strides = array<i32>} : memref<64x512xf32, #tpu.memory_space<vmem>>, vector<16xf32>,
      %mul3A_351 = arith.constant 16 : i32
      %mul3A_352 = arith.muli %scan3A_271, %mul3A_351 : i32
      %swap3A_353 = arith.constant 10 : i32
      %swap3A_354 = arith.index_cast %swap3A_353 : i32 to index
      %swap3A_355 = arith.index_cast %mul3A_352 : i32 to index
      %swap3A_356 = tpu.vector_load %arg7[%swap3A_354, %swap3A_355] {strides = array<i32>} : memref<64x512xf32, #tpu.memory_space<vmem>>, vector<16xf32>,
      tpu.vector_store %arg7[%swap3A_354, %swap3A_355], %gather3A_333 {strides = array<i32>} : memref<64x512xf32, #tpu.memory_space<vmem>>, vector<16xf32>,
      %mul3A_357 = arith.constant 16 : i32
      %mul3A_358 = arith.muli %scan3A_271, %mul3A_357 : i32
      %swap3A_359 = arith.constant 11 : i32
      %swap3A_360 = arith.index_cast %swap3A_359 : i32 to index
      %swap3A_361 = arith.index_cast %mul3A_358 : i32 to index
      %swap3A_362 = tpu.vector_load %arg7[%swap3A_360, %swap3A_361] {strides = array<i32>} : memref<64x512xf32, #tpu.memory_space<vmem>>, vector<16xf32>,
      tpu.vector_store %arg7[%swap3A_360, %swap3A_361], %gather3A_334 {strides = array<i32>} : memref<64x512xf32, #tpu.memory_space<vmem>>, vector<16xf32>,
      %mul3A_363 = arith.constant 16 : i32
      %mul3A_364 = arith.muli %scan3A_271, %mul3A_363 : i32
      %swap3A_365 = arith.constant 12 : i32
      %swap3A_366 = arith.index_cast %swap3A_365 : i32 to index
      %swap3A_367 = arith.index_cast %mul3A_364 : i32 to index
      %swap3A_368 = tpu.vector_load %arg7[%swap3A_366, %swap3A_367] {strides = array<i32>} : memref<64x512xf32, #tpu.memory_space<vmem>>, vector<16xf32>,
      tpu.vector_store %arg7[%swap3A_366, %swap3A_367], %gather3A_335 {strides = array<i32>} : memref<64x512xf32, #tpu.memory_space<vmem>>, vector<16xf32>,
      %mul3A_369 = arith.constant 16 : i32
      %mul3A_370 = arith.muli %scan3A_271, %mul3A_369 : i32
      %swap3A_371 = arith.constant 13 : i32
      %swap3A_372 = arith.index_cast %swap3A_371 : i32 to index
      %swap3A_373 = arith.index_cast %mul3A_370 : i32 to index
      %swap3A_374 = tpu.vector_load %arg7[%swap3A_372, %swap3A_373] {strides = array<i32>} : memref<64x512xf32, #tpu.memory_space<vmem>>, vector<16xf32>,
      tpu.vector_store %arg7[%swap3A_372, %swap3A_373], %gather3A_336 {strides = array<i32>} : memref<64x512xf32, #tpu.memory_space<vmem>>, vector<16xf32>,
      %mul3A_375 = arith.constant 16 : i32
      %mul3A_376 = arith.muli %scan3A_271, %mul3A_375 : i32
      %swap3A_377 = arith.constant 14 : i32
      %swap3A_378 = arith.index_cast %swap3A_377 : i32 to index
      %swap3A_379 = arith.index_cast %mul3A_376 : i32 to index
      %swap3A_380 = tpu.vector_load %arg7[%swap3A_378, %swap3A_379] {strides = array<i32>} : memref<64x512xf32, #tpu.memory_space<vmem>>, vector<16xf32>,
      tpu.vector_store %arg7[%swap3A_378, %swap3A_379], %gather3A_337 {strides = array<i32>} : memref<64x512xf32, #tpu.memory_space<vmem>>, vector<16xf32>,
      %mul3A_381 = arith.constant 16 : i32
      %mul3A_382 = arith.muli %scan3A_271, %mul3A_381 : i32
      %swap3A_383 = arith.constant 15 : i32
      %swap3A_384 = arith.index_cast %swap3A_383 : i32 to index
      %swap3A_385 = arith.index_cast %mul3A_382 : i32 to index
      %swap3A_386 = tpu.vector_load %arg7[%swap3A_384, %swap3A_385] {strides = array<i32>} : memref<64x512xf32, #tpu.memory_space<vmem>>, vector<16xf32>,
      tpu.vector_store %arg7[%swap3A_384, %swap3A_385], %gather3A_338 {strides = array<i32>} : memref<64x512xf32, #tpu.memory_space<vmem>>, vector<16xf32>,
      %gather3A_387 = tpu.vector_load_idx %arg5[%broadcast_in_dim3A_35, %get3A_276] : memref<64x512xf32, #tpu.memory_space<vmem>>[vector<16xi32>, vector<16xi32>], vector<16xf32>,
      %gather3A_388 = tpu.vector_load_idx %arg5[%broadcast_in_dim3A_37, %get3A_276] : memref<64x512xf32, #tpu.memory_space<vmem>>[vector<16xi32>, vector<16xi32>], vector<16xf32>,
      %gather3A_389 = tpu.vector_load_idx %arg5[%broadcast_in_dim3A_39, %get3A_276] : memref<64x512xf32, #tpu.memory_space<vmem>>[vector<16xi32>, vector<16xi32>], vector<16xf32>,
      %gather3A_390 = tpu.vector_load_idx %arg5[%broadcast_in_dim3A_41, %get3A_276] : memref<64x512xf32, #tpu.memory_space<vmem>>[vector<16xi32>, vector<16xi32>], vector<16xf32>,
      %gather3A_391 = tpu.vector_load_idx %arg5[%broadcast_in_dim3A_43, %get3A_276] : memref<64x512xf32, #tpu.memory_space<vmem>>[vector<16xi32>, vector<16xi32>], vector<16xf32>,
      %gather3A_392 = tpu.vector_load_idx %arg5[%broadcast_in_dim3A_45, %get3A_276] : memref<64x512xf32, #tpu.memory_space<vmem>>[vector<16xi32>, vector<16xi32>], vector<16xf32>,
      %gather3A_393 = tpu.vector_load_idx %arg5[%broadcast_in_dim3A_47, %get3A_276] : memref<64x512xf32, #tpu.memory_space<vmem>>[vector<16xi32>, vector<16xi32>], vector<16xf32>,
      %gather3A_394 = tpu.vector_load_idx %arg5[%broadcast_in_dim3A_49, %get3A_276] : memref<64x512xf32, #tpu.memory_space<vmem>>[vector<16xi32>, vector<16xi32>], vector<16xf32>,
      %mul3A_395 = arith.constant 16 : i32
      %mul3A_396 = arith.muli %scan3A_271, %mul3A_395 : i32
      %swap3A_397 = arith.constant 16 : i32
      %swap3A_398 = arith.index_cast %swap3A_397 : i32 to index
      %swap3A_399 = arith.index_cast %mul3A_396 : i32 to index
      %swap3A_400 = tpu.vector_load %arg7[%swap3A_398, %swap3A_399] {strides = array<i32>} : memref<64x512xf32, #tpu.memory_space<vmem>>, vector<16xf32>,
      tpu.vector_store %arg7[%swap3A_398, %swap3A_399], %gather3A_387 {strides = array<i32>} : memref<64x512xf32, #tpu.memory_space<vmem>>, vector<16xf32>,
      %mul3A_401 = arith.constant 16 : i32
      %mul3A_402 = arith.muli %scan3A_271, %mul3A_401 : i32
      %swap3A_403 = arith.constant 17 : i32
      %swap3A_404 = arith.index_cast %swap3A_403 : i32 to index
      %swap3A_405 = arith.index_cast %mul3A_402 : i32 to index
      %swap3A_406 = tpu.vector_load %arg7[%swap3A_404, %swap3A_405] {strides = array<i32>} : memref<64x512xf32, #tpu.memory_space<vmem>>, vector<16xf32>,
      tpu.vector_store %arg7[%swap3A_404, %swap3A_405], %gather3A_388 {strides = array<i32>} : memref<64x512xf32, #tpu.memory_space<vmem>>, vector<16xf32>,
      %mul3A_407 = arith.constant 16 : i32
      %mul3A_408 = arith.muli %scan3A_271, %mul3A_407 : i32
      %swap3A_409 = arith.constant 18 : i32
      %swap3A_410 = arith.index_cast %swap3A_409 : i32 to index
      %swap3A_411 = arith.index_cast %mul3A_408 : i32 to index
      %swap3A_412 = tpu.vector_load %arg7[%swap3A_410, %swap3A_411] {strides = array<i32>} : memref<64x512xf32, #tpu.memory_space<vmem>>, vector<16xf32>,
      tpu.vector_store %arg7[%swap3A_410, %swap3A_411], %gather3A_389 {strides = array<i32>} : memref<64x512xf32, #tpu.memory_space<vmem>>, vector<16xf32>,
      %mul3A_413 = arith.constant 16 : i32
      %mul3A_414 = arith.muli %scan3A_271, %mul3A_413 : i32
      %swap3A_415 = arith.constant 19 : i32
      %swap3A_416 = arith.index_cast %swap3A_415 : i32 to index
      %swap3A_417 = arith.index_cast %mul3A_414 : i32 to index
      %swap3A_418 = tpu.vector_load %arg7[%swap3A_416, %swap3A_417] {strides = array<i32>} : memref<64x512xf32, #tpu.memory_space<vmem>>, vector<16xf32>,
      tpu.vector_store %arg7[%swap3A_416, %swap3A_417], %gather3A_390 {strides = array<i32>} : memref<64x512xf32, #tpu.memory_space<vmem>>, vector<16xf32>,
      %mul3A_419 = arith.constant 16 : i32
      %mul3A_420 = arith.muli %scan3A_271, %mul3A_419 : i32
      %swap3A_421 = arith.constant 20 : i32
      %swap3A_422 = arith.index_cast %swap3A_421 : i32 to index
      %swap3A_423 = arith.index_cast %mul3A_420 : i32 to index
      %swap3A_424 = tpu.vector_load %arg7[%swap3A_422, %swap3A_423] {strides = array<i32>} : memref<64x512xf32, #tpu.memory_space<vmem>>, vector<16xf32>,
      tpu.vector_store %arg7[%swap3A_422, %swap3A_423], %gather3A_391 {strides = array<i32>} : memref<64x512xf32, #tpu.memory_space<vmem>>, vector<16xf32>,
      %mul3A_425 = arith.constant 16 : i32
      %mul3A_426 = arith.muli %scan3A_271, %mul3A_425 : i32
      %swap3A_427 = arith.constant 21 : i32
      %swap3A_428 = arith.index_cast %swap3A_427 : i32 to index
      %swap3A_429 = arith.index_cast %mul3A_426 : i32 to index
      %swap3A_430 = tpu.vector_load %arg7[%swap3A_428, %swap3A_429] {strides = array<i32>} : memref<64x512xf32, #tpu.memory_space<vmem>>, vector<16xf32>,
      tpu.vector_store %arg7[%swap3A_428, %swap3A_429], %gather3A_392 {strides = array<i32>} : memref<64x512xf32, #tpu.memory_space<vmem>>, vector<16xf32>,
      %mul3A_431 = arith.constant 16 : i32
      %mul3A_432 = arith.muli %scan3A_271, %mul3A_431 : i32
      %swap3A_433 = arith.constant 22 : i32
      %swap3A_434 = arith.index_cast %swap3A_433 : i32 to index
      %swap3A_435 = arith.index_cast %mul3A_432 : i32 to index
      %swap3A_436 = tpu.vector_load %arg7[%swap3A_434, %swap3A_435] {strides = array<i32>} : memref<64x512xf32, #tpu.memory_space<vmem>>, vector<16xf32>,
      tpu.vector_store %arg7[%swap3A_434, %swap3A_435], %gather3A_393 {strides = array<i32>} : memref<64x512xf32, #tpu.memory_space<vmem>>, vector<16xf32>,
      %mul3A_437 = arith.constant 16 : i32
      %mul3A_438 = arith.muli %scan3A_271, %mul3A_437 : i32
      %swap3A_439 = arith.constant 23 : i32
      %swap3A_440 = arith.index_cast %swap3A_439 : i32 to index
      %swap3A_441 = arith.index_cast %mul3A_438 : i32 to index
      %swap3A_442 = tpu.vector_load %arg7[%swap3A_440, %swap3A_441] {strides = array<i32>} : memref<64x512xf32, #tpu.memory_space<vmem>>, vector<16xf32>,
      tpu.vector_store %arg7[%swap3A_440, %swap3A_441], %gather3A_394 {strides = array<i32>} : memref<64x512xf32, #tpu.memory_space<vmem>>, vector<16xf32>,
      %gather3A_443 = tpu.vector_load_idx %arg5[%broadcast_in_dim3A_51, %get3A_276] : memref<64x512xf32, #tpu.memory_space<vmem>>[vector<16xi32>, vector<16xi32>], vector<16xf32>,
      %gather3A_444 = tpu.vector_load_idx %arg5[%broadcast_in_dim3A_53, %get3A_276] : memref<64x512xf32, #tpu.memory_space<vmem>>[vector<16xi32>, vector<16xi32>], vector<16xf32>,
      %gather3A_445 = tpu.vector_load_idx %arg5[%broadcast_in_dim3A_55, %get3A_276] : memref<64x512xf32, #tpu.memory_space<vmem>>[vector<16xi32>, vector<16xi32>], vector<16xf32>,
      %gather3A_446 = tpu.vector_load_idx %arg5[%broadcast_in_dim3A_57, %get3A_276] : memref<64x512xf32, #tpu.memory_space<vmem>>[vector<16xi32>, vector<16xi32>], vector<16xf32>,
      %gather3A_447 = tpu.vector_load_idx %arg5[%broadcast_in_dim3A_59, %get3A_276] : memref<64x512xf32, #tpu.memory_space<vmem>>[vector<16xi32>, vector<16xi32>], vector<16xf32>,
      %gather3A_448 = tpu.vector_load_idx %arg5[%broadcast_in_dim3A_61, %get3A_276] : memref<64x512xf32, #tpu.memory_space<vmem>>[vector<16xi32>, vector<16xi32>], vector<16xf32>,
      %gather3A_449 = tpu.vector_load_idx %arg5[%broadcast_in_dim3A_63, %get3A_276] : memref<64x512xf32, #tpu.memory_space<vmem>>[vector<16xi32>, vector<16xi32>], vector<16xf32>,
      %gather3A_450 = tpu.vector_load_idx %arg5[%broadcast_in_dim3A_65, %get3A_276] : memref<64x512xf32, #tpu.memory_space<vmem>>[vector<16xi32>, vector<16xi32>], vector<16xf32>,
      %mul3A_451 = arith.constant 16 : i32
      %mul3A_452 = arith.muli %scan3A_271, %mul3A_451 : i32
      %swap3A_453 = arith.constant 24 : i32
      %swap3A_454 = arith.index_cast %swap3A_453 : i32 to index
      %swap3A_455 = arith.index_cast %mul3A_452 : i32 to index
      %swap3A_456 = tpu.vector_load %arg7[%swap3A_454, %swap3A_455] {strides = array<i32>} : memref<64x512xf32, #tpu.memory_space<vmem>>, vector<16xf32>,
      tpu.vector_store %arg7[%swap3A_454, %swap3A_455], %gather3A_443 {strides = array<i32>} : memref<64x512xf32, #tpu.memory_space<vmem>>, vector<16xf32>,
      %mul3A_457 = arith.constant 16 : i32
      %mul3A_458 = arith.muli %scan3A_271, %mul3A_457 : i32
      %swap3A_459 = arith.constant 25 : i32
      %swap3A_460 = arith.index_cast %swap3A_459 : i32 to index
      %swap3A_461 = arith.index_cast %mul3A_458 : i32 to index
      %swap3A_462 = tpu.vector_load %arg7[%swap3A_460, %swap3A_461] {strides = array<i32>} : memref<64x512xf32, #tpu.memory_space<vmem>>, vector<16xf32>,
      tpu.vector_store %arg7[%swap3A_460, %swap3A_461], %gather3A_444 {strides = array<i32>} : memref<64x512xf32, #tpu.memory_space<vmem>>, vector<16xf32>,
      %mul3A_463 = arith.constant 16 : i32
      %mul3A_464 = arith.muli %scan3A_271, %mul3A_463 : i32
      %swap3A_465 = arith.constant 26 : i32
      %swap3A_466 = arith.index_cast %swap3A_465 : i32 to index
      %swap3A_467 = arith.index_cast %mul3A_464 : i32 to index
      %swap3A_468 = tpu.vector_load %arg7[%swap3A_466, %swap3A_467] {strides = array<i32>} : memref<64x512xf32, #tpu.memory_space<vmem>>, vector<16xf32>,
      tpu.vector_store %arg7[%swap3A_466, %swap3A_467], %gather3A_445 {strides = array<i32>} : memref<64x512xf32, #tpu.memory_space<vmem>>, vector<16xf32>,
      %mul3A_469 = arith.constant 16 : i32
      %mul3A_470 = arith.muli %scan3A_271, %mul3A_469 : i32
      %swap3A_471 = arith.constant 27 : i32
      %swap3A_472 = arith.index_cast %swap3A_471 : i32 to index
      %swap3A_473 = arith.index_cast %mul3A_470 : i32 to index
      %swap3A_474 = tpu.vector_load %arg7[%swap3A_472, %swap3A_473] {strides = array<i32>} : memref<64x512xf32, #tpu.memory_space<vmem>>, vector<16xf32>,
      tpu.vector_store %arg7[%swap3A_472, %swap3A_473], %gather3A_446 {strides = array<i32>} : memref<64x512xf32, #tpu.memory_space<vmem>>, vector<16xf32>,
      %mul3A_475 = arith.constant 16 : i32
      %mul3A_476 = arith.muli %scan3A_271, %mul3A_475 : i32
      %swap3A_477 = arith.constant 28 : i32
      %swap3A_478 = arith.index_cast %swap3A_477 : i32 to index
      %swap3A_479 = arith.index_cast %mul3A_476 : i32 to index
      %swap3A_480 = tpu.vector_load %arg7[%swap3A_478, %swap3A_479] {strides = array<i32>} : memref<64x512xf32, #tpu.memory_space<vmem>>, vector<16xf32>,
      tpu.vector_store %arg7[%swap3A_478, %swap3A_479], %gather3A_447 {strides = array<i32>} : memref<64x512xf32, #tpu.memory_space<vmem>>, vector<16xf32>,
      %mul3A_481 = arith.constant 16 : i32
      %mul3A_482 = arith.muli %scan3A_271, %mul3A_481 : i32
      %swap3A_483 = arith.constant 29 : i32
      %swap3A_484 = arith.index_cast %swap3A_483 : i32 to index
      %swap3A_485 = arith.index_cast %mul3A_482 : i32 to index
      %swap3A_486 = tpu.vector_load %arg7[%swap3A_484, %swap3A_485] {strides = array<i32>} : memref<64x512xf32, #tpu.memory_space<vmem>>, vector<16xf32>,
      tpu.vector_store %arg7[%swap3A_484, %swap3A_485], %gather3A_448 {strides = array<i32>} : memref<64x512xf32, #tpu.memory_space<vmem>>, vector<16xf32>,
      %mul3A_487 = arith.constant 16 : i32
      %mul3A_488 = arith.muli %scan3A_271, %mul3A_487 : i32
      %swap3A_489 = arith.constant 30 : i32
      %swap3A_490 = arith.index_cast %swap3A_489 : i32 to index
      %swap3A_491 = arith.index_cast %mul3A_488 : i32 to index
      %swap3A_492 = tpu.vector_load %arg7[%swap3A_490, %swap3A_491] {strides = array<i32>} : memref<64x512xf32, #tpu.memory_space<vmem>>, vector<16xf32>,
      tpu.vector_store %arg7[%swap3A_490, %swap3A_491], %gather3A_449 {strides = array<i32>} : memref<64x512xf32, #tpu.memory_space<vmem>>, vector<16xf32>,
      %mul3A_493 = arith.constant 16 : i32
      %mul3A_494 = arith.muli %scan3A_271, %mul3A_493 : i32
      %swap3A_495 = arith.constant 31 : i32
      %swap3A_496 = arith.index_cast %swap3A_495 : i32 to index
      %swap3A_497 = arith.index_cast %mul3A_494 : i32 to index
      %swap3A_498 = tpu.vector_load %arg7[%swap3A_496, %swap3A_497] {strides = array<i32>} : memref<64x512xf32, #tpu.memory_space<vmem>>, vector<16xf32>,
      tpu.vector_store %arg7[%swap3A_496, %swap3A_497], %gather3A_450 {strides = array<i32>} : memref<64x512xf32, #tpu.memory_space<vmem>>, vector<16xf32>,
      %gather3A_499 = tpu.vector_load_idx %arg5[%broadcast_in_dim3A_67, %get3A_276] : memref<64x512xf32, #tpu.memory_space<vmem>>[vector<16xi32>, vector<16xi32>], vector<16xf32>,
      %gather3A_500 = tpu.vector_load_idx %arg5[%broadcast_in_dim3A_69, %get3A_276] : memref<64x512xf32, #tpu.memory_space<vmem>>[vector<16xi32>, vector<16xi32>], vector<16xf32>,
      %gather3A_501 = tpu.vector_load_idx %arg5[%broadcast_in_dim3A_71, %get3A_276] : memref<64x512xf32, #tpu.memory_space<vmem>>[vector<16xi32>, vector<16xi32>], vector<16xf32>,
      %gather3A_502 = tpu.vector_load_idx %arg5[%broadcast_in_dim3A_73, %get3A_276] : memref<64x512xf32, #tpu.memory_space<vmem>>[vector<16xi32>, vector<16xi32>], vector<16xf32>,
      %gather3A_503 = tpu.vector_load_idx %arg5[%broadcast_in_dim3A_75, %get3A_276] : memref<64x512xf32, #tpu.memory_space<vmem>>[vector<16xi32>, vector<16xi32>], vector<16xf32>,
      %gather3A_504 = tpu.vector_load_idx %arg5[%broadcast_in_dim3A_77, %get3A_276] : memref<64x512xf32, #tpu.memory_space<vmem>>[vector<16xi32>, vector<16xi32>], vector<16xf32>,
      %gather3A_505 = tpu.vector_load_idx %arg5[%broadcast_in_dim3A_79, %get3A_276] : memref<64x512xf32, #tpu.memory_space<vmem>>[vector<16xi32>, vector<16xi32>], vector<16xf32>,
      %gather3A_506 = tpu.vector_load_idx %arg5[%broadcast_in_dim3A_81, %get3A_276] : memref<64x512xf32, #tpu.memory_space<vmem>>[vector<16xi32>, vector<16xi32>], vector<16xf32>,
      %mul3A_507 = arith.constant 16 : i32
      %mul3A_508 = arith.muli %scan3A_271, %mul3A_507 : i32
      %swap3A_509 = arith.constant 32 : i32
      %swap3A_510 = arith.index_cast %swap3A_509 : i32 to index
      %swap3A_511 = arith.index_cast %mul3A_508 : i32 to index
      %swap3A_512 = tpu.vector_load %arg7[%swap3A_510, %swap3A_511] {strides = array<i32>} : memref<64x512xf32, #tpu.memory_space<vmem>>, vector<16xf32>,
      tpu.vector_store %arg7[%swap3A_510, %swap3A_511], %gather3A_499 {strides = array<i32>} : memref<64x512xf32, #tpu.memory_space<vmem>>, vector<16xf32>,
      %mul3A_513 = arith.constant 16 : i32
      %mul3A_514 = arith.muli %scan3A_271, %mul3A_513 : i32
      %swap3A_515 = arith.constant 33 : i32
      %swap3A_516 = arith.index_cast %swap3A_515 : i32 to index
      %swap3A_517 = arith.index_cast %mul3A_514 : i32 to index
      %swap3A_518 = tpu.vector_load %arg7[%swap3A_516, %swap3A_517] {strides = array<i32>} : memref<64x512xf32, #tpu.memory_space<vmem>>, vector<16xf32>,
      tpu.vector_store %arg7[%swap3A_516, %swap3A_517], %gather3A_500 {strides = array<i32>} : memref<64x512xf32, #tpu.memory_space<vmem>>, vector<16xf32>,
      %mul3A_519 = arith.constant 16 : i32
      %mul3A_520 = arith.muli %scan3A_271, %mul3A_519 : i32
      %swap3A_521 = arith.constant 34 : i32
      %swap3A_522 = arith.index_cast %swap3A_521 : i32 to index
      %swap3A_523 = arith.index_cast %mul3A_520 : i32 to index
      %swap3A_524 = tpu.vector_load %arg7[%swap3A_522, %swap3A_523] {strides = array<i32>} : memref<64x512xf32, #tpu.memory_space<vmem>>, vector<16xf32>,
      tpu.vector_store %arg7[%swap3A_522, %swap3A_523], %gather3A_501 {strides = array<i32>} : memref<64x512xf32, #tpu.memory_space<vmem>>, vector<16xf32>,
      %mul3A_525 = arith.constant 16 : i32
      %mul3A_526 = arith.muli %scan3A_271, %mul3A_525 : i32
      %swap3A_527 = arith.constant 35 : i32
      %swap3A_528 = arith.index_cast %swap3A_527 : i32 to index
      %swap3A_529 = arith.index_cast %mul3A_526 : i32 to index
      %swap3A_530 = tpu.vector_load %arg7[%swap3A_528, %swap3A_529] {strides = array<i32>} : memref<64x512xf32, #tpu.memory_space<vmem>>, vector<16xf32>,
      tpu.vector_store %arg7[%swap3A_528, %swap3A_529], %gather3A_502 {strides = array<i32>} : memref<64x512xf32, #tpu.memory_space<vmem>>, vector<16xf32>,
      %mul3A_531 = arith.constant 16 : i32
      %mul3A_532 = arith.muli %scan3A_271, %mul3A_531 : i32
      %swap3A_533 = arith.constant 36 : i32
      %swap3A_534 = arith.index_cast %swap3A_533 : i32 to index
      %swap3A_535 = arith.index_cast %mul3A_532 : i32 to index
      %swap3A_536 = tpu.vector_load %arg7[%swap3A_534, %swap3A_535] {strides = array<i32>} : memref<64x512xf32, #tpu.memory_space<vmem>>, vector<16xf32>,
      tpu.vector_store %arg7[%swap3A_534, %swap3A_535], %gather3A_503 {strides = array<i32>} : memref<64x512xf32, #tpu.memory_space<vmem>>, vector<16xf32>,
      %mul3A_537 = arith.constant 16 : i32
      %mul3A_538 = arith.muli %scan3A_271, %mul3A_537 : i32
      %swap3A_539 = arith.constant 37 : i32
      %swap3A_540 = arith.index_cast %swap3A_539 : i32 to index
      %swap3A_541 = arith.index_cast %mul3A_538 : i32 to index
      %swap3A_542 = tpu.vector_load %arg7[%swap3A_540, %swap3A_541] {strides = array<i32>} : memref<64x512xf32, #tpu.memory_space<vmem>>, vector<16xf32>,
      tpu.vector_store %arg7[%swap3A_540, %swap3A_541], %gather3A_504 {strides = array<i32>} : memref<64x512xf32, #tpu.memory_space<vmem>>, vector<16xf32>,
      %mul3A_543 = arith.constant 16 : i32
      %mul3A_544 = arith.muli %scan3A_271, %mul3A_543 : i32
      %swap3A_545 = arith.constant 38 : i32
      %swap3A_546 = arith.index_cast %swap3A_545 : i32 to index
      %swap3A_547 = arith.index_cast %mul3A_544 : i32 to index
      %swap3A_548 = tpu.vector_load %arg7[%swap3A_546, %swap3A_547] {strides = array<i32>} : memref<64x512xf32, #tpu.memory_space<vmem>>, vector<16xf32>,
      tpu.vector_store %arg7[%swap3A_546, %swap3A_547], %gather3A_505 {strides = array<i32>} : memref<64x512xf32, #tpu.memory_space<vmem>>, vector<16xf32>,
      %mul3A_549 = arith.constant 16 : i32
      %mul3A_550 = arith.muli %scan3A_271, %mul3A_549 : i32
      %swap3A_551 = arith.constant 39 : i32
      %swap3A_552 = arith.index_cast %swap3A_551 : i32 to index
      %swap3A_553 = arith.index_cast %mul3A_550 : i32 to index
      %swap3A_554 = tpu.vector_load %arg7[%swap3A_552, %swap3A_553] {strides = array<i32>} : memref<64x512xf32, #tpu.memory_space<vmem>>, vector<16xf32>,
      tpu.vector_store %arg7[%swap3A_552, %swap3A_553], %gather3A_506 {strides = array<i32>} : memref<64x512xf32, #tpu.memory_space<vmem>>, vector<16xf32>,
      %gather3A_555 = tpu.vector_load_idx %arg5[%broadcast_in_dim3A_83, %get3A_276] : memref<64x512xf32, #tpu.memory_space<vmem>>[vector<16xi32>, vector<16xi32>], vector<16xf32>,
      %gather3A_556 = tpu.vector_load_idx %arg5[%broadcast_in_dim3A_85, %get3A_276] : memref<64x512xf32, #tpu.memory_space<vmem>>[vector<16xi32>, vector<16xi32>], vector<16xf32>,
      %gather3A_557 = tpu.vector_load_idx %arg5[%broadcast_in_dim3A_87, %get3A_276] : memref<64x512xf32, #tpu.memory_space<vmem>>[vector<16xi32>, vector<16xi32>], vector<16xf32>,
      %gather3A_558 = tpu.vector_load_idx %arg5[%broadcast_in_dim3A_89, %get3A_276] : memref<64x512xf32, #tpu.memory_space<vmem>>[vector<16xi32>, vector<16xi32>], vector<16xf32>,
      %gather3A_559 = tpu.vector_load_idx %arg5[%broadcast_in_dim3A_91, %get3A_276] : memref<64x512xf32, #tpu.memory_space<vmem>>[vector<16xi32>, vector<16xi32>], vector<16xf32>,
      %gather3A_560 = tpu.vector_load_idx %arg5[%broadcast_in_dim3A_93, %get3A_276] : memref<64x512xf32, #tpu.memory_space<vmem>>[vector<16xi32>, vector<16xi32>], vector<16xf32>,
      %gather3A_561 = tpu.vector_load_idx %arg5[%broadcast_in_dim3A_95, %get3A_276] : memref<64x512xf32, #tpu.memory_space<vmem>>[vector<16xi32>, vector<16xi32>], vector<16xf32>,
      %gather3A_562 = tpu.vector_load_idx %arg5[%broadcast_in_dim3A_97, %get3A_276] : memref<64x512xf32, #tpu.memory_space<vmem>>[vector<16xi32>, vector<16xi32>], vector<16xf32>,
      %mul3A_563 = arith.constant 16 : i32
      %mul3A_564 = arith.muli %scan3A_271, %mul3A_563 : i32
      %swap3A_565 = arith.constant 40 : i32
      %swap3A_566 = arith.index_cast %swap3A_565 : i32 to index
      %swap3A_567 = arith.index_cast %mul3A_564 : i32 to index
      %swap3A_568 = tpu.vector_load %arg7[%swap3A_566, %swap3A_567] {strides = array<i32>} : memref<64x512xf32, #tpu.memory_space<vmem>>, vector<16xf32>,
      tpu.vector_store %arg7[%swap3A_566, %swap3A_567], %gather3A_555 {strides = array<i32>} : memref<64x512xf32, #tpu.memory_space<vmem>>, vector<16xf32>,
      %mul3A_569 = arith.constant 16 : i32
      %mul3A_570 = arith.muli %scan3A_271, %mul3A_569 : i32
      %swap3A_571 = arith.constant 41 : i32
      %swap3A_572 = arith.index_cast %swap3A_571 : i32 to index
      %swap3A_573 = arith.index_cast %mul3A_570 : i32 to index
      %swap3A_574 = tpu.vector_load %arg7[%swap3A_572, %swap3A_573] {strides = array<i32>} : memref<64x512xf32, #tpu.memory_space<vmem>>, vector<16xf32>,
      tpu.vector_store %arg7[%swap3A_572, %swap3A_573], %gather3A_556 {strides = array<i32>} : memref<64x512xf32, #tpu.memory_space<vmem>>, vector<16xf32>,
      %mul3A_575 = arith.constant 16 : i32
      %mul3A_576 = arith.muli %scan3A_271, %mul3A_575 : i32
      %swap3A_577 = arith.constant 42 : i32
      %swap3A_578 = arith.index_cast %swap3A_577 : i32 to index
      %swap3A_579 = arith.index_cast %mul3A_576 : i32 to index
      %swap3A_580 = tpu.vector_load %arg7[%swap3A_578, %swap3A_579] {strides = array<i32>} : memref<64x512xf32, #tpu.memory_space<vmem>>, vector<16xf32>,
      tpu.vector_store %arg7[%swap3A_578, %swap3A_579], %gather3A_557 {strides = array<i32>} : memref<64x512xf32, #tpu.memory_space<vmem>>, vector<16xf32>,
      %mul3A_581 = arith.constant 16 : i32
      %mul3A_582 = arith.muli %scan3A_271, %mul3A_581 : i32
      %swap3A_583 = arith.constant 43 : i32
      %swap3A_584 = arith.index_cast %swap3A_583 : i32 to index
      %swap3A_585 = arith.index_cast %mul3A_582 : i32 to index
      %swap3A_586 = tpu.vector_load %arg7[%swap3A_584, %swap3A_585] {strides = array<i32>} : memref<64x512xf32, #tpu.memory_space<vmem>>, vector<16xf32>,
      tpu.vector_store %arg7[%swap3A_584, %swap3A_585], %gather3A_558 {strides = array<i32>} : memref<64x512xf32, #tpu.memory_space<vmem>>, vector<16xf32>,
      %mul3A_587 = arith.constant 16 : i32
      %mul3A_588 = arith.muli %scan3A_271, %mul3A_587 : i32
      %swap3A_589 = arith.constant 44 : i32
      %swap3A_590 = arith.index_cast %swap3A_589 : i32 to index
      %swap3A_591 = arith.index_cast %mul3A_588 : i32 to index
      %swap3A_592 = tpu.vector_load %arg7[%swap3A_590, %swap3A_591] {strides = array<i32>} : memref<64x512xf32, #tpu.memory_space<vmem>>, vector<16xf32>,
      tpu.vector_store %arg7[%swap3A_590, %swap3A_591], %gather3A_559 {strides = array<i32>} : memref<64x512xf32, #tpu.memory_space<vmem>>, vector<16xf32>,
      %mul3A_593 = arith.constant 16 : i32
      %mul3A_594 = arith.muli %scan3A_271, %mul3A_593 : i32
      %swap3A_595 = arith.constant 45 : i32
      %swap3A_596 = arith.index_cast %swap3A_595 : i32 to index
      %swap3A_597 = arith.index_cast %mul3A_594 : i32 to index
      %swap3A_598 = tpu.vector_load %arg7[%swap3A_596, %swap3A_597] {strides = array<i32>} : memref<64x512xf32, #tpu.memory_space<vmem>>, vector<16xf32>,
      tpu.vector_store %arg7[%swap3A_596, %swap3A_597], %gather3A_560 {strides = array<i32>} : memref<64x512xf32, #tpu.memory_space<vmem>>, vector<16xf32>,
      %mul3A_599 = arith.constant 16 : i32
      %mul3A_600 = arith.muli %scan3A_271, %mul3A_599 : i32
      %swap3A_601 = arith.constant 46 : i32
      %swap3A_602 = arith.index_cast %swap3A_601 : i32 to index
      %swap3A_603 = arith.index_cast %mul3A_600 : i32 to index
      %swap3A_604 = tpu.vector_load %arg7[%swap3A_602, %swap3A_603] {strides = array<i32>} : memref<64x512xf32, #tpu.memory_space<vmem>>, vector<16xf32>,
      tpu.vector_store %arg7[%swap3A_602, %swap3A_603], %gather3A_561 {strides = array<i32>} : memref<64x512xf32, #tpu.memory_space<vmem>>, vector<16xf32>,
      %mul3A_605 = arith.constant 16 : i32
      %mul3A_606 = arith.muli %scan3A_271, %mul3A_605 : i32
      %swap3A_607 = arith.constant 47 : i32
      %swap3A_608 = arith.index_cast %swap3A_607 : i32 to index
      %swap3A_609 = arith.index_cast %mul3A_606 : i32 to index
      %swap3A_610 = tpu.vector_load %arg7[%swap3A_608, %swap3A_609] {strides = array<i32>} : memref<64x512xf32, #tpu.memory_space<vmem>>, vector<16xf32>,
      tpu.vector_store %arg7[%swap3A_608, %swap3A_609], %gather3A_562 {strides = array<i32>} : memref<64x512xf32, #tpu.memory_space<vmem>>, vector<16xf32>,
      %gather3A_611 = tpu.vector_load_idx %arg5[%broadcast_in_dim3A_99, %get3A_276] : memref<64x512xf32, #tpu.memory_space<vmem>>[vector<16xi32>, vector<16xi32>], vector<16xf32>,
      %gather3A_612 = tpu.vector_load_idx %arg5[%broadcast_in_dim3A_101, %get3A_276] : memref<64x512xf32, #tpu.memory_space<vmem>>[vector<16xi32>, vector<16xi32>], vector<16xf32>,
      %gather3A_613 = tpu.vector_load_idx %arg5[%broadcast_in_dim3A_103, %get3A_276] : memref<64x512xf32, #tpu.memory_space<vmem>>[vector<16xi32>, vector<16xi32>], vector<16xf32>,
      %gather3A_614 = tpu.vector_load_idx %arg5[%broadcast_in_dim3A_105, %get3A_276] : memref<64x512xf32, #tpu.memory_space<vmem>>[vector<16xi32>, vector<16xi32>], vector<16xf32>,
      %gather3A_615 = tpu.vector_load_idx %arg5[%broadcast_in_dim3A_107, %get3A_276] : memref<64x512xf32, #tpu.memory_space<vmem>>[vector<16xi32>, vector<16xi32>], vector<16xf32>,
      %gather3A_616 = tpu.vector_load_idx %arg5[%broadcast_in_dim3A_109, %get3A_276] : memref<64x512xf32, #tpu.memory_space<vmem>>[vector<16xi32>, vector<16xi32>], vector<16xf32>,
      %gather3A_617 = tpu.vector_load_idx %arg5[%broadcast_in_dim3A_111, %get3A_276] : memref<64x512xf32, #tpu.memory_space<vmem>>[vector<16xi32>, vector<16xi32>], vector<16xf32>,
      %gather3A_618 = tpu.vector_load_idx %arg5[%broadcast_in_dim3A_113, %get3A_276] : memref<64x512xf32, #tpu.memory_space<vmem>>[vector<16xi32>, vector<16xi32>], vector<16xf32>,
      %mul3A_619 = arith.constant 16 : i32
      %mul3A_620 = arith.muli %scan3A_271, %mul3A_619 : i32
      %swap3A_621 = arith.constant 48 : i32
      %swap3A_622 = arith.index_cast %swap3A_621 : i32 to index
      %swap3A_623 = arith.index_cast %mul3A_620 : i32 to index
      %swap3A_624 = tpu.vector_load %arg7[%swap3A_622, %swap3A_623] {strides = array<i32>} : memref<64x512xf32, #tpu.memory_space<vmem>>, vector<16xf32>,
      tpu.vector_store %arg7[%swap3A_622, %swap3A_623], %gather3A_611 {strides = array<i32>} : memref<64x512xf32, #tpu.memory_space<vmem>>, vector<16xf32>,
      %mul3A_625 = arith.constant 16 : i32
      %mul3A_626 = arith.muli %scan3A_271, %mul3A_625 : i32
      %swap3A_627 = arith.constant 49 : i32
      %swap3A_628 = arith.index_cast %swap3A_627 : i32 to index
      %swap3A_629 = arith.index_cast %mul3A_626 : i32 to index
      %swap3A_630 = tpu.vector_load %arg7[%swap3A_628, %swap3A_629] {strides = array<i32>} : memref<64x512xf32, #tpu.memory_space<vmem>>, vector<16xf32>,
      tpu.vector_store %arg7[%swap3A_628, %swap3A_629], %gather3A_612 {strides = array<i32>} : memref<64x512xf32, #tpu.memory_space<vmem>>, vector<16xf32>,
      %mul3A_631 = arith.constant 16 : i32
      %mul3A_632 = arith.muli %scan3A_271, %mul3A_631 : i32
      %swap3A_633 = arith.constant 50 : i32
      %swap3A_634 = arith.index_cast %swap3A_633 : i32 to index
      %swap3A_635 = arith.index_cast %mul3A_632 : i32 to index
      %swap3A_636 = tpu.vector_load %arg7[%swap3A_634, %swap3A_635] {strides = array<i32>} : memref<64x512xf32, #tpu.memory_space<vmem>>, vector<16xf32>,
      tpu.vector_store %arg7[%swap3A_634, %swap3A_635], %gather3A_613 {strides = array<i32>} : memref<64x512xf32, #tpu.memory_space<vmem>>, vector<16xf32>,
      %mul3A_637 = arith.constant 16 : i32
      %mul3A_638 = arith.muli %scan3A_271, %mul3A_637 : i32
      %swap3A_639 = arith.constant 51 : i32
      %swap3A_640 = arith.index_cast %swap3A_639 : i32 to index
      %swap3A_641 = arith.index_cast %mul3A_638 : i32 to index
      %swap3A_642 = tpu.vector_load %arg7[%swap3A_640, %swap3A_641] {strides = array<i32>} : memref<64x512xf32, #tpu.memory_space<vmem>>, vector<16xf32>,
      tpu.vector_store %arg7[%swap3A_640, %swap3A_641], %gather3A_614 {strides = array<i32>} : memref<64x512xf32, #tpu.memory_space<vmem>>, vector<16xf32>,
      %mul3A_643 = arith.constant 16 : i32
      %mul3A_644 = arith.muli %scan3A_271, %mul3A_643 : i32
      %swap3A_645 = arith.constant 52 : i32
      %swap3A_646 = arith.index_cast %swap3A_645 : i32 to index
      %swap3A_647 = arith.index_cast %mul3A_644 : i32 to index
      %swap3A_648 = tpu.vector_load %arg7[%swap3A_646, %swap3A_647] {strides = array<i32>} : memref<64x512xf32, #tpu.memory_space<vmem>>, vector<16xf32>,
      tpu.vector_store %arg7[%swap3A_646, %swap3A_647], %gather3A_615 {strides = array<i32>} : memref<64x512xf32, #tpu.memory_space<vmem>>, vector<16xf32>,
      %mul3A_649 = arith.constant 16 : i32
      %mul3A_650 = arith.muli %scan3A_271, %mul3A_649 : i32
      %swap3A_651 = arith.constant 53 : i32
      %swap3A_652 = arith.index_cast %swap3A_651 : i32 to index
      %swap3A_653 = arith.index_cast %mul3A_650 : i32 to index
      %swap3A_654 = tpu.vector_load %arg7[%swap3A_652, %swap3A_653] {strides = array<i32>} : memref<64x512xf32, #tpu.memory_space<vmem>>, vector<16xf32>,
      tpu.vector_store %arg7[%swap3A_652, %swap3A_653], %gather3A_616 {strides = array<i32>} : memref<64x512xf32, #tpu.memory_space<vmem>>, vector<16xf32>,
      %mul3A_655 = arith.constant 16 : i32
      %mul3A_656 = arith.muli %scan3A_271, %mul3A_655 : i32
      %swap3A_657 = arith.constant 54 : i32
      %swap3A_658 = arith.index_cast %swap3A_657 : i32 to index
      %swap3A_659 = arith.index_cast %mul3A_656 : i32 to index
      %swap3A_660 = tpu.vector_load %arg7[%swap3A_658, %swap3A_659] {strides = array<i32>} : memref<64x512xf32, #tpu.memory_space<vmem>>, vector<16xf32>,
      tpu.vector_store %arg7[%swap3A_658, %swap3A_659], %gather3A_617 {strides = array<i32>} : memref<64x512xf32, #tpu.memory_space<vmem>>, vector<16xf32>,
      %mul3A_661 = arith.constant 16 : i32
      %mul3A_662 = arith.muli %scan3A_271, %mul3A_661 : i32
      %swap3A_663 = arith.constant 55 : i32
      %swap3A_664 = arith.index_cast %swap3A_663 : i32 to index
      %swap3A_665 = arith.index_cast %mul3A_662 : i32 to index
      %swap3A_666 = tpu.vector_load %arg7[%swap3A_664, %swap3A_665] {strides = array<i32>} : memref<64x512xf32, #tpu.memory_space<vmem>>, vector<16xf32>,
      tpu.vector_store %arg7[%swap3A_664, %swap3A_665], %gather3A_618 {strides = array<i32>} : memref<64x512xf32, #tpu.memory_space<vmem>>, vector<16xf32>,
      %gather3A_667 = tpu.vector_load_idx %arg5[%broadcast_in_dim3A_115, %get3A_276] : memref<64x512xf32, #tpu.memory_space<vmem>>[vector<16xi32>, vector<16xi32>], vector<16xf32>,
      %gather3A_668 = tpu.vector_load_idx %arg5[%broadcast_in_dim3A_117, %get3A_276] : memref<64x512xf32, #tpu.memory_space<vmem>>[vector<16xi32>, vector<16xi32>], vector<16xf32>,
      %gather3A_669 = tpu.vector_load_idx %arg5[%broadcast_in_dim3A_119, %get3A_276] : memref<64x512xf32, #tpu.memory_space<vmem>>[vector<16xi32>, vector<16xi32>], vector<16xf32>,
      %gather3A_670 = tpu.vector_load_idx %arg5[%broadcast_in_dim3A_121, %get3A_276] : memref<64x512xf32, #tpu.memory_space<vmem>>[vector<16xi32>, vector<16xi32>], vector<16xf32>,
      %gather3A_671 = tpu.vector_load_idx %arg5[%broadcast_in_dim3A_123, %get3A_276] : memref<64x512xf32, #tpu.memory_space<vmem>>[vector<16xi32>, vector<16xi32>], vector<16xf32>,
      %gather3A_672 = tpu.vector_load_idx %arg5[%broadcast_in_dim3A_125, %get3A_276] : memref<64x512xf32, #tpu.memory_space<vmem>>[vector<16xi32>, vector<16xi32>], vector<16xf32>,
      %gather3A_673 = tpu.vector_load_idx %arg5[%broadcast_in_dim3A_127, %get3A_276] : memref<64x512xf32, #tpu.memory_space<vmem>>[vector<16xi32>, vector<16xi32>], vector<16xf32>,
      %gather3A_674 = tpu.vector_load_idx %arg5[%broadcast_in_dim3A_129, %get3A_276] : memref<64x512xf32, #tpu.memory_space<vmem>>[vector<16xi32>, vector<16xi32>], vector<16xf32>,
      %mul3A_675 = arith.constant 16 : i32
      %mul3A_676 = arith.muli %scan3A_271, %mul3A_675 : i32
      %swap3A_677 = arith.constant 56 : i32
      %swap3A_678 = arith.index_cast %swap3A_677 : i32 to index
      %swap3A_679 = arith.index_cast %mul3A_676 : i32 to index
      %swap3A_680 = tpu.vector_load %arg7[%swap3A_678, %swap3A_679] {strides = array<i32>} : memref<64x512xf32, #tpu.memory_space<vmem>>, vector<16xf32>,
      tpu.vector_store %arg7[%swap3A_678, %swap3A_679], %gather3A_667 {strides = array<i32>} : memref<64x512xf32, #tpu.memory_space<vmem>>, vector<16xf32>,
      %mul3A_681 = arith.constant 16 : i32
      %mul3A_682 = arith.muli %scan3A_271, %mul3A_681 : i32
      %swap3A_683 = arith.constant 57 : i32
      %swap3A_684 = arith.index_cast %swap3A_683 : i32 to index
      %swap3A_685 = arith.index_cast %mul3A_682 : i32 to index
      %swap3A_686 = tpu.vector_load %arg7[%swap3A_684, %swap3A_685] {strides = array<i32>} : memref<64x512xf32, #tpu.memory_space<vmem>>, vector<16xf32>,
      tpu.vector_store %arg7[%swap3A_684, %swap3A_685], %gather3A_668 {strides = array<i32>} : memref<64x512xf32, #tpu.memory_space<vmem>>, vector<16xf32>,
      %mul3A_687 = arith.constant 16 : i32
      %mul3A_688 = arith.muli %scan3A_271, %mul3A_687 : i32
      %swap3A_689 = arith.constant 58 : i32
      %swap3A_690 = arith.index_cast %swap3A_689 : i32 to index
      %swap3A_691 = arith.index_cast %mul3A_688 : i32 to index
      %swap3A_692 = tpu.vector_load %arg7[%swap3A_690, %swap3A_691] {strides = array<i32>} : memref<64x512xf32, #tpu.memory_space<vmem>>, vector<16xf32>,
      tpu.vector_store %arg7[%swap3A_690, %swap3A_691], %gather3A_669 {strides = array<i32>} : memref<64x512xf32, #tpu.memory_space<vmem>>, vector<16xf32>,
      %mul3A_693 = arith.constant 16 : i32
      %mul3A_694 = arith.muli %scan3A_271, %mul3A_693 : i32
      %swap3A_695 = arith.constant 59 : i32
      %swap3A_696 = arith.index_cast %swap3A_695 : i32 to index
      %swap3A_697 = arith.index_cast %mul3A_694 : i32 to index
      %swap3A_698 = tpu.vector_load %arg7[%swap3A_696, %swap3A_697] {strides = array<i32>} : memref<64x512xf32, #tpu.memory_space<vmem>>, vector<16xf32>,
      tpu.vector_store %arg7[%swap3A_696, %swap3A_697], %gather3A_670 {strides = array<i32>} : memref<64x512xf32, #tpu.memory_space<vmem>>, vector<16xf32>,
      %mul3A_699 = arith.constant 16 : i32
      %mul3A_700 = arith.muli %scan3A_271, %mul3A_699 : i32
      %swap3A_701 = arith.constant 60 : i32
      %swap3A_702 = arith.index_cast %swap3A_701 : i32 to index
      %swap3A_703 = arith.index_cast %mul3A_700 : i32 to index
      %swap3A_704 = tpu.vector_load %arg7[%swap3A_702, %swap3A_703] {strides = array<i32>} : memref<64x512xf32, #tpu.memory_space<vmem>>, vector<16xf32>,
      tpu.vector_store %arg7[%swap3A_702, %swap3A_703], %gather3A_671 {strides = array<i32>} : memref<64x512xf32, #tpu.memory_space<vmem>>, vector<16xf32>,
      %mul3A_705 = arith.constant 16 : i32
      %mul3A_706 = arith.muli %scan3A_271, %mul3A_705 : i32
      %swap3A_707 = arith.constant 61 : i32
      %swap3A_708 = arith.index_cast %swap3A_707 : i32 to index
      %swap3A_709 = arith.index_cast %mul3A_706 : i32 to index
      %swap3A_710 = tpu.vector_load %arg7[%swap3A_708, %swap3A_709] {strides = array<i32>} : memref<64x512xf32, #tpu.memory_space<vmem>>, vector<16xf32>,
      tpu.vector_store %arg7[%swap3A_708, %swap3A_709], %gather3A_672 {strides = array<i32>} : memref<64x512xf32, #tpu.memory_space<vmem>>, vector<16xf32>,
      %mul3A_711 = arith.constant 16 : i32
      %mul3A_712 = arith.muli %scan3A_271, %mul3A_711 : i32
      %swap3A_713 = arith.constant 62 : i32
      %swap3A_714 = arith.index_cast %swap3A_713 : i32 to index
      %swap3A_715 = arith.index_cast %mul3A_712 : i32 to index
      %swap3A_716 = tpu.vector_load %arg7[%swap3A_714, %swap3A_715] {strides = array<i32>} : memref<64x512xf32, #tpu.memory_space<vmem>>, vector<16xf32>,
      tpu.vector_store %arg7[%swap3A_714, %swap3A_715], %gather3A_673 {strides = array<i32>} : memref<64x512xf32, #tpu.memory_space<vmem>>, vector<16xf32>,
      %mul3A_717 = arith.constant 16 : i32
      %mul3A_718 = arith.muli %scan3A_271, %mul3A_717 : i32
      %swap3A_719 = arith.constant 63 : i32
      %swap3A_720 = arith.index_cast %swap3A_719 : i32 to index
      %swap3A_721 = arith.index_cast %mul3A_718 : i32 to index
      %swap3A_722 = tpu.vector_load %arg7[%swap3A_720, %swap3A_721] {strides = array<i32>} : memref<64x512xf32, #tpu.memory_space<vmem>>, vector<16xf32>,
      tpu.vector_store %arg7[%swap3A_720, %swap3A_721], %gather3A_674 {strides = array<i32>} : memref<64x512xf32, #tpu.memory_space<vmem>>, vector<16xf32>,
    }
    %scan3A_234 = arith.constant 32 : i32
    %add3A_235 = arith.constant 3072 : i32
    %add3A_236 = arith.addi %mul3A_2, %add3A_235 : i32
    %dma_start3A_237 = arith.constant 0 : i32
    %dma_start3A_238 = tpu.memref_slice %arg4[%dma_start3A_237, %add3A_236] : memref<64x131072xf32, #tpu.memory_space<hbm>> -> memref<64x512xf32, #tpu.memory_space<hbm>>
    %dma_start3A_239 = arith.constant 0 : i32
    %dma_start3A_240 = tpu.memref_slice %arg4[%dma_start3A_239, %add3A_236] : memref<64x131072xf32, #tpu.memory_space<hbm>> -> memref<64x512xf32, #tpu.memory_space<hbm>>
    tpu.enqueue_dma source(%arg7 : memref<64x512xf32, #tpu.memory_space<vmem>>) target(%dma_start3A_240 : memref<64x512xf32, #tpu.memory_space<hbm>>) target_semaphore(%arg9 : memref<!tpu.dma_semaphore, #tpu.memory_space<semaphore_mem>>)
    %add3A_241 = arith.constant 2560 : i32
    %add3A_242 = arith.addi %mul3A_2, %add3A_241 : i32
    %dma_wait3A_243 = arith.constant 0 : i32
    %dma_wait3A_244 = tpu.memref_slice %arg4[%dma_wait3A_243, %add3A_242] : memref<64x131072xf32, #tpu.memory_space<hbm>> -> memref<64x512xf32, #tpu.memory_space<hbm>>
    %dma_wait3A_245 = arith.constant 0 : i32
    %dma_wait3A_246 = tpu.memref_slice %arg4[%dma_wait3A_245, %add3A_242] : memref<64x131072xf32, #tpu.memory_space<hbm>> -> memref<64x512xf32, #tpu.memory_space<hbm>>
    tpu.wait_dma2 semaphore(%arg10 : memref<!tpu.dma_semaphore, #tpu.memory_space<semaphore_mem>>) src(%arg8 : memref<64x512xf32, #tpu.memory_space<vmem>>) dst(%dma_wait3A_246 : memref<64x512xf32, #tpu.memory_space<hbm>>)
    %scan3A_247 = arith.constant 0 : i32
    %scan3A_248 = arith.constant 0 : i32
    %scan3A_249 = arith.constant 32 : i32
    %scan3A_250 = arith.addi %scan3A_248, %scan3A_249 : i32
    %scan3A_251 = arith.constant 1 : i32
    scf.for %scan3A_271 = %scan3A_248 to %scan3A_250 step %scan3A_251  : i32 {
      %mul3A_272 = arith.constant 16 : i32
      %mul3A_273 = arith.muli %scan3A_271, %mul3A_272 : i32
      %add3A_274 = arith.constant 3584 : i32
      %add3A_275 = arith.addi %add3A_274, %mul3A_273 : i32
      %get3A = arith.index_cast %add3A_275 : i32 to index
      %get3A_276 = tpu.vector_load %arg6[%get3A] {strides = array<i32>} : memref<4096xi32, #tpu.memory_space<vmem>>, vector<16xi32>,
      %gather3A = tpu.vector_load_idx %arg5[%broadcast_in_dim3A_3, %get3A_276] : memref<64x512xf32, #tpu.memory_space<vmem>>[vector<16xi32>, vector<16xi32>], vector<16xf32>,
      %gather3A_277 = tpu.vector_load_idx %arg5[%broadcast_in_dim3A_5, %get3A_276] : memref<64x512xf32, #tpu.memory_space<vmem>>[vector<16xi32>, vector<16xi32>], vector<16xf32>,
      %gather3A_278 = tpu.vector_load_idx %arg5[%broadcast_in_dim3A_7, %get3A_276] : memref<64x512xf32, #tpu.memory_space<vmem>>[vector<16xi32>, vector<16xi32>], vector<16xf32>,
      %gather3A_279 = tpu.vector_load_idx %arg5[%broadcast_in_dim3A_9, %get3A_276] : memref<64x512xf32, #tpu.memory_space<vmem>>[vector<16xi32>, vector<16xi32>], vector<16xf32>,
      %gather3A_280 = tpu.vector_load_idx %arg5[%broadcast_in_dim3A_11, %get3A_276] : memref<64x512xf32, #tpu.memory_space<vmem>>[vector<16xi32>, vector<16xi32>], vector<16xf32>,
      %gather3A_281 = tpu.vector_load_idx %arg5[%broadcast_in_dim3A_13, %get3A_276] : memref<64x512xf32, #tpu.memory_space<vmem>>[vector<16xi32>, vector<16xi32>], vector<16xf32>,
      %gather3A_282 = tpu.vector_load_idx %arg5[%broadcast_in_dim3A_15, %get3A_276] : memref<64x512xf32, #tpu.memory_space<vmem>>[vector<16xi32>, vector<16xi32>], vector<16xf32>,
      %gather3A_283 = tpu.vector_load_idx %arg5[%broadcast_in_dim3A_17, %get3A_276] : memref<64x512xf32, #tpu.memory_space<vmem>>[vector<16xi32>, vector<16xi32>], vector<16xf32>,
      %mul3A_284 = arith.constant 16 : i32
      %mul3A_285 = arith.muli %scan3A_271, %mul3A_284 : i32
      %swap3A = arith.constant 0 : i32
      %swap3A_286 = arith.index_cast %swap3A : i32 to index
      %swap3A_287 = arith.index_cast %mul3A_285 : i32 to index
      %swap3A_288 = tpu.vector_load %arg8[%swap3A_286, %swap3A_287] {strides = array<i32>} : memref<64x512xf32, #tpu.memory_space<vmem>>, vector<16xf32>,
      tpu.vector_store %arg8[%swap3A_286, %swap3A_287], %gather3A {strides = array<i32>} : memref<64x512xf32, #tpu.memory_space<vmem>>, vector<16xf32>,
      %mul3A_289 = arith.constant 16 : i32
      %mul3A_290 = arith.muli %scan3A_271, %mul3A_289 : i32
      %swap3A_291 = arith.constant 1 : i32
      %swap3A_292 = arith.index_cast %swap3A_291 : i32 to index
      %swap3A_293 = arith.index_cast %mul3A_290 : i32 to index
      %swap3A_294 = tpu.vector_load %arg8[%swap3A_292, %swap3A_293] {strides = array<i32>} : memref<64x512xf32, #tpu.memory_space<vmem>>, vector<16xf32>,
      tpu.vector_store %arg8[%swap3A_292, %swap3A_293], %gather3A_277 {strides = array<i32>} : memref<64x512xf32, #tpu.memory_space<vmem>>, vector<16xf32>,
      %mul3A_295 = arith.constant 16 : i32
      %mul3A_296 = arith.muli %scan3A_271, %mul3A_295 : i32
      %swap3A_297 = arith.constant 2 : i32
      %swap3A_298 = arith.index_cast %swap3A_297 : i32 to index
      %swap3A_299 = arith.index_cast %mul3A_296 : i32 to index
      %swap3A_300 = tpu.vector_load %arg8[%swap3A_298, %swap3A_299] {strides = array<i32>} : memref<64x512xf32, #tpu.memory_space<vmem>>, vector<16xf32>,
      tpu.vector_store %arg8[%swap3A_298, %swap3A_299], %gather3A_278 {strides = array<i32>} : memref<64x512xf32, #tpu.memory_space<vmem>>, vector<16xf32>,
      %mul3A_301 = arith.constant 16 : i32
      %mul3A_302 = arith.muli %scan3A_271, %mul3A_301 : i32
      %swap3A_303 = arith.constant 3 : i32
      %swap3A_304 = arith.index_cast %swap3A_303 : i32 to index
      %swap3A_305 = arith.index_cast %mul3A_302 : i32 to index
      %swap3A_306 = tpu.vector_load %arg8[%swap3A_304, %swap3A_305] {strides = array<i32>} : memref<64x512xf32, #tpu.memory_space<vmem>>, vector<16xf32>,
      tpu.vector_store %arg8[%swap3A_304, %swap3A_305], %gather3A_279 {strides = array<i32>} : memref<64x512xf32, #tpu.memory_space<vmem>>, vector<16xf32>,
      %mul3A_307 = arith.constant 16 : i32
      %mul3A_308 = arith.muli %scan3A_271, %mul3A_307 : i32
      %swap3A_309 = arith.constant 4 : i32
      %swap3A_310 = arith.index_cast %swap3A_309 : i32 to index
      %swap3A_311 = arith.index_cast %mul3A_308 : i32 to index
      %swap3A_312 = tpu.vector_load %arg8[%swap3A_310, %swap3A_311] {strides = array<i32>} : memref<64x512xf32, #tpu.memory_space<vmem>>, vector<16xf32>,
      tpu.vector_store %arg8[%swap3A_310, %swap3A_311], %gather3A_280 {strides = array<i32>} : memref<64x512xf32, #tpu.memory_space<vmem>>, vector<16xf32>,
      %mul3A_313 = arith.constant 16 : i32
      %mul3A_314 = arith.muli %scan3A_271, %mul3A_313 : i32
      %swap3A_315 = arith.constant 5 : i32
      %swap3A_316 = arith.index_cast %swap3A_315 : i32 to index
      %swap3A_317 = arith.index_cast %mul3A_314 : i32 to index
      %swap3A_318 = tpu.vector_load %arg8[%swap3A_316, %swap3A_317] {strides = array<i32>} : memref<64x512xf32, #tpu.memory_space<vmem>>, vector<16xf32>,
      tpu.vector_store %arg8[%swap3A_316, %swap3A_317], %gather3A_281 {strides = array<i32>} : memref<64x512xf32, #tpu.memory_space<vmem>>, vector<16xf32>,
      %mul3A_319 = arith.constant 16 : i32
      %mul3A_320 = arith.muli %scan3A_271, %mul3A_319 : i32
      %swap3A_321 = arith.constant 6 : i32
      %swap3A_322 = arith.index_cast %swap3A_321 : i32 to index
      %swap3A_323 = arith.index_cast %mul3A_320 : i32 to index
      %swap3A_324 = tpu.vector_load %arg8[%swap3A_322, %swap3A_323] {strides = array<i32>} : memref<64x512xf32, #tpu.memory_space<vmem>>, vector<16xf32>,
      tpu.vector_store %arg8[%swap3A_322, %swap3A_323], %gather3A_282 {strides = array<i32>} : memref<64x512xf32, #tpu.memory_space<vmem>>, vector<16xf32>,
      %mul3A_325 = arith.constant 16 : i32
      %mul3A_326 = arith.muli %scan3A_271, %mul3A_325 : i32
      %swap3A_327 = arith.constant 7 : i32
      %swap3A_328 = arith.index_cast %swap3A_327 : i32 to index
      %swap3A_329 = arith.index_cast %mul3A_326 : i32 to index
      %swap3A_330 = tpu.vector_load %arg8[%swap3A_328, %swap3A_329] {strides = array<i32>} : memref<64x512xf32, #tpu.memory_space<vmem>>, vector<16xf32>,
      tpu.vector_store %arg8[%swap3A_328, %swap3A_329], %gather3A_283 {strides = array<i32>} : memref<64x512xf32, #tpu.memory_space<vmem>>, vector<16xf32>,
      %gather3A_331 = tpu.vector_load_idx %arg5[%broadcast_in_dim3A_19, %get3A_276] : memref<64x512xf32, #tpu.memory_space<vmem>>[vector<16xi32>, vector<16xi32>], vector<16xf32>,
      %gather3A_332 = tpu.vector_load_idx %arg5[%broadcast_in_dim3A_21, %get3A_276] : memref<64x512xf32, #tpu.memory_space<vmem>>[vector<16xi32>, vector<16xi32>], vector<16xf32>,
      %gather3A_333 = tpu.vector_load_idx %arg5[%broadcast_in_dim3A_23, %get3A_276] : memref<64x512xf32, #tpu.memory_space<vmem>>[vector<16xi32>, vector<16xi32>], vector<16xf32>,
      %gather3A_334 = tpu.vector_load_idx %arg5[%broadcast_in_dim3A_25, %get3A_276] : memref<64x512xf32, #tpu.memory_space<vmem>>[vector<16xi32>, vector<16xi32>], vector<16xf32>,
      %gather3A_335 = tpu.vector_load_idx %arg5[%broadcast_in_dim3A_27, %get3A_276] : memref<64x512xf32, #tpu.memory_space<vmem>>[vector<16xi32>, vector<16xi32>], vector<16xf32>,
      %gather3A_336 = tpu.vector_load_idx %arg5[%broadcast_in_dim3A_29, %get3A_276] : memref<64x512xf32, #tpu.memory_space<vmem>>[vector<16xi32>, vector<16xi32>], vector<16xf32>,
      %gather3A_337 = tpu.vector_load_idx %arg5[%broadcast_in_dim3A_31, %get3A_276] : memref<64x512xf32, #tpu.memory_space<vmem>>[vector<16xi32>, vector<16xi32>], vector<16xf32>,
      %gather3A_338 = tpu.vector_load_idx %arg5[%broadcast_in_dim3A_33, %get3A_276] : memref<64x512xf32, #tpu.memory_space<vmem>>[vector<16xi32>, vector<16xi32>], vector<16xf32>,
      %mul3A_339 = arith.constant 16 : i32
      %mul3A_340 = arith.muli %scan3A_271, %mul3A_339 : i32
      %swap3A_341 = arith.constant 8 : i32
      %swap3A_342 = arith.index_cast %swap3A_341 : i32 to index
      %swap3A_343 = arith.index_cast %mul3A_340 : i32 to index
      %swap3A_344 = tpu.vector_load %arg8[%swap3A_342, %swap3A_343] {strides = array<i32>} : memref<64x512xf32, #tpu.memory_space<vmem>>, vector<16xf32>,
      tpu.vector_store %arg8[%swap3A_342, %swap3A_343], %gather3A_331 {strides = array<i32>} : memref<64x512xf32, #tpu.memory_space<vmem>>, vector<16xf32>,
      %mul3A_345 = arith.constant 16 : i32
      %mul3A_346 = arith.muli %scan3A_271, %mul3A_345 : i32
      %swap3A_347 = arith.constant 9 : i32
      %swap3A_348 = arith.index_cast %swap3A_347 : i32 to index
      %swap3A_349 = arith.index_cast %mul3A_346 : i32 to index
      %swap3A_350 = tpu.vector_load %arg8[%swap3A_348, %swap3A_349] {strides = array<i32>} : memref<64x512xf32, #tpu.memory_space<vmem>>, vector<16xf32>,
      tpu.vector_store %arg8[%swap3A_348, %swap3A_349], %gather3A_332 {strides = array<i32>} : memref<64x512xf32, #tpu.memory_space<vmem>>, vector<16xf32>,
      %mul3A_351 = arith.constant 16 : i32
      %mul3A_352 = arith.muli %scan3A_271, %mul3A_351 : i32
      %swap3A_353 = arith.constant 10 : i32
      %swap3A_354 = arith.index_cast %swap3A_353 : i32 to index
      %swap3A_355 = arith.index_cast %mul3A_352 : i32 to index
      %swap3A_356 = tpu.vector_load %arg8[%swap3A_354, %swap3A_355] {strides = array<i32>} : memref<64x512xf32, #tpu.memory_space<vmem>>, vector<16xf32>,
      tpu.vector_store %arg8[%swap3A_354, %swap3A_355], %gather3A_333 {strides = array<i32>} : memref<64x512xf32, #tpu.memory_space<vmem>>, vector<16xf32>,
      %mul3A_357 = arith.constant 16 : i32
      %mul3A_358 = arith.muli %scan3A_271, %mul3A_357 : i32
      %swap3A_359 = arith.constant 11 : i32
      %swap3A_360 = arith.index_cast %swap3A_359 : i32 to index
      %swap3A_361 = arith.index_cast %mul3A_358 : i32 to index
      %swap3A_362 = tpu.vector_load %arg8[%swap3A_360, %swap3A_361] {strides = array<i32>} : memref<64x512xf32, #tpu.memory_space<vmem>>, vector<16xf32>,
      tpu.vector_store %arg8[%swap3A_360, %swap3A_361], %gather3A_334 {strides = array<i32>} : memref<64x512xf32, #tpu.memory_space<vmem>>, vector<16xf32>,
      %mul3A_363 = arith.constant 16 : i32
      %mul3A_364 = arith.muli %scan3A_271, %mul3A_363 : i32
      %swap3A_365 = arith.constant 12 : i32
      %swap3A_366 = arith.index_cast %swap3A_365 : i32 to index
      %swap3A_367 = arith.index_cast %mul3A_364 : i32 to index
      %swap3A_368 = tpu.vector_load %arg8[%swap3A_366, %swap3A_367] {strides = array<i32>} : memref<64x512xf32, #tpu.memory_space<vmem>>, vector<16xf32>,
      tpu.vector_store %arg8[%swap3A_366, %swap3A_367], %gather3A_335 {strides = array<i32>} : memref<64x512xf32, #tpu.memory_space<vmem>>, vector<16xf32>,
      %mul3A_369 = arith.constant 16 : i32
      %mul3A_370 = arith.muli %scan3A_271, %mul3A_369 : i32
      %swap3A_371 = arith.constant 13 : i32
      %swap3A_372 = arith.index_cast %swap3A_371 : i32 to index
      %swap3A_373 = arith.index_cast %mul3A_370 : i32 to index
      %swap3A_374 = tpu.vector_load %arg8[%swap3A_372, %swap3A_373] {strides = array<i32>} : memref<64x512xf32, #tpu.memory_space<vmem>>, vector<16xf32>,
      tpu.vector_store %arg8[%swap3A_372, %swap3A_373], %gather3A_336 {strides = array<i32>} : memref<64x512xf32, #tpu.memory_space<vmem>>, vector<16xf32>,
      %mul3A_375 = arith.constant 16 : i32
      %mul3A_376 = arith.muli %scan3A_271, %mul3A_375 : i32
      %swap3A_377 = arith.constant 14 : i32
      %swap3A_378 = arith.index_cast %swap3A_377 : i32 to index
      %swap3A_379 = arith.index_cast %mul3A_376 : i32 to index
      %swap3A_380 = tpu.vector_load %arg8[%swap3A_378, %swap3A_379] {strides = array<i32>} : memref<64x512xf32, #tpu.memory_space<vmem>>, vector<16xf32>,
      tpu.vector_store %arg8[%swap3A_378, %swap3A_379], %gather3A_337 {strides = array<i32>} : memref<64x512xf32, #tpu.memory_space<vmem>>, vector<16xf32>,
      %mul3A_381 = arith.constant 16 : i32
      %mul3A_382 = arith.muli %scan3A_271, %mul3A_381 : i32
      %swap3A_383 = arith.constant 15 : i32
      %swap3A_384 = arith.index_cast %swap3A_383 : i32 to index
      %swap3A_385 = arith.index_cast %mul3A_382 : i32 to index
      %swap3A_386 = tpu.vector_load %arg8[%swap3A_384, %swap3A_385] {strides = array<i32>} : memref<64x512xf32, #tpu.memory_space<vmem>>, vector<16xf32>,
      tpu.vector_store %arg8[%swap3A_384, %swap3A_385], %gather3A_338 {strides = array<i32>} : memref<64x512xf32, #tpu.memory_space<vmem>>, vector<16xf32>,
      %gather3A_387 = tpu.vector_load_idx %arg5[%broadcast_in_dim3A_35, %get3A_276] : memref<64x512xf32, #tpu.memory_space<vmem>>[vector<16xi32>, vector<16xi32>], vector<16xf32>,
      %gather3A_388 = tpu.vector_load_idx %arg5[%broadcast_in_dim3A_37, %get3A_276] : memref<64x512xf32, #tpu.memory_space<vmem>>[vector<16xi32>, vector<16xi32>], vector<16xf32>,
      %gather3A_389 = tpu.vector_load_idx %arg5[%broadcast_in_dim3A_39, %get3A_276] : memref<64x512xf32, #tpu.memory_space<vmem>>[vector<16xi32>, vector<16xi32>], vector<16xf32>,
      %gather3A_390 = tpu.vector_load_idx %arg5[%broadcast_in_dim3A_41, %get3A_276] : memref<64x512xf32, #tpu.memory_space<vmem>>[vector<16xi32>, vector<16xi32>], vector<16xf32>,
      %gather3A_391 = tpu.vector_load_idx %arg5[%broadcast_in_dim3A_43, %get3A_276] : memref<64x512xf32, #tpu.memory_space<vmem>>[vector<16xi32>, vector<16xi32>], vector<16xf32>,
      %gather3A_392 = tpu.vector_load_idx %arg5[%broadcast_in_dim3A_45, %get3A_276] : memref<64x512xf32, #tpu.memory_space<vmem>>[vector<16xi32>, vector<16xi32>], vector<16xf32>,
      %gather3A_393 = tpu.vector_load_idx %arg5[%broadcast_in_dim3A_47, %get3A_276] : memref<64x512xf32, #tpu.memory_space<vmem>>[vector<16xi32>, vector<16xi32>], vector<16xf32>,
      %gather3A_394 = tpu.vector_load_idx %arg5[%broadcast_in_dim3A_49, %get3A_276] : memref<64x512xf32, #tpu.memory_space<vmem>>[vector<16xi32>, vector<16xi32>], vector<16xf32>,
      %mul3A_395 = arith.constant 16 : i32
      %mul3A_396 = arith.muli %scan3A_271, %mul3A_395 : i32
      %swap3A_397 = arith.constant 16 : i32
      %swap3A_398 = arith.index_cast %swap3A_397 : i32 to index
      %swap3A_399 = arith.index_cast %mul3A_396 : i32 to index
      %swap3A_400 = tpu.vector_load %arg8[%swap3A_398, %swap3A_399] {strides = array<i32>} : memref<64x512xf32, #tpu.memory_space<vmem>>, vector<16xf32>,
      tpu.vector_store %arg8[%swap3A_398, %swap3A_399], %gather3A_387 {strides = array<i32>} : memref<64x512xf32, #tpu.memory_space<vmem>>, vector<16xf32>,
      %mul3A_401 = arith.constant 16 : i32
      %mul3A_402 = arith.muli %scan3A_271, %mul3A_401 : i32
      %swap3A_403 = arith.constant 17 : i32
      %swap3A_404 = arith.index_cast %swap3A_403 : i32 to index
      %swap3A_405 = arith.index_cast %mul3A_402 : i32 to index
      %swap3A_406 = tpu.vector_load %arg8[%swap3A_404, %swap3A_405] {strides = array<i32>} : memref<64x512xf32, #tpu.memory_space<vmem>>, vector<16xf32>,
      tpu.vector_store %arg8[%swap3A_404, %swap3A_405], %gather3A_388 {strides = array<i32>} : memref<64x512xf32, #tpu.memory_space<vmem>>, vector<16xf32>,
      %mul3A_407 = arith.constant 16 : i32
      %mul3A_408 = arith.muli %scan3A_271, %mul3A_407 : i32
      %swap3A_409 = arith.constant 18 : i32
      %swap3A_410 = arith.index_cast %swap3A_409 : i32 to index
      %swap3A_411 = arith.index_cast %mul3A_408 : i32 to index
      %swap3A_412 = tpu.vector_load %arg8[%swap3A_410, %swap3A_411] {strides = array<i32>} : memref<64x512xf32, #tpu.memory_space<vmem>>, vector<16xf32>,
      tpu.vector_store %arg8[%swap3A_410, %swap3A_411], %gather3A_389 {strides = array<i32>} : memref<64x512xf32, #tpu.memory_space<vmem>>, vector<16xf32>,
      %mul3A_413 = arith.constant 16 : i32
      %mul3A_414 = arith.muli %scan3A_271, %mul3A_413 : i32
      %swap3A_415 = arith.constant 19 : i32
      %swap3A_416 = arith.index_cast %swap3A_415 : i32 to index
      %swap3A_417 = arith.index_cast %mul3A_414 : i32 to index
      %swap3A_418 = tpu.vector_load %arg8[%swap3A_416, %swap3A_417] {strides = array<i32>} : memref<64x512xf32, #tpu.memory_space<vmem>>, vector<16xf32>,
      tpu.vector_store %arg8[%swap3A_416, %swap3A_417], %gather3A_390 {strides = array<i32>} : memref<64x512xf32, #tpu.memory_space<vmem>>, vector<16xf32>,
      %mul3A_419 = arith.constant 16 : i32
      %mul3A_420 = arith.muli %scan3A_271, %mul3A_419 : i32
      %swap3A_421 = arith.constant 20 : i32
      %swap3A_422 = arith.index_cast %swap3A_421 : i32 to index
      %swap3A_423 = arith.index_cast %mul3A_420 : i32 to index
      %swap3A_424 = tpu.vector_load %arg8[%swap3A_422, %swap3A_423] {strides = array<i32>} : memref<64x512xf32, #tpu.memory_space<vmem>>, vector<16xf32>,
      tpu.vector_store %arg8[%swap3A_422, %swap3A_423], %gather3A_391 {strides = array<i32>} : memref<64x512xf32, #tpu.memory_space<vmem>>, vector<16xf32>,
      %mul3A_425 = arith.constant 16 : i32
      %mul3A_426 = arith.muli %scan3A_271, %mul3A_425 : i32
      %swap3A_427 = arith.constant 21 : i32
      %swap3A_428 = arith.index_cast %swap3A_427 : i32 to index
      %swap3A_429 = arith.index_cast %mul3A_426 : i32 to index
      %swap3A_430 = tpu.vector_load %arg8[%swap3A_428, %swap3A_429] {strides = array<i32>} : memref<64x512xf32, #tpu.memory_space<vmem>>, vector<16xf32>,
      tpu.vector_store %arg8[%swap3A_428, %swap3A_429], %gather3A_392 {strides = array<i32>} : memref<64x512xf32, #tpu.memory_space<vmem>>, vector<16xf32>,
      %mul3A_431 = arith.constant 16 : i32
      %mul3A_432 = arith.muli %scan3A_271, %mul3A_431 : i32
      %swap3A_433 = arith.constant 22 : i32
      %swap3A_434 = arith.index_cast %swap3A_433 : i32 to index
      %swap3A_435 = arith.index_cast %mul3A_432 : i32 to index
      %swap3A_436 = tpu.vector_load %arg8[%swap3A_434, %swap3A_435] {strides = array<i32>} : memref<64x512xf32, #tpu.memory_space<vmem>>, vector<16xf32>,
      tpu.vector_store %arg8[%swap3A_434, %swap3A_435], %gather3A_393 {strides = array<i32>} : memref<64x512xf32, #tpu.memory_space<vmem>>, vector<16xf32>,
      %mul3A_437 = arith.constant 16 : i32
      %mul3A_438 = arith.muli %scan3A_271, %mul3A_437 : i32
      %swap3A_439 = arith.constant 23 : i32
      %swap3A_440 = arith.index_cast %swap3A_439 : i32 to index
      %swap3A_441 = arith.index_cast %mul3A_438 : i32 to index
      %swap3A_442 = tpu.vector_load %arg8[%swap3A_440, %swap3A_441] {strides = array<i32>} : memref<64x512xf32, #tpu.memory_space<vmem>>, vector<16xf32>,
      tpu.vector_store %arg8[%swap3A_440, %swap3A_441], %gather3A_394 {strides = array<i32>} : memref<64x512xf32, #tpu.memory_space<vmem>>, vector<16xf32>,
      %gather3A_443 = tpu.vector_load_idx %arg5[%broadcast_in_dim3A_51, %get3A_276] : memref<64x512xf32, #tpu.memory_space<vmem>>[vector<16xi32>, vector<16xi32>], vector<16xf32>,
      %gather3A_444 = tpu.vector_load_idx %arg5[%broadcast_in_dim3A_53, %get3A_276] : memref<64x512xf32, #tpu.memory_space<vmem>>[vector<16xi32>, vector<16xi32>], vector<16xf32>,
      %gather3A_445 = tpu.vector_load_idx %arg5[%broadcast_in_dim3A_55, %get3A_276] : memref<64x512xf32, #tpu.memory_space<vmem>>[vector<16xi32>, vector<16xi32>], vector<16xf32>,
      %gather3A_446 = tpu.vector_load_idx %arg5[%broadcast_in_dim3A_57, %get3A_276] : memref<64x512xf32, #tpu.memory_space<vmem>>[vector<16xi32>, vector<16xi32>], vector<16xf32>,
      %gather3A_447 = tpu.vector_load_idx %arg5[%broadcast_in_dim3A_59, %get3A_276] : memref<64x512xf32, #tpu.memory_space<vmem>>[vector<16xi32>, vector<16xi32>], vector<16xf32>,
      %gather3A_448 = tpu.vector_load_idx %arg5[%broadcast_in_dim3A_61, %get3A_276] : memref<64x512xf32, #tpu.memory_space<vmem>>[vector<16xi32>, vector<16xi32>], vector<16xf32>,
      %gather3A_449 = tpu.vector_load_idx %arg5[%broadcast_in_dim3A_63, %get3A_276] : memref<64x512xf32, #tpu.memory_space<vmem>>[vector<16xi32>, vector<16xi32>], vector<16xf32>,
      %gather3A_450 = tpu.vector_load_idx %arg5[%broadcast_in_dim3A_65, %get3A_276] : memref<64x512xf32, #tpu.memory_space<vmem>>[vector<16xi32>, vector<16xi32>], vector<16xf32>,
      %mul3A_451 = arith.constant 16 : i32
      %mul3A_452 = arith.muli %scan3A_271, %mul3A_451 : i32
      %swap3A_453 = arith.constant 24 : i32
      %swap3A_454 = arith.index_cast %swap3A_453 : i32 to index
      %swap3A_455 = arith.index_cast %mul3A_452 : i32 to index
      %swap3A_456 = tpu.vector_load %arg8[%swap3A_454, %swap3A_455] {strides = array<i32>} : memref<64x512xf32, #tpu.memory_space<vmem>>, vector<16xf32>,
      tpu.vector_store %arg8[%swap3A_454, %swap3A_455], %gather3A_443 {strides = array<i32>} : memref<64x512xf32, #tpu.memory_space<vmem>>, vector<16xf32>,
      %mul3A_457 = arith.constant 16 : i32
      %mul3A_458 = arith.muli %scan3A_271, %mul3A_457 : i32
      %swap3A_459 = arith.constant 25 : i32
      %swap3A_460 = arith.index_cast %swap3A_459 : i32 to index
      %swap3A_461 = arith.index_cast %mul3A_458 : i32 to index
      %swap3A_462 = tpu.vector_load %arg8[%swap3A_460, %swap3A_461] {strides = array<i32>} : memref<64x512xf32, #tpu.memory_space<vmem>>, vector<16xf32>,
      tpu.vector_store %arg8[%swap3A_460, %swap3A_461], %gather3A_444 {strides = array<i32>} : memref<64x512xf32, #tpu.memory_space<vmem>>, vector<16xf32>,
      %mul3A_463 = arith.constant 16 : i32
      %mul3A_464 = arith.muli %scan3A_271, %mul3A_463 : i32
      %swap3A_465 = arith.constant 26 : i32
      %swap3A_466 = arith.index_cast %swap3A_465 : i32 to index
      %swap3A_467 = arith.index_cast %mul3A_464 : i32 to index
      %swap3A_468 = tpu.vector_load %arg8[%swap3A_466, %swap3A_467] {strides = array<i32>} : memref<64x512xf32, #tpu.memory_space<vmem>>, vector<16xf32>,
      tpu.vector_store %arg8[%swap3A_466, %swap3A_467], %gather3A_445 {strides = array<i32>} : memref<64x512xf32, #tpu.memory_space<vmem>>, vector<16xf32>,
      %mul3A_469 = arith.constant 16 : i32
      %mul3A_470 = arith.muli %scan3A_271, %mul3A_469 : i32
      %swap3A_471 = arith.constant 27 : i32
      %swap3A_472 = arith.index_cast %swap3A_471 : i32 to index
      %swap3A_473 = arith.index_cast %mul3A_470 : i32 to index
      %swap3A_474 = tpu.vector_load %arg8[%swap3A_472, %swap3A_473] {strides = array<i32>} : memref<64x512xf32, #tpu.memory_space<vmem>>, vector<16xf32>,
      tpu.vector_store %arg8[%swap3A_472, %swap3A_473], %gather3A_446 {strides = array<i32>} : memref<64x512xf32, #tpu.memory_space<vmem>>, vector<16xf32>,
      %mul3A_475 = arith.constant 16 : i32
      %mul3A_476 = arith.muli %scan3A_271, %mul3A_475 : i32
      %swap3A_477 = arith.constant 28 : i32
      %swap3A_478 = arith.index_cast %swap3A_477 : i32 to index
      %swap3A_479 = arith.index_cast %mul3A_476 : i32 to index
      %swap3A_480 = tpu.vector_load %arg8[%swap3A_478, %swap3A_479] {strides = array<i32>} : memref<64x512xf32, #tpu.memory_space<vmem>>, vector<16xf32>,
      tpu.vector_store %arg8[%swap3A_478, %swap3A_479], %gather3A_447 {strides = array<i32>} : memref<64x512xf32, #tpu.memory_space<vmem>>, vector<16xf32>,
      %mul3A_481 = arith.constant 16 : i32
      %mul3A_482 = arith.muli %scan3A_271, %mul3A_481 : i32
      %swap3A_483 = arith.constant 29 : i32
      %swap3A_484 = arith.index_cast %swap3A_483 : i32 to index
      %swap3A_485 = arith.index_cast %mul3A_482 : i32 to index
      %swap3A_486 = tpu.vector_load %arg8[%swap3A_484, %swap3A_485] {strides = array<i32>} : memref<64x512xf32, #tpu.memory_space<vmem>>, vector<16xf32>,
      tpu.vector_store %arg8[%swap3A_484, %swap3A_485], %gather3A_448 {strides = array<i32>} : memref<64x512xf32, #tpu.memory_space<vmem>>, vector<16xf32>,
      %mul3A_487 = arith.constant 16 : i32
      %mul3A_488 = arith.muli %scan3A_271, %mul3A_487 : i32
      %swap3A_489 = arith.constant 30 : i32
      %swap3A_490 = arith.index_cast %swap3A_489 : i32 to index
      %swap3A_491 = arith.index_cast %mul3A_488 : i32 to index
      %swap3A_492 = tpu.vector_load %arg8[%swap3A_490, %swap3A_491] {strides = array<i32>} : memref<64x512xf32, #tpu.memory_space<vmem>>, vector<16xf32>,
      tpu.vector_store %arg8[%swap3A_490, %swap3A_491], %gather3A_449 {strides = array<i32>} : memref<64x512xf32, #tpu.memory_space<vmem>>, vector<16xf32>,
      %mul3A_493 = arith.constant 16 : i32
      %mul3A_494 = arith.muli %scan3A_271, %mul3A_493 : i32
      %swap3A_495 = arith.constant 31 : i32
      %swap3A_496 = arith.index_cast %swap3A_495 : i32 to index
      %swap3A_497 = arith.index_cast %mul3A_494 : i32 to index
      %swap3A_498 = tpu.vector_load %arg8[%swap3A_496, %swap3A_497] {strides = array<i32>} : memref<64x512xf32, #tpu.memory_space<vmem>>, vector<16xf32>,
      tpu.vector_store %arg8[%swap3A_496, %swap3A_497], %gather3A_450 {strides = array<i32>} : memref<64x512xf32, #tpu.memory_space<vmem>>, vector<16xf32>,
      %gather3A_499 = tpu.vector_load_idx %arg5[%broadcast_in_dim3A_67, %get3A_276] : memref<64x512xf32, #tpu.memory_space<vmem>>[vector<16xi32>, vector<16xi32>], vector<16xf32>,
      %gather3A_500 = tpu.vector_load_idx %arg5[%broadcast_in_dim3A_69, %get3A_276] : memref<64x512xf32, #tpu.memory_space<vmem>>[vector<16xi32>, vector<16xi32>], vector<16xf32>,
      %gather3A_501 = tpu.vector_load_idx %arg5[%broadcast_in_dim3A_71, %get3A_276] : memref<64x512xf32, #tpu.memory_space<vmem>>[vector<16xi32>, vector<16xi32>], vector<16xf32>,
      %gather3A_502 = tpu.vector_load_idx %arg5[%broadcast_in_dim3A_73, %get3A_276] : memref<64x512xf32, #tpu.memory_space<vmem>>[vector<16xi32>, vector<16xi32>], vector<16xf32>,
      %gather3A_503 = tpu.vector_load_idx %arg5[%broadcast_in_dim3A_75, %get3A_276] : memref<64x512xf32, #tpu.memory_space<vmem>>[vector<16xi32>, vector<16xi32>], vector<16xf32>,
      %gather3A_504 = tpu.vector_load_idx %arg5[%broadcast_in_dim3A_77, %get3A_276] : memref<64x512xf32, #tpu.memory_space<vmem>>[vector<16xi32>, vector<16xi32>], vector<16xf32>,
      %gather3A_505 = tpu.vector_load_idx %arg5[%broadcast_in_dim3A_79, %get3A_276] : memref<64x512xf32, #tpu.memory_space<vmem>>[vector<16xi32>, vector<16xi32>], vector<16xf32>,
      %gather3A_506 = tpu.vector_load_idx %arg5[%broadcast_in_dim3A_81, %get3A_276] : memref<64x512xf32, #tpu.memory_space<vmem>>[vector<16xi32>, vector<16xi32>], vector<16xf32>,
      %mul3A_507 = arith.constant 16 : i32
      %mul3A_508 = arith.muli %scan3A_271, %mul3A_507 : i32
      %swap3A_509 = arith.constant 32 : i32
      %swap3A_510 = arith.index_cast %swap3A_509 : i32 to index
      %swap3A_511 = arith.index_cast %mul3A_508 : i32 to index
      %swap3A_512 = tpu.vector_load %arg8[%swap3A_510, %swap3A_511] {strides = array<i32>} : memref<64x512xf32, #tpu.memory_space<vmem>>, vector<16xf32>,
      tpu.vector_store %arg8[%swap3A_510, %swap3A_511], %gather3A_499 {strides = array<i32>} : memref<64x512xf32, #tpu.memory_space<vmem>>, vector<16xf32>,
      %mul3A_513 = arith.constant 16 : i32
      %mul3A_514 = arith.muli %scan3A_271, %mul3A_513 : i32
      %swap3A_515 = arith.constant 33 : i32
      %swap3A_516 = arith.index_cast %swap3A_515 : i32 to index
      %swap3A_517 = arith.index_cast %mul3A_514 : i32 to index
      %swap3A_518 = tpu.vector_load %arg8[%swap3A_516, %swap3A_517] {strides = array<i32>} : memref<64x512xf32, #tpu.memory_space<vmem>>, vector<16xf32>,
      tpu.vector_store %arg8[%swap3A_516, %swap3A_517], %gather3A_500 {strides = array<i32>} : memref<64x512xf32, #tpu.memory_space<vmem>>, vector<16xf32>,
      %mul3A_519 = arith.constant 16 : i32
      %mul3A_520 = arith.muli %scan3A_271, %mul3A_519 : i32
      %swap3A_521 = arith.constant 34 : i32
      %swap3A_522 = arith.index_cast %swap3A_521 : i32 to index
      %swap3A_523 = arith.index_cast %mul3A_520 : i32 to index
      %swap3A_524 = tpu.vector_load %arg8[%swap3A_522, %swap3A_523] {strides = array<i32>} : memref<64x512xf32, #tpu.memory_space<vmem>>, vector<16xf32>,
      tpu.vector_store %arg8[%swap3A_522, %swap3A_523], %gather3A_501 {strides = array<i32>} : memref<64x512xf32, #tpu.memory_space<vmem>>, vector<16xf32>,
      %mul3A_525 = arith.constant 16 : i32
      %mul3A_526 = arith.muli %scan3A_271, %mul3A_525 : i32
      %swap3A_527 = arith.constant 35 : i32
      %swap3A_528 = arith.index_cast %swap3A_527 : i32 to index
      %swap3A_529 = arith.index_cast %mul3A_526 : i32 to index
      %swap3A_530 = tpu.vector_load %arg8[%swap3A_528, %swap3A_529] {strides = array<i32>} : memref<64x512xf32, #tpu.memory_space<vmem>>, vector<16xf32>,
      tpu.vector_store %arg8[%swap3A_528, %swap3A_529], %gather3A_502 {strides = array<i32>} : memref<64x512xf32, #tpu.memory_space<vmem>>, vector<16xf32>,
      %mul3A_531 = arith.constant 16 : i32
      %mul3A_532 = arith.muli %scan3A_271, %mul3A_531 : i32
      %swap3A_533 = arith.constant 36 : i32
      %swap3A_534 = arith.index_cast %swap3A_533 : i32 to index
      %swap3A_535 = arith.index_cast %mul3A_532 : i32 to index
      %swap3A_536 = tpu.vector_load %arg8[%swap3A_534, %swap3A_535] {strides = array<i32>} : memref<64x512xf32, #tpu.memory_space<vmem>>, vector<16xf32>,
      tpu.vector_store %arg8[%swap3A_534, %swap3A_535], %gather3A_503 {strides = array<i32>} : memref<64x512xf32, #tpu.memory_space<vmem>>, vector<16xf32>,
      %mul3A_537 = arith.constant 16 : i32
      %mul3A_538 = arith.muli %scan3A_271, %mul3A_537 : i32
      %swap3A_539 = arith.constant 37 : i32
      %swap3A_540 = arith.index_cast %swap3A_539 : i32 to index
      %swap3A_541 = arith.index_cast %mul3A_538 : i32 to index
      %swap3A_542 = tpu.vector_load %arg8[%swap3A_540, %swap3A_541] {strides = array<i32>} : memref<64x512xf32, #tpu.memory_space<vmem>>, vector<16xf32>,
      tpu.vector_store %arg8[%swap3A_540, %swap3A_541], %gather3A_504 {strides = array<i32>} : memref<64x512xf32, #tpu.memory_space<vmem>>, vector<16xf32>,
      %mul3A_543 = arith.constant 16 : i32
      %mul3A_544 = arith.muli %scan3A_271, %mul3A_543 : i32
      %swap3A_545 = arith.constant 38 : i32
      %swap3A_546 = arith.index_cast %swap3A_545 : i32 to index
      %swap3A_547 = arith.index_cast %mul3A_544 : i32 to index
      %swap3A_548 = tpu.vector_load %arg8[%swap3A_546, %swap3A_547] {strides = array<i32>} : memref<64x512xf32, #tpu.memory_space<vmem>>, vector<16xf32>,
      tpu.vector_store %arg8[%swap3A_546, %swap3A_547], %gather3A_505 {strides = array<i32>} : memref<64x512xf32, #tpu.memory_space<vmem>>, vector<16xf32>,
      %mul3A_549 = arith.constant 16 : i32
      %mul3A_550 = arith.muli %scan3A_271, %mul3A_549 : i32
      %swap3A_551 = arith.constant 39 : i32
      %swap3A_552 = arith.index_cast %swap3A_551 : i32 to index
      %swap3A_553 = arith.index_cast %mul3A_550 : i32 to index
      %swap3A_554 = tpu.vector_load %arg8[%swap3A_552, %swap3A_553] {strides = array<i32>} : memref<64x512xf32, #tpu.memory_space<vmem>>, vector<16xf32>,
      tpu.vector_store %arg8[%swap3A_552, %swap3A_553], %gather3A_506 {strides = array<i32>} : memref<64x512xf32, #tpu.memory_space<vmem>>, vector<16xf32>,
      %gather3A_555 = tpu.vector_load_idx %arg5[%broadcast_in_dim3A_83, %get3A_276] : memref<64x512xf32, #tpu.memory_space<vmem>>[vector<16xi32>, vector<16xi32>], vector<16xf32>,
      %gather3A_556 = tpu.vector_load_idx %arg5[%broadcast_in_dim3A_85, %get3A_276] : memref<64x512xf32, #tpu.memory_space<vmem>>[vector<16xi32>, vector<16xi32>], vector<16xf32>,
      %gather3A_557 = tpu.vector_load_idx %arg5[%broadcast_in_dim3A_87, %get3A_276] : memref<64x512xf32, #tpu.memory_space<vmem>>[vector<16xi32>, vector<16xi32>], vector<16xf32>,
      %gather3A_558 = tpu.vector_load_idx %arg5[%broadcast_in_dim3A_89, %get3A_276] : memref<64x512xf32, #tpu.memory_space<vmem>>[vector<16xi32>, vector<16xi32>], vector<16xf32>,
      %gather3A_559 = tpu.vector_load_idx %arg5[%broadcast_in_dim3A_91, %get3A_276] : memref<64x512xf32, #tpu.memory_space<vmem>>[vector<16xi32>, vector<16xi32>], vector<16xf32>,
      %gather3A_560 = tpu.vector_load_idx %arg5[%broadcast_in_dim3A_93, %get3A_276] : memref<64x512xf32, #tpu.memory_space<vmem>>[vector<16xi32>, vector<16xi32>], vector<16xf32>,
      %gather3A_561 = tpu.vector_load_idx %arg5[%broadcast_in_dim3A_95, %get3A_276] : memref<64x512xf32, #tpu.memory_space<vmem>>[vector<16xi32>, vector<16xi32>], vector<16xf32>,
      %gather3A_562 = tpu.vector_load_idx %arg5[%broadcast_in_dim3A_97, %get3A_276] : memref<64x512xf32, #tpu.memory_space<vmem>>[vector<16xi32>, vector<16xi32>], vector<16xf32>,
      %mul3A_563 = arith.constant 16 : i32
      %mul3A_564 = arith.muli %scan3A_271, %mul3A_563 : i32
      %swap3A_565 = arith.constant 40 : i32
      %swap3A_566 = arith.index_cast %swap3A_565 : i32 to index
      %swap3A_567 = arith.index_cast %mul3A_564 : i32 to index
      %swap3A_568 = tpu.vector_load %arg8[%swap3A_566, %swap3A_567] {strides = array<i32>} : memref<64x512xf32, #tpu.memory_space<vmem>>, vector<16xf32>,
      tpu.vector_store %arg8[%swap3A_566, %swap3A_567], %gather3A_555 {strides = array<i32>} : memref<64x512xf32, #tpu.memory_space<vmem>>, vector<16xf32>,
      %mul3A_569 = arith.constant 16 : i32
      %mul3A_570 = arith.muli %scan3A_271, %mul3A_569 : i32
      %swap3A_571 = arith.constant 41 : i32
      %swap3A_572 = arith.index_cast %swap3A_571 : i32 to index
      %swap3A_573 = arith.index_cast %mul3A_570 : i32 to index
      %swap3A_574 = tpu.vector_load %arg8[%swap3A_572, %swap3A_573] {strides = array<i32>} : memref<64x512xf32, #tpu.memory_space<vmem>>, vector<16xf32>,
      tpu.vector_store %arg8[%swap3A_572, %swap3A_573], %gather3A_556 {strides = array<i32>} : memref<64x512xf32, #tpu.memory_space<vmem>>, vector<16xf32>,
      %mul3A_575 = arith.constant 16 : i32
      %mul3A_576 = arith.muli %scan3A_271, %mul3A_575 : i32
      %swap3A_577 = arith.constant 42 : i32
      %swap3A_578 = arith.index_cast %swap3A_577 : i32 to index
      %swap3A_579 = arith.index_cast %mul3A_576 : i32 to index
      %swap3A_580 = tpu.vector_load %arg8[%swap3A_578, %swap3A_579] {strides = array<i32>} : memref<64x512xf32, #tpu.memory_space<vmem>>, vector<16xf32>,
      tpu.vector_store %arg8[%swap3A_578, %swap3A_579], %gather3A_557 {strides = array<i32>} : memref<64x512xf32, #tpu.memory_space<vmem>>, vector<16xf32>,
      %mul3A_581 = arith.constant 16 : i32
      %mul3A_582 = arith.muli %scan3A_271, %mul3A_581 : i32
      %swap3A_583 = arith.constant 43 : i32
      %swap3A_584 = arith.index_cast %swap3A_583 : i32 to index
      %swap3A_585 = arith.index_cast %mul3A_582 : i32 to index
      %swap3A_586 = tpu.vector_load %arg8[%swap3A_584, %swap3A_585] {strides = array<i32>} : memref<64x512xf32, #tpu.memory_space<vmem>>, vector<16xf32>,
      tpu.vector_store %arg8[%swap3A_584, %swap3A_585], %gather3A_558 {strides = array<i32>} : memref<64x512xf32, #tpu.memory_space<vmem>>, vector<16xf32>,
      %mul3A_587 = arith.constant 16 : i32
      %mul3A_588 = arith.muli %scan3A_271, %mul3A_587 : i32
      %swap3A_589 = arith.constant 44 : i32
      %swap3A_590 = arith.index_cast %swap3A_589 : i32 to index
      %swap3A_591 = arith.index_cast %mul3A_588 : i32 to index
      %swap3A_592 = tpu.vector_load %arg8[%swap3A_590, %swap3A_591] {strides = array<i32>} : memref<64x512xf32, #tpu.memory_space<vmem>>, vector<16xf32>,
      tpu.vector_store %arg8[%swap3A_590, %swap3A_591], %gather3A_559 {strides = array<i32>} : memref<64x512xf32, #tpu.memory_space<vmem>>, vector<16xf32>,
      %mul3A_593 = arith.constant 16 : i32
      %mul3A_594 = arith.muli %scan3A_271, %mul3A_593 : i32
      %swap3A_595 = arith.constant 45 : i32
      %swap3A_596 = arith.index_cast %swap3A_595 : i32 to index
      %swap3A_597 = arith.index_cast %mul3A_594 : i32 to index
      %swap3A_598 = tpu.vector_load %arg8[%swap3A_596, %swap3A_597] {strides = array<i32>} : memref<64x512xf32, #tpu.memory_space<vmem>>, vector<16xf32>,
      tpu.vector_store %arg8[%swap3A_596, %swap3A_597], %gather3A_560 {strides = array<i32>} : memref<64x512xf32, #tpu.memory_space<vmem>>, vector<16xf32>,
      %mul3A_599 = arith.constant 16 : i32
      %mul3A_600 = arith.muli %scan3A_271, %mul3A_599 : i32
      %swap3A_601 = arith.constant 46 : i32
      %swap3A_602 = arith.index_cast %swap3A_601 : i32 to index
      %swap3A_603 = arith.index_cast %mul3A_600 : i32 to index
      %swap3A_604 = tpu.vector_load %arg8[%swap3A_602, %swap3A_603] {strides = array<i32>} : memref<64x512xf32, #tpu.memory_space<vmem>>, vector<16xf32>,
      tpu.vector_store %arg8[%swap3A_602, %swap3A_603], %gather3A_561 {strides = array<i32>} : memref<64x512xf32, #tpu.memory_space<vmem>>, vector<16xf32>,
      %mul3A_605 = arith.constant 16 : i32
      %mul3A_606 = arith.muli %scan3A_271, %mul3A_605 : i32
      %swap3A_607 = arith.constant 47 : i32
      %swap3A_608 = arith.index_cast %swap3A_607 : i32 to index
      %swap3A_609 = arith.index_cast %mul3A_606 : i32 to index
      %swap3A_610 = tpu.vector_load %arg8[%swap3A_608, %swap3A_609] {strides = array<i32>} : memref<64x512xf32, #tpu.memory_space<vmem>>, vector<16xf32>,
      tpu.vector_store %arg8[%swap3A_608, %swap3A_609], %gather3A_562 {strides = array<i32>} : memref<64x512xf32, #tpu.memory_space<vmem>>, vector<16xf32>,
      %gather3A_611 = tpu.vector_load_idx %arg5[%broadcast_in_dim3A_99, %get3A_276] : memref<64x512xf32, #tpu.memory_space<vmem>>[vector<16xi32>, vector<16xi32>], vector<16xf32>,
      %gather3A_612 = tpu.vector_load_idx %arg5[%broadcast_in_dim3A_101, %get3A_276] : memref<64x512xf32, #tpu.memory_space<vmem>>[vector<16xi32>, vector<16xi32>], vector<16xf32>,
      %gather3A_613 = tpu.vector_load_idx %arg5[%broadcast_in_dim3A_103, %get3A_276] : memref<64x512xf32, #tpu.memory_space<vmem>>[vector<16xi32>, vector<16xi32>], vector<16xf32>,
      %gather3A_614 = tpu.vector_load_idx %arg5[%broadcast_in_dim3A_105, %get3A_276] : memref<64x512xf32, #tpu.memory_space<vmem>>[vector<16xi32>, vector<16xi32>], vector<16xf32>,
      %gather3A_615 = tpu.vector_load_idx %arg5[%broadcast_in_dim3A_107, %get3A_276] : memref<64x512xf32, #tpu.memory_space<vmem>>[vector<16xi32>, vector<16xi32>], vector<16xf32>,
      %gather3A_616 = tpu.vector_load_idx %arg5[%broadcast_in_dim3A_109, %get3A_276] : memref<64x512xf32, #tpu.memory_space<vmem>>[vector<16xi32>, vector<16xi32>], vector<16xf32>,
      %gather3A_617 = tpu.vector_load_idx %arg5[%broadcast_in_dim3A_111, %get3A_276] : memref<64x512xf32, #tpu.memory_space<vmem>>[vector<16xi32>, vector<16xi32>], vector<16xf32>,
      %gather3A_618 = tpu.vector_load_idx %arg5[%broadcast_in_dim3A_113, %get3A_276] : memref<64x512xf32, #tpu.memory_space<vmem>>[vector<16xi32>, vector<16xi32>], vector<16xf32>,
      %mul3A_619 = arith.constant 16 : i32
      %mul3A_620 = arith.muli %scan3A_271, %mul3A_619 : i32
      %swap3A_621 = arith.constant 48 : i32
      %swap3A_622 = arith.index_cast %swap3A_621 : i32 to index
      %swap3A_623 = arith.index_cast %mul3A_620 : i32 to index
      %swap3A_624 = tpu.vector_load %arg8[%swap3A_622, %swap3A_623] {strides = array<i32>} : memref<64x512xf32, #tpu.memory_space<vmem>>, vector<16xf32>,
      tpu.vector_store %arg8[%swap3A_622, %swap3A_623], %gather3A_611 {strides = array<i32>} : memref<64x512xf32, #tpu.memory_space<vmem>>, vector<16xf32>,
      %mul3A_625 = arith.constant 16 : i32
      %mul3A_626 = arith.muli %scan3A_271, %mul3A_625 : i32
      %swap3A_627 = arith.constant 49 : i32
      %swap3A_628 = arith.index_cast %swap3A_627 : i32 to index
      %swap3A_629 = arith.index_cast %mul3A_626 : i32 to index
      %swap3A_630 = tpu.vector_load %arg8[%swap3A_628, %swap3A_629] {strides = array<i32>} : memref<64x512xf32, #tpu.memory_space<vmem>>, vector<16xf32>,
      tpu.vector_store %arg8[%swap3A_628, %swap3A_629], %gather3A_612 {strides = array<i32>} : memref<64x512xf32, #tpu.memory_space<vmem>>, vector<16xf32>,
      %mul3A_631 = arith.constant 16 : i32
      %mul3A_632 = arith.muli %scan3A_271, %mul3A_631 : i32
      %swap3A_633 = arith.constant 50 : i32
      %swap3A_634 = arith.index_cast %swap3A_633 : i32 to index
      %swap3A_635 = arith.index_cast %mul3A_632 : i32 to index
      %swap3A_636 = tpu.vector_load %arg8[%swap3A_634, %swap3A_635] {strides = array<i32>} : memref<64x512xf32, #tpu.memory_space<vmem>>, vector<16xf32>,
      tpu.vector_store %arg8[%swap3A_634, %swap3A_635], %gather3A_613 {strides = array<i32>} : memref<64x512xf32, #tpu.memory_space<vmem>>, vector<16xf32>,
      %mul3A_637 = arith.constant 16 : i32
      %mul3A_638 = arith.muli %scan3A_271, %mul3A_637 : i32
      %swap3A_639 = arith.constant 51 : i32
      %swap3A_640 = arith.index_cast %swap3A_639 : i32 to index
      %swap3A_641 = arith.index_cast %mul3A_638 : i32 to index
      %swap3A_642 = tpu.vector_load %arg8[%swap3A_640, %swap3A_641] {strides = array<i32>} : memref<64x512xf32, #tpu.memory_space<vmem>>, vector<16xf32>,
      tpu.vector_store %arg8[%swap3A_640, %swap3A_641], %gather3A_614 {strides = array<i32>} : memref<64x512xf32, #tpu.memory_space<vmem>>, vector<16xf32>,
      %mul3A_643 = arith.constant 16 : i32
      %mul3A_644 = arith.muli %scan3A_271, %mul3A_643 : i32
      %swap3A_645 = arith.constant 52 : i32
      %swap3A_646 = arith.index_cast %swap3A_645 : i32 to index
      %swap3A_647 = arith.index_cast %mul3A_644 : i32 to index
      %swap3A_648 = tpu.vector_load %arg8[%swap3A_646, %swap3A_647] {strides = array<i32>} : memref<64x512xf32, #tpu.memory_space<vmem>>, vector<16xf32>,
      tpu.vector_store %arg8[%swap3A_646, %swap3A_647], %gather3A_615 {strides = array<i32>} : memref<64x512xf32, #tpu.memory_space<vmem>>, vector<16xf32>,
      %mul3A_649 = arith.constant 16 : i32
      %mul3A_650 = arith.muli %scan3A_271, %mul3A_649 : i32
      %swap3A_651 = arith.constant 53 : i32
      %swap3A_652 = arith.index_cast %swap3A_651 : i32 to index
      %swap3A_653 = arith.index_cast %mul3A_650 : i32 to index
      %swap3A_654 = tpu.vector_load %arg8[%swap3A_652, %swap3A_653] {strides = array<i32>} : memref<64x512xf32, #tpu.memory_space<vmem>>, vector<16xf32>,
      tpu.vector_store %arg8[%swap3A_652, %swap3A_653], %gather3A_616 {strides = array<i32>} : memref<64x512xf32, #tpu.memory_space<vmem>>, vector<16xf32>,
      %mul3A_655 = arith.constant 16 : i32
      %mul3A_656 = arith.muli %scan3A_271, %mul3A_655 : i32
      %swap3A_657 = arith.constant 54 : i32
      %swap3A_658 = arith.index_cast %swap3A_657 : i32 to index
      %swap3A_659 = arith.index_cast %mul3A_656 : i32 to index
      %swap3A_660 = tpu.vector_load %arg8[%swap3A_658, %swap3A_659] {strides = array<i32>} : memref<64x512xf32, #tpu.memory_space<vmem>>, vector<16xf32>,
      tpu.vector_store %arg8[%swap3A_658, %swap3A_659], %gather3A_617 {strides = array<i32>} : memref<64x512xf32, #tpu.memory_space<vmem>>, vector<16xf32>,
      %mul3A_661 = arith.constant 16 : i32
      %mul3A_662 = arith.muli %scan3A_271, %mul3A_661 : i32
      %swap3A_663 = arith.constant 55 : i32
      %swap3A_664 = arith.index_cast %swap3A_663 : i32 to index
      %swap3A_665 = arith.index_cast %mul3A_662 : i32 to index
      %swap3A_666 = tpu.vector_load %arg8[%swap3A_664, %swap3A_665] {strides = array<i32>} : memref<64x512xf32, #tpu.memory_space<vmem>>, vector<16xf32>,
      tpu.vector_store %arg8[%swap3A_664, %swap3A_665], %gather3A_618 {strides = array<i32>} : memref<64x512xf32, #tpu.memory_space<vmem>>, vector<16xf32>,
      %gather3A_667 = tpu.vector_load_idx %arg5[%broadcast_in_dim3A_115, %get3A_276] : memref<64x512xf32, #tpu.memory_space<vmem>>[vector<16xi32>, vector<16xi32>], vector<16xf32>,
      %gather3A_668 = tpu.vector_load_idx %arg5[%broadcast_in_dim3A_117, %get3A_276] : memref<64x512xf32, #tpu.memory_space<vmem>>[vector<16xi32>, vector<16xi32>], vector<16xf32>,
      %gather3A_669 = tpu.vector_load_idx %arg5[%broadcast_in_dim3A_119, %get3A_276] : memref<64x512xf32, #tpu.memory_space<vmem>>[vector<16xi32>, vector<16xi32>], vector<16xf32>,
      %gather3A_670 = tpu.vector_load_idx %arg5[%broadcast_in_dim3A_121, %get3A_276] : memref<64x512xf32, #tpu.memory_space<vmem>>[vector<16xi32>, vector<16xi32>], vector<16xf32>,
      %gather3A_671 = tpu.vector_load_idx %arg5[%broadcast_in_dim3A_123, %get3A_276] : memref<64x512xf32, #tpu.memory_space<vmem>>[vector<16xi32>, vector<16xi32>], vector<16xf32>,
      %gather3A_672 = tpu.vector_load_idx %arg5[%broadcast_in_dim3A_125, %get3A_276] : memref<64x512xf32, #tpu.memory_space<vmem>>[vector<16xi32>, vector<16xi32>], vector<16xf32>,
      %gather3A_673 = tpu.vector_load_idx %arg5[%broadcast_in_dim3A_127, %get3A_276] : memref<64x512xf32, #tpu.memory_space<vmem>>[vector<16xi32>, vector<16xi32>], vector<16xf32>,
      %gather3A_674 = tpu.vector_load_idx %arg5[%broadcast_in_dim3A_129, %get3A_276] : memref<64x512xf32, #tpu.memory_space<vmem>>[vector<16xi32>, vector<16xi32>], vector<16xf32>,
      %mul3A_675 = arith.constant 16 : i32
      %mul3A_676 = arith.muli %scan3A_271, %mul3A_675 : i32
      %swap3A_677 = arith.constant 56 : i32
      %swap3A_678 = arith.index_cast %swap3A_677 : i32 to index
      %swap3A_679 = arith.index_cast %mul3A_676 : i32 to index
      %swap3A_680 = tpu.vector_load %arg8[%swap3A_678, %swap3A_679] {strides = array<i32>} : memref<64x512xf32, #tpu.memory_space<vmem>>, vector<16xf32>,
      tpu.vector_store %arg8[%swap3A_678, %swap3A_679], %gather3A_667 {strides = array<i32>} : memref<64x512xf32, #tpu.memory_space<vmem>>, vector<16xf32>,
      %mul3A_681 = arith.constant 16 : i32
      %mul3A_682 = arith.muli %scan3A_271, %mul3A_681 : i32
      %swap3A_683 = arith.constant 57 : i32
      %swap3A_684 = arith.index_cast %swap3A_683 : i32 to index
      %swap3A_685 = arith.index_cast %mul3A_682 : i32 to index
      %swap3A_686 = tpu.vector_load %arg8[%swap3A_684, %swap3A_685] {strides = array<i32>} : memref<64x512xf32, #tpu.memory_space<vmem>>, vector<16xf32>,
      tpu.vector_store %arg8[%swap3A_684, %swap3A_685], %gather3A_668 {strides = array<i32>} : memref<64x512xf32, #tpu.memory_space<vmem>>, vector<16xf32>,
      %mul3A_687 = arith.constant 16 : i32
      %mul3A_688 = arith.muli %scan3A_271, %mul3A_687 : i32
      %swap3A_689 = arith.constant 58 : i32
      %swap3A_690 = arith.index_cast %swap3A_689 : i32 to index
      %swap3A_691 = arith.index_cast %mul3A_688 : i32 to index
      %swap3A_692 = tpu.vector_load %arg8[%swap3A_690, %swap3A_691] {strides = array<i32>} : memref<64x512xf32, #tpu.memory_space<vmem>>, vector<16xf32>,
      tpu.vector_store %arg8[%swap3A_690, %swap3A_691], %gather3A_669 {strides = array<i32>} : memref<64x512xf32, #tpu.memory_space<vmem>>, vector<16xf32>,
      %mul3A_693 = arith.constant 16 : i32
      %mul3A_694 = arith.muli %scan3A_271, %mul3A_693 : i32
      %swap3A_695 = arith.constant 59 : i32
      %swap3A_696 = arith.index_cast %swap3A_695 : i32 to index
      %swap3A_697 = arith.index_cast %mul3A_694 : i32 to index
      %swap3A_698 = tpu.vector_load %arg8[%swap3A_696, %swap3A_697] {strides = array<i32>} : memref<64x512xf32, #tpu.memory_space<vmem>>, vector<16xf32>,
      tpu.vector_store %arg8[%swap3A_696, %swap3A_697], %gather3A_670 {strides = array<i32>} : memref<64x512xf32, #tpu.memory_space<vmem>>, vector<16xf32>,
      %mul3A_699 = arith.constant 16 : i32
      %mul3A_700 = arith.muli %scan3A_271, %mul3A_699 : i32
      %swap3A_701 = arith.constant 60 : i32
      %swap3A_702 = arith.index_cast %swap3A_701 : i32 to index
      %swap3A_703 = arith.index_cast %mul3A_700 : i32 to index
      %swap3A_704 = tpu.vector_load %arg8[%swap3A_702, %swap3A_703] {strides = array<i32>} : memref<64x512xf32, #tpu.memory_space<vmem>>, vector<16xf32>,
      tpu.vector_store %arg8[%swap3A_702, %swap3A_703], %gather3A_671 {strides = array<i32>} : memref<64x512xf32, #tpu.memory_space<vmem>>, vector<16xf32>,
      %mul3A_705 = arith.constant 16 : i32
      %mul3A_706 = arith.muli %scan3A_271, %mul3A_705 : i32
      %swap3A_707 = arith.constant 61 : i32
      %swap3A_708 = arith.index_cast %swap3A_707 : i32 to index
      %swap3A_709 = arith.index_cast %mul3A_706 : i32 to index
      %swap3A_710 = tpu.vector_load %arg8[%swap3A_708, %swap3A_709] {strides = array<i32>} : memref<64x512xf32, #tpu.memory_space<vmem>>, vector<16xf32>,
      tpu.vector_store %arg8[%swap3A_708, %swap3A_709], %gather3A_672 {strides = array<i32>} : memref<64x512xf32, #tpu.memory_space<vmem>>, vector<16xf32>,
      %mul3A_711 = arith.constant 16 : i32
      %mul3A_712 = arith.muli %scan3A_271, %mul3A_711 : i32
      %swap3A_713 = arith.constant 62 : i32
      %swap3A_714 = arith.index_cast %swap3A_713 : i32 to index
      %swap3A_715 = arith.index_cast %mul3A_712 : i32 to index
      %swap3A_716 = tpu.vector_load %arg8[%swap3A_714, %swap3A_715] {strides = array<i32>} : memref<64x512xf32, #tpu.memory_space<vmem>>, vector<16xf32>,
      tpu.vector_store %arg8[%swap3A_714, %swap3A_715], %gather3A_673 {strides = array<i32>} : memref<64x512xf32, #tpu.memory_space<vmem>>, vector<16xf32>,
      %mul3A_717 = arith.constant 16 : i32
      %mul3A_718 = arith.muli %scan3A_271, %mul3A_717 : i32
      %swap3A_719 = arith.constant 63 : i32
      %swap3A_720 = arith.index_cast %swap3A_719 : i32 to index
      %swap3A_721 = arith.index_cast %mul3A_718 : i32 to index
      %swap3A_722 = tpu.vector_load %arg8[%swap3A_720, %swap3A_721] {strides = array<i32>} : memref<64x512xf32, #tpu.memory_space<vmem>>, vector<16xf32>,
      tpu.vector_store %arg8[%swap3A_720, %swap3A_721], %gather3A_674 {strides = array<i32>} : memref<64x512xf32, #tpu.memory_space<vmem>>, vector<16xf32>,
    }
    %scan3A_252 = arith.constant 32 : i32
    %add3A_253 = arith.constant 3584 : i32
    %add3A_254 = arith.addi %mul3A_2, %add3A_253 : i32
    %dma_start3A_255 = arith.constant 0 : i32
    %dma_start3A_256 = tpu.memref_slice %arg4[%dma_start3A_255, %add3A_254] : memref<64x131072xf32, #tpu.memory_space<hbm>> -> memref<64x512xf32, #tpu.memory_space<hbm>>
    %dma_start3A_257 = arith.constant 0 : i32
    %dma_start3A_258 = tpu.memref_slice %arg4[%dma_start3A_257, %add3A_254] : memref<64x131072xf32, #tpu.memory_space<hbm>> -> memref<64x512xf32, #tpu.memory_space<hbm>>
    tpu.enqueue_dma source(%arg8 : memref<64x512xf32, #tpu.memory_space<vmem>>) target(%dma_start3A_258 : memref<64x512xf32, #tpu.memory_space<hbm>>) target_semaphore(%arg10 : memref<!tpu.dma_semaphore, #tpu.memory_space<semaphore_mem>>)
    %add3A_259 = arith.constant 3072 : i32
    %add3A_260 = arith.addi %mul3A_2, %add3A_259 : i32
    %dma_wait3A_261 = arith.constant 0 : i32
    %dma_wait3A_262 = tpu.memref_slice %arg4[%dma_wait3A_261, %add3A_260] : memref<64x131072xf32, #tpu.memory_space<hbm>> -> memref<64x512xf32, #tpu.memory_space<hbm>>
    %dma_wait3A_263 = arith.constant 0 : i32
    %dma_wait3A_264 = tpu.memref_slice %arg4[%dma_wait3A_263, %add3A_260] : memref<64x131072xf32, #tpu.memory_space<hbm>> -> memref<64x512xf32, #tpu.memory_space<hbm>>
    tpu.wait_dma2 semaphore(%arg9 : memref<!tpu.dma_semaphore, #tpu.memory_space<semaphore_mem>>) src(%arg7 : memref<64x512xf32, #tpu.memory_space<vmem>>) dst(%dma_wait3A_264 : memref<64x512xf32, #tpu.memory_space<hbm>>)
    %add3A_265 = arith.constant 3584 : i32
    %add3A_266 = arith.addi %mul3A_2, %add3A_265 : i32
    %dma_wait3A_267 = arith.constant 0 : i32
    %dma_wait3A_268 = tpu.memref_slice %arg4[%dma_wait3A_267, %add3A_266] : memref<64x131072xf32, #tpu.memory_space<hbm>> -> memref<64x512xf32, #tpu.memory_space<hbm>>
    %dma_wait3A_269 = arith.constant 0 : i32
    %dma_wait3A_270 = tpu.memref_slice %arg4[%dma_wait3A_269, %add3A_266] : memref<64x131072xf32, #tpu.memory_space<hbm>> -> memref<64x512xf32, #tpu.memory_space<hbm>>
    tpu.wait_dma2 semaphore(%arg10 : memref<!tpu.dma_semaphore, #tpu.memory_space<semaphore_mem>>) src(%arg8 : memref<64x512xf32, #tpu.memory_space<vmem>>) dst(%dma_wait3A_270 : memref<64x512xf32, #tpu.memory_space<hbm>>)
    return
  }
}

module attributes {stable_mosaic.version = 14 : i64} {
  func.func @_argmin_body(%arg0: i32, %arg1: memref<64x8192xf32, #tpu.memory_space<vmem>>, %arg2: memref<512x64xf32, #tpu.memory_space<vmem>>, %arg3: memref<8192xi32, #tpu.memory_space<vmem>>, %arg4: memref<1x1xf32, #tpu.memory_space<smem>>) attributes {dimension_semantics = [#tpu.dimension_semantics<arbitrary>], iteration_bounds = array<i64: 16>, scalar_prefetch = 0 : i64, scratch_operands = 0 : i64, tpu.core_type = #tpu.core_type<tc>, window_params = [{transform_indices = @transform_0, window_bounds = array<i64: 64, 8192>}, {pipeline_mode = #tpu.pipeline_mode<synchronous>, transform_indices = @transform_1, window_bounds = array<i64: 512, 64>}, {transform_indices = @transform_2, window_bounds = array<i64: 8192>}, {transform_indices = @transform_3, window_bounds = array<i64: 1, 1>}]} {
    %get3A = arith.constant 0 : index
    %get3A_0 = arith.constant 0 : index
    %get3A_1 = vector.load %arg1[%get3A, %get3A_0] : memref<64x8192xf32, #tpu.memory_space<vmem>>, vector<64x8192xf32>
    %get3A_2 = arith.constant 0 : index
    %get3A_3 = arith.constant 0 : index
    %get3A_4 = vector.load %arg2[%get3A_2, %get3A_3] : memref<512x64xf32, #tpu.memory_space<vmem>>, vector<512x64xf32>
    %broadcast_in_dim3A = arith.constant 1.000000e+00 : f32
    %broadcast_in_dim3A_5 = vector.broadcast %broadcast_in_dim3A : f32 to vector<1x64xf32>
    %mul3A = arith.mulf %get3A_1, %get3A_1 : vector<64x8192xf32>
    %dot_general3A = arith.constant dense<0.000000e+00> : vector<1x8192xf32>
    %dot_general3A_6 = tpu.matmul %broadcast_in_dim3A_5, %mul3A, %dot_general3A {dimension_numbers = #tpu.dot_dimension_numbers<[1], [0], [0], [1], [0, 0, 1, 1], [], []>, transpose_lhs_hint = false} : vector<1x64xf32>, vector<64x8192xf32>, vector<1x8192xf32> -> vector<1x8192xf32>
    %mul3A_7 = arith.mulf %get3A_4, %get3A_4 : vector<512x64xf32>
    %dot_general3A_8 = arith.constant dense<0.000000e+00> : vector<512x1xf32>
    %dot_general3A_9 = tpu.matmul %mul3A_7, %broadcast_in_dim3A_5, %dot_general3A_8 {dimension_numbers = #tpu.dot_dimension_numbers<[1], [1], [0], [0], [0, 0, 1, 0], [], []>, transpose_lhs_hint = false} : vector<512x64xf32>, vector<1x64xf32>, vector<512x1xf32> -> vector<512x1xf32>
    %dot_general3A_10 = arith.constant dense<0.000000e+00> : vector<512x8192xf32>
    %dot_general3A_11 = tpu.matmul %get3A_4, %get3A_1, %dot_general3A_10 {dimension_numbers = #tpu.dot_dimension_numbers<[1], [0], [0], [1], [0, 0, 1, 1], [], []>, transpose_lhs_hint = false} : vector<512x64xf32>, vector<64x8192xf32>, vector<512x8192xf32> -> vector<512x8192xf32>
    %add3A = vector.broadcast %dot_general3A_6 : vector<1x8192xf32> to vector<512x8192xf32>
    %add3A_12 = vector.broadcast %dot_general3A_9 : vector<512x1xf32> to vector<512x8192xf32>
    %add3A_13 = arith.addf %add3A, %add3A_12 : vector<512x8192xf32>
    %mul3A_14 = arith.constant 2.000000e+00 : f32
    %mul3A_15 = vector.broadcast %mul3A_14 : f32 to vector<512x8192xf32>
    %mul3A_16 = arith.mulf %mul3A_15, %dot_general3A_11 : vector<512x8192xf32>
    %sub3A = arith.subf %add3A_13, %mul3A_16 : vector<512x8192xf32>
    %reduce_min3A = arith.constant dense<0x7F800000> : vector<8192xf32>
    %reduce_min3A_17 = vector.multi_reduction <minimumf>, %sub3A, %reduce_min3A [0] : vector<512x8192xf32> to vector<8192xf32>
    %broadcast_in_dim3A_18 = vector.shape_cast %reduce_min3A_17 : vector<8192xf32> to vector<1x8192xf32>
    %iota3A = tpu.iota {dimensions = array<i32: 0>} : vector<512x8192xi32>
    %eq3A = vector.broadcast %broadcast_in_dim3A_18 : vector<1x8192xf32> to vector<512x8192xf32>
    %eq3A_19 = arith.cmpf oeq, %sub3A, %eq3A : vector<512x8192xf32>
    %jit3A = arith.constant 512 : i32
    %broadcast_in_dim3A_20 = vector.broadcast %jit3A : i32 to vector<512x8192xi32>
    %select_n3A = arith.select %eq3A_19, %iota3A, %broadcast_in_dim3A_20 : vector<512x8192xi1>, vector<512x8192xi32>
    %reduce_min3A_21 = arith.constant dense<2147483647> : vector<8192xi32>
    %reduce_min3A_22 = vector.multi_reduction <minsi>, %select_n3A, %reduce_min3A_21 [0] : vector<512x8192xi32> to vector<8192xi32>
    %swap3A = arith.constant 0 : index
    %swap3A_23 = vector.load %arg3[%swap3A] : memref<8192xi32, #tpu.memory_space<vmem>>, vector<8192xi32>
    tpu.vector_store %arg3[%swap3A], %reduce_min3A_22 {strides = array<i32>} : memref<8192xi32, #tpu.memory_space<vmem>>, vector<8192xi32>,
    %reduce_sum3A = vector.shape_cast %broadcast_in_dim3A_18 : vector<1x8192xf32> to vector<1x1x8192xf32>
    %reduce_sum3A_24 = arith.constant dense<0.000000e+00> : vector<1xf32>
    %reduce_sum3A_25 = vector.multi_reduction <add>, %reduce_sum3A, %reduce_sum3A_24 [1, 2] : vector<1x1x8192xf32> to vector<1xf32>
    %reduce_sum3A_26 = vector.shape_cast %reduce_sum3A_25 : vector<1xf32> to vector<1x1x1xf32>
    %reduce_sum3A_27 = vector.extract %reduce_sum3A_26[0, 0, 0] : f32 from vector<1x1x1xf32>
    %eq3A_28 = arith.constant 0 : i32
    %eq3A_29 = arith.cmpi eq, %arg0, %eq3A_28 : i32
    %convert_element_type3A = arith.extui %eq3A_29 : i1 to i32
    %cond3A = arith.constant 0 : i32
    %cond3A_30 = arith.cmpi ne, %convert_element_type3A, %cond3A : i32
    scf.if %cond3A_30 {
      %swap3A_40 = arith.constant 0 : index
      %swap3A_41 = arith.constant 0 : index
      %swap3A_42 = memref.load %arg4[%swap3A_40, %swap3A_41] : memref<1x1xf32, #tpu.memory_space<smem>>
      memref.store %reduce_sum3A_27, %arg4[%swap3A_40, %swap3A_41] : memref<1x1xf32, #tpu.memory_space<smem>>
    } else {
    }
    %gt3A = arith.constant 0 : i32
    %gt3A_31 = arith.cmpi sgt, %arg0, %gt3A : i32
    %convert_element_type3A_32 = arith.extui %gt3A_31 : i1 to i32
    %cond3A_33 = arith.constant 0 : i32
    %cond3A_34 = arith.cmpi ne, %convert_element_type3A_32, %cond3A_33 : i32
    scf.if %cond3A_34 {
      %get3A_40 = arith.constant 0 : index
      %get3A_41 = arith.constant 0 : index
      %get3A_42 = memref.load %arg4[%get3A_40, %get3A_41] : memref<1x1xf32, #tpu.memory_space<smem>>
      %add3A_43 = arith.addf %get3A_42, %reduce_sum3A_27 : f32
      %swap3A_44 = arith.constant 0 : index
      %swap3A_45 = arith.constant 0 : index
      %swap3A_46 = memref.load %arg4[%swap3A_44, %swap3A_45] : memref<1x1xf32, #tpu.memory_space<smem>>
      memref.store %add3A_43, %arg4[%swap3A_44, %swap3A_45] : memref<1x1xf32, #tpu.memory_space<smem>>
    } else {
    }
    %eq3A_35 = arith.constant 15 : i32
    %eq3A_36 = arith.cmpi eq, %arg0, %eq3A_35 : i32
    %convert_element_type3A_37 = arith.extui %eq3A_36 : i1 to i32
    %cond3A_38 = arith.constant 0 : i32
    %cond3A_39 = arith.cmpi ne, %convert_element_type3A_37, %cond3A_38 : i32
    scf.if %cond3A_39 {
      %get3A_40 = arith.constant 0 : index
      %get3A_41 = arith.constant 0 : index
      %get3A_42 = memref.load %arg4[%get3A_40, %get3A_41] : memref<1x1xf32, #tpu.memory_space<smem>>
      %mul3A_43 = arith.constant 2.26497647E-7 : f32
      %mul3A_44 = arith.mulf %get3A_42, %mul3A_43 : f32
      %swap3A_45 = arith.constant 0 : index
      %swap3A_46 = arith.constant 0 : index
      %swap3A_47 = memref.load %arg4[%swap3A_45, %swap3A_46] : memref<1x1xf32, #tpu.memory_space<smem>>
      memref.store %mul3A_44, %arg4[%swap3A_45, %swap3A_46] : memref<1x1xf32, #tpu.memory_space<smem>>
    } else {
    }
    return
  }
  func.func @transform_0(%arg0: i32) -> (i32, i32) {
    %c0_i32 = arith.constant 0 : i32
    %c0_i32_0 = arith.constant 0 : i32
    return %c0_i32, %arg0 : i32, i32
  }
  func.func @transform_1(%arg0: i32) -> (i32, i32) {
    %c0_i32 = arith.constant 0 : i32
    %c0_i32_0 = arith.constant 0 : i32
    %c0_i32_1 = arith.constant 0 : i32
    return %c0_i32, %c0_i32_0 : i32, i32
  }
  func.func @transform_2(%arg0: i32) -> i32 {
    %c0_i32 = arith.constant 0 : i32
    return %arg0 : i32
  }
  func.func @transform_3(%arg0: i32) -> (i32, i32) {
    %c0_i32 = arith.constant 0 : i32
    %c0_i32_0 = arith.constant 0 : i32
    %c0_i32_1 = arith.constant 0 : i32
    return %c0_i32, %c0_i32_0 : i32, i32
  }
}

</mosaic_0001>

<sc_bundles>
// kernel: kernel.4.cloned.1.call-start
scs
__scs_entry_jumppad:
0x0: {  	(pc) =	sbr.rel $0x88, $3  }
0x1: {  	(tag) =	ssettag $0x0;
	lr =	simm.s32 $0x1  }
0x2: {  	[smem:$0x3F9F] =	sst lr;
	_ =	strace $0xD0000000  }
0x3: {  	_ = 	snop  }
0x4: {  	_ = 	snop  }
0x5: {  	_ = 	snop  }
0x6: {  	_ = 	snop  }
0x7: {  	_ = 	snop  }
__scs_overlays_trampoline_lowered:
0x8: {  	[smem:$0x3FAE] =	sst s0  }
0x9: {  	[smem:$0x3FAF] =	sst s1  }
0xa: {  	[smem:$0x3FB0] =	sst s2  }
0xb: {  	[smem:$0x3FB1] =	sst s3  }
0xc: {  	[smem:$0x3FB2] =	sst s4  }
0xd: {  	[smem:$0x3FB3] =	sst s5  }
0xe: {  	[smem:$0x3FB4] =	sst s6  }
0xf: {  	[smem:$0x3FB5] =	sst s7  }
0x10: {  	[smem:$0x3FB6] =	sst s8  }
0x11: {  	[smem:$0x3FB7] =	sst s9;
	s0 =	simm.s32 @!p0 $0x0  }
0x12: {  	s1 =	sld [smem:$0x3F9D];
	s0 =	simm.s32 @p0 $0x1  }
0x13: {  	[smem:$0x3FB8] =	sst s0;
	s0 =	simm.s32 @!p1 $0x0  }
0x14: {  	s2 =	sld [smem:$0x3F9C];
	s0 =	simm.s32 @p1 $0x1  }
0x15: {  	[smem:$0x3FB9] =	sst s0;
	s0 =	simm.s32 @!p2 $0x0  }
0x16: {  	s3 =	sld [smem:$0x3FDB];
	s0 =	simm.s32 @p2 $0x1  }
0x17: {  	s4 =	simm.s32 $0x1BF5;
	[smem:$0x3FBB] =	sst s0  }
0x18: {  	s0 =	sld [smem:$0x3F9E];
	_ =	swait.ge [sflag:s4], $0x0  }
0x19: {  	s7 =	sld [smem:$0x3F9F]  }
0x1a: {  	s8 =	sadd.s32 $0xFFFFE003, lr  }
0x1b: {  	s9 =	sadd.s32 $0xFFFFFEF7, lr;
	s5 =	simm.s32 $0xFFFFFFFF;
	p2 =	slt.u32 s8, $0xFFFFF086  }
0x1c: {  	p1 =	slt.u32 s9, $0xF7A;
	s5 =	simm.s32 @!p2 $0x0  }
0x1d: {  	s5 =	simm.s32 @p1 $0x1;
	p0 =	seq.s32 s7, s2  }
0x1e: {  	s7 =	smul.u32 @!p0 $0xF7A, s2;
	p2 =	seq.s32 @!p0 s5, $0x0  }
0x1f: {  	s9 =	smul.u32 $0xF7A, s1;
	s8 =	simm.s32 @!p0 $0x1BF5;
	p2 =	por !p2, p0  }
0x20: {  	[sflag:s8] =	ssyncset.s32 @!p0 $0xFFFFF086;
	s6 =	sadd.s32 @!p0 s3, s7;
	s7 =	simm.s32 @!p0 $0x108  }
0x21: {  	s3 =	sadd.s32 s3, s9;
	s6 =	sadd.s32 @!p0 $0x88, s6;
	s7 =	simm.s32 @p2 $0x1082  }
0x22: {  	[simem:s7], [sflag:s8] =	dma.local @!p0 [hbm:s6], $0xF7A  }
0x23: {  	s9 =	sor.u32 $0xD0000000, s2;
	s6 =	simm.s32 $0x108;
	_ =	swait.ge @!p0 [sflag:s8], $0x0  }
0x24: {  	s3 =	sadd.s32 $0x88, s3;
	s6 =	simm.s32 @!p1 $0x1082;
	[sflag:s4] =	ssyncset.s32 $0xFFFFF086  }
0x25: {  	[simem:s6], [sflag:s4] =	dma.local [hbm:s3], $0xF7A  }
0x26: {  	[smem:$0x3F9F] =	sst s1;
	(tag) =	ssettag s2;
	_ =	strace s9  }
0x27: {  	s1 =	sld [smem:$0x3FAF]  }
0x28: {  	s2 =	sld [smem:$0x3FB0]  }
0x29: {  	s4 =	sld [smem:$0x3FB2]  }
0x2a: {  	p0 =	seq.s32 s5, $0x0;
	s5 =	sld [smem:$0x3FB3]  }
0x2b: {  	s6 =	sld [smem:$0x3FB4]  }
0x2c: {  	s7 =	sld [smem:$0x3FB5]  }
0x2d: {  	s3 =	simm.s32 $0x108;
	s8 =	sld [smem:$0x3FB6]  }
0x2e: {  	s3 =	simm.s32 @!p0 $0x1082;
	s9 =	sld [smem:$0x3FB7]  }
0x2f: {  	lr =	sadd.s32 s0, s3;
	s0 =	sld [smem:$0x3FAE]  }
0x30: {  	s3 =	sld [smem:$0x3FB1]  }
0x31: {  	[smem:$0x3FBA] =	sst s10  }
0x32: {  	s10 =	sld [smem:$0x3FB8];
	_ =	sdelay $0x3  }
0x33: {  	p0 =	seq.s32 s10, $0x1;
	s10 =	sld [smem:$0x3FBA];
	_ =	sdelay $0x3  }
0x34: {  	[smem:$0x3FBA] =	sst s10  }
0x35: {  	s10 =	sld [smem:$0x3FB9];
	_ =	sdelay $0x3  }
0x36: {  	p1 =	seq.s32 s10, $0x1;
	s10 =	sld [smem:$0x3FBA];
	_ =	sdelay $0x3  }
0x37: {  	[smem:$0x3FBA] =	sst s10  }
0x38: {  	s10 =	sld [smem:$0x3FBB]  }
0x39: {  	_ = 	snop;
	(pc) =	sbr.ind lr, $3  }
0x3a: {  	_ = 	snop  }
0x3b: {  	_ = 	snop  }
0x3c: {  	p2 =	seq.s32 s10, $0x1;
	s10 =	sld [smem:$0x3FBA]  }
0x3d: {  	_ =	shalt  }
0x3e: {  	_ =	shalt  }
0x3f: {  	_ =	shalt  }
0x40: {  	_ =	shalt  }
0x41: {  	_ =	shalt  }
0x42: {  	_ =	shalt  }
0x43: {  	_ =	shalt  }
0x44: {  	_ =	shalt  }
0x45: {  	_ =	shalt  }
0x46: {  	_ =	shalt  }
0x47: {  	_ =	shalt  }
0x48: {  	_ =	shalt  }
0x49: {  	_ =	shalt  }
0x4a: {  	_ =	shalt  }
0x4b: {  	_ =	shalt  }
0x4c: {  	_ =	shalt  }
0x4d: {  	_ =	shalt  }
0x4e: {  	_ =	shalt  }
0x4f: {  	_ =	shalt  }
0x50: {  	_ =	shalt  }
0x51: {  	_ =	shalt  }
0x52: {  	_ =	shalt  }
0x53: {  	_ =	shalt  }
0x54: {  	_ =	shalt  }
0x55: {  	_ =	shalt  }
0x56: {  	_ =	shalt  }
0x57: {  	_ =	shalt  }
0x58: {  	_ =	shalt  }
0x59: {  	_ =	shalt  }
0x5a: {  	_ =	shalt  }
0x5b: {  	_ =	shalt  }
0x5c: {  	_ =	shalt  }
0x5d: {  	_ =	shalt  }
0x5e: {  	_ =	shalt  }
0x5f: {  	_ =	shalt  }
0x60: {  	_ =	shalt  }
0x61: {  	_ =	shalt  }
0x62: {  	_ =	shalt  }
0x63: {  	_ =	shalt  }
0x64: {  	_ =	shalt  }
0x65: {  	_ =	shalt  }
0x66: {  	_ =	shalt  }
0x67: {  	_ =	shalt  }
0x68: {  	_ =	shalt  }
0x69: {  	_ =	shalt  }
0x6a: {  	_ =	shalt  }
0x6b: {  	_ =	shalt  }
0x6c: {  	_ =	shalt  }
0x6d: {  	_ =	shalt  }
0x6e: {  	_ =	shalt  }
0x6f: {  	_ =	shalt  }
0x70: {  	_ =	shalt  }
0x71: {  	_ =	shalt  }
0x72: {  	_ =	shalt  }
0x73: {  	_ =	shalt  }
0x74: {  	_ =	shalt  }
0x75: {  	_ =	shalt  }
0x76: {  	_ =	shalt  }
0x77: {  	_ =	shalt  }
0x78: {  	_ =	shalt  }
0x79: {  	_ =	shalt  }
0x7a: {  	_ =	shalt  }
0x7b: {  	_ =	shalt  }
0x7c: {  	_ =	shalt  }
0x7d: {  	_ =	shalt  }
0x7e: {  	_ =	shalt  }
0x7f: {  	_ =	shalt  }
0x80: {  	_ =	shalt  }
0x81: {  	_ =	shalt  }
0x82: {  	_ =	shalt  }
0x83: {  	_ =	shalt  }
0x84: {  	_ =	shalt  }
0x85: {  	_ =	shalt  }
0x86: {  	_ =	shalt  }
0x87: {  	_ =	shalt  }
.Lfunc_end0:
.L_simem_size_0:
called_computation_lowered:
.L_overlay_start_0:
0x88: {  	s2 =	sld [smem:$0x3FD9]  }
0x89: {  	s3 =	sld [smem:$0x3FFE];
	_ =	sdelay $0x1  }
0x8a: {  	s1 =	srdreg.scid  }
0x8b: {  	s0 =	sand.u32 $0x1, s1  }
0x8c: {  	s15 =	sshll.u32 s0, $0xA;
	s2 =	sadd.s32 s3, s2  }
0x8d: {  	s2 =	sadd.s32 s2, s15  }
0x8e: {  	[smem:$0x3FC6] =	sst s2  }
0x8f: {  	_ = 	snop  }
0x90: {  	s2 =	sld [smem:$0x3FD0];
	_ =	sdelay $0x2  }
0x91: {  	s4 =	simm.s32 $0xA;
	s5 =	simm.s32 $0x10;
	s16 =	sld [smem:$0x3FC8]  }
0x92: {  	[smem:s5], [sflag:s4] =	dma.local [hbm:s2], $0x1  }
0x93: {  	_ =	swait.eq [sflag:s4], $0x1  }
0x94: {  	[sflag:s4] =	ssyncset.done $0x0  }
0x95: {  	s17 =	sld [smem:$0x10];
	[sflag:s4] =	ssyncadd.s32 $0xFFFFFFFF  }
0x96: {  	s18 =	sld [smem:$0x12];
	(tm) =	ssettm $0x1  }
0x97: {  	s19 =	sld [smem:$0x3FFB];
	_ =	sdelay $0x3  }
0x98: {  	_ =	strace s19  }
0x99: {  	s5 =	sld [smem:$0x3FFC];
	_ =	sdelay $0x3  }
0x9a: {  	_ =	strace s5  }
0x9b: {  	s5 =	sld [smem:$0x3FFD];
	_ =	sdelay $0x3  }
0x9c: {  	_ =	strace s5  }
0x9d: {  	_ =	strace $0x8FFFFFFF  }
0x9e: {  	s20 =	sld [smem:$0x3FDB];
	_ =	sdelay $0x1  }
0x9f: {  	s6 =	simm.s32 $_scs_section_size  }
0xa0: {  	s7 =	simm.s32 $_size__tile_overlayer_lowered;
	s8 =	simm.s32 $_tile_overlayer_lowered  }
0xa1: {  	s23 =	simm.s32 $0x1BFF;
	s22 =	sshll.u32 s8, $0x1;
	s5 =	sadd.s32 s6, s20  }
0xa2: {  	s9 =	simm.s32 $0x0;
	s21 =	sshll.u32 s7, $0x1;
	s7 =	sadd.s32 s22, s5  }
0xa3: {  	[timem:s9], [sflag:s23] =	dma.local [hbm:s7], s21  }
0xa4: {  	_ =	swait.ge [sflag:s23], s21  }
0xa5: {  	s6 =	ssub.s32 $0x0, s21;
	[sflag:s23] =	ssyncset.done $0x0  }
0xa6: {  	[sflag:s23] =	ssyncadd.s32 s6;
	_ =	sdelay $0x1  }
0xa7: {  	s24 =	simm.s32 $0x1B8B  }
0xa8: {  	_ =	swait.ge [sflag:s24], $0x1  }
0xa9: {  	[sflag:s24] =	ssyncset.done $0x0  }
0xaa: {  	s25 =	simm.s32 $0x1B8E;
	[sflag:s24] =	ssyncadd.s32 $0xFFFFFFFF  }
0xab: {  	s26 =	simm.s32 $execute0_lowered;
	[smem:$0x3FD2] =	sst s25  }
0xac: {  	s6 =	sshll.u32 s26, $0x1;
	_ =	strace $0x80000046;
	[dreg:$0x1] =	wrdreg $0xFFFFFFFF  }
0xad: {  	s28 =	simm.s32 $_size_execute0_lowered;
	s5 =	sadd.s32 s5, s6;
	[dreg:$0x0] =	wrdreg $0x0  }
0xae: {  	s6 =	sshll.u32 s28, $0x1;
	[dreg:$0x2] =	wrdreg s5  }
0xaf: {  	[dreg:$0x3] =	wrdreg s6  }
0xb0: {  	[dreg:$0x4] =	wrdreg $0xC0  }
0xb1: {  	_ =	task [dreg:s9], $0x5FFFF  }
0xb2: {  	[dreg:$0x1] =	wrdreg $0xFFFFFFFF  }
0xb3: {  	[dreg:$0x0] =	wrdreg $0x60  }
0xb4: {  	[dreg:$0x2] =	wrdreg s16  }
0xb5: {  	[dreg:$0x3] =	wrdreg s18  }
0xb6: {  	[dreg:$0x4] =	wrdreg s17  }
0xb7: {  	[dreg:$0x5] =	wrdreg $0x9  }
0xb8: {  	_ =	task.clear_ibuf [dreg:s9], $0x6FFFF;
	_ =	strace $0x90000046  }
0xb9: {  	s29 =	simm.s32 $0x9;
	_ =	strace $0x80000048  }
0xba: {  	_ =	swait.ge [sflag:s29], $0x1  }
0xbb: {  	[sflag:s29] =	ssyncadd.s32 $0xFFFFFFFF  }
0xbc: {  	_ =	strace $0x90000048  }
0xbd: {  	_ =	sfence  }
0xbe: {  	s30 =	sld [smem:$0x0];
	_ =	sdelay $0x2  }
0xbf: {  	s31 =	sshll.u32 s1, $0xD;
	s1 =	sshrl.u32 s1, $0x2  }
0xc0: {  	s3 =	sand.u32 $0x4000, s31;
	s1 =	sadd.s32 s1, s30  }
0xc1: {  	s0 =	sor.u32 s3, s0;
	s1 =	sshll.u32 s1, $0x11  }
0xc2: {  	s0 =	sor.u32 s1, s0  }
0xc3: {  	s0 =	sadd.s32 $0x8F2B, s0  }
0xc4: {  	[sflag:s0] =	ssyncadd.remote.s32 $0x1  }
0xc5: {  	_ =	sfence.sel $0xFFFF  }
0xc6: {  	[dreg:$0x0] =	wrdreg $0xFFFFFFFF;
	(pc) =	sbr.abs _section_cstart, $3  }
0xc7: {  	[dreg:$0x1] =	wrdreg $0xFFFFFFFF  }
0xc8: {  	_ =	task.clear_ibuf [dreg:s9], $0x2FFFF;
	_ =	strace $0x9FFFFFFF  }
0xc9: {  	(tm) =	ssettm $0x7FFFFFFF  }
tec
execute0_lowered:
.L_overlay_start_1:
0x0: {  	(tag) =	ssettag $0x1  }
0x1: {  	s1 =	rddreg [dreg:$0x0]  }
0x2: {  	s5 =	rddreg [dreg:$0x1]  }
0x3: {  	s4 =	rddreg [dreg:$0x2]  }
0x4: {  	s0 =	rddreg [dreg:$0x3];
	s6 =	srdreg.scid  }
0x5: {  	s3 =	simm.s32 $0x0;
	s2 =	stileid.u32;
	s14 =	simm.s32 $0x3  }
0x6: {  	s15 =	simm.s32 $0x1000;
	s16 =	simm.s32 $0x100000;
	s17 =	simm.s32 $0x9000  }
0x7: {  	s18 =	simm.s32 $0x11000;
	s19 =	simm.s32 $0x1;
	s20 =	simm.s32 $0x2  }
0x8: {  	s21 =	simm.s32 $0x0;
	s6 =	sand.u32 $0x1, s6;
	[smem:$0x7FF] =	sst s3  }
0x9: {  	s7 =	sshll.u32 s2, $0xD;
	s8 =	sshll.u32 s6, $0xC;
	s6 =	ssub.s32 $0x2, s6  }
0xa: {  	_ =	strace $0x80000047;
	s7 =	sor.u32 s8, s7;
	s31 =	sshrl.u32 s6, $0x1  }
0xb: {  	s9 =	sshrl.u32 s7, $0x3;
	s4 =	sadd.s32 s4, s7;
	s13 =	ssub.s32 s6, s31  }
0xc: {  	s5 =	sadd.s32 s5, s9;
	s6 =	sadd.s32 $0x200, s4;
	s7 =	sadd.s32 $0x400, s4  }
0xd: {  	s8 =	sadd.s32 $0x600, s4;
	s9 =	sadd.s32 $0x800, s4;
	s10 =	sadd.s32 $0xA00, s4  }
0xe: {  	s11 =	sadd.s32 $0xC00, s4;
	s12 =	sadd.s32 $0xE00, s4;
	s13 =	smax.u32 s13, $0x1  }
.LBB2_1:
0xf: {  	[tilespmem:s3], [sflag:$0x3] =	stream.linear.gather [hbm4b:s1+s3], $0x8000, $0x38;
	[tilespmem:$0x19000] =	vst v63  }
0x10: {  	_ =	swait.ge [sflag:s14], $0x8000  }
0x11: {  	[sflag:s14] =	ssyncset.done $0x0  }
0x12: {  	s22 =	simm.s32 $0x8000;
	[sflag:s14] =	ssyncadd.s32 $0xFFFF8000  }
0x13: {  	[tilespmem:s22], [sflag:$0x3] =	stream.linear.gather [hbm4b:s5+s3], $0x1000, $0x38;
	[tilespmem:$0x19000] =	vst v63  }
0x14: {  	_ =	swait.ge [sflag:s14], $0x1000  }
0x15: {  	[sflag:s14] =	ssyncset.done $0x0  }
0x16: {  	s23 =	simm.s32 $0x0;
	s24 =	simm.s32 $0x0;
	[sflag:s14] =	ssyncadd.s32 $0xFFFFF000  }
.LBB2_2:
0x17: {  	v0 =	vld [tilespmem:s22+$0x0];
	_ =	sdelay $0x4  }
0x18: {  	v1 =	vshll.u32 v0, $0x3  }
0x19: {  	v0 =	vand.u32 $0x7F, v0;
	v1 =	vand.u32 $0xFFFFFC00, v1  }
0x1a: {  	v0 =	vor.u32 v0, v1  }
0x1b: {  	v1 =	vor.u32 $0x80, v0  }
0x1c: {  	v2 =	vor.u32 $0x100, v0  }
0x1d: {  	v3 =	vor.u32 $0x180, v0  }
0x1e: {  	v4 =	vor.u32 $0x200, v0  }
0x1f: {  	v6 =	vor.u32 $0x280, v0;
	v5 =	vld.idx.msk [tilespmem:v0+s3+$0x0], $0xffff  }
0x20: {  	v7 =	vor.u32 $0x300, v0;
	v1 =	vld.idx.msk [tilespmem:v1+s3+$0x0], $0xffff  }
0x21: {  	v8 =	vor.u32 $0x380, v0;
	v2 =	vld.idx.msk [tilespmem:v2+s3+$0x0], $0xffff  }
0x22: {  	v3 =	vld.idx.msk [tilespmem:v3+s3+$0x0], $0xffff  }
0x23: {  	v4 =	vld.idx.msk [tilespmem:v4+s3+$0x0], $0xffff  }
0x24: {  	s25 =	sand.u32 $0x70, s24;
	s26 =	sand.u32 $0xC00, s23;
	v6 =	vld.idx.msk [tilespmem:v6+s3+$0x0], $0xffff  }
0x25: {  	s25 =	sor.u32 s25, s26;
	v7 =	vld.idx.msk [tilespmem:v7+s3+$0x0], $0xffff  }
0x26: {  	v8 =	vld.idx.msk [tilespmem:v8+s3+$0x0], $0xffff;
	[tilespmem:s25+$0x9000] =	vst v5  }
0x27: {  	[tilespmem:s25+$0x9080] =	vst v1  }
0x28: {  	[tilespmem:s25+$0x9100] =	vst v2  }
0x29: {  	v9 =	vadd.s32 $0x1000, v0;
	[tilespmem:s25+$0x9180] =	vst v3  }
0x2a: {  	v10 =	vadd.s32 $0x1080, v0;
	[tilespmem:s25+$0x9200] =	vst v4  }
0x2b: {  	s31 =	sor.u32 s23, s24;
	v11 =	vadd.s32 $0x1100, v0;
	[tilespmem:s25+$0x9280] =	vst v6  }
0x2c: {  	s26 =	sor.u32 $0x380, s31;
	v12 =	vadd.s32 $0x1180, v0;
	[tilespmem:s25+$0x9300] =	vst v7  }
0x2d: {  	v13 =	vadd.s32 $0x1200, v0;
	[tilespmem:s26+$0x9000] =	vst v8  }
0x2e: {  	v14 =	vadd.s32 $0x1280, v0;
	v1 =	vld.idx.msk [tilespmem:v9+s3+$0x0], $0xffff  }
0x2f: {  	v15 =	vadd.s32 $0x1300, v0;
	v2 =	vld.idx.msk [tilespmem:v10+s3+$0x0], $0xffff  }
0x30: {  	v16 =	vadd.s32 $0x1380, v0;
	v3 =	vld.idx.msk [tilespmem:v11+s3+$0x0], $0xffff  }
0x31: {  	v4 =	vld.idx.msk [tilespmem:v12+s3+$0x0], $0xffff  }
0x32: {  	v5 =	vld.idx.msk [tilespmem:v13+s3+$0x0], $0xffff  }
0x33: {  	v6 =	vld.idx.msk [tilespmem:v14+s3+$0x0], $0xffff  }
0x34: {  	v7 =	vld.idx.msk [tilespmem:v15+s3+$0x0], $0xffff  }
0x35: {  	v8 =	vld.idx.msk [tilespmem:v16+s3+$0x0], $0xffff;
	[tilespmem:s25+$0xA000] =	vst v1  }
0x36: {  	[tilespmem:s25+$0xA080] =	vst v2  }
0x37: {  	[tilespmem:s25+$0xA100] =	vst v3  }
0x38: {  	v17 =	vadd.s32 $0x2000, v0;
	[tilespmem:s25+$0xA180] =	vst v4  }
0x39: {  	v18 =	vadd.s32 $0x2080, v0;
	[tilespmem:s25+$0xA200] =	vst v5  }
0x3a: {  	v19 =	vadd.s32 $0x2100, v0;
	[tilespmem:s25+$0xA280] =	vst v6  }
0x3b: {  	v20 =	vadd.s32 $0x2180, v0;
	[tilespmem:s25+$0xA300] =	vst v7  }
0x3c: {  	v21 =	vadd.s32 $0x2200, v0;
	[tilespmem:s25+$0xA380] =	vst v8  }
0x3d: {  	v22 =	vadd.s32 $0x2280, v0;
	v1 =	vld.idx.msk [tilespmem:v17+s3+$0x0], $0xffff  }
0x3e: {  	v23 =	vadd.s32 $0x2300, v0;
	v2 =	vld.idx.msk [tilespmem:v18+s3+$0x0], $0xffff  }
0x3f: {  	v24 =	vadd.s32 $0x2380, v0;
	v3 =	vld.idx.msk [tilespmem:v19+s3+$0x0], $0xffff  }
0x40: {  	v4 =	vld.idx.msk [tilespmem:v20+s3+$0x0], $0xffff  }
0x41: {  	v5 =	vld.idx.msk [tilespmem:v21+s3+$0x0], $0xffff  }
0x42: {  	v6 =	vld.idx.msk [tilespmem:v22+s3+$0x0], $0xffff  }
0x43: {  	v7 =	vld.idx.msk [tilespmem:v23+s3+$0x0], $0xffff  }
0x44: {  	v8 =	vld.idx.msk [tilespmem:v24+s3+$0x0], $0xffff;
	[tilespmem:s25+$0xB000] =	vst v1  }
0x45: {  	[tilespmem:s25+$0xB080] =	vst v2  }
0x46: {  	[tilespmem:s25+$0xB100] =	vst v3  }
0x47: {  	v25 =	vadd.s32 $0x3000, v0;
	[tilespmem:s25+$0xB180] =	vst v4  }
0x48: {  	v26 =	vadd.s32 $0x3080, v0;
	[tilespmem:s25+$0xB200] =	vst v5  }
0x49: {  	v27 =	vadd.s32 $0x3100, v0;
	[tilespmem:s25+$0xB280] =	vst v6  }
0x4a: {  	v28 =	vadd.s32 $0x3180, v0;
	[tilespmem:s25+$0xB300] =	vst v7  }
0x4b: {  	v29 =	vadd.s32 $0x3200, v0;
	[tilespmem:s25+$0xB380] =	vst v8  }
0x4c: {  	v30 =	vadd.s32 $0x3280, v0;
	v1 =	vld.idx.msk [tilespmem:v25+s3+$0x0], $0xffff  }
0x4d: {  	v31 =	vadd.s32 $0x3300, v0;
	v2 =	vld.idx.msk [tilespmem:v26+s3+$0x0], $0xffff  }
0x4e: {  	v32 =	vadd.s32 $0x3380, v0;
	v3 =	vld.idx.msk [tilespmem:v27+s3+$0x0], $0xffff  }
0x4f: {  	v4 =	vld.idx.msk [tilespmem:v28+s3+$0x0], $0xffff  }
0x50: {  	v5 =	vld.idx.msk [tilespmem:v29+s3+$0x0], $0xffff  }
0x51: {  	v6 =	vld.idx.msk [tilespmem:v30+s3+$0x0], $0xffff  }
0x52: {  	v7 =	vld.idx.msk [tilespmem:v31+s3+$0x0], $0xffff  }
0x53: {  	v8 =	vld.idx.msk [tilespmem:v32+s3+$0x0], $0xffff;
	[tilespmem:s25+$0xC000] =	vst v1  }
0x54: {  	[tilespmem:s25+$0xC080] =	vst v2  }
0x55: {  	[tilespmem:s25+$0xC100] =	vst v3  }
0x56: {  	v33 =	vadd.s32 $0x4000, v0;
	[tilespmem:s25+$0xC180] =	vst v4  }
0x57: {  	v34 =	vadd.s32 $0x4080, v0;
	[tilespmem:s25+$0xC200] =	vst v5  }
0x58: {  	v35 =	vadd.s32 $0x4100, v0;
	[tilespmem:s25+$0xC280] =	vst v6  }
0x59: {  	v36 =	vadd.s32 $0x4180, v0;
	[tilespmem:s25+$0xC300] =	vst v7  }
0x5a: {  	v37 =	vadd.s32 $0x4200, v0;
	[tilespmem:s25+$0xC380] =	vst v8  }
0x5b: {  	v38 =	vadd.s32 $0x4280, v0;
	v1 =	vld.idx.msk [tilespmem:v33+s3+$0x0], $0xffff  }
0x5c: {  	v39 =	vadd.s32 $0x4300, v0;
	v2 =	vld.idx.msk [tilespmem:v34+s3+$0x0], $0xffff  }
0x5d: {  	v40 =	vadd.s32 $0x4380, v0;
	v3 =	vld.idx.msk [tilespmem:v35+s3+$0x0], $0xffff  }
0x5e: {  	v4 =	vld.idx.msk [tilespmem:v36+s3+$0x0], $0xffff  }
0x5f: {  	v5 =	vld.idx.msk [tilespmem:v37+s3+$0x0], $0xffff  }
0x60: {  	v6 =	vld.idx.msk [tilespmem:v38+s3+$0x0], $0xffff  }
0x61: {  	v7 =	vld.idx.msk [tilespmem:v39+s3+$0x0], $0xffff  }
0x62: {  	v8 =	vld.idx.msk [tilespmem:v40+s3+$0x0], $0xffff;
	[tilespmem:s25+$0xD000] =	vst v1  }
0x63: {  	[tilespmem:s25+$0xD080] =	vst v2  }
0x64: {  	[tilespmem:s25+$0xD100] =	vst v3  }
0x65: {  	v41 =	vadd.s32 $0x5000, v0;
	[tilespmem:s25+$0xD180] =	vst v4  }
0x66: {  	v42 =	vadd.s32 $0x5080, v0;
	[tilespmem:s25+$0xD200] =	vst v5  }
0x67: {  	v43 =	vadd.s32 $0x5100, v0;
	[tilespmem:s25+$0xD280] =	vst v6  }
0x68: {  	v44 =	vadd.s32 $0x5180, v0;
	[tilespmem:s25+$0xD300] =	vst v7  }
0x69: {  	v45 =	vadd.s32 $0x5200, v0;
	[tilespmem:s25+$0xD380] =	vst v8  }
0x6a: {  	v46 =	vadd.s32 $0x5280, v0;
	v1 =	vld.idx.msk [tilespmem:v41+s3+$0x0], $0xffff  }
0x6b: {  	v47 =	vadd.s32 $0x5300, v0;
	v2 =	vld.idx.msk [tilespmem:v42+s3+$0x0], $0xffff  }
0x6c: {  	v48 =	vadd.s32 $0x5380, v0;
	v3 =	vld.idx.msk [tilespmem:v43+s3+$0x0], $0xffff  }
0x6d: {  	v4 =	vld.idx.msk [tilespmem:v44+s3+$0x0], $0xffff  }
0x6e: {  	v5 =	vld.idx.msk [tilespmem:v45+s3+$0x0], $0xffff  }
0x6f: {  	v6 =	vld.idx.msk [tilespmem:v46+s3+$0x0], $0xffff  }
0x70: {  	v7 =	vld.idx.msk [tilespmem:v47+s3+$0x0], $0xffff  }
0x71: {  	v8 =	vld.idx.msk [tilespmem:v48+s3+$0x0], $0xffff;
	[tilespmem:s25+$0xE000] =	vst v1  }
0x72: {  	[tilespmem:s25+$0xE080] =	vst v2  }
0x73: {  	[tilespmem:s25+$0xE100] =	vst v3  }
0x74: {  	v49 =	vadd.s32 $0x6000, v0;
	[tilespmem:s25+$0xE180] =	vst v4  }
0x75: {  	v50 =	vadd.s32 $0x6080, v0;
	[tilespmem:s25+$0xE200] =	vst v5  }
0x76: {  	v51 =	vadd.s32 $0x6100, v0;
	[tilespmem:s25+$0xE280] =	vst v6  }
0x77: {  	v52 =	vadd.s32 $0x6180, v0;
	[tilespmem:s25+$0xE300] =	vst v7  }
0x78: {  	v53 =	vadd.s32 $0x6200, v0;
	[tilespmem:s25+$0xE380] =	vst v8  }
0x79: {  	v54 =	vadd.s32 $0x6280, v0;
	v1 =	vld.idx.msk [tilespmem:v49+s3+$0x0], $0xffff  }
0x7a: {  	v55 =	vadd.s32 $0x6300, v0;
	v2 =	vld.idx.msk [tilespmem:v50+s3+$0x0], $0xffff  }
0x7b: {  	v56 =	vadd.s32 $0x6380, v0;
	v3 =	vld.idx.msk [tilespmem:v51+s3+$0x0], $0xffff  }
0x7c: {  	v4 =	vld.idx.msk [tilespmem:v52+s3+$0x0], $0xffff  }
0x7d: {  	v5 =	vld.idx.msk [tilespmem:v53+s3+$0x0], $0xffff  }
0x7e: {  	v6 =	vld.idx.msk [tilespmem:v54+s3+$0x0], $0xffff  }
0x7f: {  	v7 =	vld.idx.msk [tilespmem:v55+s3+$0x0], $0xffff  }
0x80: {  	v8 =	vld.idx.msk [tilespmem:v56+s3+$0x0], $0xffff;
	[tilespmem:s25+$0xF000] =	vst v1  }
0x81: {  	[tilespmem:s25+$0xF080] =	vst v2  }
0x82: {  	[tilespmem:s25+$0xF100] =	vst v3  }
0x83: {  	v57 =	vadd.s32 $0x7000, v0;
	[tilespmem:s25+$0xF180] =	vst v4  }
0x84: {  	v58 =	vadd.s32 $0x7080, v0;
	[tilespmem:s25+$0xF200] =	vst v5  }
0x85: {  	v59 =	vadd.s32 $0x7100, v0;
	[tilespmem:s25+$0xF280] =	vst v6  }
0x86: {  	v60 =	vadd.s32 $0x7180, v0;
	[tilespmem:s25+$0xF300] =	vst v7  }
0x87: {  	v61 =	vadd.s32 $0x7200, v0;
	[tilespmem:s25+$0xF380] =	vst v8  }
0x88: {  	v62 =	vadd.s32 $0x7280, v0;
	v1 =	vld.idx.msk [tilespmem:v57+s3+$0x0], $0xffff  }
0x89: {  	v63 =	vadd.s32 $0x7300, v0;
	v2 =	vld.idx.msk [tilespmem:v58+s3+$0x0], $0xffff  }
0x8a: {  	v0 =	vadd.s32 $0x7380, v0;
	v3 =	vld.idx.msk [tilespmem:v59+s3+$0x0], $0xffff  }
0x8b: {  	v4 =	vld.idx.msk [tilespmem:v60+s3+$0x0], $0xffff  }
0x8c: {  	v5 =	vld.idx.msk [tilespmem:v61+s3+$0x0], $0xffff  }
0x8d: {  	v6 =	vld.idx.msk [tilespmem:v62+s3+$0x0], $0xffff  }
0x8e: {  	v7 =	vld.idx.msk [tilespmem:v63+s3+$0x0], $0xffff  }
0x8f: {  	v0 =	vld.idx.msk [tilespmem:v0+s3+$0x0], $0xffff;
	[tilespmem:s25+$0x10000] =	vst v1  }
0x90: {  	[tilespmem:s25+$0x10080] =	vst v2  }
0x91: {  	p0 =	sne.s32 s24, $0x1F0;
	[tilespmem:s25+$0x10100] =	vst v3  }
.Ltmp0:
0x92: {  	[tilespmem:s25+$0x10180] =	vst v4;
	(pc) =	sbr.rel @p0 .LBB2_2-.Ltmp0, $4  }
0x93: {  	[tilespmem:s25+$0x10200] =	vst v5  }
0x94: {  	[tilespmem:s25+$0x10280] =	vst v6  }
0x95: {  	[tilespmem:s25+$0x10300] =	vst v7  }
0x96: {  	s23 =	sadd.s32 $0x80, s23;
	s22 =	sadd.s32 $0x10, s22;
	s24 =	sadd.s32 $0x10, s24;
	[tilespmem:s25+$0x10380] =	vst v0  }
0x97: {  	[hbm4b:s4+s15] =	stream.strided.scatter [tilespmem:s17], [sflag:$0x1], $0x8000, s16, s15, $0x38;
	[tilespmem:$0x19000] =	vst v63  }
0x98: {  	s22 =	simm.s32 $0x0;
	s23 =	simm.s32 $0x0  }
.LBB2_4:
0x99: {  	s24 =	sand.u32 $0x1F0, s23  }
0x9a: {  	v0 =	vld [tilespmem:s24+$0x8200];
	_ =	sdelay $0x4  }
0x9b: {  	v1 =	vshll.u32 v0, $0x3  }
0x9c: {  	v0 =	vand.u32 $0x7F, v0;
	v1 =	vand.u32 $0xFFFFFC00, v1  }
0x9d: {  	v0 =	vor.u32 v0, v1  }
0x9e: {  	v1 =	vor.u32 $0x80, v0  }
0x9f: {  	v2 =	vor.u32 $0x100, v0  }
0xa0: {  	v3 =	vor.u32 $0x180, v0  }
0xa1: {  	v4 =	vor.u32 $0x200, v0  }
0xa2: {  	v6 =	vor.u32 $0x280, v0;
	v5 =	vld.idx.msk [tilespmem:v0+s3+$0x0], $0xffff  }
0xa3: {  	v7 =	vor.u32 $0x300, v0;
	v1 =	vld.idx.msk [tilespmem:v1+s3+$0x0], $0xffff  }
0xa4: {  	v8 =	vor.u32 $0x380, v0;
	v2 =	vld.idx.msk [tilespmem:v2+s3+$0x0], $0xffff  }
0xa5: {  	v3 =	vld.idx.msk [tilespmem:v3+s3+$0x0], $0xffff  }
0xa6: {  	v4 =	vld.idx.msk [tilespmem:v4+s3+$0x0], $0xffff  }
0xa7: {  	s30 =	sand.u32 $0x70, s23;
	s25 =	sand.u32 $0xC00, s22;
	v6 =	vld.idx.msk [tilespmem:v6+s3+$0x0], $0xffff  }
0xa8: {  	s24 =	sor.u32 s30, s25;
	v7 =	vld.idx.msk [tilespmem:v7+s3+$0x0], $0xffff  }
0xa9: {  	v8 =	vld.idx.msk [tilespmem:v8+s3+$0x0], $0xffff;
	[tilespmem:s24+$0x11000] =	vst v5  }
0xaa: {  	[tilespmem:s24+$0x11080] =	vst v1  }
0xab: {  	[tilespmem:s24+$0x11100] =	vst v2  }
0xac: {  	v9 =	vadd.s32 $0x1000, v0;
	[tilespmem:s24+$0x11180] =	vst v3  }
0xad: {  	v10 =	vadd.s32 $0x1080, v0;
	[tilespmem:s24+$0x11200] =	vst v4  }
0xae: {  	s31 =	sor.u32 s22, s23;
	v11 =	vadd.s32 $0x1100, v0;
	[tilespmem:s24+$0x11280] =	vst v6  }
0xaf: {  	s25 =	sor.u32 $0x380, s31;
	v12 =	vadd.s32 $0x1180, v0;
	[tilespmem:s24+$0x11300] =	vst v7  }
0xb0: {  	v13 =	vadd.s32 $0x1200, v0;
	[tilespmem:s25+$0x11000] =	vst v8  }
0xb1: {  	v14 =	vadd.s32 $0x1280, v0;
	v1 =	vld.idx.msk [tilespmem:v9+s3+$0x0], $0xffff  }
0xb2: {  	v15 =	vadd.s32 $0x1300, v0;
	v2 =	vld.idx.msk [tilespmem:v10+s3+$0x0], $0xffff  }
0xb3: {  	v16 =	vadd.s32 $0x1380, v0;
	v3 =	vld.idx.msk [tilespmem:v11+s3+$0x0], $0xffff  }
0xb4: {  	v4 =	vld.idx.msk [tilespmem:v12+s3+$0x0], $0xffff  }
0xb5: {  	v5 =	vld.idx.msk [tilespmem:v13+s3+$0x0], $0xffff  }
0xb6: {  	v6 =	vld.idx.msk [tilespmem:v14+s3+$0x0], $0xffff  }
0xb7: {  	v7 =	vld.idx.msk [tilespmem:v15+s3+$0x0], $0xffff  }
0xb8: {  	v8 =	vld.idx.msk [tilespmem:v16+s3+$0x0], $0xffff;
	[tilespmem:s24+$0x12000] =	vst v1  }
0xb9: {  	[tilespmem:s24+$0x12080] =	vst v2  }
0xba: {  	[tilespmem:s24+$0x12100] =	vst v3  }
0xbb: {  	v17 =	vadd.s32 $0x2000, v0;
	[tilespmem:s24+$0x12180] =	vst v4  }
0xbc: {  	v18 =	vadd.s32 $0x2080, v0;
	[tilespmem:s24+$0x12200] =	vst v5  }
0xbd: {  	v19 =	vadd.s32 $0x2100, v0;
	[tilespmem:s24+$0x12280] =	vst v6  }
0xbe: {  	v20 =	vadd.s32 $0x2180, v0;
	[tilespmem:s24+$0x12300] =	vst v7  }
0xbf: {  	v21 =	vadd.s32 $0x2200, v0;
	[tilespmem:s24+$0x12380] =	vst v8  }
0xc0: {  	v22 =	vadd.s32 $0x2280, v0;
	v1 =	vld.idx.msk [tilespmem:v17+s3+$0x0], $0xffff  }
0xc1: {  	v23 =	vadd.s32 $0x2300, v0;
	v2 =	vld.idx.msk [tilespmem:v18+s3+$0x0], $0xffff  }
0xc2: {  	v24 =	vadd.s32 $0x2380, v0;
	v3 =	vld.idx.msk [tilespmem:v19+s3+$0x0], $0xffff  }
0xc3: {  	v4 =	vld.idx.msk [tilespmem:v20+s3+$0x0], $0xffff  }
0xc4: {  	v5 =	vld.idx.msk [tilespmem:v21+s3+$0x0], $0xffff  }
0xc5: {  	v6 =	vld.idx.msk [tilespmem:v22+s3+$0x0], $0xffff  }
0xc6: {  	v7 =	vld.idx.msk [tilespmem:v23+s3+$0x0], $0xffff  }
0xc7: {  	v8 =	vld.idx.msk [tilespmem:v24+s3+$0x0], $0xffff;
	[tilespmem:s24+$0x13000] =	vst v1  }
0xc8: {  	[tilespmem:s24+$0x13080] =	vst v2  }
0xc9: {  	[tilespmem:s24+$0x13100] =	vst v3  }
0xca: {  	v25 =	vadd.s32 $0x3000, v0;
	[tilespmem:s24+$0x13180] =	vst v4  }
0xcb: {  	v26 =	vadd.s32 $0x3080, v0;
	[tilespmem:s24+$0x13200] =	vst v5  }
0xcc: {  	v27 =	vadd.s32 $0x3100, v0;
	[tilespmem:s24+$0x13280] =	vst v6  }
0xcd: {  	v28 =	vadd.s32 $0x3180, v0;
	[tilespmem:s24+$0x13300] =	vst v7  }
0xce: {  	v29 =	vadd.s32 $0x3200, v0;
	[tilespmem:s24+$0x13380] =	vst v8  }
0xcf: {  	v30 =	vadd.s32 $0x3280, v0;
	v1 =	vld.idx.msk [tilespmem:v25+s3+$0x0], $0xffff  }
0xd0: {  	v31 =	vadd.s32 $0x3300, v0;
	v2 =	vld.idx.msk [tilespmem:v26+s3+$0x0], $0xffff  }
0xd1: {  	v32 =	vadd.s32 $0x3380, v0;
	v3 =	vld.idx.msk [tilespmem:v27+s3+$0x0], $0xffff  }
0xd2: {  	v4 =	vld.idx.msk [tilespmem:v28+s3+$0x0], $0xffff  }
0xd3: {  	v5 =	vld.idx.msk [tilespmem:v29+s3+$0x0], $0xffff  }
0xd4: {  	v6 =	vld.idx.msk [tilespmem:v30+s3+$0x0], $0xffff  }
0xd5: {  	v7 =	vld.idx.msk [tilespmem:v31+s3+$0x0], $0xffff  }
0xd6: {  	v8 =	vld.idx.msk [tilespmem:v32+s3+$0x0], $0xffff;
	[tilespmem:s24+$0x14000] =	vst v1  }
0xd7: {  	[tilespmem:s24+$0x14080] =	vst v2  }
0xd8: {  	[tilespmem:s24+$0x14100] =	vst v3  }
0xd9: {  	v33 =	vadd.s32 $0x4000, v0;
	[tilespmem:s24+$0x14180] =	vst v4  }
0xda: {  	v34 =	vadd.s32 $0x4080, v0;
	[tilespmem:s24+$0x14200] =	vst v5  }
0xdb: {  	v35 =	vadd.s32 $0x4100, v0;
	[tilespmem:s24+$0x14280] =	vst v6  }
0xdc: {  	v36 =	vadd.s32 $0x4180, v0;
	[tilespmem:s24+$0x14300] =	vst v7  }
0xdd: {  	v37 =	vadd.s32 $0x4200, v0;
	[tilespmem:s24+$0x14380] =	vst v8  }
0xde: {  	v38 =	vadd.s32 $0x4280, v0;
	v1 =	vld.idx.msk [tilespmem:v33+s3+$0x0], $0xffff  }
0xdf: {  	v39 =	vadd.s32 $0x4300, v0;
	v2 =	vld.idx.msk [tilespmem:v34+s3+$0x0], $0xffff  }
0xe0: {  	v40 =	vadd.s32 $0x4380, v0;
	v3 =	vld.idx.msk [tilespmem:v35+s3+$0x0], $0xffff  }
0xe1: {  	v4 =	vld.idx.msk [tilespmem:v36+s3+$0x0], $0xffff  }
0xe2: {  	v5 =	vld.idx.msk [tilespmem:v37+s3+$0x0], $0xffff  }
0xe3: {  	v6 =	vld.idx.msk [tilespmem:v38+s3+$0x0], $0xffff  }
0xe4: {  	v7 =	vld.idx.msk [tilespmem:v39+s3+$0x0], $0xffff  }
0xe5: {  	v8 =	vld.idx.msk [tilespmem:v40+s3+$0x0], $0xffff;
	[tilespmem:s24+$0x15000] =	vst v1  }
0xe6: {  	[tilespmem:s24+$0x15080] =	vst v2  }
0xe7: {  	[tilespmem:s24+$0x15100] =	vst v3  }
0xe8: {  	v41 =	vadd.s32 $0x5000, v0;
	[tilespmem:s24+$0x15180] =	vst v4  }
0xe9: {  	v42 =	vadd.s32 $0x5080, v0;
	[tilespmem:s24+$0x15200] =	vst v5  }
0xea: {  	v43 =	vadd.s32 $0x5100, v0;
	[tilespmem:s24+$0x15280] =	vst v6  }
0xeb: {  	v44 =	vadd.s32 $0x5180, v0;
	[tilespmem:s24+$0x15300] =	vst v7  }
0xec: {  	v45 =	vadd.s32 $0x5200, v0;
	[tilespmem:s24+$0x15380] =	vst v8  }
0xed: {  	v46 =	vadd.s32 $0x5280, v0;
	v1 =	vld.idx.msk [tilespmem:v41+s3+$0x0], $0xffff  }
0xee: {  	v47 =	vadd.s32 $0x5300, v0;
	v2 =	vld.idx.msk [tilespmem:v42+s3+$0x0], $0xffff  }
0xef: {  	v48 =	vadd.s32 $0x5380, v0;
	v3 =	vld.idx.msk [tilespmem:v43+s3+$0x0], $0xffff  }
0xf0: {  	v4 =	vld.idx.msk [tilespmem:v44+s3+$0x0], $0xffff  }
0xf1: {  	v5 =	vld.idx.msk [tilespmem:v45+s3+$0x0], $0xffff  }
0xf2: {  	v6 =	vld.idx.msk [tilespmem:v46+s3+$0x0], $0xffff  }
0xf3: {  	v7 =	vld.idx.msk [tilespmem:v47+s3+$0x0], $0xffff  }
0xf4: {  	v8 =	vld.idx.msk [tilespmem:v48+s3+$0x0], $0xffff;
	[tilespmem:s24+$0x16000] =	vst v1  }
0xf5: {  	[tilespmem:s24+$0x16080] =	vst v2  }
0xf6: {  	[tilespmem:s24+$0x16100] =	vst v3  }
0xf7: {  	v49 =	vadd.s32 $0x6000, v0;
	[tilespmem:s24+$0x16180] =	vst v4  }
0xf8: {  	v50 =	vadd.s32 $0x6080, v0;
	[tilespmem:s24+$0x16200] =	vst v5  }
0xf9: {  	v51 =	vadd.s32 $0x6100, v0;
	[tilespmem:s24+$0x16280] =	vst v6  }
0xfa: {  	v52 =	vadd.s32 $0x6180, v0;
	[tilespmem:s24+$0x16300] =	vst v7  }
0xfb: {  	v53 =	vadd.s32 $0x6200, v0;
	[tilespmem:s24+$0x16380] =	vst v8  }
0xfc: {  	v54 =	vadd.s32 $0x6280, v0;
	v1 =	vld.idx.msk [tilespmem:v49+s3+$0x0], $0xffff  }
0xfd: {  	v55 =	vadd.s32 $0x6300, v0;
	v2 =	vld.idx.msk [tilespmem:v50+s3+$0x0], $0xffff  }
0xfe: {  	v56 =	vadd.s32 $0x6380, v0;
	v3 =	vld.idx.msk [tilespmem:v51+s3+$0x0], $0xffff  }
0xff: {  	v4 =	vld.idx.msk [tilespmem:v52+s3+$0x0], $0xffff  }
0x100: {  	v5 =	vld.idx.msk [tilespmem:v53+s3+$0x0], $0xffff  }
0x101: {  	v6 =	vld.idx.msk [tilespmem:v54+s3+$0x0], $0xffff  }
0x102: {  	v7 =	vld.idx.msk [tilespmem:v55+s3+$0x0], $0xffff  }
0x103: {  	v8 =	vld.idx.msk [tilespmem:v56+s3+$0x0], $0xffff;
	[tilespmem:s24+$0x17000] =	vst v1  }
0x104: {  	[tilespmem:s24+$0x17080] =	vst v2  }
0x105: {  	[tilespmem:s24+$0x17100] =	vst v3  }
0x106: {  	v57 =	vadd.s32 $0x7000, v0;
	[tilespmem:s24+$0x17180] =	vst v4  }
0x107: {  	v58 =	vadd.s32 $0x7080, v0;
	[tilespmem:s24+$0x17200] =	vst v5  }
0x108: {  	v59 =	vadd.s32 $0x7100, v0;
	[tilespmem:s24+$0x17280] =	vst v6  }
0x109: {  	v60 =	vadd.s32 $0x7180, v0;
	[tilespmem:s24+$0x17300] =	vst v7  }
0x10a: {  	v61 =	vadd.s32 $0x7200, v0;
	[tilespmem:s24+$0x17380] =	vst v8  }
0x10b: {  	v62 =	vadd.s32 $0x7280, v0;
	v1 =	vld.idx.msk [tilespmem:v57+s3+$0x0], $0xffff  }
0x10c: {  	v63 =	vadd.s32 $0x7300, v0;
	v2 =	vld.idx.msk [tilespmem:v58+s3+$0x0], $0xffff  }
0x10d: {  	v0 =	vadd.s32 $0x7380, v0;
	v3 =	vld.idx.msk [tilespmem:v59+s3+$0x0], $0xffff  }
0x10e: {  	v4 =	vld.idx.msk [tilespmem:v60+s3+$0x0], $0xffff  }
0x10f: {  	v5 =	vld.idx.msk [tilespmem:v61+s3+$0x0], $0xffff  }
0x110: {  	v6 =	vld.idx.msk [tilespmem:v62+s3+$0x0], $0xffff  }
0x111: {  	v7 =	vld.idx.msk [tilespmem:v63+s3+$0x0], $0xffff  }
0x112: {  	v0 =	vld.idx.msk [tilespmem:v0+s3+$0x0], $0xffff;
	[tilespmem:s24+$0x18000] =	vst v1  }
0x113: {  	[tilespmem:s24+$0x18080] =	vst v2  }
0x114: {  	p0 =	sne.s32 s23, $0x1F0;
	[tilespmem:s24+$0x18100] =	vst v3  }
.Ltmp1:
0x115: {  	[tilespmem:s24+$0x18180] =	vst v4;
	(pc) =	sbr.rel @p0 .LBB2_4-.Ltmp1, $4  }
0x116: {  	[tilespmem:s24+$0x18200] =	vst v5  }
0x117: {  	[tilespmem:s24+$0x18280] =	vst v6  }
0x118: {  	[tilespmem:s24+$0x18300] =	vst v7  }
0x119: {  	s22 =	sadd.s32 $0x80, s22;
	s23 =	sadd.s32 $0x10, s23;
	[tilespmem:s24+$0x18380] =	vst v0  }
0x11a: {  	[hbm4b:s6+s15] =	stream.strided.scatter [tilespmem:s18], [sflag:$0x2], $0x8000, s16, s15, $0x38;
	[tilespmem:$0x19000] =	vst v63  }
0x11b: {  	_ =	swait.ge [sflag:s19], $0x8000  }
0x11c: {  	[sflag:s19] =	ssyncset.done $0x0  }
0x11d: {  	s22 =	simm.s32 $0x0;
	s23 =	simm.s32 $0x0;
	[sflag:s19] =	ssyncadd.s32 $0xFFFF8000  }
.LBB2_6:
0x11e: {  	s24 =	sand.u32 $0x1F0, s23  }
0x11f: {  	v0 =	vld [tilespmem:s24+$0x8400];
	_ =	sdelay $0x4  }
0x120: {  	v1 =	vshll.u32 v0, $0x3  }
0x121: {  	v0 =	vand.u32 $0x7F, v0;
	v1 =	vand.u32 $0xFFFFFC00, v1  }
0x122: {  	v0 =	vor.u32 v0, v1  }
0x123: {  	v1 =	vor.u32 $0x80, v0  }
0x124: {  	v2 =	vor.u32 $0x100, v0  }
0x125: {  	v3 =	vor.u32 $0x180, v0  }
0x126: {  	v4 =	vor.u32 $0x200, v0  }
0x127: {  	v6 =	vor.u32 $0x280, v0;
	v5 =	vld.idx.msk [tilespmem:v0+s3+$0x0], $0xffff  }
0x128: {  	v7 =	vor.u32 $0x300, v0;
	v1 =	vld.idx.msk [tilespmem:v1+s3+$0x0], $0xffff  }
0x129: {  	v8 =	vor.u32 $0x380, v0;
	v2 =	vld.idx.msk [tilespmem:v2+s3+$0x0], $0xffff  }
0x12a: {  	v3 =	vld.idx.msk [tilespmem:v3+s3+$0x0], $0xffff  }
0x12b: {  	v4 =	vld.idx.msk [tilespmem:v4+s3+$0x0], $0xffff  }
0x12c: {  	s30 =	sand.u32 $0x70, s23;
	s25 =	sand.u32 $0xC00, s22;
	v6 =	vld.idx.msk [tilespmem:v6+s3+$0x0], $0xffff  }
0x12d: {  	s24 =	sor.u32 s30, s25;
	v7 =	vld.idx.msk [tilespmem:v7+s3+$0x0], $0xffff  }
0x12e: {  	v8 =	vld.idx.msk [tilespmem:v8+s3+$0x0], $0xffff;
	[tilespmem:s24+$0x9000] =	vst v5  }
0x12f: {  	[tilespmem:s24+$0x9080] =	vst v1  }
0x130: {  	[tilespmem:s24+$0x9100] =	vst v2  }
0x131: {  	v9 =	vadd.s32 $0x1000, v0;
	[tilespmem:s24+$0x9180] =	vst v3  }
0x132: {  	v10 =	vadd.s32 $0x1080, v0;
	[tilespmem:s24+$0x9200] =	vst v4  }
0x133: {  	s31 =	sor.u32 s22, s23;
	v11 =	vadd.s32 $0x1100, v0;
	[tilespmem:s24+$0x9280] =	vst v6  }
0x134: {  	s25 =	sor.u32 $0x380, s31;
	v12 =	vadd.s32 $0x1180, v0;
	[tilespmem:s24+$0x9300] =	vst v7  }
0x135: {  	v13 =	vadd.s32 $0x1200, v0;
	[tilespmem:s25+$0x9000] =	vst v8  }
0x136: {  	v14 =	vadd.s32 $0x1280, v0;
	v1 =	vld.idx.msk [tilespmem:v9+s3+$0x0], $0xffff  }
0x137: {  	v15 =	vadd.s32 $0x1300, v0;
	v2 =	vld.idx.msk [tilespmem:v10+s3+$0x0], $0xffff  }
0x138: {  	v16 =	vadd.s32 $0x1380, v0;
	v3 =	vld.idx.msk [tilespmem:v11+s3+$0x0], $0xffff  }
0x139: {  	v4 =	vld.idx.msk [tilespmem:v12+s3+$0x0], $0xffff  }
0x13a: {  	v5 =	vld.idx.msk [tilespmem:v13+s3+$0x0], $0xffff  }
0x13b: {  	v6 =	vld.idx.msk [tilespmem:v14+s3+$0x0], $0xffff  }
0x13c: {  	v7 =	vld.idx.msk [tilespmem:v15+s3+$0x0], $0xffff  }
0x13d: {  	v8 =	vld.idx.msk [tilespmem:v16+s3+$0x0], $0xffff;
	[tilespmem:s24+$0xA000] =	vst v1  }
0x13e: {  	[tilespmem:s24+$0xA080] =	vst v2  }
0x13f: {  	[tilespmem:s24+$0xA100] =	vst v3  }
0x140: {  	v17 =	vadd.s32 $0x2000, v0;
	[tilespmem:s24+$0xA180] =	vst v4  }
0x141: {  	v18 =	vadd.s32 $0x2080, v0;
	[tilespmem:s24+$0xA200] =	vst v5  }
0x142: {  	v19 =	vadd.s32 $0x2100, v0;
	[tilespmem:s24+$0xA280] =	vst v6  }
0x143: {  	v20 =	vadd.s32 $0x2180, v0;
	[tilespmem:s24+$0xA300] =	vst v7  }
0x144: {  	v21 =	vadd.s32 $0x2200, v0;
	[tilespmem:s24+$0xA380] =	vst v8  }
0x145: {  	v22 =	vadd.s32 $0x2280, v0;
	v1 =	vld.idx.msk [tilespmem:v17+s3+$0x0], $0xffff  }
0x146: {  	v23 =	vadd.s32 $0x2300, v0;
	v2 =	vld.idx.msk [tilespmem:v18+s3+$0x0], $0xffff  }
0x147: {  	v24 =	vadd.s32 $0x2380, v0;
	v3 =	vld.idx.msk [tilespmem:v19+s3+$0x0], $0xffff  }
0x148: {  	v4 =	vld.idx.msk [tilespmem:v20+s3+$0x0], $0xffff  }
0x149: {  	v5 =	vld.idx.msk [tilespmem:v21+s3+$0x0], $0xffff  }
0x14a: {  	v6 =	vld.idx.msk [tilespmem:v22+s3+$0x0], $0xffff  }
0x14b: {  	v7 =	vld.idx.msk [tilespmem:v23+s3+$0x0], $0xffff  }
0x14c: {  	v8 =	vld.idx.msk [tilespmem:v24+s3+$0x0], $0xffff;
	[tilespmem:s24+$0xB000] =	vst v1  }
0x14d: {  	[tilespmem:s24+$0xB080] =	vst v2  }
0x14e: {  	[tilespmem:s24+$0xB100] =	vst v3  }
0x14f: {  	v25 =	vadd.s32 $0x3000, v0;
	[tilespmem:s24+$0xB180] =	vst v4  }
0x150: {  	v26 =	vadd.s32 $0x3080, v0;
	[tilespmem:s24+$0xB200] =	vst v5  }
0x151: {  	v27 =	vadd.s32 $0x3100, v0;
	[tilespmem:s24+$0xB280] =	vst v6  }
0x152: {  	v28 =	vadd.s32 $0x3180, v0;
	[tilespmem:s24+$0xB300] =	vst v7  }
0x153: {  	v29 =	vadd.s32 $0x3200, v0;
	[tilespmem:s24+$0xB380] =	vst v8  }
0x154: {  	v30 =	vadd.s32 $0x3280, v0;
	v1 =	vld.idx.msk [tilespmem:v25+s3+$0x0], $0xffff  }
0x155: {  	v31 =	vadd.s32 $0x3300, v0;
	v2 =	vld.idx.msk [tilespmem:v26+s3+$0x0], $0xffff  }
0x156: {  	v32 =	vadd.s32 $0x3380, v0;
	v3 =	vld.idx.msk [tilespmem:v27+s3+$0x0], $0xffff  }
0x157: {  	v4 =	vld.idx.msk [tilespmem:v28+s3+$0x0], $0xffff  }
0x158: {  	v5 =	vld.idx.msk [tilespmem:v29+s3+$0x0], $0xffff  }
0x159: {  	v6 =	vld.idx.msk [tilespmem:v30+s3+$0x0], $0xffff  }
0x15a: {  	v7 =	vld.idx.msk [tilespmem:v31+s3+$0x0], $0xffff  }
0x15b: {  	v8 =	vld.idx.msk [tilespmem:v32+s3+$0x0], $0xffff;
	[tilespmem:s24+$0xC000] =	vst v1  }
0x15c: {  	[tilespmem:s24+$0xC080] =	vst v2  }
0x15d: {  	[tilespmem:s24+$0xC100] =	vst v3  }
0x15e: {  	v33 =	vadd.s32 $0x4000, v0;
	[tilespmem:s24+$0xC180] =	vst v4  }
0x15f: {  	v34 =	vadd.s32 $0x4080, v0;
	[tilespmem:s24+$0xC200] =	vst v5  }
0x160: {  	v35 =	vadd.s32 $0x4100, v0;
	[tilespmem:s24+$0xC280] =	vst v6  }
0x161: {  	v36 =	vadd.s32 $0x4180, v0;
	[tilespmem:s24+$0xC300] =	vst v7  }
0x162: {  	v37 =	vadd.s32 $0x4200, v0;
	[tilespmem:s24+$0xC380] =	vst v8  }
0x163: {  	v38 =	vadd.s32 $0x4280, v0;
	v1 =	vld.idx.msk [tilespmem:v33+s3+$0x0], $0xffff  }
0x164: {  	v39 =	vadd.s32 $0x4300, v0;
	v2 =	vld.idx.msk [tilespmem:v34+s3+$0x0], $0xffff  }
0x165: {  	v40 =	vadd.s32 $0x4380, v0;
	v3 =	vld.idx.msk [tilespmem:v35+s3+$0x0], $0xffff  }
0x166: {  	v4 =	vld.idx.msk [tilespmem:v36+s3+$0x0], $0xffff  }
0x167: {  	v5 =	vld.idx.msk [tilespmem:v37+s3+$0x0], $0xffff  }
0x168: {  	v6 =	vld.idx.msk [tilespmem:v38+s3+$0x0], $0xffff  }
0x169: {  	v7 =	vld.idx.msk [tilespmem:v39+s3+$0x0], $0xffff  }
0x16a: {  	v8 =	vld.idx.msk [tilespmem:v40+s3+$0x0], $0xffff;
	[tilespmem:s24+$0xD000] =	vst v1  }
0x16b: {  	[tilespmem:s24+$0xD080] =	vst v2  }
0x16c: {  	[tilespmem:s24+$0xD100] =	vst v3  }
0x16d: {  	v41 =	vadd.s32 $0x5000, v0;
	[tilespmem:s24+$0xD180] =	vst v4  }
0x16e: {  	v42 =	vadd.s32 $0x5080, v0;
	[tilespmem:s24+$0xD200] =	vst v5  }
0x16f: {  	v43 =	vadd.s32 $0x5100, v0;
	[tilespmem:s24+$0xD280] =	vst v6  }
0x170: {  	v44 =	vadd.s32 $0x5180, v0;
	[tilespmem:s24+$0xD300] =	vst v7  }
0x171: {  	v45 =	vadd.s32 $0x5200, v0;
	[tilespmem:s24+$0xD380] =	vst v8  }
0x172: {  	v46 =	vadd.s32 $0x5280, v0;
	v1 =	vld.idx.msk [tilespmem:v41+s3+$0x0], $0xffff  }
0x173: {  	v47 =	vadd.s32 $0x5300, v0;
	v2 =	vld.idx.msk [tilespmem:v42+s3+$0x0], $0xffff  }
0x174: {  	v48 =	vadd.s32 $0x5380, v0;
	v3 =	vld.idx.msk [tilespmem:v43+s3+$0x0], $0xffff  }
0x175: {  	v4 =	vld.idx.msk [tilespmem:v44+s3+$0x0], $0xffff  }
0x176: {  	v5 =	vld.idx.msk [tilespmem:v45+s3+$0x0], $0xffff  }
0x177: {  	v6 =	vld.idx.msk [tilespmem:v46+s3+$0x0], $0xffff  }
0x178: {  	v7 =	vld.idx.msk [tilespmem:v47+s3+$0x0], $0xffff  }
0x179: {  	v8 =	vld.idx.msk [tilespmem:v48+s3+$0x0], $0xffff;
	[tilespmem:s24+$0xE000] =	vst v1  }
0x17a: {  	[tilespmem:s24+$0xE080] =	vst v2  }
0x17b: {  	[tilespmem:s24+$0xE100] =	vst v3  }
0x17c: {  	v49 =	vadd.s32 $0x6000, v0;
	[tilespmem:s24+$0xE180] =	vst v4  }
0x17d: {  	v50 =	vadd.s32 $0x6080, v0;
	[tilespmem:s24+$0xE200] =	vst v5  }
0x17e: {  	v51 =	vadd.s32 $0x6100, v0;
	[tilespmem:s24+$0xE280] =	vst v6  }
0x17f: {  	v52 =	vadd.s32 $0x6180, v0;
	[tilespmem:s24+$0xE300] =	vst v7  }
0x180: {  	v53 =	vadd.s32 $0x6200, v0;
	[tilespmem:s24+$0xE380] =	vst v8  }
0x181: {  	v54 =	vadd.s32 $0x6280, v0;
	v1 =	vld.idx.msk [tilespmem:v49+s3+$0x0], $0xffff  }
0x182: {  	v55 =	vadd.s32 $0x6300, v0;
	v2 =	vld.idx.msk [tilespmem:v50+s3+$0x0], $0xffff  }
0x183: {  	v56 =	vadd.s32 $0x6380, v0;
	v3 =	vld.idx.msk [tilespmem:v51+s3+$0x0], $0xffff  }
0x184: {  	v4 =	vld.idx.msk [tilespmem:v52+s3+$0x0], $0xffff  }
0x185: {  	v5 =	vld.idx.msk [tilespmem:v53+s3+$0x0], $0xffff  }
0x186: {  	v6 =	vld.idx.msk [tilespmem:v54+s3+$0x0], $0xffff  }
0x187: {  	v7 =	vld.idx.msk [tilespmem:v55+s3+$0x0], $0xffff  }
0x188: {  	v8 =	vld.idx.msk [tilespmem:v56+s3+$0x0], $0xffff;
	[tilespmem:s24+$0xF000] =	vst v1  }
0x189: {  	[tilespmem:s24+$0xF080] =	vst v2  }
0x18a: {  	[tilespmem:s24+$0xF100] =	vst v3  }
0x18b: {  	v57 =	vadd.s32 $0x7000, v0;
	[tilespmem:s24+$0xF180] =	vst v4  }
0x18c: {  	v58 =	vadd.s32 $0x7080, v0;
	[tilespmem:s24+$0xF200] =	vst v5  }
0x18d: {  	v59 =	vadd.s32 $0x7100, v0;
	[tilespmem:s24+$0xF280] =	vst v6  }
0x18e: {  	v60 =	vadd.s32 $0x7180, v0;
	[tilespmem:s24+$0xF300] =	vst v7  }
0x18f: {  	v61 =	vadd.s32 $0x7200, v0;
	[tilespmem:s24+$0xF380] =	vst v8  }
0x190: {  	v62 =	vadd.s32 $0x7280, v0;
	v1 =	vld.idx.msk [tilespmem:v57+s3+$0x0], $0xffff  }
0x191: {  	v63 =	vadd.s32 $0x7300, v0;
	v2 =	vld.idx.msk [tilespmem:v58+s3+$0x0], $0xffff  }
0x192: {  	v0 =	vadd.s32 $0x7380, v0;
	v3 =	vld.idx.msk [tilespmem:v59+s3+$0x0], $0xffff  }
0x193: {  	v4 =	vld.idx.msk [tilespmem:v60+s3+$0x0], $0xffff  }
0x194: {  	v5 =	vld.idx.msk [tilespmem:v61+s3+$0x0], $0xffff  }
0x195: {  	v6 =	vld.idx.msk [tilespmem:v62+s3+$0x0], $0xffff  }
0x196: {  	v7 =	vld.idx.msk [tilespmem:v63+s3+$0x0], $0xffff  }
0x197: {  	v0 =	vld.idx.msk [tilespmem:v0+s3+$0x0], $0xffff;
	[tilespmem:s24+$0x10000] =	vst v1  }
0x198: {  	[tilespmem:s24+$0x10080] =	vst v2  }
0x199: {  	p0 =	sne.s32 s23, $0x1F0;
	[tilespmem:s24+$0x10100] =	vst v3  }
.Ltmp2:
0x19a: {  	[tilespmem:s24+$0x10180] =	vst v4;
	(pc) =	sbr.rel @p0 .LBB2_6-.Ltmp2, $4  }
0x19b: {  	[tilespmem:s24+$0x10200] =	vst v5  }
0x19c: {  	[tilespmem:s24+$0x10280] =	vst v6  }
0x19d: {  	[tilespmem:s24+$0x10300] =	vst v7  }
0x19e: {  	s22 =	sadd.s32 $0x80, s22;
	s23 =	sadd.s32 $0x10, s23;
	[tilespmem:s24+$0x10380] =	vst v0  }
0x19f: {  	[hbm4b:s7+s15] =	stream.strided.scatter [tilespmem:s17], [sflag:$0x1], $0x8000, s16, s15, $0x38;
	[tilespmem:$0x19000] =	vst v63  }
0x1a0: {  	_ =	swait.ge [sflag:s20], $0x8000  }
0x1a1: {  	[sflag:s20] =	ssyncset.done $0x0  }
0x1a2: {  	s22 =	simm.s32 $0x0;
	s23 =	simm.s32 $0x0;
	[sflag:s20] =	ssyncadd.s32 $0xFFFF8000  }
.LBB2_8:
0x1a3: {  	s24 =	sand.u32 $0x1F0, s23  }
0x1a4: {  	v0 =	vld [tilespmem:s24+$0x8600];
	_ =	sdelay $0x4  }
0x1a5: {  	v1 =	vshll.u32 v0, $0x3  }
0x1a6: {  	v0 =	vand.u32 $0x7F, v0;
	v1 =	vand.u32 $0xFFFFFC00, v1  }
0x1a7: {  	v0 =	vor.u32 v0, v1  }
0x1a8: {  	v1 =	vor.u32 $0x80, v0  }
0x1a9: {  	v2 =	vor.u32 $0x100, v0  }
0x1aa: {  	v3 =	vor.u32 $0x180, v0  }
0x1ab: {  	v4 =	vor.u32 $0x200, v0  }
0x1ac: {  	v6 =	vor.u32 $0x280, v0;
	v5 =	vld.idx.msk [tilespmem:v0+s3+$0x0], $0xffff  }
0x1ad: {  	v7 =	vor.u32 $0x300, v0;
	v1 =	vld.idx.msk [tilespmem:v1+s3+$0x0], $0xffff  }
0x1ae: {  	v8 =	vor.u32 $0x380, v0;
	v2 =	vld.idx.msk [tilespmem:v2+s3+$0x0], $0xffff  }
0x1af: {  	v3 =	vld.idx.msk [tilespmem:v3+s3+$0x0], $0xffff  }
0x1b0: {  	v4 =	vld.idx.msk [tilespmem:v4+s3+$0x0], $0xffff  }
0x1b1: {  	s30 =	sand.u32 $0x70, s23;
	s25 =	sand.u32 $0xC00, s22;
	v6 =	vld.idx.msk [tilespmem:v6+s3+$0x0], $0xffff  }
0x1b2: {  	s24 =	sor.u32 s30, s25;
	v7 =	vld.idx.msk [tilespmem:v7+s3+$0x0], $0xffff  }
0x1b3: {  	v8 =	vld.idx.msk [tilespmem:v8+s3+$0x0], $0xffff;
	[tilespmem:s24+$0x11000] =	vst v5  }
0x1b4: {  	[tilespmem:s24+$0x11080] =	vst v1  }
0x1b5: {  	[tilespmem:s24+$0x11100] =	vst v2  }
0x1b6: {  	v9 =	vadd.s32 $0x1000, v0;
	[tilespmem:s24+$0x11180] =	vst v3  }
0x1b7: {  	v10 =	vadd.s32 $0x1080, v0;
	[tilespmem:s24+$0x11200] =	vst v4  }
0x1b8: {  	s31 =	sor.u32 s22, s23;
	v11 =	vadd.s32 $0x1100, v0;
	[tilespmem:s24+$0x11280] =	vst v6  }
0x1b9: {  	s25 =	sor.u32 $0x380, s31;
	v12 =	vadd.s32 $0x1180, v0;
	[tilespmem:s24+$0x11300] =	vst v7  }
0x1ba: {  	v13 =	vadd.s32 $0x1200, v0;
	[tilespmem:s25+$0x11000] =	vst v8  }
0x1bb: {  	v14 =	vadd.s32 $0x1280, v0;
	v1 =	vld.idx.msk [tilespmem:v9+s3+$0x0], $0xffff  }
0x1bc: {  	v15 =	vadd.s32 $0x1300, v0;
	v2 =	vld.idx.msk [tilespmem:v10+s3+$0x0], $0xffff  }
0x1bd: {  	v16 =	vadd.s32 $0x1380, v0;
	v3 =	vld.idx.msk [tilespmem:v11+s3+$0x0], $0xffff  }
0x1be: {  	v4 =	vld.idx.msk [tilespmem:v12+s3+$0x0], $0xffff  }
0x1bf: {  	v5 =	vld.idx.msk [tilespmem:v13+s3+$0x0], $0xffff  }
0x1c0: {  	v6 =	vld.idx.msk [tilespmem:v14+s3+$0x0], $0xffff  }
0x1c1: {  	v7 =	vld.idx.msk [tilespmem:v15+s3+$0x0], $0xffff  }
0x1c2: {  	v8 =	vld.idx.msk [tilespmem:v16+s3+$0x0], $0xffff;
	[tilespmem:s24+$0x12000] =	vst v1  }
0x1c3: {  	[tilespmem:s24+$0x12080] =	vst v2  }
0x1c4: {  	[tilespmem:s24+$0x12100] =	vst v3  }
0x1c5: {  	v17 =	vadd.s32 $0x2000, v0;
	[tilespmem:s24+$0x12180] =	vst v4  }
0x1c6: {  	v18 =	vadd.s32 $0x2080, v0;
	[tilespmem:s24+$0x12200] =	vst v5  }
0x1c7: {  	v19 =	vadd.s32 $0x2100, v0;
	[tilespmem:s24+$0x12280] =	vst v6  }
0x1c8: {  	v20 =	vadd.s32 $0x2180, v0;
	[tilespmem:s24+$0x12300] =	vst v7  }
0x1c9: {  	v21 =	vadd.s32 $0x2200, v0;
	[tilespmem:s24+$0x12380] =	vst v8  }
0x1ca: {  	v22 =	vadd.s32 $0x2280, v0;
	v1 =	vld.idx.msk [tilespmem:v17+s3+$0x0], $0xffff  }
0x1cb: {  	v23 =	vadd.s32 $0x2300, v0;
	v2 =	vld.idx.msk [tilespmem:v18+s3+$0x0], $0xffff  }
0x1cc: {  	v24 =	vadd.s32 $0x2380, v0;
	v3 =	vld.idx.msk [tilespmem:v19+s3+$0x0], $0xffff  }
0x1cd: {  	v4 =	vld.idx.msk [tilespmem:v20+s3+$0x0], $0xffff  }
0x1ce: {  	v5 =	vld.idx.msk [tilespmem:v21+s3+$0x0], $0xffff  }
0x1cf: {  	v6 =	vld.idx.msk [tilespmem:v22+s3+$0x0], $0xffff  }
0x1d0: {  	v7 =	vld.idx.msk [tilespmem:v23+s3+$0x0], $0xffff  }
0x1d1: {  	v8 =	vld.idx.msk [tilespmem:v24+s3+$0x0], $0xffff;
	[tilespmem:s24+$0x13000] =	vst v1  }
0x1d2: {  	[tilespmem:s24+$0x13080] =	vst v2  }
0x1d3: {  	[tilespmem:s24+$0x13100] =	vst v3  }
0x1d4: {  	v25 =	vadd.s32 $0x3000, v0;
	[tilespmem:s24+$0x13180] =	vst v4  }
0x1d5: {  	v26 =	vadd.s32 $0x3080, v0;
	[tilespmem:s24+$0x13200] =	vst v5  }
0x1d6: {  	v27 =	vadd.s32 $0x3100, v0;
	[tilespmem:s24+$0x13280] =	vst v6  }
0x1d7: {  	v28 =	vadd.s32 $0x3180, v0;
	[tilespmem:s24+$0x13300] =	vst v7  }
0x1d8: {  	v29 =	vadd.s32 $0x3200, v0;
	[tilespmem:s24+$0x13380] =	vst v8  }
0x1d9: {  	v30 =	vadd.s32 $0x3280, v0;
	v1 =	vld.idx.msk [tilespmem:v25+s3+$0x0], $0xffff  }
0x1da: {  	v31 =	vadd.s32 $0x3300, v0;
	v2 =	vld.idx.msk [tilespmem:v26+s3+$0x0], $0xffff  }
0x1db: {  	v32 =	vadd.s32 $0x3380, v0;
	v3 =	vld.idx.msk [tilespmem:v27+s3+$0x0], $0xffff  }
0x1dc: {  	v4 =	vld.idx.msk [tilespmem:v28+s3+$0x0], $0xffff  }
0x1dd: {  	v5 =	vld.idx.msk [tilespmem:v29+s3+$0x0], $0xffff  }
0x1de: {  	v6 =	vld.idx.msk [tilespmem:v30+s3+$0x0], $0xffff  }
0x1df: {  	v7 =	vld.idx.msk [tilespmem:v31+s3+$0x0], $0xffff  }
0x1e0: {  	v8 =	vld.idx.msk [tilespmem:v32+s3+$0x0], $0xffff;
	[tilespmem:s24+$0x14000] =	vst v1  }
0x1e1: {  	[tilespmem:s24+$0x14080] =	vst v2  }
0x1e2: {  	[tilespmem:s24+$0x14100] =	vst v3  }
0x1e3: {  	v33 =	vadd.s32 $0x4000, v0;
	[tilespmem:s24+$0x14180] =	vst v4  }
0x1e4: {  	v34 =	vadd.s32 $0x4080, v0;
	[tilespmem:s24+$0x14200] =	vst v5  }
0x1e5: {  	v35 =	vadd.s32 $0x4100, v0;
	[tilespmem:s24+$0x14280] =	vst v6  }
0x1e6: {  	v36 =	vadd.s32 $0x4180, v0;
	[tilespmem:s24+$0x14300] =	vst v7  }
0x1e7: {  	v37 =	vadd.s32 $0x4200, v0;
	[tilespmem:s24+$0x14380] =	vst v8  }
0x1e8: {  	v38 =	vadd.s32 $0x4280, v0;
	v1 =	vld.idx.msk [tilespmem:v33+s3+$0x0], $0xffff  }
0x1e9: {  	v39 =	vadd.s32 $0x4300, v0;
	v2 =	vld.idx.msk [tilespmem:v34+s3+$0x0], $0xffff  }
0x1ea: {  	v40 =	vadd.s32 $0x4380, v0;
	v3 =	vld.idx.msk [tilespmem:v35+s3+$0x0], $0xffff  }
0x1eb: {  	v4 =	vld.idx.msk [tilespmem:v36+s3+$0x0], $0xffff  }
0x1ec: {  	v5 =	vld.idx.msk [tilespmem:v37+s3+$0x0], $0xffff  }
0x1ed: {  	v6 =	vld.idx.msk [tilespmem:v38+s3+$0x0], $0xffff  }
0x1ee: {  	v7 =	vld.idx.msk [tilespmem:v39+s3+$0x0], $0xffff  }
0x1ef: {  	v8 =	vld.idx.msk [tilespmem:v40+s3+$0x0], $0xffff;
	[tilespmem:s24+$0x15000] =	vst v1  }
0x1f0: {  	[tilespmem:s24+$0x15080] =	vst v2  }
0x1f1: {  	[tilespmem:s24+$0x15100] =	vst v3  }
0x1f2: {  	v41 =	vadd.s32 $0x5000, v0;
	[tilespmem:s24+$0x15180] =	vst v4  }
0x1f3: {  	v42 =	vadd.s32 $0x5080, v0;
	[tilespmem:s24+$0x15200] =	vst v5  }
0x1f4: {  	v43 =	vadd.s32 $0x5100, v0;
	[tilespmem:s24+$0x15280] =	vst v6  }
0x1f5: {  	v44 =	vadd.s32 $0x5180, v0;
	[tilespmem:s24+$0x15300] =	vst v7  }
0x1f6: {  	v45 =	vadd.s32 $0x5200, v0;
	[tilespmem:s24+$0x15380] =	vst v8  }
0x1f7: {  	v46 =	vadd.s32 $0x5280, v0;
	v1 =	vld.idx.msk [tilespmem:v41+s3+$0x0], $0xffff  }
0x1f8: {  	v47 =	vadd.s32 $0x5300, v0;
	v2 =	vld.idx.msk [tilespmem:v42+s3+$0x0], $0xffff  }
0x1f9: {  	v48 =	vadd.s32 $0x5380, v0;
	v3 =	vld.idx.msk [tilespmem:v43+s3+$0x0], $0xffff  }
0x1fa: {  	v4 =	vld.idx.msk [tilespmem:v44+s3+$0x0], $0xffff  }
0x1fb: {  	v5 =	vld.idx.msk [tilespmem:v45+s3+$0x0], $0xffff  }
0x1fc: {  	v6 =	vld.idx.msk [tilespmem:v46+s3+$0x0], $0xffff  }
0x1fd: {  	v7 =	vld.idx.msk [tilespmem:v47+s3+$0x0], $0xffff  }
0x1fe: {  	v8 =	vld.idx.msk [tilespmem:v48+s3+$0x0], $0xffff;
	[tilespmem:s24+$0x16000] =	vst v1  }
0x1ff: {  	[tilespmem:s24+$0x16080] =	vst v2  }
0x200: {  	[tilespmem:s24+$0x16100] =	vst v3  }
0x201: {  	v49 =	vadd.s32 $0x6000, v0;
	[tilespmem:s24+$0x16180] =	vst v4  }
0x202: {  	v50 =	vadd.s32 $0x6080, v0;
	[tilespmem:s24+$0x16200] =	vst v5  }
0x203: {  	v51 =	vadd.s32 $0x6100, v0;
	[tilespmem:s24+$0x16280] =	vst v6  }
0x204: {  	v52 =	vadd.s32 $0x6180, v0;
	[tilespmem:s24+$0x16300] =	vst v7  }
0x205: {  	v53 =	vadd.s32 $0x6200, v0;
	[tilespmem:s24+$0x16380] =	vst v8  }
0x206: {  	v54 =	vadd.s32 $0x6280, v0;
	v1 =	vld.idx.msk [tilespmem:v49+s3+$0x0], $0xffff  }
0x207: {  	v55 =	vadd.s32 $0x6300, v0;
	v2 =	vld.idx.msk [tilespmem:v50+s3+$0x0], $0xffff  }
0x208: {  	v56 =	vadd.s32 $0x6380, v0;
	v3 =	vld.idx.msk [tilespmem:v51+s3+$0x0], $0xffff  }
0x209: {  	v4 =	vld.idx.msk [tilespmem:v52+s3+$0x0], $0xffff  }
0x20a: {  	v5 =	vld.idx.msk [tilespmem:v53+s3+$0x0], $0xffff  }
0x20b: {  	v6 =	vld.idx.msk [tilespmem:v54+s3+$0x0], $0xffff  }
0x20c: {  	v7 =	vld.idx.msk [tilespmem:v55+s3+$0x0], $0xffff  }
0x20d: {  	v8 =	vld.idx.msk [tilespmem:v56+s3+$0x0], $0xffff;
	[tilespmem:s24+$0x17000] =	vst v1  }
0x20e: {  	[tilespmem:s24+$0x17080] =	vst v2  }
0x20f: {  	[tilespmem:s24+$0x17100] =	vst v3  }
0x210: {  	v57 =	vadd.s32 $0x7000, v0;
	[tilespmem:s24+$0x17180] =	vst v4  }
0x211: {  	v58 =	vadd.s32 $0x7080, v0;
	[tilespmem:s24+$0x17200] =	vst v5  }
0x212: {  	v59 =	vadd.s32 $0x7100, v0;
	[tilespmem:s24+$0x17280] =	vst v6  }
0x213: {  	v60 =	vadd.s32 $0x7180, v0;
	[tilespmem:s24+$0x17300] =	vst v7  }
0x214: {  	v61 =	vadd.s32 $0x7200, v0;
	[tilespmem:s24+$0x17380] =	vst v8  }
0x215: {  	v62 =	vadd.s32 $0x7280, v0;
	v1 =	vld.idx.msk [tilespmem:v57+s3+$0x0], $0xffff  }
0x216: {  	v63 =	vadd.s32 $0x7300, v0;
	v2 =	vld.idx.msk [tilespmem:v58+s3+$0x0], $0xffff  }
0x217: {  	v0 =	vadd.s32 $0x7380, v0;
	v3 =	vld.idx.msk [tilespmem:v59+s3+$0x0], $0xffff  }
0x218: {  	v4 =	vld.idx.msk [tilespmem:v60+s3+$0x0], $0xffff  }
0x219: {  	v5 =	vld.idx.msk [tilespmem:v61+s3+$0x0], $0xffff  }
0x21a: {  	v6 =	vld.idx.msk [tilespmem:v62+s3+$0x0], $0xffff  }
0x21b: {  	v7 =	vld.idx.msk [tilespmem:v63+s3+$0x0], $0xffff  }
0x21c: {  	v0 =	vld.idx.msk [tilespmem:v0+s3+$0x0], $0xffff;
	[tilespmem:s24+$0x18000] =	vst v1  }
0x21d: {  	[tilespmem:s24+$0x18080] =	vst v2  }
0x21e: {  	p0 =	sne.s32 s23, $0x1F0;
	[tilespmem:s24+$0x18100] =	vst v3  }
.Ltmp3:
0x21f: {  	[tilespmem:s24+$0x18180] =	vst v4;
	(pc) =	sbr.rel @p0 .LBB2_8-.Ltmp3, $4  }
0x220: {  	[tilespmem:s24+$0x18200] =	vst v5  }
0x221: {  	[tilespmem:s24+$0x18280] =	vst v6  }
0x222: {  	[tilespmem:s24+$0x18300] =	vst v7  }
0x223: {  	s22 =	sadd.s32 $0x80, s22;
	s23 =	sadd.s32 $0x10, s23;
	[tilespmem:s24+$0x18380] =	vst v0  }
0x224: {  	[hbm4b:s8+s15] =	stream.strided.scatter [tilespmem:s18], [sflag:$0x2], $0x8000, s16, s15, $0x38;
	[tilespmem:$0x19000] =	vst v63  }
0x225: {  	_ =	swait.ge [sflag:s19], $0x8000  }
0x226: {  	[sflag:s19] =	ssyncset.done $0x0  }
0x227: {  	s22 =	simm.s32 $0x0;
	s23 =	simm.s32 $0x0;
	[sflag:s19] =	ssyncadd.s32 $0xFFFF8000  }
.LBB2_10:
0x228: {  	s24 =	sand.u32 $0x1F0, s23  }
0x229: {  	v0 =	vld [tilespmem:s24+$0x8800];
	_ =	sdelay $0x4  }
0x22a: {  	v1 =	vshll.u32 v0, $0x3  }
0x22b: {  	v0 =	vand.u32 $0x7F, v0;
	v1 =	vand.u32 $0xFFFFFC00, v1  }
0x22c: {  	v0 =	vor.u32 v0, v1  }
0x22d: {  	v1 =	vor.u32 $0x80, v0  }
0x22e: {  	v2 =	vor.u32 $0x100, v0  }
0x22f: {  	v3 =	vor.u32 $0x180, v0  }
0x230: {  	v4 =	vor.u32 $0x200, v0  }
0x231: {  	v6 =	vor.u32 $0x280, v0;
	v5 =	vld.idx.msk [tilespmem:v0+s3+$0x0], $0xffff  }
0x232: {  	v7 =	vor.u32 $0x300, v0;
	v1 =	vld.idx.msk [tilespmem:v1+s3+$0x0], $0xffff  }
0x233: {  	v8 =	vor.u32 $0x380, v0;
	v2 =	vld.idx.msk [tilespmem:v2+s3+$0x0], $0xffff  }
0x234: {  	v3 =	vld.idx.msk [tilespmem:v3+s3+$0x0], $0xffff  }
0x235: {  	v4 =	vld.idx.msk [tilespmem:v4+s3+$0x0], $0xffff  }
0x236: {  	s30 =	sand.u32 $0x70, s23;
	s25 =	sand.u32 $0xC00, s22;
	v6 =	vld.idx.msk [tilespmem:v6+s3+$0x0], $0xffff  }
0x237: {  	s24 =	sor.u32 s30, s25;
	v7 =	vld.idx.msk [tilespmem:v7+s3+$0x0], $0xffff  }
0x238: {  	v8 =	vld.idx.msk [tilespmem:v8+s3+$0x0], $0xffff;
	[tilespmem:s24+$0x9000] =	vst v5  }
0x239: {  	[tilespmem:s24+$0x9080] =	vst v1  }
0x23a: {  	[tilespmem:s24+$0x9100] =	vst v2  }
0x23b: {  	v9 =	vadd.s32 $0x1000, v0;
	[tilespmem:s24+$0x9180] =	vst v3  }
0x23c: {  	v10 =	vadd.s32 $0x1080, v0;
	[tilespmem:s24+$0x9200] =	vst v4  }
0x23d: {  	s31 =	sor.u32 s22, s23;
	v11 =	vadd.s32 $0x1100, v0;
	[tilespmem:s24+$0x9280] =	vst v6  }
0x23e: {  	s25 =	sor.u32 $0x380, s31;
	v12 =	vadd.s32 $0x1180, v0;
	[tilespmem:s24+$0x9300] =	vst v7  }
0x23f: {  	v13 =	vadd.s32 $0x1200, v0;
	[tilespmem:s25+$0x9000] =	vst v8  }
0x240: {  	v14 =	vadd.s32 $0x1280, v0;
	v1 =	vld.idx.msk [tilespmem:v9+s3+$0x0], $0xffff  }
0x241: {  	v15 =	vadd.s32 $0x1300, v0;
	v2 =	vld.idx.msk [tilespmem:v10+s3+$0x0], $0xffff  }
0x242: {  	v16 =	vadd.s32 $0x1380, v0;
	v3 =	vld.idx.msk [tilespmem:v11+s3+$0x0], $0xffff  }
0x243: {  	v4 =	vld.idx.msk [tilespmem:v12+s3+$0x0], $0xffff  }
0x244: {  	v5 =	vld.idx.msk [tilespmem:v13+s3+$0x0], $0xffff  }
0x245: {  	v6 =	vld.idx.msk [tilespmem:v14+s3+$0x0], $0xffff  }
0x246: {  	v7 =	vld.idx.msk [tilespmem:v15+s3+$0x0], $0xffff  }
0x247: {  	v8 =	vld.idx.msk [tilespmem:v16+s3+$0x0], $0xffff;
	[tilespmem:s24+$0xA000] =	vst v1  }
0x248: {  	[tilespmem:s24+$0xA080] =	vst v2  }
0x249: {  	[tilespmem:s24+$0xA100] =	vst v3  }
0x24a: {  	v17 =	vadd.s32 $0x2000, v0;
	[tilespmem:s24+$0xA180] =	vst v4  }
0x24b: {  	v18 =	vadd.s32 $0x2080, v0;
	[tilespmem:s24+$0xA200] =	vst v5  }
0x24c: {  	v19 =	vadd.s32 $0x2100, v0;
	[tilespmem:s24+$0xA280] =	vst v6  }
0x24d: {  	v20 =	vadd.s32 $0x2180, v0;
	[tilespmem:s24+$0xA300] =	vst v7  }
0x24e: {  	v21 =	vadd.s32 $0x2200, v0;
	[tilespmem:s24+$0xA380] =	vst v8  }
0x24f: {  	v22 =	vadd.s32 $0x2280, v0;
	v1 =	vld.idx.msk [tilespmem:v17+s3+$0x0], $0xffff  }
0x250: {  	v23 =	vadd.s32 $0x2300, v0;
	v2 =	vld.idx.msk [tilespmem:v18+s3+$0x0], $0xffff  }
0x251: {  	v24 =	vadd.s32 $0x2380, v0;
	v3 =	vld.idx.msk [tilespmem:v19+s3+$0x0], $0xffff  }
0x252: {  	v4 =	vld.idx.msk [tilespmem:v20+s3+$0x0], $0xffff  }
0x253: {  	v5 =	vld.idx.msk [tilespmem:v21+s3+$0x0], $0xffff  }
0x254: {  	v6 =	vld.idx.msk [tilespmem:v22+s3+$0x0], $0xffff  }
0x255: {  	v7 =	vld.idx.msk [tilespmem:v23+s3+$0x0], $0xffff  }
0x256: {  	v8 =	vld.idx.msk [tilespmem:v24+s3+$0x0], $0xffff;
	[tilespmem:s24+$0xB000] =	vst v1  }
0x257: {  	[tilespmem:s24+$0xB080] =	vst v2  }
0x258: {  	[tilespmem:s24+$0xB100] =	vst v3  }
0x259: {  	v25 =	vadd.s32 $0x3000, v0;
	[tilespmem:s24+$0xB180] =	vst v4  }
0x25a: {  	v26 =	vadd.s32 $0x3080, v0;
	[tilespmem:s24+$0xB200] =	vst v5  }
0x25b: {  	v27 =	vadd.s32 $0x3100, v0;
	[tilespmem:s24+$0xB280] =	vst v6  }
0x25c: {  	v28 =	vadd.s32 $0x3180, v0;
	[tilespmem:s24+$0xB300] =	vst v7  }
0x25d: {  	v29 =	vadd.s32 $0x3200, v0;
	[tilespmem:s24+$0xB380] =	vst v8  }
0x25e: {  	v30 =	vadd.s32 $0x3280, v0;
	v1 =	vld.idx.msk [tilespmem:v25+s3+$0x0], $0xffff  }
0x25f: {  	v31 =	vadd.s32 $0x3300, v0;
	v2 =	vld.idx.msk [tilespmem:v26+s3+$0x0], $0xffff  }
0x260: {  	v32 =	vadd.s32 $0x3380, v0;
	v3 =	vld.idx.msk [tilespmem:v27+s3+$0x0], $0xffff  }
0x261: {  	v4 =	vld.idx.msk [tilespmem:v28+s3+$0x0], $0xffff  }
0x262: {  	v5 =	vld.idx.msk [tilespmem:v29+s3+$0x0], $0xffff  }
0x263: {  	v6 =	vld.idx.msk [tilespmem:v30+s3+$0x0], $0xffff  }
0x264: {  	v7 =	vld.idx.msk [tilespmem:v31+s3+$0x0], $0xffff  }
0x265: {  	v8 =	vld.idx.msk [tilespmem:v32+s3+$0x0], $0xffff;
	[tilespmem:s24+$0xC000] =	vst v1  }
0x266: {  	[tilespmem:s24+$0xC080] =	vst v2  }
0x267: {  	[tilespmem:s24+$0xC100] =	vst v3  }
0x268: {  	v33 =	vadd.s32 $0x4000, v0;
	[tilespmem:s24+$0xC180] =	vst v4  }
0x269: {  	v34 =	vadd.s32 $0x4080, v0;
	[tilespmem:s24+$0xC200] =	vst v5  }
0x26a: {  	v35 =	vadd.s32 $0x4100, v0;
	[tilespmem:s24+$0xC280] =	vst v6  }
0x26b: {  	v36 =	vadd.s32 $0x4180, v0;
	[tilespmem:s24+$0xC300] =	vst v7  }
0x26c: {  	v37 =	vadd.s32 $0x4200, v0;
	[tilespmem:s24+$0xC380] =	vst v8  }
0x26d: {  	v38 =	vadd.s32 $0x4280, v0;
	v1 =	vld.idx.msk [tilespmem:v33+s3+$0x0], $0xffff  }
0x26e: {  	v39 =	vadd.s32 $0x4300, v0;
	v2 =	vld.idx.msk [tilespmem:v34+s3+$0x0], $0xffff  }
0x26f: {  	v40 =	vadd.s32 $0x4380, v0;
	v3 =	vld.idx.msk [tilespmem:v35+s3+$0x0], $0xffff  }
0x270: {  	v4 =	vld.idx.msk [tilespmem:v36+s3+$0x0], $0xffff  }
0x271: {  	v5 =	vld.idx.msk [tilespmem:v37+s3+$0x0], $0xffff  }
0x272: {  	v6 =	vld.idx.msk [tilespmem:v38+s3+$0x0], $0xffff  }
0x273: {  	v7 =	vld.idx.msk [tilespmem:v39+s3+$0x0], $0xffff  }
0x274: {  	v8 =	vld.idx.msk [tilespmem:v40+s3+$0x0], $0xffff;
	[tilespmem:s24+$0xD000] =	vst v1  }
0x275: {  	[tilespmem:s24+$0xD080] =	vst v2  }
0x276: {  	[tilespmem:s24+$0xD100] =	vst v3  }
0x277: {  	v41 =	vadd.s32 $0x5000, v0;
	[tilespmem:s24+$0xD180] =	vst v4  }
0x278: {  	v42 =	vadd.s32 $0x5080, v0;
	[tilespmem:s24+$0xD200] =	vst v5  }
0x279: {  	v43 =	vadd.s32 $0x5100, v0;
	[tilespmem:s24+$0xD280] =	vst v6  }
0x27a: {  	v44 =	vadd.s32 $0x5180, v0;
	[tilespmem:s24+$0xD300] =	vst v7  }
0x27b: {  	v45 =	vadd.s32 $0x5200, v0;
	[tilespmem:s24+$0xD380] =	vst v8  }
0x27c: {  	v46 =	vadd.s32 $0x5280, v0;
	v1 =	vld.idx.msk [tilespmem:v41+s3+$0x0], $0xffff  }
0x27d: {  	v47 =	vadd.s32 $0x5300, v0;
	v2 =	vld.idx.msk [tilespmem:v42+s3+$0x0], $0xffff  }
0x27e: {  	v48 =	vadd.s32 $0x5380, v0;
	v3 =	vld.idx.msk [tilespmem:v43+s3+$0x0], $0xffff  }
0x27f: {  	v4 =	vld.idx.msk [tilespmem:v44+s3+$0x0], $0xffff  }
0x280: {  	v5 =	vld.idx.msk [tilespmem:v45+s3+$0x0], $0xffff  }
0x281: {  	v6 =	vld.idx.msk [tilespmem:v46+s3+$0x0], $0xffff  }
0x282: {  	v7 =	vld.idx.msk [tilespmem:v47+s3+$0x0], $0xffff  }
0x283: {  	v8 =	vld.idx.msk [tilespmem:v48+s3+$0x0], $0xffff;
	[tilespmem:s24+$0xE000] =	vst v1  }
0x284: {  	[tilespmem:s24+$0xE080] =	vst v2  }
0x285: {  	[tilespmem:s24+$0xE100] =	vst v3  }
0x286: {  	v49 =	vadd.s32 $0x6000, v0;
	[tilespmem:s24+$0xE180] =	vst v4  }
0x287: {  	v50 =	vadd.s32 $0x6080, v0;
	[tilespmem:s24+$0xE200] =	vst v5  }
0x288: {  	v51 =	vadd.s32 $0x6100, v0;
	[tilespmem:s24+$0xE280] =	vst v6  }
0x289: {  	v52 =	vadd.s32 $0x6180, v0;
	[tilespmem:s24+$0xE300] =	vst v7  }
0x28a: {  	v53 =	vadd.s32 $0x6200, v0;
	[tilespmem:s24+$0xE380] =	vst v8  }
0x28b: {  	v54 =	vadd.s32 $0x6280, v0;
	v1 =	vld.idx.msk [tilespmem:v49+s3+$0x0], $0xffff  }
0x28c: {  	v55 =	vadd.s32 $0x6300, v0;
	v2 =	vld.idx.msk [tilespmem:v50+s3+$0x0], $0xffff  }
0x28d: {  	v56 =	vadd.s32 $0x6380, v0;
	v3 =	vld.idx.msk [tilespmem:v51+s3+$0x0], $0xffff  }
0x28e: {  	v4 =	vld.idx.msk [tilespmem:v52+s3+$0x0], $0xffff  }
0x28f: {  	v5 =	vld.idx.msk [tilespmem:v53+s3+$0x0], $0xffff  }
0x290: {  	v6 =	vld.idx.msk [tilespmem:v54+s3+$0x0], $0xffff  }
0x291: {  	v7 =	vld.idx.msk [tilespmem:v55+s3+$0x0], $0xffff  }
0x292: {  	v8 =	vld.idx.msk [tilespmem:v56+s3+$0x0], $0xffff;
	[tilespmem:s24+$0xF000] =	vst v1  }
0x293: {  	[tilespmem:s24+$0xF080] =	vst v2  }
0x294: {  	[tilespmem:s24+$0xF100] =	vst v3  }
0x295: {  	v57 =	vadd.s32 $0x7000, v0;
	[tilespmem:s24+$0xF180] =	vst v4  }
0x296: {  	v58 =	vadd.s32 $0x7080, v0;
	[tilespmem:s24+$0xF200] =	vst v5  }
0x297: {  	v59 =	vadd.s32 $0x7100, v0;
	[tilespmem:s24+$0xF280] =	vst v6  }
0x298: {  	v60 =	vadd.s32 $0x7180, v0;
	[tilespmem:s24+$0xF300] =	vst v7  }
0x299: {  	v61 =	vadd.s32 $0x7200, v0;
	[tilespmem:s24+$0xF380] =	vst v8  }
0x29a: {  	v62 =	vadd.s32 $0x7280, v0;
	v1 =	vld.idx.msk [tilespmem:v57+s3+$0x0], $0xffff  }
0x29b: {  	v63 =	vadd.s32 $0x7300, v0;
	v2 =	vld.idx.msk [tilespmem:v58+s3+$0x0], $0xffff  }
0x29c: {  	v0 =	vadd.s32 $0x7380, v0;
	v3 =	vld.idx.msk [tilespmem:v59+s3+$0x0], $0xffff  }
0x29d: {  	v4 =	vld.idx.msk [tilespmem:v60+s3+$0x0], $0xffff  }
0x29e: {  	v5 =	vld.idx.msk [tilespmem:v61+s3+$0x0], $0xffff  }
0x29f: {  	v6 =	vld.idx.msk [tilespmem:v62+s3+$0x0], $0xffff  }
0x2a0: {  	v7 =	vld.idx.msk [tilespmem:v63+s3+$0x0], $0xffff  }
0x2a1: {  	v0 =	vld.idx.msk [tilespmem:v0+s3+$0x0], $0xffff;
	[tilespmem:s24+$0x10000] =	vst v1  }
0x2a2: {  	[tilespmem:s24+$0x10080] =	vst v2  }
0x2a3: {  	p0 =	sne.s32 s23, $0x1F0;
	[tilespmem:s24+$0x10100] =	vst v3  }
.Ltmp4:
0x2a4: {  	[tilespmem:s24+$0x10180] =	vst v4;
	(pc) =	sbr.rel @p0 .LBB2_10-.Ltmp4, $4  }
0x2a5: {  	[tilespmem:s24+$0x10200] =	vst v5  }
0x2a6: {  	[tilespmem:s24+$0x10280] =	vst v6  }
0x2a7: {  	[tilespmem:s24+$0x10300] =	vst v7  }
0x2a8: {  	s22 =	sadd.s32 $0x80, s22;
	s23 =	sadd.s32 $0x10, s23;
	[tilespmem:s24+$0x10380] =	vst v0  }
0x2a9: {  	[hbm4b:s9+s15] =	stream.strided.scatter [tilespmem:s17], [sflag:$0x1], $0x8000, s16, s15, $0x38;
	[tilespmem:$0x19000] =	vst v63  }
0x2aa: {  	_ =	swait.ge [sflag:s20], $0x8000  }
0x2ab: {  	[sflag:s20] =	ssyncset.done $0x0  }
0x2ac: {  	s22 =	simm.s32 $0x0;
	s23 =	simm.s32 $0x0;
	[sflag:s20] =	ssyncadd.s32 $0xFFFF8000  }
.LBB2_12:
0x2ad: {  	s24 =	sand.u32 $0x1F0, s23  }
0x2ae: {  	v0 =	vld [tilespmem:s24+$0x8A00];
	_ =	sdelay $0x4  }
0x2af: {  	v1 =	vshll.u32 v0, $0x3  }
0x2b0: {  	v0 =	vand.u32 $0x7F, v0;
	v1 =	vand.u32 $0xFFFFFC00, v1  }
0x2b1: {  	v0 =	vor.u32 v0, v1  }
0x2b2: {  	v1 =	vor.u32 $0x80, v0  }
0x2b3: {  	v2 =	vor.u32 $0x100, v0  }
0x2b4: {  	v3 =	vor.u32 $0x180, v0  }
0x2b5: {  	v4 =	vor.u32 $0x200, v0  }
0x2b6: {  	v6 =	vor.u32 $0x280, v0;
	v5 =	vld.idx.msk [tilespmem:v0+s3+$0x0], $0xffff  }
0x2b7: {  	v7 =	vor.u32 $0x300, v0;
	v1 =	vld.idx.msk [tilespmem:v1+s3+$0x0], $0xffff  }
0x2b8: {  	v8 =	vor.u32 $0x380, v0;
	v2 =	vld.idx.msk [tilespmem:v2+s3+$0x0], $0xffff  }
0x2b9: {  	v3 =	vld.idx.msk [tilespmem:v3+s3+$0x0], $0xffff  }
0x2ba: {  	v4 =	vld.idx.msk [tilespmem:v4+s3+$0x0], $0xffff  }
0x2bb: {  	s30 =	sand.u32 $0x70, s23;
	s25 =	sand.u32 $0xC00, s22;
	v6 =	vld.idx.msk [tilespmem:v6+s3+$0x0], $0xffff  }
0x2bc: {  	s24 =	sor.u32 s30, s25;
	v7 =	vld.idx.msk [tilespmem:v7+s3+$0x0], $0xffff  }
0x2bd: {  	v8 =	vld.idx.msk [tilespmem:v8+s3+$0x0], $0xffff;
	[tilespmem:s24+$0x11000] =	vst v5  }
0x2be: {  	[tilespmem:s24+$0x11080] =	vst v1  }
0x2bf: {  	[tilespmem:s24+$0x11100] =	vst v2  }
0x2c0: {  	v9 =	vadd.s32 $0x1000, v0;
	[tilespmem:s24+$0x11180] =	vst v3  }
0x2c1: {  	v10 =	vadd.s32 $0x1080, v0;
	[tilespmem:s24+$0x11200] =	vst v4  }
0x2c2: {  	s31 =	sor.u32 s22, s23;
	v11 =	vadd.s32 $0x1100, v0;
	[tilespmem:s24+$0x11280] =	vst v6  }
0x2c3: {  	s25 =	sor.u32 $0x380, s31;
	v12 =	vadd.s32 $0x1180, v0;
	[tilespmem:s24+$0x11300] =	vst v7  }
0x2c4: {  	v13 =	vadd.s32 $0x1200, v0;
	[tilespmem:s25+$0x11000] =	vst v8  }
0x2c5: {  	v14 =	vadd.s32 $0x1280, v0;
	v1 =	vld.idx.msk [tilespmem:v9+s3+$0x0], $0xffff  }
0x2c6: {  	v15 =	vadd.s32 $0x1300, v0;
	v2 =	vld.idx.msk [tilespmem:v10+s3+$0x0], $0xffff  }
0x2c7: {  	v16 =	vadd.s32 $0x1380, v0;
	v3 =	vld.idx.msk [tilespmem:v11+s3+$0x0], $0xffff  }
0x2c8: {  	v4 =	vld.idx.msk [tilespmem:v12+s3+$0x0], $0xffff  }
0x2c9: {  	v5 =	vld.idx.msk [tilespmem:v13+s3+$0x0], $0xffff  }
0x2ca: {  	v6 =	vld.idx.msk [tilespmem:v14+s3+$0x0], $0xffff  }
0x2cb: {  	v7 =	vld.idx.msk [tilespmem:v15+s3+$0x0], $0xffff  }
0x2cc: {  	v8 =	vld.idx.msk [tilespmem:v16+s3+$0x0], $0xffff;
	[tilespmem:s24+$0x12000] =	vst v1  }
0x2cd: {  	[tilespmem:s24+$0x12080] =	vst v2  }
0x2ce: {  	[tilespmem:s24+$0x12100] =	vst v3  }
0x2cf: {  	v17 =	vadd.s32 $0x2000, v0;
	[tilespmem:s24+$0x12180] =	vst v4  }
0x2d0: {  	v18 =	vadd.s32 $0x2080, v0;
	[tilespmem:s24+$0x12200] =	vst v5  }
0x2d1: {  	v19 =	vadd.s32 $0x2100, v0;
	[tilespmem:s24+$0x12280] =	vst v6  }
0x2d2: {  	v20 =	vadd.s32 $0x2180, v0;
	[tilespmem:s24+$0x12300] =	vst v7  }
0x2d3: {  	v21 =	vadd.s32 $0x2200, v0;
	[tilespmem:s24+$0x12380] =	vst v8  }
0x2d4: {  	v22 =	vadd.s32 $0x2280, v0;
	v1 =	vld.idx.msk [tilespmem:v17+s3+$0x0], $0xffff  }
0x2d5: {  	v23 =	vadd.s32 $0x2300, v0;
	v2 =	vld.idx.msk [tilespmem:v18+s3+$0x0], $0xffff  }
0x2d6: {  	v24 =	vadd.s32 $0x2380, v0;
	v3 =	vld.idx.msk [tilespmem:v19+s3+$0x0], $0xffff  }
0x2d7: {  	v4 =	vld.idx.msk [tilespmem:v20+s3+$0x0], $0xffff  }
0x2d8: {  	v5 =	vld.idx.msk [tilespmem:v21+s3+$0x0], $0xffff  }
0x2d9: {  	v6 =	vld.idx.msk [tilespmem:v22+s3+$0x0], $0xffff  }
0x2da: {  	v7 =	vld.idx.msk [tilespmem:v23+s3+$0x0], $0xffff  }
0x2db: {  	v8 =	vld.idx.msk [tilespmem:v24+s3+$0x0], $0xffff;
	[tilespmem:s24+$0x13000] =	vst v1  }
0x2dc: {  	[tilespmem:s24+$0x13080] =	vst v2  }
0x2dd: {  	[tilespmem:s24+$0x13100] =	vst v3  }
0x2de: {  	v25 =	vadd.s32 $0x3000, v0;
	[tilespmem:s24+$0x13180] =	vst v4  }
0x2df: {  	v26 =	vadd.s32 $0x3080, v0;
	[tilespmem:s24+$0x13200] =	vst v5  }
0x2e0: {  	v27 =	vadd.s32 $0x3100, v0;
	[tilespmem:s24+$0x13280] =	vst v6  }
0x2e1: {  	v28 =	vadd.s32 $0x3180, v0;
	[tilespmem:s24+$0x13300] =	vst v7  }
0x2e2: {  	v29 =	vadd.s32 $0x3200, v0;
	[tilespmem:s24+$0x13380] =	vst v8  }
0x2e3: {  	v30 =	vadd.s32 $0x3280, v0;
	v1 =	vld.idx.msk [tilespmem:v25+s3+$0x0], $0xffff  }
0x2e4: {  	v31 =	vadd.s32 $0x3300, v0;
	v2 =	vld.idx.msk [tilespmem:v26+s3+$0x0], $0xffff  }
0x2e5: {  	v32 =	vadd.s32 $0x3380, v0;
	v3 =	vld.idx.msk [tilespmem:v27+s3+$0x0], $0xffff  }
0x2e6: {  	v4 =	vld.idx.msk [tilespmem:v28+s3+$0x0], $0xffff  }
0x2e7: {  	v5 =	vld.idx.msk [tilespmem:v29+s3+$0x0], $0xffff  }
0x2e8: {  	v6 =	vld.idx.msk [tilespmem:v30+s3+$0x0], $0xffff  }
0x2e9: {  	v7 =	vld.idx.msk [tilespmem:v31+s3+$0x0], $0xffff  }
0x2ea: {  	v8 =	vld.idx.msk [tilespmem:v32+s3+$0x0], $0xffff;
	[tilespmem:s24+$0x14000] =	vst v1  }
0x2eb: {  	[tilespmem:s24+$0x14080] =	vst v2  }
0x2ec: {  	[tilespmem:s24+$0x14100] =	vst v3  }
0x2ed: {  	v33 =	vadd.s32 $0x4000, v0;
	[tilespmem:s24+$0x14180] =	vst v4  }
0x2ee: {  	v34 =	vadd.s32 $0x4080, v0;
	[tilespmem:s24+$0x14200] =	vst v5  }
0x2ef: {  	v35 =	vadd.s32 $0x4100, v0;
	[tilespmem:s24+$0x14280] =	vst v6  }
0x2f0: {  	v36 =	vadd.s32 $0x4180, v0;
	[tilespmem:s24+$0x14300] =	vst v7  }
0x2f1: {  	v37 =	vadd.s32 $0x4200, v0;
	[tilespmem:s24+$0x14380] =	vst v8  }
0x2f2: {  	v38 =	vadd.s32 $0x4280, v0;
	v1 =	vld.idx.msk [tilespmem:v33+s3+$0x0], $0xffff  }
0x2f3: {  	v39 =	vadd.s32 $0x4300, v0;
	v2 =	vld.idx.msk [tilespmem:v34+s3+$0x0], $0xffff  }
0x2f4: {  	v40 =	vadd.s32 $0x4380, v0;
	v3 =	vld.idx.msk [tilespmem:v35+s3+$0x0], $0xffff  }
0x2f5: {  	v4 =	vld.idx.msk [tilespmem:v36+s3+$0x0], $0xffff  }
0x2f6: {  	v5 =	vld.idx.msk [tilespmem:v37+s3+$0x0], $0xffff  }
0x2f7: {  	v6 =	vld.idx.msk [tilespmem:v38+s3+$0x0], $0xffff  }
0x2f8: {  	v7 =	vld.idx.msk [tilespmem:v39+s3+$0x0], $0xffff  }
0x2f9: {  	v8 =	vld.idx.msk [tilespmem:v40+s3+$0x0], $0xffff;
	[tilespmem:s24+$0x15000] =	vst v1  }
0x2fa: {  	[tilespmem:s24+$0x15080] =	vst v2  }
0x2fb: {  	[tilespmem:s24+$0x15100] =	vst v3  }
0x2fc: {  	v41 =	vadd.s32 $0x5000, v0;
	[tilespmem:s24+$0x15180] =	vst v4  }
0x2fd: {  	v42 =	vadd.s32 $0x5080, v0;
	[tilespmem:s24+$0x15200] =	vst v5  }
0x2fe: {  	v43 =	vadd.s32 $0x5100, v0;
	[tilespmem:s24+$0x15280] =	vst v6  }
0x2ff: {  	v44 =	vadd.s32 $0x5180, v0;
	[tilespmem:s24+$0x15300] =	vst v7  }
0x300: {  	v45 =	vadd.s32 $0x5200, v0;
	[tilespmem:s24+$0x15380] =	vst v8  }
0x301: {  	v46 =	vadd.s32 $0x5280, v0;
	v1 =	vld.idx.msk [tilespmem:v41+s3+$0x0], $0xffff  }
0x302: {  	v47 =	vadd.s32 $0x5300, v0;
	v2 =	vld.idx.msk [tilespmem:v42+s3+$0x0], $0xffff  }
0x303: {  	v48 =	vadd.s32 $0x5380, v0;
	v3 =	vld.idx.msk [tilespmem:v43+s3+$0x0], $0xffff  }
0x304: {  	v4 =	vld.idx.msk [tilespmem:v44+s3+$0x0], $0xffff  }
0x305: {  	v5 =	vld.idx.msk [tilespmem:v45+s3+$0x0], $0xffff  }
0x306: {  	v6 =	vld.idx.msk [tilespmem:v46+s3+$0x0], $0xffff  }
0x307: {  	v7 =	vld.idx.msk [tilespmem:v47+s3+$0x0], $0xffff  }
0x308: {  	v8 =	vld.idx.msk [tilespmem:v48+s3+$0x0], $0xffff;
	[tilespmem:s24+$0x16000] =	vst v1  }
0x309: {  	[tilespmem:s24+$0x16080] =	vst v2  }
0x30a: {  	[tilespmem:s24+$0x16100] =	vst v3  }
0x30b: {  	v49 =	vadd.s32 $0x6000, v0;
	[tilespmem:s24+$0x16180] =	vst v4  }
0x30c: {  	v50 =	vadd.s32 $0x6080, v0;
	[tilespmem:s24+$0x16200] =	vst v5  }
0x30d: {  	v51 =	vadd.s32 $0x6100, v0;
	[tilespmem:s24+$0x16280] =	vst v6  }
0x30e: {  	v52 =	vadd.s32 $0x6180, v0;
	[tilespmem:s24+$0x16300] =	vst v7  }
0x30f: {  	v53 =	vadd.s32 $0x6200, v0;
	[tilespmem:s24+$0x16380] =	vst v8  }
0x310: {  	v54 =	vadd.s32 $0x6280, v0;
	v1 =	vld.idx.msk [tilespmem:v49+s3+$0x0], $0xffff  }
0x311: {  	v55 =	vadd.s32 $0x6300, v0;
	v2 =	vld.idx.msk [tilespmem:v50+s3+$0x0], $0xffff  }
0x312: {  	v56 =	vadd.s32 $0x6380, v0;
	v3 =	vld.idx.msk [tilespmem:v51+s3+$0x0], $0xffff  }
0x313: {  	v4 =	vld.idx.msk [tilespmem:v52+s3+$0x0], $0xffff  }
0x314: {  	v5 =	vld.idx.msk [tilespmem:v53+s3+$0x0], $0xffff  }
0x315: {  	v6 =	vld.idx.msk [tilespmem:v54+s3+$0x0], $0xffff  }
0x316: {  	v7 =	vld.idx.msk [tilespmem:v55+s3+$0x0], $0xffff  }
0x317: {  	v8 =	vld.idx.msk [tilespmem:v56+s3+$0x0], $0xffff;
	[tilespmem:s24+$0x17000] =	vst v1  }
0x318: {  	[tilespmem:s24+$0x17080] =	vst v2  }
0x319: {  	[tilespmem:s24+$0x17100] =	vst v3  }
0x31a: {  	v57 =	vadd.s32 $0x7000, v0;
	[tilespmem:s24+$0x17180] =	vst v4  }
0x31b: {  	v58 =	vadd.s32 $0x7080, v0;
	[tilespmem:s24+$0x17200] =	vst v5  }
0x31c: {  	v59 =	vadd.s32 $0x7100, v0;
	[tilespmem:s24+$0x17280] =	vst v6  }
0x31d: {  	v60 =	vadd.s32 $0x7180, v0;
	[tilespmem:s24+$0x17300] =	vst v7  }
0x31e: {  	v61 =	vadd.s32 $0x7200, v0;
	[tilespmem:s24+$0x17380] =	vst v8  }
0x31f: {  	v62 =	vadd.s32 $0x7280, v0;
	v1 =	vld.idx.msk [tilespmem:v57+s3+$0x0], $0xffff  }
0x320: {  	v63 =	vadd.s32 $0x7300, v0;
	v2 =	vld.idx.msk [tilespmem:v58+s3+$0x0], $0xffff  }
0x321: {  	v0 =	vadd.s32 $0x7380, v0;
	v3 =	vld.idx.msk [tilespmem:v59+s3+$0x0], $0xffff  }
0x322: {  	v4 =	vld.idx.msk [tilespmem:v60+s3+$0x0], $0xffff  }
0x323: {  	v5 =	vld.idx.msk [tilespmem:v61+s3+$0x0], $0xffff  }
0x324: {  	v6 =	vld.idx.msk [tilespmem:v62+s3+$0x0], $0xffff  }
0x325: {  	v7 =	vld.idx.msk [tilespmem:v63+s3+$0x0], $0xffff  }
0x326: {  	v0 =	vld.idx.msk [tilespmem:v0+s3+$0x0], $0xffff;
	[tilespmem:s24+$0x18000] =	vst v1  }
0x327: {  	[tilespmem:s24+$0x18080] =	vst v2  }
0x328: {  	p0 =	sne.s32 s23, $0x1F0;
	[tilespmem:s24+$0x18100] =	vst v3  }
.Ltmp5:
0x329: {  	[tilespmem:s24+$0x18180] =	vst v4;
	(pc) =	sbr.rel @p0 .LBB2_12-.Ltmp5, $4  }
0x32a: {  	[tilespmem:s24+$0x18200] =	vst v5  }
0x32b: {  	[tilespmem:s24+$0x18280] =	vst v6  }
0x32c: {  	[tilespmem:s24+$0x18300] =	vst v7  }
0x32d: {  	s22 =	sadd.s32 $0x80, s22;
	s23 =	sadd.s32 $0x10, s23;
	[tilespmem:s24+$0x18380] =	vst v0  }
0x32e: {  	[hbm4b:s10+s15] =	stream.strided.scatter [tilespmem:s18], [sflag:$0x2], $0x8000, s16, s15, $0x38;
	[tilespmem:$0x19000] =	vst v63  }
0x32f: {  	_ =	swait.ge [sflag:s19], $0x8000  }
0x330: {  	[sflag:s19] =	ssyncset.done $0x0  }
0x331: {  	s22 =	simm.s32 $0x0;
	s23 =	simm.s32 $0x0;
	[sflag:s19] =	ssyncadd.s32 $0xFFFF8000  }
.LBB2_14:
0x332: {  	s24 =	sand.u32 $0x1F0, s23  }
0x333: {  	v0 =	vld [tilespmem:s24+$0x8C00];
	_ =	sdelay $0x4  }
0x334: {  	v1 =	vshll.u32 v0, $0x3  }
0x335: {  	v0 =	vand.u32 $0x7F, v0;
	v1 =	vand.u32 $0xFFFFFC00, v1  }
0x336: {  	v0 =	vor.u32 v0, v1  }
0x337: {  	v1 =	vor.u32 $0x80, v0  }
0x338: {  	v2 =	vor.u32 $0x100, v0  }
0x339: {  	v3 =	vor.u32 $0x180, v0  }
0x33a: {  	v4 =	vor.u32 $0x200, v0  }
0x33b: {  	v6 =	vor.u32 $0x280, v0;
	v5 =	vld.idx.msk [tilespmem:v0+s3+$0x0], $0xffff  }
0x33c: {  	v7 =	vor.u32 $0x300, v0;
	v1 =	vld.idx.msk [tilespmem:v1+s3+$0x0], $0xffff  }
0x33d: {  	v8 =	vor.u32 $0x380, v0;
	v2 =	vld.idx.msk [tilespmem:v2+s3+$0x0], $0xffff  }
0x33e: {  	v3 =	vld.idx.msk [tilespmem:v3+s3+$0x0], $0xffff  }
0x33f: {  	v4 =	vld.idx.msk [tilespmem:v4+s3+$0x0], $0xffff  }
0x340: {  	s30 =	sand.u32 $0x70, s23;
	s25 =	sand.u32 $0xC00, s22;
	v6 =	vld.idx.msk [tilespmem:v6+s3+$0x0], $0xffff  }
0x341: {  	s24 =	sor.u32 s30, s25;
	v7 =	vld.idx.msk [tilespmem:v7+s3+$0x0], $0xffff  }
0x342: {  	v8 =	vld.idx.msk [tilespmem:v8+s3+$0x0], $0xffff;
	[tilespmem:s24+$0x9000] =	vst v5  }
0x343: {  	[tilespmem:s24+$0x9080] =	vst v1  }
0x344: {  	[tilespmem:s24+$0x9100] =	vst v2  }
0x345: {  	v9 =	vadd.s32 $0x1000, v0;
	[tilespmem:s24+$0x9180] =	vst v3  }
0x346: {  	v10 =	vadd.s32 $0x1080, v0;
	[tilespmem:s24+$0x9200] =	vst v4  }
0x347: {  	s31 =	sor.u32 s22, s23;
	v11 =	vadd.s32 $0x1100, v0;
	[tilespmem:s24+$0x9280] =	vst v6  }
0x348: {  	s25 =	sor.u32 $0x380, s31;
	v12 =	vadd.s32 $0x1180, v0;
	[tilespmem:s24+$0x9300] =	vst v7  }
0x349: {  	v13 =	vadd.s32 $0x1200, v0;
	[tilespmem:s25+$0x9000] =	vst v8  }
0x34a: {  	v14 =	vadd.s32 $0x1280, v0;
	v1 =	vld.idx.msk [tilespmem:v9+s3+$0x0], $0xffff  }
0x34b: {  	v15 =	vadd.s32 $0x1300, v0;
	v2 =	vld.idx.msk [tilespmem:v10+s3+$0x0], $0xffff  }
0x34c: {  	v16 =	vadd.s32 $0x1380, v0;
	v3 =	vld.idx.msk [tilespmem:v11+s3+$0x0], $0xffff  }
0x34d: {  	v4 =	vld.idx.msk [tilespmem:v12+s3+$0x0], $0xffff  }
0x34e: {  	v5 =	vld.idx.msk [tilespmem:v13+s3+$0x0], $0xffff  }
0x34f: {  	v6 =	vld.idx.msk [tilespmem:v14+s3+$0x0], $0xffff  }
0x350: {  	v7 =	vld.idx.msk [tilespmem:v15+s3+$0x0], $0xffff  }
0x351: {  	v8 =	vld.idx.msk [tilespmem:v16+s3+$0x0], $0xffff;
	[tilespmem:s24+$0xA000] =	vst v1  }
0x352: {  	[tilespmem:s24+$0xA080] =	vst v2  }
0x353: {  	[tilespmem:s24+$0xA100] =	vst v3  }
0x354: {  	v17 =	vadd.s32 $0x2000, v0;
	[tilespmem:s24+$0xA180] =	vst v4  }
0x355: {  	v18 =	vadd.s32 $0x2080, v0;
	[tilespmem:s24+$0xA200] =	vst v5  }
0x356: {  	v19 =	vadd.s32 $0x2100, v0;
	[tilespmem:s24+$0xA280] =	vst v6  }
0x357: {  	v20 =	vadd.s32 $0x2180, v0;
	[tilespmem:s24+$0xA300] =	vst v7  }
0x358: {  	v21 =	vadd.s32 $0x2200, v0;
	[tilespmem:s24+$0xA380] =	vst v8  }
0x359: {  	v22 =	vadd.s32 $0x2280, v0;
	v1 =	vld.idx.msk [tilespmem:v17+s3+$0x0], $0xffff  }
0x35a: {  	v23 =	vadd.s32 $0x2300, v0;
	v2 =	vld.idx.msk [tilespmem:v18+s3+$0x0], $0xffff  }
0x35b: {  	v24 =	vadd.s32 $0x2380, v0;
	v3 =	vld.idx.msk [tilespmem:v19+s3+$0x0], $0xffff  }
0x35c: {  	v4 =	vld.idx.msk [tilespmem:v20+s3+$0x0], $0xffff  }
0x35d: {  	v5 =	vld.idx.msk [tilespmem:v21+s3+$0x0], $0xffff  }
0x35e: {  	v6 =	vld.idx.msk [tilespmem:v22+s3+$0x0], $0xffff  }
0x35f: {  	v7 =	vld.idx.msk [tilespmem:v23+s3+$0x0], $0xffff  }
0x360: {  	v8 =	vld.idx.msk [tilespmem:v24+s3+$0x0], $0xffff;
	[tilespmem:s24+$0xB000] =	vst v1  }
0x361: {  	[tilespmem:s24+$0xB080] =	vst v2  }
0x362: {  	[tilespmem:s24+$0xB100] =	vst v3  }
0x363: {  	v25 =	vadd.s32 $0x3000, v0;
	[tilespmem:s24+$0xB180] =	vst v4  }
0x364: {  	v26 =	vadd.s32 $0x3080, v0;
	[tilespmem:s24+$0xB200] =	vst v5  }
0x365: {  	v27 =	vadd.s32 $0x3100, v0;
	[tilespmem:s24+$0xB280] =	vst v6  }
0x366: {  	v28 =	vadd.s32 $0x3180, v0;
	[tilespmem:s24+$0xB300] =	vst v7  }
0x367: {  	v29 =	vadd.s32 $0x3200, v0;
	[tilespmem:s24+$0xB380] =	vst v8  }
0x368: {  	v30 =	vadd.s32 $0x3280, v0;
	v1 =	vld.idx.msk [tilespmem:v25+s3+$0x0], $0xffff  }
0x369: {  	v31 =	vadd.s32 $0x3300, v0;
	v2 =	vld.idx.msk [tilespmem:v26+s3+$0x0], $0xffff  }
0x36a: {  	v32 =	vadd.s32 $0x3380, v0;
	v3 =	vld.idx.msk [tilespmem:v27+s3+$0x0], $0xffff  }
0x36b: {  	v4 =	vld.idx.msk [tilespmem:v28+s3+$0x0], $0xffff  }
0x36c: {  	v5 =	vld.idx.msk [tilespmem:v29+s3+$0x0], $0xffff  }
0x36d: {  	v6 =	vld.idx.msk [tilespmem:v30+s3+$0x0], $0xffff  }
0x36e: {  	v7 =	vld.idx.msk [tilespmem:v31+s3+$0x0], $0xffff  }
0x36f: {  	v8 =	vld.idx.msk [tilespmem:v32+s3+$0x0], $0xffff;
	[tilespmem:s24+$0xC000] =	vst v1  }
0x370: {  	[tilespmem:s24+$0xC080] =	vst v2  }
0x371: {  	[tilespmem:s24+$0xC100] =	vst v3  }
0x372: {  	v33 =	vadd.s32 $0x4000, v0;
	[tilespmem:s24+$0xC180] =	vst v4  }
0x373: {  	v34 =	vadd.s32 $0x4080, v0;
	[tilespmem:s24+$0xC200] =	vst v5  }
0x374: {  	v35 =	vadd.s32 $0x4100, v0;
	[tilespmem:s24+$0xC280] =	vst v6  }
0x375: {  	v36 =	vadd.s32 $0x4180, v0;
	[tilespmem:s24+$0xC300] =	vst v7  }
0x376: {  	v37 =	vadd.s32 $0x4200, v0;
	[tilespmem:s24+$0xC380] =	vst v8  }
0x377: {  	v38 =	vadd.s32 $0x4280, v0;
	v1 =	vld.idx.msk [tilespmem:v33+s3+$0x0], $0xffff  }
0x378: {  	v39 =	vadd.s32 $0x4300, v0;
	v2 =	vld.idx.msk [tilespmem:v34+s3+$0x0], $0xffff  }
0x379: {  	v40 =	vadd.s32 $0x4380, v0;
	v3 =	vld.idx.msk [tilespmem:v35+s3+$0x0], $0xffff  }
0x37a: {  	v4 =	vld.idx.msk [tilespmem:v36+s3+$0x0], $0xffff  }
0x37b: {  	v5 =	vld.idx.msk [tilespmem:v37+s3+$0x0], $0xffff  }
0x37c: {  	v6 =	vld.idx.msk [tilespmem:v38+s3+$0x0], $0xffff  }
0x37d: {  	v7 =	vld.idx.msk [tilespmem:v39+s3+$0x0], $0xffff  }
0x37e: {  	v8 =	vld.idx.msk [tilespmem:v40+s3+$0x0], $0xffff;
	[tilespmem:s24+$0xD000] =	vst v1  }
0x37f: {  	[tilespmem:s24+$0xD080] =	vst v2  }
0x380: {  	[tilespmem:s24+$0xD100] =	vst v3  }
0x381: {  	v41 =	vadd.s32 $0x5000, v0;
	[tilespmem:s24+$0xD180] =	vst v4  }
0x382: {  	v42 =	vadd.s32 $0x5080, v0;
	[tilespmem:s24+$0xD200] =	vst v5  }
0x383: {  	v43 =	vadd.s32 $0x5100, v0;
	[tilespmem:s24+$0xD280] =	vst v6  }
0x384: {  	v44 =	vadd.s32 $0x5180, v0;
	[tilespmem:s24+$0xD300] =	vst v7  }
0x385: {  	v45 =	vadd.s32 $0x5200, v0;
	[tilespmem:s24+$0xD380] =	vst v8  }
0x386: {  	v46 =	vadd.s32 $0x5280, v0;
	v1 =	vld.idx.msk [tilespmem:v41+s3+$0x0], $0xffff  }
0x387: {  	v47 =	vadd.s32 $0x5300, v0;
	v2 =	vld.idx.msk [tilespmem:v42+s3+$0x0], $0xffff  }
0x388: {  	v48 =	vadd.s32 $0x5380, v0;
	v3 =	vld.idx.msk [tilespmem:v43+s3+$0x0], $0xffff  }
0x389: {  	v4 =	vld.idx.msk [tilespmem:v44+s3+$0x0], $0xffff  }
0x38a: {  	v5 =	vld.idx.msk [tilespmem:v45+s3+$0x0], $0xffff  }
0x38b: {  	v6 =	vld.idx.msk [tilespmem:v46+s3+$0x0], $0xffff  }
0x38c: {  	v7 =	vld.idx.msk [tilespmem:v47+s3+$0x0], $0xffff  }
0x38d: {  	v8 =	vld.idx.msk [tilespmem:v48+s3+$0x0], $0xffff;
	[tilespmem:s24+$0xE000] =	vst v1  }
0x38e: {  	[tilespmem:s24+$0xE080] =	vst v2  }
0x38f: {  	[tilespmem:s24+$0xE100] =	vst v3  }
0x390: {  	v49 =	vadd.s32 $0x6000, v0;
	[tilespmem:s24+$0xE180] =	vst v4  }
0x391: {  	v50 =	vadd.s32 $0x6080, v0;
	[tilespmem:s24+$0xE200] =	vst v5  }
0x392: {  	v51 =	vadd.s32 $0x6100, v0;
	[tilespmem:s24+$0xE280] =	vst v6  }
0x393: {  	v52 =	vadd.s32 $0x6180, v0;
	[tilespmem:s24+$0xE300] =	vst v7  }
0x394: {  	v53 =	vadd.s32 $0x6200, v0;
	[tilespmem:s24+$0xE380] =	vst v8  }
0x395: {  	v54 =	vadd.s32 $0x6280, v0;
	v1 =	vld.idx.msk [tilespmem:v49+s3+$0x0], $0xffff  }
0x396: {  	v55 =	vadd.s32 $0x6300, v0;
	v2 =	vld.idx.msk [tilespmem:v50+s3+$0x0], $0xffff  }
0x397: {  	v56 =	vadd.s32 $0x6380, v0;
	v3 =	vld.idx.msk [tilespmem:v51+s3+$0x0], $0xffff  }
0x398: {  	v4 =	vld.idx.msk [tilespmem:v52+s3+$0x0], $0xffff  }
0x399: {  	v5 =	vld.idx.msk [tilespmem:v53+s3+$0x0], $0xffff  }
0x39a: {  	v6 =	vld.idx.msk [tilespmem:v54+s3+$0x0], $0xffff  }
0x39b: {  	v7 =	vld.idx.msk [tilespmem:v55+s3+$0x0], $0xffff  }
0x39c: {  	v8 =	vld.idx.msk [tilespmem:v56+s3+$0x0], $0xffff;
	[tilespmem:s24+$0xF000] =	vst v1  }
0x39d: {  	[tilespmem:s24+$0xF080] =	vst v2  }
0x39e: {  	[tilespmem:s24+$0xF100] =	vst v3  }
0x39f: {  	v57 =	vadd.s32 $0x7000, v0;
	[tilespmem:s24+$0xF180] =	vst v4  }
0x3a0: {  	v58 =	vadd.s32 $0x7080, v0;
	[tilespmem:s24+$0xF200] =	vst v5  }
0x3a1: {  	v59 =	vadd.s32 $0x7100, v0;
	[tilespmem:s24+$0xF280] =	vst v6  }
0x3a2: {  	v60 =	vadd.s32 $0x7180, v0;
	[tilespmem:s24+$0xF300] =	vst v7  }
0x3a3: {  	v61 =	vadd.s32 $0x7200, v0;
	[tilespmem:s24+$0xF380] =	vst v8  }
0x3a4: {  	v62 =	vadd.s32 $0x7280, v0;
	v1 =	vld.idx.msk [tilespmem:v57+s3+$0x0], $0xffff  }
0x3a5: {  	v63 =	vadd.s32 $0x7300, v0;
	v2 =	vld.idx.msk [tilespmem:v58+s3+$0x0], $0xffff  }
0x3a6: {  	v0 =	vadd.s32 $0x7380, v0;
	v3 =	vld.idx.msk [tilespmem:v59+s3+$0x0], $0xffff  }
0x3a7: {  	v4 =	vld.idx.msk [tilespmem:v60+s3+$0x0], $0xffff  }
0x3a8: {  	v5 =	vld.idx.msk [tilespmem:v61+s3+$0x0], $0xffff  }
0x3a9: {  	v6 =	vld.idx.msk [tilespmem:v62+s3+$0x0], $0xffff  }
0x3aa: {  	v7 =	vld.idx.msk [tilespmem:v63+s3+$0x0], $0xffff  }
0x3ab: {  	v0 =	vld.idx.msk [tilespmem:v0+s3+$0x0], $0xffff;
	[tilespmem:s24+$0x10000] =	vst v1  }
0x3ac: {  	[tilespmem:s24+$0x10080] =	vst v2  }
0x3ad: {  	p0 =	sne.s32 s23, $0x1F0;
	[tilespmem:s24+$0x10100] =	vst v3  }
.Ltmp6:
0x3ae: {  	[tilespmem:s24+$0x10180] =	vst v4;
	(pc) =	sbr.rel @p0 .LBB2_14-.Ltmp6, $4  }
0x3af: {  	[tilespmem:s24+$0x10200] =	vst v5  }
0x3b0: {  	[tilespmem:s24+$0x10280] =	vst v6  }
0x3b1: {  	[tilespmem:s24+$0x10300] =	vst v7  }
0x3b2: {  	s22 =	sadd.s32 $0x80, s22;
	s23 =	sadd.s32 $0x10, s23;
	[tilespmem:s24+$0x10380] =	vst v0  }
0x3b3: {  	[hbm4b:s11+s15] =	stream.strided.scatter [tilespmem:s17], [sflag:$0x1], $0x8000, s16, s15, $0x38;
	[tilespmem:$0x19000] =	vst v63  }
0x3b4: {  	_ =	swait.ge [sflag:s20], $0x8000  }
0x3b5: {  	[sflag:s20] =	ssyncset.done $0x0  }
0x3b6: {  	s22 =	simm.s32 $0x0;
	s23 =	simm.s32 $0x0;
	[sflag:s20] =	ssyncadd.s32 $0xFFFF8000  }
.LBB2_16:
0x3b7: {  	s24 =	sand.u32 $0x1F0, s23  }
0x3b8: {  	v0 =	vld [tilespmem:s24+$0x8E00];
	_ =	sdelay $0x4  }
0x3b9: {  	v1 =	vshll.u32 v0, $0x3  }
0x3ba: {  	v0 =	vand.u32 $0x7F, v0;
	v1 =	vand.u32 $0xFFFFFC00, v1  }
0x3bb: {  	v0 =	vor.u32 v0, v1  }
0x3bc: {  	v1 =	vor.u32 $0x80, v0  }
0x3bd: {  	v2 =	vor.u32 $0x100, v0  }
0x3be: {  	v3 =	vor.u32 $0x180, v0  }
0x3bf: {  	v4 =	vor.u32 $0x200, v0  }
0x3c0: {  	v6 =	vor.u32 $0x280, v0;
	v5 =	vld.idx.msk [tilespmem:v0+s3+$0x0], $0xffff  }
0x3c1: {  	v7 =	vor.u32 $0x300, v0;
	v1 =	vld.idx.msk [tilespmem:v1+s3+$0x0], $0xffff  }
0x3c2: {  	v8 =	vor.u32 $0x380, v0;
	v2 =	vld.idx.msk [tilespmem:v2+s3+$0x0], $0xffff  }
0x3c3: {  	v3 =	vld.idx.msk [tilespmem:v3+s3+$0x0], $0xffff  }
0x3c4: {  	v4 =	vld.idx.msk [tilespmem:v4+s3+$0x0], $0xffff  }
0x3c5: {  	s30 =	sand.u32 $0x70, s23;
	s25 =	sand.u32 $0xC00, s22;
	v6 =	vld.idx.msk [tilespmem:v6+s3+$0x0], $0xffff  }
0x3c6: {  	s24 =	sor.u32 s30, s25;
	v7 =	vld.idx.msk [tilespmem:v7+s3+$0x0], $0xffff  }
0x3c7: {  	v8 =	vld.idx.msk [tilespmem:v8+s3+$0x0], $0xffff;
	[tilespmem:s24+$0x11000] =	vst v5  }
0x3c8: {  	[tilespmem:s24+$0x11080] =	vst v1  }
0x3c9: {  	[tilespmem:s24+$0x11100] =	vst v2  }
0x3ca: {  	v9 =	vadd.s32 $0x1000, v0;
	[tilespmem:s24+$0x11180] =	vst v3  }
0x3cb: {  	v10 =	vadd.s32 $0x1080, v0;
	[tilespmem:s24+$0x11200] =	vst v4  }
0x3cc: {  	s31 =	sor.u32 s22, s23;
	v11 =	vadd.s32 $0x1100, v0;
	[tilespmem:s24+$0x11280] =	vst v6  }
0x3cd: {  	s25 =	sor.u32 $0x380, s31;
	v12 =	vadd.s32 $0x1180, v0;
	[tilespmem:s24+$0x11300] =	vst v7  }
0x3ce: {  	v13 =	vadd.s32 $0x1200, v0;
	[tilespmem:s25+$0x11000] =	vst v8  }
0x3cf: {  	v14 =	vadd.s32 $0x1280, v0;
	v1 =	vld.idx.msk [tilespmem:v9+s3+$0x0], $0xffff  }
0x3d0: {  	v15 =	vadd.s32 $0x1300, v0;
	v2 =	vld.idx.msk [tilespmem:v10+s3+$0x0], $0xffff  }
0x3d1: {  	v16 =	vadd.s32 $0x1380, v0;
	v3 =	vld.idx.msk [tilespmem:v11+s3+$0x0], $0xffff  }
0x3d2: {  	v4 =	vld.idx.msk [tilespmem:v12+s3+$0x0], $0xffff  }
0x3d3: {  	v5 =	vld.idx.msk [tilespmem:v13+s3+$0x0], $0xffff  }
0x3d4: {  	v6 =	vld.idx.msk [tilespmem:v14+s3+$0x0], $0xffff  }
0x3d5: {  	v7 =	vld.idx.msk [tilespmem:v15+s3+$0x0], $0xffff  }
0x3d6: {  	v8 =	vld.idx.msk [tilespmem:v16+s3+$0x0], $0xffff;
	[tilespmem:s24+$0x12000] =	vst v1  }
0x3d7: {  	[tilespmem:s24+$0x12080] =	vst v2  }
0x3d8: {  	[tilespmem:s24+$0x12100] =	vst v3  }
0x3d9: {  	v17 =	vadd.s32 $0x2000, v0;
	[tilespmem:s24+$0x12180] =	vst v4  }
0x3da: {  	v18 =	vadd.s32 $0x2080, v0;
	[tilespmem:s24+$0x12200] =	vst v5  }
0x3db: {  	v19 =	vadd.s32 $0x2100, v0;
	[tilespmem:s24+$0x12280] =	vst v6  }
0x3dc: {  	v20 =	vadd.s32 $0x2180, v0;
	[tilespmem:s24+$0x12300] =	vst v7  }
0x3dd: {  	v21 =	vadd.s32 $0x2200, v0;
	[tilespmem:s24+$0x12380] =	vst v8  }
0x3de: {  	v22 =	vadd.s32 $0x2280, v0;
	v1 =	vld.idx.msk [tilespmem:v17+s3+$0x0], $0xffff  }
0x3df: {  	v23 =	vadd.s32 $0x2300, v0;
	v2 =	vld.idx.msk [tilespmem:v18+s3+$0x0], $0xffff  }
0x3e0: {  	v24 =	vadd.s32 $0x2380, v0;
	v3 =	vld.idx.msk [tilespmem:v19+s3+$0x0], $0xffff  }
0x3e1: {  	v4 =	vld.idx.msk [tilespmem:v20+s3+$0x0], $0xffff  }
0x3e2: {  	v5 =	vld.idx.msk [tilespmem:v21+s3+$0x0], $0xffff  }
0x3e3: {  	v6 =	vld.idx.msk [tilespmem:v22+s3+$0x0], $0xffff  }
0x3e4: {  	v7 =	vld.idx.msk [tilespmem:v23+s3+$0x0], $0xffff  }
0x3e5: {  	v8 =	vld.idx.msk [tilespmem:v24+s3+$0x0], $0xffff;
	[tilespmem:s24+$0x13000] =	vst v1  }
0x3e6: {  	[tilespmem:s24+$0x13080] =	vst v2  }
0x3e7: {  	[tilespmem:s24+$0x13100] =	vst v3  }
0x3e8: {  	v25 =	vadd.s32 $0x3000, v0;
	[tilespmem:s24+$0x13180] =	vst v4  }
0x3e9: {  	v26 =	vadd.s32 $0x3080, v0;
	[tilespmem:s24+$0x13200] =	vst v5  }
0x3ea: {  	v27 =	vadd.s32 $0x3100, v0;
	[tilespmem:s24+$0x13280] =	vst v6  }
0x3eb: {  	v28 =	vadd.s32 $0x3180, v0;
	[tilespmem:s24+$0x13300] =	vst v7  }
0x3ec: {  	v29 =	vadd.s32 $0x3200, v0;
	[tilespmem:s24+$0x13380] =	vst v8  }
0x3ed: {  	v30 =	vadd.s32 $0x3280, v0;
	v1 =	vld.idx.msk [tilespmem:v25+s3+$0x0], $0xffff  }
0x3ee: {  	v31 =	vadd.s32 $0x3300, v0;
	v2 =	vld.idx.msk [tilespmem:v26+s3+$0x0], $0xffff  }
0x3ef: {  	v32 =	vadd.s32 $0x3380, v0;
	v3 =	vld.idx.msk [tilespmem:v27+s3+$0x0], $0xffff  }
0x3f0: {  	v4 =	vld.idx.msk [tilespmem:v28+s3+$0x0], $0xffff  }
0x3f1: {  	v5 =	vld.idx.msk [tilespmem:v29+s3+$0x0], $0xffff  }
0x3f2: {  	v6 =	vld.idx.msk [tilespmem:v30+s3+$0x0], $0xffff  }
0x3f3: {  	v7 =	vld.idx.msk [tilespmem:v31+s3+$0x0], $0xffff  }
0x3f4: {  	v8 =	vld.idx.msk [tilespmem:v32+s3+$0x0], $0xffff;
	[tilespmem:s24+$0x14000] =	vst v1  }
0x3f5: {  	[tilespmem:s24+$0x14080] =	vst v2  }
0x3f6: {  	[tilespmem:s24+$0x14100] =	vst v3  }
0x3f7: {  	v33 =	vadd.s32 $0x4000, v0;
	[tilespmem:s24+$0x14180] =	vst v4  }
0x3f8: {  	v34 =	vadd.s32 $0x4080, v0;
	[tilespmem:s24+$0x14200] =	vst v5  }
0x3f9: {  	v35 =	vadd.s32 $0x4100, v0;
	[tilespmem:s24+$0x14280] =	vst v6  }
0x3fa: {  	v36 =	vadd.s32 $0x4180, v0;
	[tilespmem:s24+$0x14300] =	vst v7  }
0x3fb: {  	v37 =	vadd.s32 $0x4200, v0;
	[tilespmem:s24+$0x14380] =	vst v8  }
0x3fc: {  	v38 =	vadd.s32 $0x4280, v0;
	v1 =	vld.idx.msk [tilespmem:v33+s3+$0x0], $0xffff  }
0x3fd: {  	v39 =	vadd.s32 $0x4300, v0;
	v2 =	vld.idx.msk [tilespmem:v34+s3+$0x0], $0xffff  }
0x3fe: {  	v40 =	vadd.s32 $0x4380, v0;
	v3 =	vld.idx.msk [tilespmem:v35+s3+$0x0], $0xffff  }
0x3ff: {  	v4 =	vld.idx.msk [tilespmem:v36+s3+$0x0], $0xffff  }
0x400: {  	v5 =	vld.idx.msk [tilespmem:v37+s3+$0x0], $0xffff  }
0x401: {  	v6 =	vld.idx.msk [tilespmem:v38+s3+$0x0], $0xffff  }
0x402: {  	v7 =	vld.idx.msk [tilespmem:v39+s3+$0x0], $0xffff  }
0x403: {  	v8 =	vld.idx.msk [tilespmem:v40+s3+$0x0], $0xffff;
	[tilespmem:s24+$0x15000] =	vst v1  }
0x404: {  	[tilespmem:s24+$0x15080] =	vst v2  }
0x405: {  	[tilespmem:s24+$0x15100] =	vst v3  }
0x406: {  	v41 =	vadd.s32 $0x5000, v0;
	[tilespmem:s24+$0x15180] =	vst v4  }
0x407: {  	v42 =	vadd.s32 $0x5080, v0;
	[tilespmem:s24+$0x15200] =	vst v5  }
0x408: {  	v43 =	vadd.s32 $0x5100, v0;
	[tilespmem:s24+$0x15280] =	vst v6  }
0x409: {  	v44 =	vadd.s32 $0x5180, v0;
	[tilespmem:s24+$0x15300] =	vst v7  }
0x40a: {  	v45 =	vadd.s32 $0x5200, v0;
	[tilespmem:s24+$0x15380] =	vst v8  }
0x40b: {  	v46 =	vadd.s32 $0x5280, v0;
	v1 =	vld.idx.msk [tilespmem:v41+s3+$0x0], $0xffff  }
0x40c: {  	v47 =	vadd.s32 $0x5300, v0;
	v2 =	vld.idx.msk [tilespmem:v42+s3+$0x0], $0xffff  }
0x40d: {  	v48 =	vadd.s32 $0x5380, v0;
	v3 =	vld.idx.msk [tilespmem:v43+s3+$0x0], $0xffff  }
0x40e: {  	v4 =	vld.idx.msk [tilespmem:v44+s3+$0x0], $0xffff  }
0x40f: {  	v5 =	vld.idx.msk [tilespmem:v45+s3+$0x0], $0xffff  }
0x410: {  	v6 =	vld.idx.msk [tilespmem:v46+s3+$0x0], $0xffff  }
0x411: {  	v7 =	vld.idx.msk [tilespmem:v47+s3+$0x0], $0xffff  }
0x412: {  	v8 =	vld.idx.msk [tilespmem:v48+s3+$0x0], $0xffff;
	[tilespmem:s24+$0x16000] =	vst v1  }
0x413: {  	[tilespmem:s24+$0x16080] =	vst v2  }
0x414: {  	[tilespmem:s24+$0x16100] =	vst v3  }
0x415: {  	v49 =	vadd.s32 $0x6000, v0;
	[tilespmem:s24+$0x16180] =	vst v4  }
0x416: {  	v50 =	vadd.s32 $0x6080, v0;
	[tilespmem:s24+$0x16200] =	vst v5  }
0x417: {  	v51 =	vadd.s32 $0x6100, v0;
	[tilespmem:s24+$0x16280] =	vst v6  }
0x418: {  	v52 =	vadd.s32 $0x6180, v0;
	[tilespmem:s24+$0x16300] =	vst v7  }
0x419: {  	v53 =	vadd.s32 $0x6200, v0;
	[tilespmem:s24+$0x16380] =	vst v8  }
0x41a: {  	v54 =	vadd.s32 $0x6280, v0;
	v1 =	vld.idx.msk [tilespmem:v49+s3+$0x0], $0xffff  }
0x41b: {  	v55 =	vadd.s32 $0x6300, v0;
	v2 =	vld.idx.msk [tilespmem:v50+s3+$0x0], $0xffff  }
0x41c: {  	v56 =	vadd.s32 $0x6380, v0;
	v3 =	vld.idx.msk [tilespmem:v51+s3+$0x0], $0xffff  }
0x41d: {  	v4 =	vld.idx.msk [tilespmem:v52+s3+$0x0], $0xffff  }
0x41e: {  	v5 =	vld.idx.msk [tilespmem:v53+s3+$0x0], $0xffff  }
0x41f: {  	v6 =	vld.idx.msk [tilespmem:v54+s3+$0x0], $0xffff  }
0x420: {  	v7 =	vld.idx.msk [tilespmem:v55+s3+$0x0], $0xffff  }
0x421: {  	v8 =	vld.idx.msk [tilespmem:v56+s3+$0x0], $0xffff;
	[tilespmem:s24+$0x17000] =	vst v1  }
0x422: {  	[tilespmem:s24+$0x17080] =	vst v2  }
0x423: {  	[tilespmem:s24+$0x17100] =	vst v3  }
0x424: {  	v57 =	vadd.s32 $0x7000, v0;
	[tilespmem:s24+$0x17180] =	vst v4  }
0x425: {  	v58 =	vadd.s32 $0x7080, v0;
	[tilespmem:s24+$0x17200] =	vst v5  }
0x426: {  	v59 =	vadd.s32 $0x7100, v0;
	[tilespmem:s24+$0x17280] =	vst v6  }
0x427: {  	v60 =	vadd.s32 $0x7180, v0;
	[tilespmem:s24+$0x17300] =	vst v7  }
0x428: {  	v61 =	vadd.s32 $0x7200, v0;
	[tilespmem:s24+$0x17380] =	vst v8  }
0x429: {  	v62 =	vadd.s32 $0x7280, v0;
	v1 =	vld.idx.msk [tilespmem:v57+s3+$0x0], $0xffff  }
0x42a: {  	v63 =	vadd.s32 $0x7300, v0;
	v2 =	vld.idx.msk [tilespmem:v58+s3+$0x0], $0xffff  }
0x42b: {  	v0 =	vadd.s32 $0x7380, v0;
	v3 =	vld.idx.msk [tilespmem:v59+s3+$0x0], $0xffff  }
0x42c: {  	v4 =	vld.idx.msk [tilespmem:v60+s3+$0x0], $0xffff  }
0x42d: {  	v5 =	vld.idx.msk [tilespmem:v61+s3+$0x0], $0xffff  }
0x42e: {  	v6 =	vld.idx.msk [tilespmem:v62+s3+$0x0], $0xffff  }
0x42f: {  	v7 =	vld.idx.msk [tilespmem:v63+s3+$0x0], $0xffff  }
0x430: {  	v0 =	vld.idx.msk [tilespmem:v0+s3+$0x0], $0xffff;
	[tilespmem:s24+$0x18000] =	vst v1  }
0x431: {  	[tilespmem:s24+$0x18080] =	vst v2  }
0x432: {  	p0 =	sne.s32 s23, $0x1F0;
	[tilespmem:s24+$0x18100] =	vst v3  }
.Ltmp7:
0x433: {  	[tilespmem:s24+$0x18180] =	vst v4;
	(pc) =	sbr.rel @p0 .LBB2_16-.Ltmp7, $4  }
0x434: {  	[tilespmem:s24+$0x18200] =	vst v5  }
0x435: {  	[tilespmem:s24+$0x18280] =	vst v6  }
0x436: {  	[tilespmem:s24+$0x18300] =	vst v7  }
0x437: {  	s22 =	sadd.s32 $0x80, s22;
	s23 =	sadd.s32 $0x10, s23;
	[tilespmem:s24+$0x18380] =	vst v0  }
0x438: {  	[hbm4b:s12+s15] =	stream.strided.scatter [tilespmem:s18], [sflag:$0x2], $0x8000, s16, s15, $0x38;
	[tilespmem:$0x19000] =	vst v63  }
0x439: {  	s21 =	sadd.s32 $0x1, s21  }
0x43a: {  	_ =	swait.ge [sflag:s19], $0x8000;
	p0 =	sne.s32 s21, s13  }
.Ltmp8:
0x43b: {  	[sflag:s19] =	ssyncset.done $0x0;
	(pc) =	sbr.rel @p0 .LBB2_1-.Ltmp8, $4  }
0x43c: {  	[sflag:s19] =	ssyncadd.s32 $0xFFFF8000  }
0x43d: {  	_ =	swait.ge [sflag:s20], $0x8000  }
0x43e: {  	[sflag:s20] =	ssyncset.done $0x0  }
0x43f: {  	[sflag:s20] =	ssyncadd.s32 $0xFFFF8000  }
0x440: {  	_ =	sfence.sel $0x180000  }
0x441: {  	[bflag:$0x0] =	sbarrier.arrive $0xFFFF  }
0x442: {  	p0 =	sne.s32 s2, $0x0;
	_ =	strace $0x90000047  }
0x443: {  	s0 =	sadd.s32 @!p0 $0x100000, s0;
	[bflag:$0x2] =	sbarrier.arrive $0xFFFF  }
0x444: {  	[sflag:s0] =	ssyncadd.tile.s32 @!p0 $0x1;
	_ =	shalt  }
.Lfunc_end2:
_tile_overlayer_lowered:
.L_overlay_start_2:
0x445: {  	(tag) =	ssettag $0x2  }
0x446: {  	s0 =	rddreg [dreg:$0x0];
	s2 =	stileid.u32  }
0x447: {  	s1 =	rddreg [dreg:$0x1];
	p0 =	sne.s32 s2, $0x0  }
0x448: {  	s3 =	rddreg [dreg:$0x2];
	[bflag:$0x3] =	sbarrier.arrive $0xFFFF;
	s2 =	simm.s32 @!p0 $0x1C03  }
0x449: {  	[timem:s3], [sflag:s2] =	dma.local @!p0 [hbm:s0], s1  }
0x44a: {  	s0 =	simm.s32 @!p0 $0x3  }
0x44b: {  	_ =	swait.ge @!p0 [sflag:s0], s1  }
0x44c: {  	s1 =	ssub.s32 @!p0 $0x0, s1;
	[sflag:s0] =	ssyncset.done @!p0 $0x0  }
0x44d: {  	[sflag:s0] =	ssyncadd.s32 @!p0 s1  }
0x44e: {  	[bflag:$0x3] =	sbarrier.arrive $0xFFFF  }
0x44f: {  	_ =	shalt  }

</sc_bundles>
